<compile_context>
chip_gen: v7x
topology: tpu7x:2x2x1
jax: 0.10.2.dev20260603
libtpu: 0.0.44.dev20260713+nightly
codegen_flags: <defaults>
</compile_context>

<pallas_src>
import functools

import jax
import jax.numpy as jnp
from jax import lax
from jax.experimental import pallas as pl
from jax.experimental.pallas import tpu as pltpu
from jax.experimental.pallas import tpu_sc as plsc

_NC = 2
_NS = 16
_CH = 128
_NB = 3


@functools.lru_cache(maxsize=None)
def _build_segsum(Np, H, per):
    NW = _NC * _NS
    rpt = Np // _NS
    assert per % _NB == 0
    mesh = plsc.VectorSubcoreMesh(core_axis_name="c", subcore_axis_name="s")

    @functools.partial(
        pl.kernel,
        mesh=mesh,
        out_type=jax.ShapeDtypeStruct((_NC, Np, H), jnp.float32),
        scratch_types=[
            pltpu.VMEM((_CH,), jnp.int32),
            pltpu.VMEM((_CH,), jnp.int32),
            pltpu.VMEM((_CH,), jnp.int32),
            pltpu.VMEM((_CH,), jnp.int32),
            pltpu.VMEM((_CH,), jnp.int32),
            pltpu.VMEM((_CH,), jnp.int32),
            pltpu.VMEM((_CH, H), jnp.float32),
            pltpu.VMEM((_CH, H), jnp.float32),
            pltpu.VMEM((_CH, H), jnp.float32),
            pltpu.VMEM_SHARED((Np, H), jnp.float32),
            pltpu.SemaphoreType.DMA,
            pltpu.SemaphoreType.DMA,
            pltpu.SemaphoreType.DMA,
            pltpu.SemaphoreType.DMA,
            pltpu.SemaphoreType.DMA,
            pltpu.SemaphoreType.DMA,
        ],
    )
    def segsum(h_hbm, src_hbm, dst_hbm, zeros_hbm, out_hbm,
               sidx0, sidx1, sidx2, didx0, didx1, didx2,
               rows0, rows1, rows2, acc,
               gsem0, gsem1, gsem2, ssem0, ssem1, ssem2):
        cid = lax.axis_index("c")
        sid = lax.axis_index("s")
        wid = sid * _NC + cid
        r0 = sid * rpt
        pltpu.sync_copy(zeros_hbm.at[pl.ds(r0, rpt)], acc.at[pl.ds(r0, rpt)])
        c0 = wid * per
        plsc.subcore_barrier()

        sets = (
            (sidx0, didx0, rows0, gsem0, ssem0),
            (sidx1, didx1, rows1, gsem1, ssem1),
            (sidx2, didx2, rows2, gsem2, ssem2),
        )

        def launch(t, sb, db, rb, gs, ss, k):
            @pl.when(k > 0)
            def _():
                pltpu.make_async_copy(rb, acc.at[db], ss).wait()
            pltpu.sync_copy(src_hbm.at[pl.ds(t * _CH, _CH)], sb)
            pltpu.sync_copy(dst_hbm.at[pl.ds(t * _CH, _CH)], db)
            pltpu.make_async_copy(h_hbm.at[sb], rb, gs).start()

        def body(k, carry):
            q = c0 + _NB * k
            for i, (sb, db, rb, gs, ss) in enumerate(sets):
                launch(q + i, sb, db, rb, gs, ss, k)
            for i, (sb, db, rb, gs, ss) in enumerate(sets):
                pltpu.make_async_copy(h_hbm.at[sb], rb, gs).wait()
                pltpu.make_async_copy(rb, acc.at[db], ss).start(add=True)
            return carry

        lax.fori_loop(0, per // _NB, body, 0)
        for (sb, db, rb, gs, ss) in sets:
            pltpu.make_async_copy(rb, acc.at[db], ss).wait()

        plsc.subcore_barrier()
        pltpu.sync_copy(acc.at[pl.ds(r0, rpt)],
                        out_hbm.at[cid, pl.ds(r0, rpt)])

    return segsum


@functools.lru_cache(maxsize=None)
def _build_count(Np, per, W=128):
    NW = _NC * _NS
    rpt = Np // _NS
    assert per % _NB == 0
    mesh = plsc.VectorSubcoreMesh(core_axis_name="c", subcore_axis_name="s")

    @functools.partial(
        pl.kernel,
        mesh=mesh,
        out_type=jax.ShapeDtypeStruct((_NC, Np, W), jnp.float32),
        scratch_types=[
            pltpu.VMEM((_CH,), jnp.int32),
            pltpu.VMEM((_CH,), jnp.int32),
            pltpu.VMEM((_CH,), jnp.int32),
            pltpu.VMEM((_CH, W), jnp.float32),
            pltpu.VMEM_SHARED((Np, W), jnp.float32),
            pltpu.SemaphoreType.DMA,
            pltpu.SemaphoreType.DMA,
            pltpu.SemaphoreType.DMA,
        ],
    )
    def count(dst_hbm, ones_hbm, zerosw_hbm, out_hbm,
              didx0, didx1, didx2, ones_v, cacc, ssem0, ssem1, ssem2):
        cid = lax.axis_index("c")
        sid = lax.axis_index("s")
        wid = sid * _NC + cid
        r0 = sid * rpt
        pltpu.sync_copy(ones_hbm, ones_v)
        pltpu.sync_copy(zerosw_hbm.at[pl.ds(r0, rpt)], cacc.at[pl.ds(r0, rpt)])
        c0 = wid * per
        plsc.subcore_barrier()

        sets = ((didx0, ssem0), (didx1, ssem1), (didx2, ssem2))

        def body(k, carry):
            q = c0 + _NB * k
            for i, (db, ss) in enumerate(sets):
                @pl.when(k > 0)
                def _():
                    pltpu.make_async_copy(ones_v, cacc.at[db], ss).wait()
                pltpu.sync_copy(dst_hbm.at[pl.ds((q + i) * _CH, _CH)], db)
                pltpu.make_async_copy(ones_v, cacc.at[db], ss).start(add=True)
            return carry

        lax.fori_loop(0, per // _NB, body, 0)
        for (db, ss) in sets:
            pltpu.make_async_copy(ones_v, cacc.at[db], ss).wait()

        plsc.subcore_barrier()
        pltpu.sync_copy(cacc.at[pl.ds(r0, rpt)],
                        out_hbm.at[cid, pl.ds(r0, rpt)])

    return count


def _fuse(p, h, cnt, Wl_i, Wr_i, b_i, relu, nb=8):
    Np, H = h.shape
    BR = Np // nb

    def body(p_ref, h_ref, cnt_ref, wl_ref, wr_ref, b_ref, o_ref):
        inv = 1.0 / jnp.maximum(cnt_ref[...], 1.0)
        agg = (p_ref[0] + p_ref[1]) * inv
        acc = jnp.dot(agg, wl_ref[...], preferred_element_type=jnp.float32)
        acc = acc + jnp.dot(h_ref[...], wr_ref[...],
                            preferred_element_type=jnp.float32)
        acc = acc + b_ref[...]
        if relu:
            acc = jnp.maximum(acc, 0.0)
        o_ref[...] = acc

    return pl.pallas_call(
        body,
        grid=(nb,),
        in_specs=[
            pl.BlockSpec((2, BR, H), lambda i: (0, i, 0)),
            pl.BlockSpec((BR, H), lambda i: (i, 0)),
            pl.BlockSpec((BR, 1), lambda i: (i, 0)),
            pl.BlockSpec((H, H), lambda i: (0, 0)),
            pl.BlockSpec((H, H), lambda i: (0, 0)),
            pl.BlockSpec((1, H), lambda i: (0, 0)),
        ],
        out_specs=pl.BlockSpec((BR, H), lambda i: (i, 0)),
        out_shape=jax.ShapeDtypeStruct((Np, H), jnp.float32),
    )(p, h, cnt, Wl_i, Wr_i, b_i.reshape(1, H))


def kernel(x, edge_index, Wl, Wr, b):
    N, D = x.shape
    E = edge_index.shape[1]
    L = Wl.shape[0]
    NW = _NC * _NS

    Np = (N // 128 + 1) * 128
    nchunks = -(-E // _CH)
    per = -(-nchunks // NW)
    per = per + (-per) % _NB
    Ep = per * NW * _CH

    iota_e = jnp.arange(Ep, dtype=jnp.int32)
    pad_dst = N + iota_e % (Np - N)
    src = (iota_e % Np).at[:E].set(edge_index[0])
    dst = pad_dst.at[:E].set(edge_index[1])
    hp = jnp.zeros((Np, D), jnp.float32).at[:N].set(x)
    zeros = jnp.zeros((Np, D), jnp.float32)
    onesw = jnp.ones((_CH, D), jnp.float32)

    cparts = _build_count(Np, per, D)(dst, onesw, zeros)
    cnt = (cparts[0, :, :1] + cparts[1, :, :1])

    segsum = _build_segsum(Np, D, per)
    h = hp
    for i in range(L):
        p = segsum(h, src, dst, zeros)
        h = _fuse(p, h, cnt, Wl[i], Wr[i], b[i], relu=(i < L - 1))
    return h[:N]

# --- scband reference (transcript-rebuilt; emitter-appended) ---
"""Pipeline reference for scband-gnn-80479097192825 (READ-ONLY COPY).

The authoritative reference and input builder live on the scoring server;
editing this copy changes nothing except your own understanding.
"""

import jax, jax.numpy as jnp
import numpy as np

N = 10000
E = 320000
D = 128
H = 128
L = 7


def setup_inputs(seed: int = 0) -> dict:
    key = jax.random.key(seed)
    ks = jax.random.split(key, 6)
    x = jax.random.normal(ks[0], (N, D), dtype=jnp.float32)
    edge_index = jax.random.randint(ks[1], (2, E), 0, N, dtype=jnp.int32)
    s = 1.0 / np.sqrt(H)
    Wl = jax.random.normal(ks[2], (L, H, H), dtype=jnp.float32) * s
    Wr = jax.random.normal(ks[3], (L, H, H), dtype=jnp.float32) * s
    b = jax.random.normal(ks[4], (L, H), dtype=jnp.float32) * 0.01
    return {"x": x, "edge_index": edge_index, "Wl": Wl, "Wr": Wr, "b": b}


def _sage_conv(h, src, dst, n_nodes, Wl_i, Wr_i, b_i):
    # PyG SAGEConv with mean aggregation:
    # out = lin_l(mean_{j in N(i)} x_j) + lin_r(x_i)
    msg = jnp.take(h, src, axis=0)
    agg = jax.ops.segment_sum(msg, dst, num_segments=n_nodes)
    cnt = jax.ops.segment_sum(jnp.ones((src.shape[0], 1), h.dtype), dst, num_segments=n_nodes)
    agg = agg / jnp.maximum(cnt, 1.0)
    return agg @ Wl_i + h @ Wr_i + b_i


def reference(x, edge_index, Wl, Wr, b):
    src = edge_index[0]
    dst = edge_index[1]
    n_nodes = x.shape[0]
    h = x
    for i in range(L):
        h = _sage_conv(h, src, dst, n_nodes, Wl[i], Wr[i], b[i])
        if i < L - 1:
            h = jax.nn.relu(h)
    return h

if __name__ == "__main__":
    import jax
    _d = setup_inputs()
    print(jax.jit(kernel)(*tuple(_d.values())))

</pallas_src>

<mosaic_0001>
#map = affine_map<(d0, d1) -> (0, 0)>
#map1 = affine_map<(d0, d1) -> (0)>
#map2 = affine_map<(d0, d1) -> (0, 0, 0)>
module attributes {stable_mosaic.version = 14 : i64} {
  func.func @segsum(%arg0: i32, %arg1: i32, %arg2: memref<10112x128xf32, #tpu.memory_space<hbm>>, %arg3: memref<331776xi32, #tpu.memory_space<hbm>>, %arg4: memref<331776xi32, #tpu.memory_space<hbm>>, %arg5: memref<10112x128xf32, #tpu.memory_space<hbm>>, %arg6: memref<2x10112x128xf32, #tpu.memory_space<hbm>>, %arg7: memref<128xi32, #tpu.memory_space<vmem>>, %arg8: memref<128xi32, #tpu.memory_space<vmem>>, %arg9: memref<128xi32, #tpu.memory_space<vmem>>, %arg10: memref<128xi32, #tpu.memory_space<vmem>>, %arg11: memref<128xi32, #tpu.memory_space<vmem>>, %arg12: memref<128xi32, #tpu.memory_space<vmem>>, %arg13: memref<128x128xf32, #tpu.memory_space<vmem>>, %arg14: memref<128x128xf32, #tpu.memory_space<vmem>>, %arg15: memref<128x128xf32, #tpu.memory_space<vmem>>, %arg16: memref<10112x128xf32, #tpu.memory_space<vmem_shared>>, %arg17: memref<!tpu.dma_semaphore, #tpu.memory_space<semaphore_mem>>, %arg18: memref<!tpu.dma_semaphore, #tpu.memory_space<semaphore_mem>>, %arg19: memref<!tpu.dma_semaphore, #tpu.memory_space<semaphore_mem>>, %arg20: memref<!tpu.dma_semaphore, #tpu.memory_space<semaphore_mem>>, %arg21: memref<!tpu.dma_semaphore, #tpu.memory_space<semaphore_mem>>, %arg22: memref<!tpu.dma_semaphore, #tpu.memory_space<semaphore_mem>>) attributes {dimension_semantics = [#tpu.dimension_semantics<core_parallel>, #tpu.dimension_semantics<subcore_parallel>], iteration_bounds = array<i64: 2, 16>, scalar_prefetch = 0 : i64, scratch_operands = 16 : i64, tpu.core_type = #tpu.core_type<sc_vector_subcore>, window_params = [{transform_indices = #map}, {transform_indices = #map1}, {transform_indices = #map1}, {transform_indices = #map}, {transform_indices = #map2}]} {
    %mul3A = arith.constant 2 : i32
    %mul3A_0 = arith.muli %arg1, %mul3A : i32
    %add3A = arith.addi %mul3A_0, %arg0 : i32
    %mul3A_1 = arith.constant 632 : i32
    %mul3A_2 = arith.muli %arg1, %mul3A_1 : i32
    "tpu.region"() ({
      %run_scoped3A = tpu.sem_alloc : memref<!tpu.dma_semaphore, #tpu.memory_space<semaphore_mem>>
      %dma_start3A = arith.constant 0 : i32
      %dma_start3A_19 = tpu.memref_slice %arg16[%mul3A_2, %dma_start3A] : memref<10112x128xf32, #tpu.memory_space<vmem_shared>> -> memref<632x128xf32, #tpu.memory_space<vmem_shared>>
      %dma_start3A_20 = arith.constant 0 : i32
      %dma_start3A_21 = tpu.memref_slice %arg5[%mul3A_2, %dma_start3A_20] : memref<10112x128xf32, #tpu.memory_space<hbm>> -> memref<632x128xf32, #tpu.memory_space<hbm>>
      tpu.enqueue_dma source(%dma_start3A_21 : memref<632x128xf32, #tpu.memory_space<hbm>>) target(%dma_start3A_19 : memref<632x128xf32, #tpu.memory_space<vmem_shared>>) target_semaphore(%run_scoped3A : memref<!tpu.dma_semaphore, #tpu.memory_space<semaphore_mem>>)
      %dma_wait3A_22 = arith.constant 0 : i32
      %dma_wait3A_23 = tpu.memref_slice %arg16[%mul3A_2, %dma_wait3A_22] : memref<10112x128xf32, #tpu.memory_space<vmem_shared>> -> memref<632x128xf32, #tpu.memory_space<vmem_shared>>
      %dma_wait3A_24 = arith.constant 0 : i32
      %dma_wait3A_25 = tpu.memref_slice %arg5[%mul3A_2, %dma_wait3A_24] : memref<10112x128xf32, #tpu.memory_space<hbm>> -> memref<632x128xf32, #tpu.memory_space<hbm>>
      tpu.wait_dma2 semaphore(%run_scoped3A : memref<!tpu.dma_semaphore, #tpu.memory_space<semaphore_mem>>) src(%dma_wait3A_25 : memref<632x128xf32, #tpu.memory_space<hbm>>) dst(%dma_wait3A_23 : memref<632x128xf32, #tpu.memory_space<vmem_shared>>)
      tpu.yield
    }) : () -> ()
    %mul3A_3 = arith.constant 81 : i32
    %mul3A_4 = arith.muli %add3A, %mul3A_3 : i32
    %barrier3A = arith.constant 0 : index
    tpu.barrier barrier_id(%barrier3A)
    %scan3A = arith.constant 0 : i32
    %scan3A_5 = arith.constant 0 : i32
    %scan3A_6 = arith.constant 27 : i32
    %scan3A_7 = arith.addi %scan3A_5, %scan3A_6 : i32
    %scan3A_8 = arith.constant 1 : i32
    scf.for %scan3A_19 = %scan3A_5 to %scan3A_7 step %scan3A_8  : i32 {
      %mul3A_20 = arith.constant 3 : i32
      %mul3A_21 = arith.muli %mul3A_20, %scan3A_19 : i32
      %add3A_22 = arith.addi %mul3A_4, %mul3A_21 : i32
      %add3A_23 = arith.constant 0 : i32
      %add3A_24 = arith.addi %add3A_22, %add3A_23 : i32
      %gt3A = arith.constant 0 : i32
      %gt3A_25 = arith.cmpi sgt, %scan3A_19, %gt3A : i32
      %convert_element_type3A = arith.extui %gt3A_25 : i1 to i32
      %cond3A = arith.constant 0 : i32
      %cond3A_26 = arith.cmpi ne, %convert_element_type3A, %cond3A : i32
      scf.if %cond3A_26 {
        %dma_wait3A_79 = arith.constant 0 : i32
        %dma_wait3A_80 = arith.constant 0 : i32
        %dma_wait3A_81 = tpu.memref_slice %arg16[%dma_wait3A_79, %dma_wait3A_80] : memref<10112x128xf32, #tpu.memory_space<vmem_shared>> -> memref<10112x128xf32, #tpu.memory_space<vmem_shared>>
        tpu.wait_indirect_dma semaphore(%arg20 : memref<!tpu.dma_semaphore, #tpu.memory_space<semaphore_mem>>) src(%arg13 : memref<128x128xf32, #tpu.memory_space<vmem>>) dst(%dma_wait3A_81 : memref<10112x128xf32, #tpu.memory_space<vmem_shared>>)
      } else {
      }
      %mul3A_27 = arith.constant 128 : i32
      %mul3A_28 = arith.muli %add3A_24, %mul3A_27 : i32
      "tpu.region"() ({
        %run_scoped3A = tpu.sem_alloc : memref<!tpu.dma_semaphore, #tpu.memory_space<semaphore_mem>>
        %dma_start3A_79 = tpu.memref_slice %arg3[%mul3A_28] : memref<331776xi32, #tpu.memory_space<hbm>> -> memref<128xi32, #tpu.memory_space<hbm>>
        %dma_start3A_80 = tpu.memref_slice %arg3[%mul3A_28] : memref<331776xi32, #tpu.memory_space<hbm>> -> memref<128xi32, #tpu.memory_space<hbm>>
        tpu.enqueue_dma source(%dma_start3A_80 : memref<128xi32, #tpu.memory_space<hbm>>) target(%arg7 : memref<128xi32, #tpu.memory_space<vmem>>) target_semaphore(%run_scoped3A : memref<!tpu.dma_semaphore, #tpu.memory_space<semaphore_mem>>)
        %dma_wait3A_81 = tpu.memref_slice %arg3[%mul3A_28] : memref<331776xi32, #tpu.memory_space<hbm>> -> memref<128xi32, #tpu.memory_space<hbm>>
        %dma_wait3A_82 = tpu.memref_slice %arg3[%mul3A_28] : memref<331776xi32, #tpu.memory_space<hbm>> -> memref<128xi32, #tpu.memory_space<hbm>>
        tpu.wait_dma2 semaphore(%run_scoped3A : memref<!tpu.dma_semaphore, #tpu.memory_space<semaphore_mem>>) src(%dma_wait3A_82 : memref<128xi32, #tpu.memory_space<hbm>>) dst(%arg7 : memref<128xi32, #tpu.memory_space<vmem>>)
        tpu.yield
      }) : () -> ()
      %mul3A_29 = arith.constant 128 : i32
      %mul3A_30 = arith.muli %add3A_24, %mul3A_29 : i32
      "tpu.region"() ({
        %run_scoped3A = tpu.sem_alloc : memref<!tpu.dma_semaphore, #tpu.memory_space<semaphore_mem>>
        %dma_start3A_79 = tpu.memref_slice %arg4[%mul3A_30] : memref<331776xi32, #tpu.memory_space<hbm>> -> memref<128xi32, #tpu.memory_space<hbm>>
        %dma_start3A_80 = tpu.memref_slice %arg4[%mul3A_30] : memref<331776xi32, #tpu.memory_space<hbm>> -> memref<128xi32, #tpu.memory_space<hbm>>
        tpu.enqueue_dma source(%dma_start3A_80 : memref<128xi32, #tpu.memory_space<hbm>>) target(%arg10 : memref<128xi32, #tpu.memory_space<vmem>>) target_semaphore(%run_scoped3A : memref<!tpu.dma_semaphore, #tpu.memory_space<semaphore_mem>>)
        %dma_wait3A_81 = tpu.memref_slice %arg4[%mul3A_30] : memref<331776xi32, #tpu.memory_space<hbm>> -> memref<128xi32, #tpu.memory_space<hbm>>
        %dma_wait3A_82 = tpu.memref_slice %arg4[%mul3A_30] : memref<331776xi32, #tpu.memory_space<hbm>> -> memref<128xi32, #tpu.memory_space<hbm>>
        tpu.wait_dma2 semaphore(%run_scoped3A : memref<!tpu.dma_semaphore, #tpu.memory_space<semaphore_mem>>) src(%dma_wait3A_82 : memref<128xi32, #tpu.memory_space<hbm>>) dst(%arg10 : memref<128xi32, #tpu.memory_space<vmem>>)
        tpu.yield
      }) : () -> ()
      %dma_start3A = arith.constant 0 : i32
      %dma_start3A_31 = arith.constant 0 : i32
      %dma_start3A_32 = tpu.memref_slice %arg2[%dma_start3A, %dma_start3A_31] : memref<10112x128xf32, #tpu.memory_space<hbm>> -> memref<10112x128xf32, #tpu.memory_space<hbm>>
      tpu.enqueue_indirect_dma source(%dma_start3A_32 : memref<10112x128xf32, #tpu.memory_space<hbm>>) target(%arg13 : memref<128x128xf32, #tpu.memory_space<vmem>>) offsets(%arg7 : memref<128xi32, #tpu.memory_space<vmem>>) semaphore(%arg17 : memref<!tpu.dma_semaphore, #tpu.memory_space<semaphore_mem>>)
      %add3A_33 = arith.constant 1 : i32
      %add3A_34 = arith.addi %add3A_22, %add3A_33 : i32
      %gt3A_35 = arith.constant 0 : i32
      %gt3A_36 = arith.cmpi sgt, %scan3A_19, %gt3A_35 : i32
      %convert_element_type3A_37 = arith.extui %gt3A_36 : i1 to i32
      %cond3A_38 = arith.constant 0 : i32
      %cond3A_39 = arith.cmpi ne, %convert_element_type3A_37, %cond3A_38 : i32
      scf.if %cond3A_39 {
        %dma_wait3A_79 = arith.constant 0 : i32
        %dma_wait3A_80 = arith.constant 0 : i32
        %dma_wait3A_81 = tpu.memref_slice %arg16[%dma_wait3A_79, %dma_wait3A_80] : memref<10112x128xf32, #tpu.memory_space<vmem_shared>> -> memref<10112x128xf32, #tpu.memory_space<vmem_shared>>
        tpu.wait_indirect_dma semaphore(%arg21 : memref<!tpu.dma_semaphore, #tpu.memory_space<semaphore_mem>>) src(%arg14 : memref<128x128xf32, #tpu.memory_space<vmem>>) dst(%dma_wait3A_81 : memref<10112x128xf32, #tpu.memory_space<vmem_shared>>)
      } else {
      }
      %mul3A_40 = arith.constant 128 : i32
      %mul3A_41 = arith.muli %add3A_34, %mul3A_40 : i32
      "tpu.region"() ({
        %run_scoped3A = tpu.sem_alloc : memref<!tpu.dma_semaphore, #tpu.memory_space<semaphore_mem>>
        %dma_start3A_79 = tpu.memref_slice %arg3[%mul3A_41] : memref<331776xi32, #tpu.memory_space<hbm>> -> memref<128xi32, #tpu.memory_space<hbm>>
        %dma_start3A_80 = tpu.memref_slice %arg3[%mul3A_41] : memref<331776xi32, #tpu.memory_space<hbm>> -> memref<128xi32, #tpu.memory_space<hbm>>
        tpu.enqueue_dma source(%dma_start3A_80 : memref<128xi32, #tpu.memory_space<hbm>>) target(%arg8 : memref<128xi32, #tpu.memory_space<vmem>>) target_semaphore(%run_scoped3A : memref<!tpu.dma_semaphore, #tpu.memory_space<semaphore_mem>>)
        %dma_wait3A_81 = tpu.memref_slice %arg3[%mul3A_41] : memref<331776xi32, #tpu.memory_space<hbm>> -> memref<128xi32, #tpu.memory_space<hbm>>
        %dma_wait3A_82 = tpu.memref_slice %arg3[%mul3A_41] : memref<331776xi32, #tpu.memory_space<hbm>> -> memref<128xi32, #tpu.memory_space<hbm>>
        tpu.wait_dma2 semaphore(%run_scoped3A : memref<!tpu.dma_semaphore, #tpu.memory_space<semaphore_mem>>) src(%dma_wait3A_82 : memref<128xi32, #tpu.memory_space<hbm>>) dst(%arg8 : memref<128xi32, #tpu.memory_space<vmem>>)
        tpu.yield
      }) : () -> ()
      %mul3A_42 = arith.constant 128 : i32
      %mul3A_43 = arith.muli %add3A_34, %mul3A_42 : i32
      "tpu.region"() ({
        %run_scoped3A = tpu.sem_alloc : memref<!tpu.dma_semaphore, #tpu.memory_space<semaphore_mem>>
        %dma_start3A_79 = tpu.memref_slice %arg4[%mul3A_43] : memref<331776xi32, #tpu.memory_space<hbm>> -> memref<128xi32, #tpu.memory_space<hbm>>
        %dma_start3A_80 = tpu.memref_slice %arg4[%mul3A_43] : memref<331776xi32, #tpu.memory_space<hbm>> -> memref<128xi32, #tpu.memory_space<hbm>>
        tpu.enqueue_dma source(%dma_start3A_80 : memref<128xi32, #tpu.memory_space<hbm>>) target(%arg11 : memref<128xi32, #tpu.memory_space<vmem>>) target_semaphore(%run_scoped3A : memref<!tpu.dma_semaphore, #tpu.memory_space<semaphore_mem>>)
        %dma_wait3A_81 = tpu.memref_slice %arg4[%mul3A_43] : memref<331776xi32, #tpu.memory_space<hbm>> -> memref<128xi32, #tpu.memory_space<hbm>>
        %dma_wait3A_82 = tpu.memref_slice %arg4[%mul3A_43] : memref<331776xi32, #tpu.memory_space<hbm>> -> memref<128xi32, #tpu.memory_space<hbm>>
        tpu.wait_dma2 semaphore(%run_scoped3A : memref<!tpu.dma_semaphore, #tpu.memory_space<semaphore_mem>>) src(%dma_wait3A_82 : memref<128xi32, #tpu.memory_space<hbm>>) dst(%arg11 : memref<128xi32, #tpu.memory_space<vmem>>)
        tpu.yield
      }) : () -> ()
      %dma_start3A_44 = arith.constant 0 : i32
      %dma_start3A_45 = arith.constant 0 : i32
      %dma_start3A_46 = tpu.memref_slice %arg2[%dma_start3A_44, %dma_start3A_45] : memref<10112x128xf32, #tpu.memory_space<hbm>> -> memref<10112x128xf32, #tpu.memory_space<hbm>>
      tpu.enqueue_indirect_dma source(%dma_start3A_46 : memref<10112x128xf32, #tpu.memory_space<hbm>>) target(%arg14 : memref<128x128xf32, #tpu.memory_space<vmem>>) offsets(%arg8 : memref<128xi32, #tpu.memory_space<vmem>>) semaphore(%arg18 : memref<!tpu.dma_semaphore, #tpu.memory_space<semaphore_mem>>)
      %add3A_47 = arith.constant 2 : i32
      %add3A_48 = arith.addi %add3A_22, %add3A_47 : i32
      %gt3A_49 = arith.constant 0 : i32
      %gt3A_50 = arith.cmpi sgt, %scan3A_19, %gt3A_49 : i32
      %convert_element_type3A_51 = arith.extui %gt3A_50 : i1 to i32
      %cond3A_52 = arith.constant 0 : i32
      %cond3A_53 = arith.cmpi ne, %convert_element_type3A_51, %cond3A_52 : i32
      scf.if %cond3A_53 {
        %dma_wait3A_79 = arith.constant 0 : i32
        %dma_wait3A_80 = arith.constant 0 : i32
        %dma_wait3A_81 = tpu.memref_slice %arg16[%dma_wait3A_79, %dma_wait3A_80] : memref<10112x128xf32, #tpu.memory_space<vmem_shared>> -> memref<10112x128xf32, #tpu.memory_space<vmem_shared>>
        tpu.wait_indirect_dma semaphore(%arg22 : memref<!tpu.dma_semaphore, #tpu.memory_space<semaphore_mem>>) src(%arg15 : memref<128x128xf32, #tpu.memory_space<vmem>>) dst(%dma_wait3A_81 : memref<10112x128xf32, #tpu.memory_space<vmem_shared>>)
      } else {
      }
      %mul3A_54 = arith.constant 128 : i32
      %mul3A_55 = arith.muli %add3A_48, %mul3A_54 : i32
      "tpu.region"() ({
        %run_scoped3A = tpu.sem_alloc : memref<!tpu.dma_semaphore, #tpu.memory_space<semaphore_mem>>
        %dma_start3A_79 = tpu.memref_slice %arg3[%mul3A_55] : memref<331776xi32, #tpu.memory_space<hbm>> -> memref<128xi32, #tpu.memory_space<hbm>>
        %dma_start3A_80 = tpu.memref_slice %arg3[%mul3A_55] : memref<331776xi32, #tpu.memory_space<hbm>> -> memref<128xi32, #tpu.memory_space<hbm>>
        tpu.enqueue_dma source(%dma_start3A_80 : memref<128xi32, #tpu.memory_space<hbm>>) target(%arg9 : memref<128xi32, #tpu.memory_space<vmem>>) target_semaphore(%run_scoped3A : memref<!tpu.dma_semaphore, #tpu.memory_space<semaphore_mem>>)
        %dma_wait3A_81 = tpu.memref_slice %arg3[%mul3A_55] : memref<331776xi32, #tpu.memory_space<hbm>> -> memref<128xi32, #tpu.memory_space<hbm>>
        %dma_wait3A_82 = tpu.memref_slice %arg3[%mul3A_55] : memref<331776xi32, #tpu.memory_space<hbm>> -> memref<128xi32, #tpu.memory_space<hbm>>
        tpu.wait_dma2 semaphore(%run_scoped3A : memref<!tpu.dma_semaphore, #tpu.memory_space<semaphore_mem>>) src(%dma_wait3A_82 : memref<128xi32, #tpu.memory_space<hbm>>) dst(%arg9 : memref<128xi32, #tpu.memory_space<vmem>>)
        tpu.yield
      }) : () -> ()
      %mul3A_56 = arith.constant 128 : i32
      %mul3A_57 = arith.muli %add3A_48, %mul3A_56 : i32
      "tpu.region"() ({
        %run_scoped3A = tpu.sem_alloc : memref<!tpu.dma_semaphore, #tpu.memory_space<semaphore_mem>>
        %dma_start3A_79 = tpu.memref_slice %arg4[%mul3A_57] : memref<331776xi32, #tpu.memory_space<hbm>> -> memref<128xi32, #tpu.memory_space<hbm>>
        %dma_start3A_80 = tpu.memref_slice %arg4[%mul3A_57] : memref<331776xi32, #tpu.memory_space<hbm>> -> memref<128xi32, #tpu.memory_space<hbm>>
        tpu.enqueue_dma source(%dma_start3A_80 : memref<128xi32, #tpu.memory_space<hbm>>) target(%arg12 : memref<128xi32, #tpu.memory_space<vmem>>) target_semaphore(%run_scoped3A : memref<!tpu.dma_semaphore, #tpu.memory_space<semaphore_mem>>)
        %dma_wait3A_81 = tpu.memref_slice %arg4[%mul3A_57] : memref<331776xi32, #tpu.memory_space<hbm>> -> memref<128xi32, #tpu.memory_space<hbm>>
        %dma_wait3A_82 = tpu.memref_slice %arg4[%mul3A_57] : memref<331776xi32, #tpu.memory_space<hbm>> -> memref<128xi32, #tpu.memory_space<hbm>>
        tpu.wait_dma2 semaphore(%run_scoped3A : memref<!tpu.dma_semaphore, #tpu.memory_space<semaphore_mem>>) src(%dma_wait3A_82 : memref<128xi32, #tpu.memory_space<hbm>>) dst(%arg12 : memref<128xi32, #tpu.memory_space<vmem>>)
        tpu.yield
      }) : () -> ()
      %dma_start3A_58 = arith.constant 0 : i32
      %dma_start3A_59 = arith.constant 0 : i32
      %dma_start3A_60 = tpu.memref_slice %arg2[%dma_start3A_58, %dma_start3A_59] : memref<10112x128xf32, #tpu.memory_space<hbm>> -> memref<10112x128xf32, #tpu.memory_space<hbm>>
      tpu.enqueue_indirect_dma source(%dma_start3A_60 : memref<10112x128xf32, #tpu.memory_space<hbm>>) target(%arg15 : memref<128x128xf32, #tpu.memory_space<vmem>>) offsets(%arg9 : memref<128xi32, #tpu.memory_space<vmem>>) semaphore(%arg19 : memref<!tpu.dma_semaphore, #tpu.memory_space<semaphore_mem>>)
      %dma_wait3A_61 = arith.constant 0 : i32
      %dma_wait3A_62 = arith.constant 0 : i32
      %dma_wait3A_63 = tpu.memref_slice %arg2[%dma_wait3A_61, %dma_wait3A_62] : memref<10112x128xf32, #tpu.memory_space<hbm>> -> memref<10112x128xf32, #tpu.memory_space<hbm>>
      tpu.wait_indirect_dma semaphore(%arg17 : memref<!tpu.dma_semaphore, #tpu.memory_space<semaphore_mem>>) src(%dma_wait3A_63 : memref<10112x128xf32, #tpu.memory_space<hbm>>) dst(%arg13 : memref<128x128xf32, #tpu.memory_space<vmem>>)
      %dma_start3A_64 = arith.constant 0 : i32
      %dma_start3A_65 = arith.constant 0 : i32
      %dma_start3A_66 = tpu.memref_slice %arg16[%dma_start3A_64, %dma_start3A_65] : memref<10112x128xf32, #tpu.memory_space<vmem_shared>> -> memref<10112x128xf32, #tpu.memory_space<vmem_shared>>
      tpu.enqueue_indirect_dma source(%arg13 : memref<128x128xf32, #tpu.memory_space<vmem>>) target(%dma_start3A_66 : memref<10112x128xf32, #tpu.memory_space<vmem_shared>>) offsets(%arg10 : memref<128xi32, #tpu.memory_space<vmem>>) semaphore(%arg20 : memref<!tpu.dma_semaphore, #tpu.memory_space<semaphore_mem>>) {add = true}
      %dma_wait3A_67 = arith.constant 0 : i32
      %dma_wait3A_68 = arith.constant 0 : i32
      %dma_wait3A_69 = tpu.memref_slice %arg2[%dma_wait3A_67, %dma_wait3A_68] : memref<10112x128xf32, #tpu.memory_space<hbm>> -> memref<10112x128xf32, #tpu.memory_space<hbm>>
      tpu.wait_indirect_dma semaphore(%arg18 : memref<!tpu.dma_semaphore, #tpu.memory_space<semaphore_mem>>) src(%dma_wait3A_69 : memref<10112x128xf32, #tpu.memory_space<hbm>>) dst(%arg14 : memref<128x128xf32, #tpu.memory_space<vmem>>)
      %dma_start3A_70 = arith.constant 0 : i32
      %dma_start3A_71 = arith.constant 0 : i32
      %dma_start3A_72 = tpu.memref_slice %arg16[%dma_start3A_70, %dma_start3A_71] : memref<10112x128xf32, #tpu.memory_space<vmem_shared>> -> memref<10112x128xf32, #tpu.memory_space<vmem_shared>>
      tpu.enqueue_indirect_dma source(%arg14 : memref<128x128xf32, #tpu.memory_space<vmem>>) target(%dma_start3A_72 : memref<10112x128xf32, #tpu.memory_space<vmem_shared>>) offsets(%arg11 : memref<128xi32, #tpu.memory_space<vmem>>) semaphore(%arg21 : memref<!tpu.dma_semaphore, #tpu.memory_space<semaphore_mem>>) {add = true}
      %dma_wait3A_73 = arith.constant 0 : i32
      %dma_wait3A_74 = arith.constant 0 : i32
      %dma_wait3A_75 = tpu.memref_slice %arg2[%dma_wait3A_73, %dma_wait3A_74] : memref<10112x128xf32, #tpu.memory_space<hbm>> -> memref<10112x128xf32, #tpu.memory_space<hbm>>
      tpu.wait_indirect_dma semaphore(%arg19 : memref<!tpu.dma_semaphore, #tpu.memory_space<semaphore_mem>>) src(%dma_wait3A_75 : memref<10112x128xf32, #tpu.memory_space<hbm>>) dst(%arg15 : memref<128x128xf32, #tpu.memory_space<vmem>>)
      %dma_start3A_76 = arith.constant 0 : i32
      %dma_start3A_77 = arith.constant 0 : i32
      %dma_start3A_78 = tpu.memref_slice %arg16[%dma_start3A_76, %dma_start3A_77] : memref<10112x128xf32, #tpu.memory_space<vmem_shared>> -> memref<10112x128xf32, #tpu.memory_space<vmem_shared>>
      tpu.enqueue_indirect_dma source(%arg15 : memref<128x128xf32, #tpu.memory_space<vmem>>) target(%dma_start3A_78 : memref<10112x128xf32, #tpu.memory_space<vmem_shared>>) offsets(%arg12 : memref<128xi32, #tpu.memory_space<vmem>>) semaphore(%arg22 : memref<!tpu.dma_semaphore, #tpu.memory_space<semaphore_mem>>) {add = true}
    }
    %scan3A_9 = arith.constant 27 : i32
    %dma_wait3A = arith.constant 0 : i32
    %dma_wait3A_10 = arith.constant 0 : i32
    %dma_wait3A_11 = tpu.memref_slice %arg16[%dma_wait3A, %dma_wait3A_10] : memref<10112x128xf32, #tpu.memory_space<vmem_shared>> -> memref<10112x128xf32, #tpu.memory_space<vmem_shared>>
    tpu.wait_indirect_dma semaphore(%arg20 : memref<!tpu.dma_semaphore, #tpu.memory_space<semaphore_mem>>) src(%arg13 : memref<128x128xf32, #tpu.memory_space<vmem>>) dst(%dma_wait3A_11 : memref<10112x128xf32, #tpu.memory_space<vmem_shared>>)
    %dma_wait3A_12 = arith.constant 0 : i32
    %dma_wait3A_13 = arith.constant 0 : i32
    %dma_wait3A_14 = tpu.memref_slice %arg16[%dma_wait3A_12, %dma_wait3A_13] : memref<10112x128xf32, #tpu.memory_space<vmem_shared>> -> memref<10112x128xf32, #tpu.memory_space<vmem_shared>>
    tpu.wait_indirect_dma semaphore(%arg21 : memref<!tpu.dma_semaphore, #tpu.memory_space<semaphore_mem>>) src(%arg14 : memref<128x128xf32, #tpu.memory_space<vmem>>) dst(%dma_wait3A_14 : memref<10112x128xf32, #tpu.memory_space<vmem_shared>>)
    %dma_wait3A_15 = arith.constant 0 : i32
    %dma_wait3A_16 = arith.constant 0 : i32
    %dma_wait3A_17 = tpu.memref_slice %arg16[%dma_wait3A_15, %dma_wait3A_16] : memref<10112x128xf32, #tpu.memory_space<vmem_shared>> -> memref<10112x128xf32, #tpu.memory_space<vmem_shared>>
    tpu.wait_indirect_dma semaphore(%arg22 : memref<!tpu.dma_semaphore, #tpu.memory_space<semaphore_mem>>) src(%arg15 : memref<128x128xf32, #tpu.memory_space<vmem>>) dst(%dma_wait3A_17 : memref<10112x128xf32, #tpu.memory_space<vmem_shared>>)
    %barrier3A_18 = arith.constant 0 : index
    tpu.barrier barrier_id(%barrier3A_18)
    "tpu.region"() ({
      %run_scoped3A = tpu.sem_alloc : memref<!tpu.dma_semaphore, #tpu.memory_space<semaphore_mem>>
      %dma_start3A = arith.constant 0 : i32
      %dma_start3A_19 = tpu.memref_slice %arg6[%arg0, %mul3A_2, %dma_start3A] : memref<2x10112x128xf32, #tpu.memory_space<hbm>> -> memref<1x632x128xf32, #tpu.memory_space<hbm>>
      %dma_start3A_20 = tpu.memref_squeeze %dma_start3A_19 : memref<1x632x128xf32, #tpu.memory_space<hbm>> -> memref<632x128xf32, #tpu.memory_space<hbm>>
      %dma_start3A_21 = arith.constant 0 : i32
      %dma_start3A_22 = tpu.memref_slice %arg16[%mul3A_2, %dma_start3A_21] : memref<10112x128xf32, #tpu.memory_space<vmem_shared>> -> memref<632x128xf32, #tpu.memory_space<vmem_shared>>
      tpu.enqueue_dma source(%dma_start3A_22 : memref<632x128xf32, #tpu.memory_space<vmem_shared>>) target(%dma_start3A_20 : memref<632x128xf32, #tpu.memory_space<hbm>>) target_semaphore(%run_scoped3A : memref<!tpu.dma_semaphore, #tpu.memory_space<semaphore_mem>>)
      %dma_wait3A_23 = arith.constant 0 : i32
      %dma_wait3A_24 = tpu.memref_slice %arg6[%arg0, %mul3A_2, %dma_wait3A_23] : memref<2x10112x128xf32, #tpu.memory_space<hbm>> -> memref<1x632x128xf32, #tpu.memory_space<hbm>>
      %dma_wait3A_25 = tpu.memref_squeeze %dma_wait3A_24 : memref<1x632x128xf32, #tpu.memory_space<hbm>> -> memref<632x128xf32, #tpu.memory_space<hbm>>
      %dma_wait3A_26 = arith.constant 0 : i32
      %dma_wait3A_27 = tpu.memref_slice %arg16[%mul3A_2, %dma_wait3A_26] : memref<10112x128xf32, #tpu.memory_space<vmem_shared>> -> memref<632x128xf32, #tpu.memory_space<vmem_shared>>
      tpu.wait_dma2 semaphore(%run_scoped3A : memref<!tpu.dma_semaphore, #tpu.memory_space<semaphore_mem>>) src(%dma_wait3A_27 : memref<632x128xf32, #tpu.memory_space<vmem_shared>>) dst(%dma_wait3A_25 : memref<632x128xf32, #tpu.memory_space<hbm>>)
      tpu.yield
    }) : () -> ()
    return
  }
}

#map = affine_map<(d0, d1) -> (0)>
#map1 = affine_map<(d0, d1) -> (0, 0)>
#map2 = affine_map<(d0, d1) -> (0, 0, 0)>
module attributes {stable_mosaic.version = 14 : i64} {
  func.func @count(%arg0: i32, %arg1: i32, %arg2: memref<331776xi32, #tpu.memory_space<hbm>>, %arg3: memref<128x128xf32, #tpu.memory_space<hbm>>, %arg4: memref<10112x128xf32, #tpu.memory_space<hbm>>, %arg5: memref<2x10112x128xf32, #tpu.memory_space<hbm>>, %arg6: memref<128xi32, #tpu.memory_space<vmem>>, %arg7: memref<128xi32, #tpu.memory_space<vmem>>, %arg8: memref<128xi32, #tpu.memory_space<vmem>>, %arg9: memref<128x128xf32, #tpu.memory_space<vmem>>, %arg10: memref<10112x128xf32, #tpu.memory_space<vmem_shared>>, %arg11: memref<!tpu.dma_semaphore, #tpu.memory_space<semaphore_mem>>, %arg12: memref<!tpu.dma_semaphore, #tpu.memory_space<semaphore_mem>>, %arg13: memref<!tpu.dma_semaphore, #tpu.memory_space<semaphore_mem>>) attributes {dimension_semantics = [#tpu.dimension_semantics<core_parallel>, #tpu.dimension_semantics<subcore_parallel>], iteration_bounds = array<i64: 2, 16>, scalar_prefetch = 0 : i64, scratch_operands = 8 : i64, tpu.core_type = #tpu.core_type<sc_vector_subcore>, window_params = [{transform_indices = #map}, {transform_indices = #map1}, {transform_indices = #map1}, {transform_indices = #map2}]} {
    %mul3A = arith.constant 2 : i32
    %mul3A_0 = arith.muli %arg1, %mul3A : i32
    %add3A = arith.addi %mul3A_0, %arg0 : i32
    %mul3A_1 = arith.constant 632 : i32
    %mul3A_2 = arith.muli %arg1, %mul3A_1 : i32
    "tpu.region"() ({
      %run_scoped3A = tpu.sem_alloc : memref<!tpu.dma_semaphore, #tpu.memory_space<semaphore_mem>>
      tpu.enqueue_dma source(%arg3 : memref<128x128xf32, #tpu.memory_space<hbm>>) target(%arg9 : memref<128x128xf32, #tpu.memory_space<vmem>>) target_semaphore(%run_scoped3A : memref<!tpu.dma_semaphore, #tpu.memory_space<semaphore_mem>>)
      tpu.wait_dma2 semaphore(%run_scoped3A : memref<!tpu.dma_semaphore, #tpu.memory_space<semaphore_mem>>) src(%arg3 : memref<128x128xf32, #tpu.memory_space<hbm>>) dst(%arg9 : memref<128x128xf32, #tpu.memory_space<vmem>>)
      tpu.yield
    }) : () -> ()
    "tpu.region"() ({
      %run_scoped3A = tpu.sem_alloc : memref<!tpu.dma_semaphore, #tpu.memory_space<semaphore_mem>>
      %dma_start3A = arith.constant 0 : i32
      %dma_start3A_19 = tpu.memref_slice %arg10[%mul3A_2, %dma_start3A] : memref<10112x128xf32, #tpu.memory_space<vmem_shared>> -> memref<632x128xf32, #tpu.memory_space<vmem_shared>>
      %dma_start3A_20 = arith.constant 0 : i32
      %dma_start3A_21 = tpu.memref_slice %arg4[%mul3A_2, %dma_start3A_20] : memref<10112x128xf32, #tpu.memory_space<hbm>> -> memref<632x128xf32, #tpu.memory_space<hbm>>
      tpu.enqueue_dma source(%dma_start3A_21 : memref<632x128xf32, #tpu.memory_space<hbm>>) target(%dma_start3A_19 : memref<632x128xf32, #tpu.memory_space<vmem_shared>>) target_semaphore(%run_scoped3A : memref<!tpu.dma_semaphore, #tpu.memory_space<semaphore_mem>>)
      %dma_wait3A_22 = arith.constant 0 : i32
      %dma_wait3A_23 = tpu.memref_slice %arg10[%mul3A_2, %dma_wait3A_22] : memref<10112x128xf32, #tpu.memory_space<vmem_shared>> -> memref<632x128xf32, #tpu.memory_space<vmem_shared>>
      %dma_wait3A_24 = arith.constant 0 : i32
      %dma_wait3A_25 = tpu.memref_slice %arg4[%mul3A_2, %dma_wait3A_24] : memref<10112x128xf32, #tpu.memory_space<hbm>> -> memref<632x128xf32, #tpu.memory_space<hbm>>
      tpu.wait_dma2 semaphore(%run_scoped3A : memref<!tpu.dma_semaphore, #tpu.memory_space<semaphore_mem>>) src(%dma_wait3A_25 : memref<632x128xf32, #tpu.memory_space<hbm>>) dst(%dma_wait3A_23 : memref<632x128xf32, #tpu.memory_space<vmem_shared>>)
      tpu.yield
    }) : () -> ()
    %mul3A_3 = arith.constant 81 : i32
    %mul3A_4 = arith.muli %add3A, %mul3A_3 : i32
    %barrier3A = arith.constant 0 : index
    tpu.barrier barrier_id(%barrier3A)
    %scan3A = arith.constant 0 : i32
    %scan3A_5 = arith.constant 0 : i32
    %scan3A_6 = arith.constant 27 : i32
    %scan3A_7 = arith.addi %scan3A_5, %scan3A_6 : i32
    %scan3A_8 = arith.constant 1 : i32
    scf.for %scan3A_19 = %scan3A_5 to %scan3A_7 step %scan3A_8  : i32 {
      %mul3A_20 = arith.constant 3 : i32
      %mul3A_21 = arith.muli %mul3A_20, %scan3A_19 : i32
      %add3A_22 = arith.addi %mul3A_4, %mul3A_21 : i32
      %gt3A = arith.constant 0 : i32
      %gt3A_23 = arith.cmpi sgt, %scan3A_19, %gt3A : i32
      %convert_element_type3A = arith.extui %gt3A_23 : i1 to i32
      %cond3A = arith.constant 0 : i32
      %cond3A_24 = arith.cmpi ne, %convert_element_type3A, %cond3A : i32
      scf.if %cond3A_24 {
        %dma_wait3A_55 = arith.constant 0 : i32
        %dma_wait3A_56 = arith.constant 0 : i32
        %dma_wait3A_57 = tpu.memref_slice %arg10[%dma_wait3A_55, %dma_wait3A_56] : memref<10112x128xf32, #tpu.memory_space<vmem_shared>> -> memref<10112x128xf32, #tpu.memory_space<vmem_shared>>
        tpu.wait_indirect_dma semaphore(%arg11 : memref<!tpu.dma_semaphore, #tpu.memory_space<semaphore_mem>>) src(%arg9 : memref<128x128xf32, #tpu.memory_space<vmem>>) dst(%dma_wait3A_57 : memref<10112x128xf32, #tpu.memory_space<vmem_shared>>)
      } else {
      }
      %add3A_25 = arith.constant 0 : i32
      %add3A_26 = arith.addi %add3A_22, %add3A_25 : i32
      %mul3A_27 = arith.constant 128 : i32
      %mul3A_28 = arith.muli %add3A_26, %mul3A_27 : i32
      "tpu.region"() ({
        %run_scoped3A = tpu.sem_alloc : memref<!tpu.dma_semaphore, #tpu.memory_space<semaphore_mem>>
        %dma_start3A_55 = tpu.memref_slice %arg2[%mul3A_28] : memref<331776xi32, #tpu.memory_space<hbm>> -> memref<128xi32, #tpu.memory_space<hbm>>
        %dma_start3A_56 = tpu.memref_slice %arg2[%mul3A_28] : memref<331776xi32, #tpu.memory_space<hbm>> -> memref<128xi32, #tpu.memory_space<hbm>>
        tpu.enqueue_dma source(%dma_start3A_56 : memref<128xi32, #tpu.memory_space<hbm>>) target(%arg6 : memref<128xi32, #tpu.memory_space<vmem>>) target_semaphore(%run_scoped3A : memref<!tpu.dma_semaphore, #tpu.memory_space<semaphore_mem>>)
        %dma_wait3A_57 = tpu.memref_slice %arg2[%mul3A_28] : memref<331776xi32, #tpu.memory_space<hbm>> -> memref<128xi32, #tpu.memory_space<hbm>>
        %dma_wait3A_58 = tpu.memref_slice %arg2[%mul3A_28] : memref<331776xi32, #tpu.memory_space<hbm>> -> memref<128xi32, #tpu.memory_space<hbm>>
        tpu.wait_dma2 semaphore(%run_scoped3A : memref<!tpu.dma_semaphore, #tpu.memory_space<semaphore_mem>>) src(%dma_wait3A_58 : memref<128xi32, #tpu.memory_space<hbm>>) dst(%arg6 : memref<128xi32, #tpu.memory_space<vmem>>)
        tpu.yield
      }) : () -> ()
      %dma_start3A = arith.constant 0 : i32
      %dma_start3A_29 = arith.constant 0 : i32
      %dma_start3A_30 = tpu.memref_slice %arg10[%dma_start3A, %dma_start3A_29] : memref<10112x128xf32, #tpu.memory_space<vmem_shared>> -> memref<10112x128xf32, #tpu.memory_space<vmem_shared>>
      tpu.enqueue_indirect_dma source(%arg9 : memref<128x128xf32, #tpu.memory_space<vmem>>) target(%dma_start3A_30 : memref<10112x128xf32, #tpu.memory_space<vmem_shared>>) offsets(%arg6 : memref<128xi32, #tpu.memory_space<vmem>>) semaphore(%arg11 : memref<!tpu.dma_semaphore, #tpu.memory_space<semaphore_mem>>) {add = true}
      %gt3A_31 = arith.constant 0 : i32
      %gt3A_32 = arith.cmpi sgt, %scan3A_19, %gt3A_31 : i32
      %convert_element_type3A_33 = arith.extui %gt3A_32 : i1 to i32
      %cond3A_34 = arith.constant 0 : i32
      %cond3A_35 = arith.cmpi ne, %convert_element_type3A_33, %cond3A_34 : i32
      scf.if %cond3A_35 {
        %dma_wait3A_55 = arith.constant 0 : i32
        %dma_wait3A_56 = arith.constant 0 : i32
        %dma_wait3A_57 = tpu.memref_slice %arg10[%dma_wait3A_55, %dma_wait3A_56] : memref<10112x128xf32, #tpu.memory_space<vmem_shared>> -> memref<10112x128xf32, #tpu.memory_space<vmem_shared>>
        tpu.wait_indirect_dma semaphore(%arg12 : memref<!tpu.dma_semaphore, #tpu.memory_space<semaphore_mem>>) src(%arg9 : memref<128x128xf32, #tpu.memory_space<vmem>>) dst(%dma_wait3A_57 : memref<10112x128xf32, #tpu.memory_space<vmem_shared>>)
      } else {
      }
      %add3A_36 = arith.constant 1 : i32
      %add3A_37 = arith.addi %add3A_22, %add3A_36 : i32
      %mul3A_38 = arith.constant 128 : i32
      %mul3A_39 = arith.muli %add3A_37, %mul3A_38 : i32
      "tpu.region"() ({
        %run_scoped3A = tpu.sem_alloc : memref<!tpu.dma_semaphore, #tpu.memory_space<semaphore_mem>>
        %dma_start3A_55 = tpu.memref_slice %arg2[%mul3A_39] : memref<331776xi32, #tpu.memory_space<hbm>> -> memref<128xi32, #tpu.memory_space<hbm>>
        %dma_start3A_56 = tpu.memref_slice %arg2[%mul3A_39] : memref<331776xi32, #tpu.memory_space<hbm>> -> memref<128xi32, #tpu.memory_space<hbm>>
        tpu.enqueue_dma source(%dma_start3A_56 : memref<128xi32, #tpu.memory_space<hbm>>) target(%arg7 : memref<128xi32, #tpu.memory_space<vmem>>) target_semaphore(%run_scoped3A : memref<!tpu.dma_semaphore, #tpu.memory_space<semaphore_mem>>)
        %dma_wait3A_57 = tpu.memref_slice %arg2[%mul3A_39] : memref<331776xi32, #tpu.memory_space<hbm>> -> memref<128xi32, #tpu.memory_space<hbm>>
        %dma_wait3A_58 = tpu.memref_slice %arg2[%mul3A_39] : memref<331776xi32, #tpu.memory_space<hbm>> -> memref<128xi32, #tpu.memory_space<hbm>>
        tpu.wait_dma2 semaphore(%run_scoped3A : memref<!tpu.dma_semaphore, #tpu.memory_space<semaphore_mem>>) src(%dma_wait3A_58 : memref<128xi32, #tpu.memory_space<hbm>>) dst(%arg7 : memref<128xi32, #tpu.memory_space<vmem>>)
        tpu.yield
      }) : () -> ()
      %dma_start3A_40 = arith.constant 0 : i32
      %dma_start3A_41 = arith.constant 0 : i32
      %dma_start3A_42 = tpu.memref_slice %arg10[%dma_start3A_40, %dma_start3A_41] : memref<10112x128xf32, #tpu.memory_space<vmem_shared>> -> memref<10112x128xf32, #tpu.memory_space<vmem_shared>>
      tpu.enqueue_indirect_dma source(%arg9 : memref<128x128xf32, #tpu.memory_space<vmem>>) target(%dma_start3A_42 : memref<10112x128xf32, #tpu.memory_space<vmem_shared>>) offsets(%arg7 : memref<128xi32, #tpu.memory_space<vmem>>) semaphore(%arg12 : memref<!tpu.dma_semaphore, #tpu.memory_space<semaphore_mem>>) {add = true}
      %gt3A_43 = arith.constant 0 : i32
      %gt3A_44 = arith.cmpi sgt, %scan3A_19, %gt3A_43 : i32
      %convert_element_type3A_45 = arith.extui %gt3A_44 : i1 to i32
      %cond3A_46 = arith.constant 0 : i32
      %cond3A_47 = arith.cmpi ne, %convert_element_type3A_45, %cond3A_46 : i32
      scf.if %cond3A_47 {
        %dma_wait3A_55 = arith.constant 0 : i32
        %dma_wait3A_56 = arith.constant 0 : i32
        %dma_wait3A_57 = tpu.memref_slice %arg10[%dma_wait3A_55, %dma_wait3A_56] : memref<10112x128xf32, #tpu.memory_space<vmem_shared>> -> memref<10112x128xf32, #tpu.memory_space<vmem_shared>>
        tpu.wait_indirect_dma semaphore(%arg13 : memref<!tpu.dma_semaphore, #tpu.memory_space<semaphore_mem>>) src(%arg9 : memref<128x128xf32, #tpu.memory_space<vmem>>) dst(%dma_wait3A_57 : memref<10112x128xf32, #tpu.memory_space<vmem_shared>>)
      } else {
      }
      %add3A_48 = arith.constant 2 : i32
      %add3A_49 = arith.addi %add3A_22, %add3A_48 : i32
      %mul3A_50 = arith.constant 128 : i32
      %mul3A_51 = arith.muli %add3A_49, %mul3A_50 : i32
      "tpu.region"() ({
        %run_scoped3A = tpu.sem_alloc : memref<!tpu.dma_semaphore, #tpu.memory_space<semaphore_mem>>
        %dma_start3A_55 = tpu.memref_slice %arg2[%mul3A_51] : memref<331776xi32, #tpu.memory_space<hbm>> -> memref<128xi32, #tpu.memory_space<hbm>>
        %dma_start3A_56 = tpu.memref_slice %arg2[%mul3A_51] : memref<331776xi32, #tpu.memory_space<hbm>> -> memref<128xi32, #tpu.memory_space<hbm>>
        tpu.enqueue_dma source(%dma_start3A_56 : memref<128xi32, #tpu.memory_space<hbm>>) target(%arg8 : memref<128xi32, #tpu.memory_space<vmem>>) target_semaphore(%run_scoped3A : memref<!tpu.dma_semaphore, #tpu.memory_space<semaphore_mem>>)
        %dma_wait3A_57 = tpu.memref_slice %arg2[%mul3A_51] : memref<331776xi32, #tpu.memory_space<hbm>> -> memref<128xi32, #tpu.memory_space<hbm>>
        %dma_wait3A_58 = tpu.memref_slice %arg2[%mul3A_51] : memref<331776xi32, #tpu.memory_space<hbm>> -> memref<128xi32, #tpu.memory_space<hbm>>
        tpu.wait_dma2 semaphore(%run_scoped3A : memref<!tpu.dma_semaphore, #tpu.memory_space<semaphore_mem>>) src(%dma_wait3A_58 : memref<128xi32, #tpu.memory_space<hbm>>) dst(%arg8 : memref<128xi32, #tpu.memory_space<vmem>>)
        tpu.yield
      }) : () -> ()
      %dma_start3A_52 = arith.constant 0 : i32
      %dma_start3A_53 = arith.constant 0 : i32
      %dma_start3A_54 = tpu.memref_slice %arg10[%dma_start3A_52, %dma_start3A_53] : memref<10112x128xf32, #tpu.memory_space<vmem_shared>> -> memref<10112x128xf32, #tpu.memory_space<vmem_shared>>
      tpu.enqueue_indirect_dma source(%arg9 : memref<128x128xf32, #tpu.memory_space<vmem>>) target(%dma_start3A_54 : memref<10112x128xf32, #tpu.memory_space<vmem_shared>>) offsets(%arg8 : memref<128xi32, #tpu.memory_space<vmem>>) semaphore(%arg13 : memref<!tpu.dma_semaphore, #tpu.memory_space<semaphore_mem>>) {add = true}
    }
    %scan3A_9 = arith.constant 27 : i32
    %dma_wait3A = arith.constant 0 : i32
    %dma_wait3A_10 = arith.constant 0 : i32
    %dma_wait3A_11 = tpu.memref_slice %arg10[%dma_wait3A, %dma_wait3A_10] : memref<10112x128xf32, #tpu.memory_space<vmem_shared>> -> memref<10112x128xf32, #tpu.memory_space<vmem_shared>>
    tpu.wait_indirect_dma semaphore(%arg11 : memref<!tpu.dma_semaphore, #tpu.memory_space<semaphore_mem>>) src(%arg9 : memref<128x128xf32, #tpu.memory_space<vmem>>) dst(%dma_wait3A_11 : memref<10112x128xf32, #tpu.memory_space<vmem_shared>>)
    %dma_wait3A_12 = arith.constant 0 : i32
    %dma_wait3A_13 = arith.constant 0 : i32
    %dma_wait3A_14 = tpu.memref_slice %arg10[%dma_wait3A_12, %dma_wait3A_13] : memref<10112x128xf32, #tpu.memory_space<vmem_shared>> -> memref<10112x128xf32, #tpu.memory_space<vmem_shared>>
    tpu.wait_indirect_dma semaphore(%arg12 : memref<!tpu.dma_semaphore, #tpu.memory_space<semaphore_mem>>) src(%arg9 : memref<128x128xf32, #tpu.memory_space<vmem>>) dst(%dma_wait3A_14 : memref<10112x128xf32, #tpu.memory_space<vmem_shared>>)
    %dma_wait3A_15 = arith.constant 0 : i32
    %dma_wait3A_16 = arith.constant 0 : i32
    %dma_wait3A_17 = tpu.memref_slice %arg10[%dma_wait3A_15, %dma_wait3A_16] : memref<10112x128xf32, #tpu.memory_space<vmem_shared>> -> memref<10112x128xf32, #tpu.memory_space<vmem_shared>>
    tpu.wait_indirect_dma semaphore(%arg13 : memref<!tpu.dma_semaphore, #tpu.memory_space<semaphore_mem>>) src(%arg9 : memref<128x128xf32, #tpu.memory_space<vmem>>) dst(%dma_wait3A_17 : memref<10112x128xf32, #tpu.memory_space<vmem_shared>>)
    %barrier3A_18 = arith.constant 0 : index
    tpu.barrier barrier_id(%barrier3A_18)
    "tpu.region"() ({
      %run_scoped3A = tpu.sem_alloc : memref<!tpu.dma_semaphore, #tpu.memory_space<semaphore_mem>>
      %dma_start3A = arith.constant 0 : i32
      %dma_start3A_19 = tpu.memref_slice %arg5[%arg0, %mul3A_2, %dma_start3A] : memref<2x10112x128xf32, #tpu.memory_space<hbm>> -> memref<1x632x128xf32, #tpu.memory_space<hbm>>
      %dma_start3A_20 = tpu.memref_squeeze %dma_start3A_19 : memref<1x632x128xf32, #tpu.memory_space<hbm>> -> memref<632x128xf32, #tpu.memory_space<hbm>>
      %dma_start3A_21 = arith.constant 0 : i32
      %dma_start3A_22 = tpu.memref_slice %arg10[%mul3A_2, %dma_start3A_21] : memref<10112x128xf32, #tpu.memory_space<vmem_shared>> -> memref<632x128xf32, #tpu.memory_space<vmem_shared>>
      tpu.enqueue_dma source(%dma_start3A_22 : memref<632x128xf32, #tpu.memory_space<vmem_shared>>) target(%dma_start3A_20 : memref<632x128xf32, #tpu.memory_space<hbm>>) target_semaphore(%run_scoped3A : memref<!tpu.dma_semaphore, #tpu.memory_space<semaphore_mem>>)
      %dma_wait3A_23 = arith.constant 0 : i32
      %dma_wait3A_24 = tpu.memref_slice %arg5[%arg0, %mul3A_2, %dma_wait3A_23] : memref<2x10112x128xf32, #tpu.memory_space<hbm>> -> memref<1x632x128xf32, #tpu.memory_space<hbm>>
      %dma_wait3A_25 = tpu.memref_squeeze %dma_wait3A_24 : memref<1x632x128xf32, #tpu.memory_space<hbm>> -> memref<632x128xf32, #tpu.memory_space<hbm>>
      %dma_wait3A_26 = arith.constant 0 : i32
      %dma_wait3A_27 = tpu.memref_slice %arg10[%mul3A_2, %dma_wait3A_26] : memref<10112x128xf32, #tpu.memory_space<vmem_shared>> -> memref<632x128xf32, #tpu.memory_space<vmem_shared>>
      tpu.wait_dma2 semaphore(%run_scoped3A : memref<!tpu.dma_semaphore, #tpu.memory_space<semaphore_mem>>) src(%dma_wait3A_27 : memref<632x128xf32, #tpu.memory_space<vmem_shared>>) dst(%dma_wait3A_25 : memref<632x128xf32, #tpu.memory_space<hbm>>)
      tpu.yield
    }) : () -> ()
    return
  }
}

#map = affine_map<(d0, d1) -> (0, 0)>
#map1 = affine_map<(d0, d1) -> (0)>
#map2 = affine_map<(d0, d1) -> (0, 0, 0)>
module attributes {stable_mosaic.version = 14 : i64} {
  func.func @segsum(%arg0: i32, %arg1: i32, %arg2: memref<10112x128xf32, #tpu.memory_space<hbm>>, %arg3: memref<331776xi32, #tpu.memory_space<hbm>>, %arg4: memref<331776xi32, #tpu.memory_space<hbm>>, %arg5: memref<10112x128xf32, #tpu.memory_space<hbm>>, %arg6: memref<2x10112x128xf32, #tpu.memory_space<hbm>>, %arg7: memref<128xi32, #tpu.memory_space<vmem>>, %arg8: memref<128xi32, #tpu.memory_space<vmem>>, %arg9: memref<128xi32, #tpu.memory_space<vmem>>, %arg10: memref<128xi32, #tpu.memory_space<vmem>>, %arg11: memref<128xi32, #tpu.memory_space<vmem>>, %arg12: memref<128xi32, #tpu.memory_space<vmem>>, %arg13: memref<128x128xf32, #tpu.memory_space<vmem>>, %arg14: memref<128x128xf32, #tpu.memory_space<vmem>>, %arg15: memref<128x128xf32, #tpu.memory_space<vmem>>, %arg16: memref<10112x128xf32, #tpu.memory_space<vmem_shared>>, %arg17: memref<!tpu.dma_semaphore, #tpu.memory_space<semaphore_mem>>, %arg18: memref<!tpu.dma_semaphore, #tpu.memory_space<semaphore_mem>>, %arg19: memref<!tpu.dma_semaphore, #tpu.memory_space<semaphore_mem>>, %arg20: memref<!tpu.dma_semaphore, #tpu.memory_space<semaphore_mem>>, %arg21: memref<!tpu.dma_semaphore, #tpu.memory_space<semaphore_mem>>, %arg22: memref<!tpu.dma_semaphore, #tpu.memory_space<semaphore_mem>>) attributes {dimension_semantics = [#tpu.dimension_semantics<core_parallel>, #tpu.dimension_semantics<subcore_parallel>], iteration_bounds = array<i64: 2, 16>, scalar_prefetch = 0 : i64, scratch_operands = 16 : i64, tpu.core_type = #tpu.core_type<sc_vector_subcore>, window_params = [{transform_indices = #map}, {transform_indices = #map1}, {transform_indices = #map1}, {transform_indices = #map}, {transform_indices = #map2}]} {
    %mul3A = arith.constant 2 : i32
    %mul3A_0 = arith.muli %arg1, %mul3A : i32
    %add3A = arith.addi %mul3A_0, %arg0 : i32
    %mul3A_1 = arith.constant 632 : i32
    %mul3A_2 = arith.muli %arg1, %mul3A_1 : i32
    "tpu.region"() ({
      %run_scoped3A = tpu.sem_alloc : memref<!tpu.dma_semaphore, #tpu.memory_space<semaphore_mem>>
      %dma_start3A = arith.constant 0 : i32
      %dma_start3A_19 = tpu.memref_slice %arg16[%mul3A_2, %dma_start3A] : memref<10112x128xf32, #tpu.memory_space<vmem_shared>> -> memref<632x128xf32, #tpu.memory_space<vmem_shared>>
      %dma_start3A_20 = arith.constant 0 : i32
      %dma_start3A_21 = tpu.memref_slice %arg5[%mul3A_2, %dma_start3A_20] : memref<10112x128xf32, #tpu.memory_space<hbm>> -> memref<632x128xf32, #tpu.memory_space<hbm>>
      tpu.enqueue_dma source(%dma_start3A_21 : memref<632x128xf32, #tpu.memory_space<hbm>>) target(%dma_start3A_19 : memref<632x128xf32, #tpu.memory_space<vmem_shared>>) target_semaphore(%run_scoped3A : memref<!tpu.dma_semaphore, #tpu.memory_space<semaphore_mem>>)
      %dma_wait3A_22 = arith.constant 0 : i32
      %dma_wait3A_23 = tpu.memref_slice %arg16[%mul3A_2, %dma_wait3A_22] : memref<10112x128xf32, #tpu.memory_space<vmem_shared>> -> memref<632x128xf32, #tpu.memory_space<vmem_shared>>
      %dma_wait3A_24 = arith.constant 0 : i32
      %dma_wait3A_25 = tpu.memref_slice %arg5[%mul3A_2, %dma_wait3A_24] : memref<10112x128xf32, #tpu.memory_space<hbm>> -> memref<632x128xf32, #tpu.memory_space<hbm>>
      tpu.wait_dma2 semaphore(%run_scoped3A : memref<!tpu.dma_semaphore, #tpu.memory_space<semaphore_mem>>) src(%dma_wait3A_25 : memref<632x128xf32, #tpu.memory_space<hbm>>) dst(%dma_wait3A_23 : memref<632x128xf32, #tpu.memory_space<vmem_shared>>)
      tpu.yield
    }) : () -> ()
    %mul3A_3 = arith.constant 81 : i32
    %mul3A_4 = arith.muli %add3A, %mul3A_3 : i32
    %barrier3A = arith.constant 0 : index
    tpu.barrier barrier_id(%barrier3A)
    %scan3A = arith.constant 0 : i32
    %scan3A_5 = arith.constant 0 : i32
    %scan3A_6 = arith.constant 27 : i32
    %scan3A_7 = arith.addi %scan3A_5, %scan3A_6 : i32
    %scan3A_8 = arith.constant 1 : i32
    scf.for %scan3A_19 = %scan3A_5 to %scan3A_7 step %scan3A_8  : i32 {
      %mul3A_20 = arith.constant 3 : i32
      %mul3A_21 = arith.muli %mul3A_20, %scan3A_19 : i32
      %add3A_22 = arith.addi %mul3A_4, %mul3A_21 : i32
      %add3A_23 = arith.constant 0 : i32
      %add3A_24 = arith.addi %add3A_22, %add3A_23 : i32
      %gt3A = arith.constant 0 : i32
      %gt3A_25 = arith.cmpi sgt, %scan3A_19, %gt3A : i32
      %convert_element_type3A = arith.extui %gt3A_25 : i1 to i32
      %cond3A = arith.constant 0 : i32
      %cond3A_26 = arith.cmpi ne, %convert_element_type3A, %cond3A : i32
      scf.if %cond3A_26 {
        %dma_wait3A_79 = arith.constant 0 : i32
        %dma_wait3A_80 = arith.constant 0 : i32
        %dma_wait3A_81 = tpu.memref_slice %arg16[%dma_wait3A_79, %dma_wait3A_80] : memref<10112x128xf32, #tpu.memory_space<vmem_shared>> -> memref<10112x128xf32, #tpu.memory_space<vmem_shared>>
        tpu.wait_indirect_dma semaphore(%arg20 : memref<!tpu.dma_semaphore, #tpu.memory_space<semaphore_mem>>) src(%arg13 : memref<128x128xf32, #tpu.memory_space<vmem>>) dst(%dma_wait3A_81 : memref<10112x128xf32, #tpu.memory_space<vmem_shared>>)
      } else {
      }
      %mul3A_27 = arith.constant 128 : i32
      %mul3A_28 = arith.muli %add3A_24, %mul3A_27 : i32
      "tpu.region"() ({
        %run_scoped3A = tpu.sem_alloc : memref<!tpu.dma_semaphore, #tpu.memory_space<semaphore_mem>>
        %dma_start3A_79 = tpu.memref_slice %arg3[%mul3A_28] : memref<331776xi32, #tpu.memory_space<hbm>> -> memref<128xi32, #tpu.memory_space<hbm>>
        %dma_start3A_80 = tpu.memref_slice %arg3[%mul3A_28] : memref<331776xi32, #tpu.memory_space<hbm>> -> memref<128xi32, #tpu.memory_space<hbm>>
        tpu.enqueue_dma source(%dma_start3A_80 : memref<128xi32, #tpu.memory_space<hbm>>) target(%arg7 : memref<128xi32, #tpu.memory_space<vmem>>) target_semaphore(%run_scoped3A : memref<!tpu.dma_semaphore, #tpu.memory_space<semaphore_mem>>)
        %dma_wait3A_81 = tpu.memref_slice %arg3[%mul3A_28] : memref<331776xi32, #tpu.memory_space<hbm>> -> memref<128xi32, #tpu.memory_space<hbm>>
        %dma_wait3A_82 = tpu.memref_slice %arg3[%mul3A_28] : memref<331776xi32, #tpu.memory_space<hbm>> -> memref<128xi32, #tpu.memory_space<hbm>>
        tpu.wait_dma2 semaphore(%run_scoped3A : memref<!tpu.dma_semaphore, #tpu.memory_space<semaphore_mem>>) src(%dma_wait3A_82 : memref<128xi32, #tpu.memory_space<hbm>>) dst(%arg7 : memref<128xi32, #tpu.memory_space<vmem>>)
        tpu.yield
      }) : () -> ()
      %mul3A_29 = arith.constant 128 : i32
      %mul3A_30 = arith.muli %add3A_24, %mul3A_29 : i32
      "tpu.region"() ({
        %run_scoped3A = tpu.sem_alloc : memref<!tpu.dma_semaphore, #tpu.memory_space<semaphore_mem>>
        %dma_start3A_79 = tpu.memref_slice %arg4[%mul3A_30] : memref<331776xi32, #tpu.memory_space<hbm>> -> memref<128xi32, #tpu.memory_space<hbm>>
        %dma_start3A_80 = tpu.memref_slice %arg4[%mul3A_30] : memref<331776xi32, #tpu.memory_space<hbm>> -> memref<128xi32, #tpu.memory_space<hbm>>
        tpu.enqueue_dma source(%dma_start3A_80 : memref<128xi32, #tpu.memory_space<hbm>>) target(%arg10 : memref<128xi32, #tpu.memory_space<vmem>>) target_semaphore(%run_scoped3A : memref<!tpu.dma_semaphore, #tpu.memory_space<semaphore_mem>>)
        %dma_wait3A_81 = tpu.memref_slice %arg4[%mul3A_30] : memref<331776xi32, #tpu.memory_space<hbm>> -> memref<128xi32, #tpu.memory_space<hbm>>
        %dma_wait3A_82 = tpu.memref_slice %arg4[%mul3A_30] : memref<331776xi32, #tpu.memory_space<hbm>> -> memref<128xi32, #tpu.memory_space<hbm>>
        tpu.wait_dma2 semaphore(%run_scoped3A : memref<!tpu.dma_semaphore, #tpu.memory_space<semaphore_mem>>) src(%dma_wait3A_82 : memref<128xi32, #tpu.memory_space<hbm>>) dst(%arg10 : memref<128xi32, #tpu.memory_space<vmem>>)
        tpu.yield
      }) : () -> ()
      %dma_start3A = arith.constant 0 : i32
      %dma_start3A_31 = arith.constant 0 : i32
      %dma_start3A_32 = tpu.memref_slice %arg2[%dma_start3A, %dma_start3A_31] : memref<10112x128xf32, #tpu.memory_space<hbm>> -> memref<10112x128xf32, #tpu.memory_space<hbm>>
      tpu.enqueue_indirect_dma source(%dma_start3A_32 : memref<10112x128xf32, #tpu.memory_space<hbm>>) target(%arg13 : memref<128x128xf32, #tpu.memory_space<vmem>>) offsets(%arg7 : memref<128xi32, #tpu.memory_space<vmem>>) semaphore(%arg17 : memref<!tpu.dma_semaphore, #tpu.memory_space<semaphore_mem>>)
      %add3A_33 = arith.constant 1 : i32
      %add3A_34 = arith.addi %add3A_22, %add3A_33 : i32
      %gt3A_35 = arith.constant 0 : i32
      %gt3A_36 = arith.cmpi sgt, %scan3A_19, %gt3A_35 : i32
      %convert_element_type3A_37 = arith.extui %gt3A_36 : i1 to i32
      %cond3A_38 = arith.constant 0 : i32
      %cond3A_39 = arith.cmpi ne, %convert_element_type3A_37, %cond3A_38 : i32
      scf.if %cond3A_39 {
        %dma_wait3A_79 = arith.constant 0 : i32
        %dma_wait3A_80 = arith.constant 0 : i32
        %dma_wait3A_81 = tpu.memref_slice %arg16[%dma_wait3A_79, %dma_wait3A_80] : memref<10112x128xf32, #tpu.memory_space<vmem_shared>> -> memref<10112x128xf32, #tpu.memory_space<vmem_shared>>
        tpu.wait_indirect_dma semaphore(%arg21 : memref<!tpu.dma_semaphore, #tpu.memory_space<semaphore_mem>>) src(%arg14 : memref<128x128xf32, #tpu.memory_space<vmem>>) dst(%dma_wait3A_81 : memref<10112x128xf32, #tpu.memory_space<vmem_shared>>)
      } else {
      }
      %mul3A_40 = arith.constant 128 : i32
      %mul3A_41 = arith.muli %add3A_34, %mul3A_40 : i32
      "tpu.region"() ({
        %run_scoped3A = tpu.sem_alloc : memref<!tpu.dma_semaphore, #tpu.memory_space<semaphore_mem>>
        %dma_start3A_79 = tpu.memref_slice %arg3[%mul3A_41] : memref<331776xi32, #tpu.memory_space<hbm>> -> memref<128xi32, #tpu.memory_space<hbm>>
        %dma_start3A_80 = tpu.memref_slice %arg3[%mul3A_41] : memref<331776xi32, #tpu.memory_space<hbm>> -> memref<128xi32, #tpu.memory_space<hbm>>
        tpu.enqueue_dma source(%dma_start3A_80 : memref<128xi32, #tpu.memory_space<hbm>>) target(%arg8 : memref<128xi32, #tpu.memory_space<vmem>>) target_semaphore(%run_scoped3A : memref<!tpu.dma_semaphore, #tpu.memory_space<semaphore_mem>>)
        %dma_wait3A_81 = tpu.memref_slice %arg3[%mul3A_41] : memref<331776xi32, #tpu.memory_space<hbm>> -> memref<128xi32, #tpu.memory_space<hbm>>
        %dma_wait3A_82 = tpu.memref_slice %arg3[%mul3A_41] : memref<331776xi32, #tpu.memory_space<hbm>> -> memref<128xi32, #tpu.memory_space<hbm>>
        tpu.wait_dma2 semaphore(%run_scoped3A : memref<!tpu.dma_semaphore, #tpu.memory_space<semaphore_mem>>) src(%dma_wait3A_82 : memref<128xi32, #tpu.memory_space<hbm>>) dst(%arg8 : memref<128xi32, #tpu.memory_space<vmem>>)
        tpu.yield
      }) : () -> ()
      %mul3A_42 = arith.constant 128 : i32
      %mul3A_43 = arith.muli %add3A_34, %mul3A_42 : i32
      "tpu.region"() ({
        %run_scoped3A = tpu.sem_alloc : memref<!tpu.dma_semaphore, #tpu.memory_space<semaphore_mem>>
        %dma_start3A_79 = tpu.memref_slice %arg4[%mul3A_43] : memref<331776xi32, #tpu.memory_space<hbm>> -> memref<128xi32, #tpu.memory_space<hbm>>
        %dma_start3A_80 = tpu.memref_slice %arg4[%mul3A_43] : memref<331776xi32, #tpu.memory_space<hbm>> -> memref<128xi32, #tpu.memory_space<hbm>>
        tpu.enqueue_dma source(%dma_start3A_80 : memref<128xi32, #tpu.memory_space<hbm>>) target(%arg11 : memref<128xi32, #tpu.memory_space<vmem>>) target_semaphore(%run_scoped3A : memref<!tpu.dma_semaphore, #tpu.memory_space<semaphore_mem>>)
        %dma_wait3A_81 = tpu.memref_slice %arg4[%mul3A_43] : memref<331776xi32, #tpu.memory_space<hbm>> -> memref<128xi32, #tpu.memory_space<hbm>>
        %dma_wait3A_82 = tpu.memref_slice %arg4[%mul3A_43] : memref<331776xi32, #tpu.memory_space<hbm>> -> memref<128xi32, #tpu.memory_space<hbm>>
        tpu.wait_dma2 semaphore(%run_scoped3A : memref<!tpu.dma_semaphore, #tpu.memory_space<semaphore_mem>>) src(%dma_wait3A_82 : memref<128xi32, #tpu.memory_space<hbm>>) dst(%arg11 : memref<128xi32, #tpu.memory_space<vmem>>)
        tpu.yield
      }) : () -> ()
      %dma_start3A_44 = arith.constant 0 : i32
      %dma_start3A_45 = arith.constant 0 : i32
      %dma_start3A_46 = tpu.memref_slice %arg2[%dma_start3A_44, %dma_start3A_45] : memref<10112x128xf32, #tpu.memory_space<hbm>> -> memref<10112x128xf32, #tpu.memory_space<hbm>>
      tpu.enqueue_indirect_dma source(%dma_start3A_46 : memref<10112x128xf32, #tpu.memory_space<hbm>>) target(%arg14 : memref<128x128xf32, #tpu.memory_space<vmem>>) offsets(%arg8 : memref<128xi32, #tpu.memory_space<vmem>>) semaphore(%arg18 : memref<!tpu.dma_semaphore, #tpu.memory_space<semaphore_mem>>)
      %add3A_47 = arith.constant 2 : i32
      %add3A_48 = arith.addi %add3A_22, %add3A_47 : i32
      %gt3A_49 = arith.constant 0 : i32
      %gt3A_50 = arith.cmpi sgt, %scan3A_19, %gt3A_49 : i32
      %convert_element_type3A_51 = arith.extui %gt3A_50 : i1 to i32
      %cond3A_52 = arith.constant 0 : i32
      %cond3A_53 = arith.cmpi ne, %convert_element_type3A_51, %cond3A_52 : i32
      scf.if %cond3A_53 {
        %dma_wait3A_79 = arith.constant 0 : i32
        %dma_wait3A_80 = arith.constant 0 : i32
        %dma_wait3A_81 = tpu.memref_slice %arg16[%dma_wait3A_79, %dma_wait3A_80] : memref<10112x128xf32, #tpu.memory_space<vmem_shared>> -> memref<10112x128xf32, #tpu.memory_space<vmem_shared>>
        tpu.wait_indirect_dma semaphore(%arg22 : memref<!tpu.dma_semaphore, #tpu.memory_space<semaphore_mem>>) src(%arg15 : memref<128x128xf32, #tpu.memory_space<vmem>>) dst(%dma_wait3A_81 : memref<10112x128xf32, #tpu.memory_space<vmem_shared>>)
      } else {
      }
      %mul3A_54 = arith.constant 128 : i32
      %mul3A_55 = arith.muli %add3A_48, %mul3A_54 : i32
      "tpu.region"() ({
        %run_scoped3A = tpu.sem_alloc : memref<!tpu.dma_semaphore, #tpu.memory_space<semaphore_mem>>
        %dma_start3A_79 = tpu.memref_slice %arg3[%mul3A_55] : memref<331776xi32, #tpu.memory_space<hbm>> -> memref<128xi32, #tpu.memory_space<hbm>>
        %dma_start3A_80 = tpu.memref_slice %arg3[%mul3A_55] : memref<331776xi32, #tpu.memory_space<hbm>> -> memref<128xi32, #tpu.memory_space<hbm>>
        tpu.enqueue_dma source(%dma_start3A_80 : memref<128xi32, #tpu.memory_space<hbm>>) target(%arg9 : memref<128xi32, #tpu.memory_space<vmem>>) target_semaphore(%run_scoped3A : memref<!tpu.dma_semaphore, #tpu.memory_space<semaphore_mem>>)
        %dma_wait3A_81 = tpu.memref_slice %arg3[%mul3A_55] : memref<331776xi32, #tpu.memory_space<hbm>> -> memref<128xi32, #tpu.memory_space<hbm>>
        %dma_wait3A_82 = tpu.memref_slice %arg3[%mul3A_55] : memref<331776xi32, #tpu.memory_space<hbm>> -> memref<128xi32, #tpu.memory_space<hbm>>
        tpu.wait_dma2 semaphore(%run_scoped3A : memref<!tpu.dma_semaphore, #tpu.memory_space<semaphore_mem>>) src(%dma_wait3A_82 : memref<128xi32, #tpu.memory_space<hbm>>) dst(%arg9 : memref<128xi32, #tpu.memory_space<vmem>>)
        tpu.yield
      }) : () -> ()
      %mul3A_56 = arith.constant 128 : i32
      %mul3A_57 = arith.muli %add3A_48, %mul3A_56 : i32
      "tpu.region"() ({
        %run_scoped3A = tpu.sem_alloc : memref<!tpu.dma_semaphore, #tpu.memory_space<semaphore_mem>>
        %dma_start3A_79 = tpu.memref_slice %arg4[%mul3A_57] : memref<331776xi32, #tpu.memory_space<hbm>> -> memref<128xi32, #tpu.memory_space<hbm>>
        %dma_start3A_80 = tpu.memref_slice %arg4[%mul3A_57] : memref<331776xi32, #tpu.memory_space<hbm>> -> memref<128xi32, #tpu.memory_space<hbm>>
        tpu.enqueue_dma source(%dma_start3A_80 : memref<128xi32, #tpu.memory_space<hbm>>) target(%arg12 : memref<128xi32, #tpu.memory_space<vmem>>) target_semaphore(%run_scoped3A : memref<!tpu.dma_semaphore, #tpu.memory_space<semaphore_mem>>)
        %dma_wait3A_81 = tpu.memref_slice %arg4[%mul3A_57] : memref<331776xi32, #tpu.memory_space<hbm>> -> memref<128xi32, #tpu.memory_space<hbm>>
        %dma_wait3A_82 = tpu.memref_slice %arg4[%mul3A_57] : memref<331776xi32, #tpu.memory_space<hbm>> -> memref<128xi32, #tpu.memory_space<hbm>>
        tpu.wait_dma2 semaphore(%run_scoped3A : memref<!tpu.dma_semaphore, #tpu.memory_space<semaphore_mem>>) src(%dma_wait3A_82 : memref<128xi32, #tpu.memory_space<hbm>>) dst(%arg12 : memref<128xi32, #tpu.memory_space<vmem>>)
        tpu.yield
      }) : () -> ()
      %dma_start3A_58 = arith.constant 0 : i32
      %dma_start3A_59 = arith.constant 0 : i32
      %dma_start3A_60 = tpu.memref_slice %arg2[%dma_start3A_58, %dma_start3A_59] : memref<10112x128xf32, #tpu.memory_space<hbm>> -> memref<10112x128xf32, #tpu.memory_space<hbm>>
      tpu.enqueue_indirect_dma source(%dma_start3A_60 : memref<10112x128xf32, #tpu.memory_space<hbm>>) target(%arg15 : memref<128x128xf32, #tpu.memory_space<vmem>>) offsets(%arg9 : memref<128xi32, #tpu.memory_space<vmem>>) semaphore(%arg19 : memref<!tpu.dma_semaphore, #tpu.memory_space<semaphore_mem>>)
      %dma_wait3A_61 = arith.constant 0 : i32
      %dma_wait3A_62 = arith.constant 0 : i32
      %dma_wait3A_63 = tpu.memref_slice %arg2[%dma_wait3A_61, %dma_wait3A_62] : memref<10112x128xf32, #tpu.memory_space<hbm>> -> memref<10112x128xf32, #tpu.memory_space<hbm>>
      tpu.wait_indirect_dma semaphore(%arg17 : memref<!tpu.dma_semaphore, #tpu.memory_space<semaphore_mem>>) src(%dma_wait3A_63 : memref<10112x128xf32, #tpu.memory_space<hbm>>) dst(%arg13 : memref<128x128xf32, #tpu.memory_space<vmem>>)
      %dma_start3A_64 = arith.constant 0 : i32
      %dma_start3A_65 = arith.constant 0 : i32
      %dma_start3A_66 = tpu.memref_slice %arg16[%dma_start3A_64, %dma_start3A_65] : memref<10112x128xf32, #tpu.memory_space<vmem_shared>> -> memref<10112x128xf32, #tpu.memory_space<vmem_shared>>
      tpu.enqueue_indirect_dma source(%arg13 : memref<128x128xf32, #tpu.memory_space<vmem>>) target(%dma_start3A_66 : memref<10112x128xf32, #tpu.memory_space<vmem_shared>>) offsets(%arg10 : memref<128xi32, #tpu.memory_space<vmem>>) semaphore(%arg20 : memref<!tpu.dma_semaphore, #tpu.memory_space<semaphore_mem>>) {add = true}
      %dma_wait3A_67 = arith.constant 0 : i32
      %dma_wait3A_68 = arith.constant 0 : i32
      %dma_wait3A_69 = tpu.memref_slice %arg2[%dma_wait3A_67, %dma_wait3A_68] : memref<10112x128xf32, #tpu.memory_space<hbm>> -> memref<10112x128xf32, #tpu.memory_space<hbm>>
      tpu.wait_indirect_dma semaphore(%arg18 : memref<!tpu.dma_semaphore, #tpu.memory_space<semaphore_mem>>) src(%dma_wait3A_69 : memref<10112x128xf32, #tpu.memory_space<hbm>>) dst(%arg14 : memref<128x128xf32, #tpu.memory_space<vmem>>)
      %dma_start3A_70 = arith.constant 0 : i32
      %dma_start3A_71 = arith.constant 0 : i32
      %dma_start3A_72 = tpu.memref_slice %arg16[%dma_start3A_70, %dma_start3A_71] : memref<10112x128xf32, #tpu.memory_space<vmem_shared>> -> memref<10112x128xf32, #tpu.memory_space<vmem_shared>>
      tpu.enqueue_indirect_dma source(%arg14 : memref<128x128xf32, #tpu.memory_space<vmem>>) target(%dma_start3A_72 : memref<10112x128xf32, #tpu.memory_space<vmem_shared>>) offsets(%arg11 : memref<128xi32, #tpu.memory_space<vmem>>) semaphore(%arg21 : memref<!tpu.dma_semaphore, #tpu.memory_space<semaphore_mem>>) {add = true}
      %dma_wait3A_73 = arith.constant 0 : i32
      %dma_wait3A_74 = arith.constant 0 : i32
      %dma_wait3A_75 = tpu.memref_slice %arg2[%dma_wait3A_73, %dma_wait3A_74] : memref<10112x128xf32, #tpu.memory_space<hbm>> -> memref<10112x128xf32, #tpu.memory_space<hbm>>
      tpu.wait_indirect_dma semaphore(%arg19 : memref<!tpu.dma_semaphore, #tpu.memory_space<semaphore_mem>>) src(%dma_wait3A_75 : memref<10112x128xf32, #tpu.memory_space<hbm>>) dst(%arg15 : memref<128x128xf32, #tpu.memory_space<vmem>>)
      %dma_start3A_76 = arith.constant 0 : i32
      %dma_start3A_77 = arith.constant 0 : i32
      %dma_start3A_78 = tpu.memref_slice %arg16[%dma_start3A_76, %dma_start3A_77] : memref<10112x128xf32, #tpu.memory_space<vmem_shared>> -> memref<10112x128xf32, #tpu.memory_space<vmem_shared>>
      tpu.enqueue_indirect_dma source(%arg15 : memref<128x128xf32, #tpu.memory_space<vmem>>) target(%dma_start3A_78 : memref<10112x128xf32, #tpu.memory_space<vmem_shared>>) offsets(%arg12 : memref<128xi32, #tpu.memory_space<vmem>>) semaphore(%arg22 : memref<!tpu.dma_semaphore, #tpu.memory_space<semaphore_mem>>) {add = true}
    }
    %scan3A_9 = arith.constant 27 : i32
    %dma_wait3A = arith.constant 0 : i32
    %dma_wait3A_10 = arith.constant 0 : i32
    %dma_wait3A_11 = tpu.memref_slice %arg16[%dma_wait3A, %dma_wait3A_10] : memref<10112x128xf32, #tpu.memory_space<vmem_shared>> -> memref<10112x128xf32, #tpu.memory_space<vmem_shared>>
    tpu.wait_indirect_dma semaphore(%arg20 : memref<!tpu.dma_semaphore, #tpu.memory_space<semaphore_mem>>) src(%arg13 : memref<128x128xf32, #tpu.memory_space<vmem>>) dst(%dma_wait3A_11 : memref<10112x128xf32, #tpu.memory_space<vmem_shared>>)
    %dma_wait3A_12 = arith.constant 0 : i32
    %dma_wait3A_13 = arith.constant 0 : i32
    %dma_wait3A_14 = tpu.memref_slice %arg16[%dma_wait3A_12, %dma_wait3A_13] : memref<10112x128xf32, #tpu.memory_space<vmem_shared>> -> memref<10112x128xf32, #tpu.memory_space<vmem_shared>>
    tpu.wait_indirect_dma semaphore(%arg21 : memref<!tpu.dma_semaphore, #tpu.memory_space<semaphore_mem>>) src(%arg14 : memref<128x128xf32, #tpu.memory_space<vmem>>) dst(%dma_wait3A_14 : memref<10112x128xf32, #tpu.memory_space<vmem_shared>>)
    %dma_wait3A_15 = arith.constant 0 : i32
    %dma_wait3A_16 = arith.constant 0 : i32
    %dma_wait3A_17 = tpu.memref_slice %arg16[%dma_wait3A_15, %dma_wait3A_16] : memref<10112x128xf32, #tpu.memory_space<vmem_shared>> -> memref<10112x128xf32, #tpu.memory_space<vmem_shared>>
    tpu.wait_indirect_dma semaphore(%arg22 : memref<!tpu.dma_semaphore, #tpu.memory_space<semaphore_mem>>) src(%arg15 : memref<128x128xf32, #tpu.memory_space<vmem>>) dst(%dma_wait3A_17 : memref<10112x128xf32, #tpu.memory_space<vmem_shared>>)
    %barrier3A_18 = arith.constant 0 : index
    tpu.barrier barrier_id(%barrier3A_18)
    "tpu.region"() ({
      %run_scoped3A = tpu.sem_alloc : memref<!tpu.dma_semaphore, #tpu.memory_space<semaphore_mem>>
      %dma_start3A = arith.constant 0 : i32
      %dma_start3A_19 = tpu.memref_slice %arg6[%arg0, %mul3A_2, %dma_start3A] : memref<2x10112x128xf32, #tpu.memory_space<hbm>> -> memref<1x632x128xf32, #tpu.memory_space<hbm>>
      %dma_start3A_20 = tpu.memref_squeeze %dma_start3A_19 : memref<1x632x128xf32, #tpu.memory_space<hbm>> -> memref<632x128xf32, #tpu.memory_space<hbm>>
      %dma_start3A_21 = arith.constant 0 : i32
      %dma_start3A_22 = tpu.memref_slice %arg16[%mul3A_2, %dma_start3A_21] : memref<10112x128xf32, #tpu.memory_space<vmem_shared>> -> memref<632x128xf32, #tpu.memory_space<vmem_shared>>
      tpu.enqueue_dma source(%dma_start3A_22 : memref<632x128xf32, #tpu.memory_space<vmem_shared>>) target(%dma_start3A_20 : memref<632x128xf32, #tpu.memory_space<hbm>>) target_semaphore(%run_scoped3A : memref<!tpu.dma_semaphore, #tpu.memory_space<semaphore_mem>>)
      %dma_wait3A_23 = arith.constant 0 : i32
      %dma_wait3A_24 = tpu.memref_slice %arg6[%arg0, %mul3A_2, %dma_wait3A_23] : memref<2x10112x128xf32, #tpu.memory_space<hbm>> -> memref<1x632x128xf32, #tpu.memory_space<hbm>>
      %dma_wait3A_25 = tpu.memref_squeeze %dma_wait3A_24 : memref<1x632x128xf32, #tpu.memory_space<hbm>> -> memref<632x128xf32, #tpu.memory_space<hbm>>
      %dma_wait3A_26 = arith.constant 0 : i32
      %dma_wait3A_27 = tpu.memref_slice %arg16[%mul3A_2, %dma_wait3A_26] : memref<10112x128xf32, #tpu.memory_space<vmem_shared>> -> memref<632x128xf32, #tpu.memory_space<vmem_shared>>
      tpu.wait_dma2 semaphore(%run_scoped3A : memref<!tpu.dma_semaphore, #tpu.memory_space<semaphore_mem>>) src(%dma_wait3A_27 : memref<632x128xf32, #tpu.memory_space<vmem_shared>>) dst(%dma_wait3A_25 : memref<632x128xf32, #tpu.memory_space<hbm>>)
      tpu.yield
    }) : () -> ()
    return
  }
}

#map = affine_map<(d0, d1) -> (0, 0)>
#map1 = affine_map<(d0, d1) -> (0)>
#map2 = affine_map<(d0, d1) -> (0, 0, 0)>
module attributes {stable_mosaic.version = 14 : i64} {
  func.func @segsum(%arg0: i32, %arg1: i32, %arg2: memref<10112x128xf32, #tpu.memory_space<hbm>>, %arg3: memref<331776xi32, #tpu.memory_space<hbm>>, %arg4: memref<331776xi32, #tpu.memory_space<hbm>>, %arg5: memref<10112x128xf32, #tpu.memory_space<hbm>>, %arg6: memref<2x10112x128xf32, #tpu.memory_space<hbm>>, %arg7: memref<128xi32, #tpu.memory_space<vmem>>, %arg8: memref<128xi32, #tpu.memory_space<vmem>>, %arg9: memref<128xi32, #tpu.memory_space<vmem>>, %arg10: memref<128xi32, #tpu.memory_space<vmem>>, %arg11: memref<128xi32, #tpu.memory_space<vmem>>, %arg12: memref<128xi32, #tpu.memory_space<vmem>>, %arg13: memref<128x128xf32, #tpu.memory_space<vmem>>, %arg14: memref<128x128xf32, #tpu.memory_space<vmem>>, %arg15: memref<128x128xf32, #tpu.memory_space<vmem>>, %arg16: memref<10112x128xf32, #tpu.memory_space<vmem_shared>>, %arg17: memref<!tpu.dma_semaphore, #tpu.memory_space<semaphore_mem>>, %arg18: memref<!tpu.dma_semaphore, #tpu.memory_space<semaphore_mem>>, %arg19: memref<!tpu.dma_semaphore, #tpu.memory_space<semaphore_mem>>, %arg20: memref<!tpu.dma_semaphore, #tpu.memory_space<semaphore_mem>>, %arg21: memref<!tpu.dma_semaphore, #tpu.memory_space<semaphore_mem>>, %arg22: memref<!tpu.dma_semaphore, #tpu.memory_space<semaphore_mem>>) attributes {dimension_semantics = [#tpu.dimension_semantics<core_parallel>, #tpu.dimension_semantics<subcore_parallel>], iteration_bounds = array<i64: 2, 16>, scalar_prefetch = 0 : i64, scratch_operands = 16 : i64, tpu.core_type = #tpu.core_type<sc_vector_subcore>, window_params = [{transform_indices = #map}, {transform_indices = #map1}, {transform_indices = #map1}, {transform_indices = #map}, {transform_indices = #map2}]} {
    %mul3A = arith.constant 2 : i32
    %mul3A_0 = arith.muli %arg1, %mul3A : i32
    %add3A = arith.addi %mul3A_0, %arg0 : i32
    %mul3A_1 = arith.constant 632 : i32
    %mul3A_2 = arith.muli %arg1, %mul3A_1 : i32
    "tpu.region"() ({
      %run_scoped3A = tpu.sem_alloc : memref<!tpu.dma_semaphore, #tpu.memory_space<semaphore_mem>>
      %dma_start3A = arith.constant 0 : i32
      %dma_start3A_19 = tpu.memref_slice %arg16[%mul3A_2, %dma_start3A] : memref<10112x128xf32, #tpu.memory_space<vmem_shared>> -> memref<632x128xf32, #tpu.memory_space<vmem_shared>>
      %dma_start3A_20 = arith.constant 0 : i32
      %dma_start3A_21 = tpu.memref_slice %arg5[%mul3A_2, %dma_start3A_20] : memref<10112x128xf32, #tpu.memory_space<hbm>> -> memref<632x128xf32, #tpu.memory_space<hbm>>
      tpu.enqueue_dma source(%dma_start3A_21 : memref<632x128xf32, #tpu.memory_space<hbm>>) target(%dma_start3A_19 : memref<632x128xf32, #tpu.memory_space<vmem_shared>>) target_semaphore(%run_scoped3A : memref<!tpu.dma_semaphore, #tpu.memory_space<semaphore_mem>>)
      %dma_wait3A_22 = arith.constant 0 : i32
      %dma_wait3A_23 = tpu.memref_slice %arg16[%mul3A_2, %dma_wait3A_22] : memref<10112x128xf32, #tpu.memory_space<vmem_shared>> -> memref<632x128xf32, #tpu.memory_space<vmem_shared>>
      %dma_wait3A_24 = arith.constant 0 : i32
      %dma_wait3A_25 = tpu.memref_slice %arg5[%mul3A_2, %dma_wait3A_24] : memref<10112x128xf32, #tpu.memory_space<hbm>> -> memref<632x128xf32, #tpu.memory_space<hbm>>
      tpu.wait_dma2 semaphore(%run_scoped3A : memref<!tpu.dma_semaphore, #tpu.memory_space<semaphore_mem>>) src(%dma_wait3A_25 : memref<632x128xf32, #tpu.memory_space<hbm>>) dst(%dma_wait3A_23 : memref<632x128xf32, #tpu.memory_space<vmem_shared>>)
      tpu.yield
    }) : () -> ()
    %mul3A_3 = arith.constant 81 : i32
    %mul3A_4 = arith.muli %add3A, %mul3A_3 : i32
    %barrier3A = arith.constant 0 : index
    tpu.barrier barrier_id(%barrier3A)
    %scan3A = arith.constant 0 : i32
    %scan3A_5 = arith.constant 0 : i32
    %scan3A_6 = arith.constant 27 : i32
    %scan3A_7 = arith.addi %scan3A_5, %scan3A_6 : i32
    %scan3A_8 = arith.constant 1 : i32
    scf.for %scan3A_19 = %scan3A_5 to %scan3A_7 step %scan3A_8  : i32 {
      %mul3A_20 = arith.constant 3 : i32
      %mul3A_21 = arith.muli %mul3A_20, %scan3A_19 : i32
      %add3A_22 = arith.addi %mul3A_4, %mul3A_21 : i32
      %add3A_23 = arith.constant 0 : i32
      %add3A_24 = arith.addi %add3A_22, %add3A_23 : i32
      %gt3A = arith.constant 0 : i32
      %gt3A_25 = arith.cmpi sgt, %scan3A_19, %gt3A : i32
      %convert_element_type3A = arith.extui %gt3A_25 : i1 to i32
      %cond3A = arith.constant 0 : i32
      %cond3A_26 = arith.cmpi ne, %convert_element_type3A, %cond3A : i32
      scf.if %cond3A_26 {
        %dma_wait3A_79 = arith.constant 0 : i32
        %dma_wait3A_80 = arith.constant 0 : i32
        %dma_wait3A_81 = tpu.memref_slice %arg16[%dma_wait3A_79, %dma_wait3A_80] : memref<10112x128xf32, #tpu.memory_space<vmem_shared>> -> memref<10112x128xf32, #tpu.memory_space<vmem_shared>>
        tpu.wait_indirect_dma semaphore(%arg20 : memref<!tpu.dma_semaphore, #tpu.memory_space<semaphore_mem>>) src(%arg13 : memref<128x128xf32, #tpu.memory_space<vmem>>) dst(%dma_wait3A_81 : memref<10112x128xf32, #tpu.memory_space<vmem_shared>>)
      } else {
      }
      %mul3A_27 = arith.constant 128 : i32
      %mul3A_28 = arith.muli %add3A_24, %mul3A_27 : i32
      "tpu.region"() ({
        %run_scoped3A = tpu.sem_alloc : memref<!tpu.dma_semaphore, #tpu.memory_space<semaphore_mem>>
        %dma_start3A_79 = tpu.memref_slice %arg3[%mul3A_28] : memref<331776xi32, #tpu.memory_space<hbm>> -> memref<128xi32, #tpu.memory_space<hbm>>
        %dma_start3A_80 = tpu.memref_slice %arg3[%mul3A_28] : memref<331776xi32, #tpu.memory_space<hbm>> -> memref<128xi32, #tpu.memory_space<hbm>>
        tpu.enqueue_dma source(%dma_start3A_80 : memref<128xi32, #tpu.memory_space<hbm>>) target(%arg7 : memref<128xi32, #tpu.memory_space<vmem>>) target_semaphore(%run_scoped3A : memref<!tpu.dma_semaphore, #tpu.memory_space<semaphore_mem>>)
        %dma_wait3A_81 = tpu.memref_slice %arg3[%mul3A_28] : memref<331776xi32, #tpu.memory_space<hbm>> -> memref<128xi32, #tpu.memory_space<hbm>>
        %dma_wait3A_82 = tpu.memref_slice %arg3[%mul3A_28] : memref<331776xi32, #tpu.memory_space<hbm>> -> memref<128xi32, #tpu.memory_space<hbm>>
        tpu.wait_dma2 semaphore(%run_scoped3A : memref<!tpu.dma_semaphore, #tpu.memory_space<semaphore_mem>>) src(%dma_wait3A_82 : memref<128xi32, #tpu.memory_space<hbm>>) dst(%arg7 : memref<128xi32, #tpu.memory_space<vmem>>)
        tpu.yield
      }) : () -> ()
      %mul3A_29 = arith.constant 128 : i32
      %mul3A_30 = arith.muli %add3A_24, %mul3A_29 : i32
      "tpu.region"() ({
        %run_scoped3A = tpu.sem_alloc : memref<!tpu.dma_semaphore, #tpu.memory_space<semaphore_mem>>
        %dma_start3A_79 = tpu.memref_slice %arg4[%mul3A_30] : memref<331776xi32, #tpu.memory_space<hbm>> -> memref<128xi32, #tpu.memory_space<hbm>>
        %dma_start3A_80 = tpu.memref_slice %arg4[%mul3A_30] : memref<331776xi32, #tpu.memory_space<hbm>> -> memref<128xi32, #tpu.memory_space<hbm>>
        tpu.enqueue_dma source(%dma_start3A_80 : memref<128xi32, #tpu.memory_space<hbm>>) target(%arg10 : memref<128xi32, #tpu.memory_space<vmem>>) target_semaphore(%run_scoped3A : memref<!tpu.dma_semaphore, #tpu.memory_space<semaphore_mem>>)
        %dma_wait3A_81 = tpu.memref_slice %arg4[%mul3A_30] : memref<331776xi32, #tpu.memory_space<hbm>> -> memref<128xi32, #tpu.memory_space<hbm>>
        %dma_wait3A_82 = tpu.memref_slice %arg4[%mul3A_30] : memref<331776xi32, #tpu.memory_space<hbm>> -> memref<128xi32, #tpu.memory_space<hbm>>
        tpu.wait_dma2 semaphore(%run_scoped3A : memref<!tpu.dma_semaphore, #tpu.memory_space<semaphore_mem>>) src(%dma_wait3A_82 : memref<128xi32, #tpu.memory_space<hbm>>) dst(%arg10 : memref<128xi32, #tpu.memory_space<vmem>>)
        tpu.yield
      }) : () -> ()
      %dma_start3A = arith.constant 0 : i32
      %dma_start3A_31 = arith.constant 0 : i32
      %dma_start3A_32 = tpu.memref_slice %arg2[%dma_start3A, %dma_start3A_31] : memref<10112x128xf32, #tpu.memory_space<hbm>> -> memref<10112x128xf32, #tpu.memory_space<hbm>>
      tpu.enqueue_indirect_dma source(%dma_start3A_32 : memref<10112x128xf32, #tpu.memory_space<hbm>>) target(%arg13 : memref<128x128xf32, #tpu.memory_space<vmem>>) offsets(%arg7 : memref<128xi32, #tpu.memory_space<vmem>>) semaphore(%arg17 : memref<!tpu.dma_semaphore, #tpu.memory_space<semaphore_mem>>)
      %add3A_33 = arith.constant 1 : i32
      %add3A_34 = arith.addi %add3A_22, %add3A_33 : i32
      %gt3A_35 = arith.constant 0 : i32
      %gt3A_36 = arith.cmpi sgt, %scan3A_19, %gt3A_35 : i32
      %convert_element_type3A_37 = arith.extui %gt3A_36 : i1 to i32
      %cond3A_38 = arith.constant 0 : i32
      %cond3A_39 = arith.cmpi ne, %convert_element_type3A_37, %cond3A_38 : i32
      scf.if %cond3A_39 {
        %dma_wait3A_79 = arith.constant 0 : i32
        %dma_wait3A_80 = arith.constant 0 : i32
        %dma_wait3A_81 = tpu.memref_slice %arg16[%dma_wait3A_79, %dma_wait3A_80] : memref<10112x128xf32, #tpu.memory_space<vmem_shared>> -> memref<10112x128xf32, #tpu.memory_space<vmem_shared>>
        tpu.wait_indirect_dma semaphore(%arg21 : memref<!tpu.dma_semaphore, #tpu.memory_space<semaphore_mem>>) src(%arg14 : memref<128x128xf32, #tpu.memory_space<vmem>>) dst(%dma_wait3A_81 : memref<10112x128xf32, #tpu.memory_space<vmem_shared>>)
      } else {
      }
      %mul3A_40 = arith.constant 128 : i32
      %mul3A_41 = arith.muli %add3A_34, %mul3A_40 : i32
      "tpu.region"() ({
        %run_scoped3A = tpu.sem_alloc : memref<!tpu.dma_semaphore, #tpu.memory_space<semaphore_mem>>
        %dma_start3A_79 = tpu.memref_slice %arg3[%mul3A_41] : memref<331776xi32, #tpu.memory_space<hbm>> -> memref<128xi32, #tpu.memory_space<hbm>>
        %dma_start3A_80 = tpu.memref_slice %arg3[%mul3A_41] : memref<331776xi32, #tpu.memory_space<hbm>> -> memref<128xi32, #tpu.memory_space<hbm>>
        tpu.enqueue_dma source(%dma_start3A_80 : memref<128xi32, #tpu.memory_space<hbm>>) target(%arg8 : memref<128xi32, #tpu.memory_space<vmem>>) target_semaphore(%run_scoped3A : memref<!tpu.dma_semaphore, #tpu.memory_space<semaphore_mem>>)
        %dma_wait3A_81 = tpu.memref_slice %arg3[%mul3A_41] : memref<331776xi32, #tpu.memory_space<hbm>> -> memref<128xi32, #tpu.memory_space<hbm>>
        %dma_wait3A_82 = tpu.memref_slice %arg3[%mul3A_41] : memref<331776xi32, #tpu.memory_space<hbm>> -> memref<128xi32, #tpu.memory_space<hbm>>
        tpu.wait_dma2 semaphore(%run_scoped3A : memref<!tpu.dma_semaphore, #tpu.memory_space<semaphore_mem>>) src(%dma_wait3A_82 : memref<128xi32, #tpu.memory_space<hbm>>) dst(%arg8 : memref<128xi32, #tpu.memory_space<vmem>>)
        tpu.yield
      }) : () -> ()
      %mul3A_42 = arith.constant 128 : i32
      %mul3A_43 = arith.muli %add3A_34, %mul3A_42 : i32
      "tpu.region"() ({
        %run_scoped3A = tpu.sem_alloc : memref<!tpu.dma_semaphore, #tpu.memory_space<semaphore_mem>>
        %dma_start3A_79 = tpu.memref_slice %arg4[%mul3A_43] : memref<331776xi32, #tpu.memory_space<hbm>> -> memref<128xi32, #tpu.memory_space<hbm>>
        %dma_start3A_80 = tpu.memref_slice %arg4[%mul3A_43] : memref<331776xi32, #tpu.memory_space<hbm>> -> memref<128xi32, #tpu.memory_space<hbm>>
        tpu.enqueue_dma source(%dma_start3A_80 : memref<128xi32, #tpu.memory_space<hbm>>) target(%arg11 : memref<128xi32, #tpu.memory_space<vmem>>) target_semaphore(%run_scoped3A : memref<!tpu.dma_semaphore, #tpu.memory_space<semaphore_mem>>)
        %dma_wait3A_81 = tpu.memref_slice %arg4[%mul3A_43] : memref<331776xi32, #tpu.memory_space<hbm>> -> memref<128xi32, #tpu.memory_space<hbm>>
        %dma_wait3A_82 = tpu.memref_slice %arg4[%mul3A_43] : memref<331776xi32, #tpu.memory_space<hbm>> -> memref<128xi32, #tpu.memory_space<hbm>>
        tpu.wait_dma2 semaphore(%run_scoped3A : memref<!tpu.dma_semaphore, #tpu.memory_space<semaphore_mem>>) src(%dma_wait3A_82 : memref<128xi32, #tpu.memory_space<hbm>>) dst(%arg11 : memref<128xi32, #tpu.memory_space<vmem>>)
        tpu.yield
      }) : () -> ()
      %dma_start3A_44 = arith.constant 0 : i32
      %dma_start3A_45 = arith.constant 0 : i32
      %dma_start3A_46 = tpu.memref_slice %arg2[%dma_start3A_44, %dma_start3A_45] : memref<10112x128xf32, #tpu.memory_space<hbm>> -> memref<10112x128xf32, #tpu.memory_space<hbm>>
      tpu.enqueue_indirect_dma source(%dma_start3A_46 : memref<10112x128xf32, #tpu.memory_space<hbm>>) target(%arg14 : memref<128x128xf32, #tpu.memory_space<vmem>>) offsets(%arg8 : memref<128xi32, #tpu.memory_space<vmem>>) semaphore(%arg18 : memref<!tpu.dma_semaphore, #tpu.memory_space<semaphore_mem>>)
      %add3A_47 = arith.constant 2 : i32
      %add3A_48 = arith.addi %add3A_22, %add3A_47 : i32
      %gt3A_49 = arith.constant 0 : i32
      %gt3A_50 = arith.cmpi sgt, %scan3A_19, %gt3A_49 : i32
      %convert_element_type3A_51 = arith.extui %gt3A_50 : i1 to i32
      %cond3A_52 = arith.constant 0 : i32
      %cond3A_53 = arith.cmpi ne, %convert_element_type3A_51, %cond3A_52 : i32
      scf.if %cond3A_53 {
        %dma_wait3A_79 = arith.constant 0 : i32
        %dma_wait3A_80 = arith.constant 0 : i32
        %dma_wait3A_81 = tpu.memref_slice %arg16[%dma_wait3A_79, %dma_wait3A_80] : memref<10112x128xf32, #tpu.memory_space<vmem_shared>> -> memref<10112x128xf32, #tpu.memory_space<vmem_shared>>
        tpu.wait_indirect_dma semaphore(%arg22 : memref<!tpu.dma_semaphore, #tpu.memory_space<semaphore_mem>>) src(%arg15 : memref<128x128xf32, #tpu.memory_space<vmem>>) dst(%dma_wait3A_81 : memref<10112x128xf32, #tpu.memory_space<vmem_shared>>)
      } else {
      }
      %mul3A_54 = arith.constant 128 : i32
      %mul3A_55 = arith.muli %add3A_48, %mul3A_54 : i32
      "tpu.region"() ({
        %run_scoped3A = tpu.sem_alloc : memref<!tpu.dma_semaphore, #tpu.memory_space<semaphore_mem>>
        %dma_start3A_79 = tpu.memref_slice %arg3[%mul3A_55] : memref<331776xi32, #tpu.memory_space<hbm>> -> memref<128xi32, #tpu.memory_space<hbm>>
        %dma_start3A_80 = tpu.memref_slice %arg3[%mul3A_55] : memref<331776xi32, #tpu.memory_space<hbm>> -> memref<128xi32, #tpu.memory_space<hbm>>
        tpu.enqueue_dma source(%dma_start3A_80 : memref<128xi32, #tpu.memory_space<hbm>>) target(%arg9 : memref<128xi32, #tpu.memory_space<vmem>>) target_semaphore(%run_scoped3A : memref<!tpu.dma_semaphore, #tpu.memory_space<semaphore_mem>>)
        %dma_wait3A_81 = tpu.memref_slice %arg3[%mul3A_55] : memref<331776xi32, #tpu.memory_space<hbm>> -> memref<128xi32, #tpu.memory_space<hbm>>
        %dma_wait3A_82 = tpu.memref_slice %arg3[%mul3A_55] : memref<331776xi32, #tpu.memory_space<hbm>> -> memref<128xi32, #tpu.memory_space<hbm>>
        tpu.wait_dma2 semaphore(%run_scoped3A : memref<!tpu.dma_semaphore, #tpu.memory_space<semaphore_mem>>) src(%dma_wait3A_82 : memref<128xi32, #tpu.memory_space<hbm>>) dst(%arg9 : memref<128xi32, #tpu.memory_space<vmem>>)
        tpu.yield
      }) : () -> ()
      %mul3A_56 = arith.constant 128 : i32
      %mul3A_57 = arith.muli %add3A_48, %mul3A_56 : i32
      "tpu.region"() ({
        %run_scoped3A = tpu.sem_alloc : memref<!tpu.dma_semaphore, #tpu.memory_space<semaphore_mem>>
        %dma_start3A_79 = tpu.memref_slice %arg4[%mul3A_57] : memref<331776xi32, #tpu.memory_space<hbm>> -> memref<128xi32, #tpu.memory_space<hbm>>
        %dma_start3A_80 = tpu.memref_slice %arg4[%mul3A_57] : memref<331776xi32, #tpu.memory_space<hbm>> -> memref<128xi32, #tpu.memory_space<hbm>>
        tpu.enqueue_dma source(%dma_start3A_80 : memref<128xi32, #tpu.memory_space<hbm>>) target(%arg12 : memref<128xi32, #tpu.memory_space<vmem>>) target_semaphore(%run_scoped3A : memref<!tpu.dma_semaphore, #tpu.memory_space<semaphore_mem>>)
        %dma_wait3A_81 = tpu.memref_slice %arg4[%mul3A_57] : memref<331776xi32, #tpu.memory_space<hbm>> -> memref<128xi32, #tpu.memory_space<hbm>>
        %dma_wait3A_82 = tpu.memref_slice %arg4[%mul3A_57] : memref<331776xi32, #tpu.memory_space<hbm>> -> memref<128xi32, #tpu.memory_space<hbm>>
        tpu.wait_dma2 semaphore(%run_scoped3A : memref<!tpu.dma_semaphore, #tpu.memory_space<semaphore_mem>>) src(%dma_wait3A_82 : memref<128xi32, #tpu.memory_space<hbm>>) dst(%arg12 : memref<128xi32, #tpu.memory_space<vmem>>)
        tpu.yield
      }) : () -> ()
      %dma_start3A_58 = arith.constant 0 : i32
      %dma_start3A_59 = arith.constant 0 : i32
      %dma_start3A_60 = tpu.memref_slice %arg2[%dma_start3A_58, %dma_start3A_59] : memref<10112x128xf32, #tpu.memory_space<hbm>> -> memref<10112x128xf32, #tpu.memory_space<hbm>>
      tpu.enqueue_indirect_dma source(%dma_start3A_60 : memref<10112x128xf32, #tpu.memory_space<hbm>>) target(%arg15 : memref<128x128xf32, #tpu.memory_space<vmem>>) offsets(%arg9 : memref<128xi32, #tpu.memory_space<vmem>>) semaphore(%arg19 : memref<!tpu.dma_semaphore, #tpu.memory_space<semaphore_mem>>)
      %dma_wait3A_61 = arith.constant 0 : i32
      %dma_wait3A_62 = arith.constant 0 : i32
      %dma_wait3A_63 = tpu.memref_slice %arg2[%dma_wait3A_61, %dma_wait3A_62] : memref<10112x128xf32, #tpu.memory_space<hbm>> -> memref<10112x128xf32, #tpu.memory_space<hbm>>
      tpu.wait_indirect_dma semaphore(%arg17 : memref<!tpu.dma_semaphore, #tpu.memory_space<semaphore_mem>>) src(%dma_wait3A_63 : memref<10112x128xf32, #tpu.memory_space<hbm>>) dst(%arg13 : memref<128x128xf32, #tpu.memory_space<vmem>>)
      %dma_start3A_64 = arith.constant 0 : i32
      %dma_start3A_65 = arith.constant 0 : i32
      %dma_start3A_66 = tpu.memref_slice %arg16[%dma_start3A_64, %dma_start3A_65] : memref<10112x128xf32, #tpu.memory_space<vmem_shared>> -> memref<10112x128xf32, #tpu.memory_space<vmem_shared>>
      tpu.enqueue_indirect_dma source(%arg13 : memref<128x128xf32, #tpu.memory_space<vmem>>) target(%dma_start3A_66 : memref<10112x128xf32, #tpu.memory_space<vmem_shared>>) offsets(%arg10 : memref<128xi32, #tpu.memory_space<vmem>>) semaphore(%arg20 : memref<!tpu.dma_semaphore, #tpu.memory_space<semaphore_mem>>) {add = true}
      %dma_wait3A_67 = arith.constant 0 : i32
      %dma_wait3A_68 = arith.constant 0 : i32
      %dma_wait3A_69 = tpu.memref_slice %arg2[%dma_wait3A_67, %dma_wait3A_68] : memref<10112x128xf32, #tpu.memory_space<hbm>> -> memref<10112x128xf32, #tpu.memory_space<hbm>>
      tpu.wait_indirect_dma semaphore(%arg18 : memref<!tpu.dma_semaphore, #tpu.memory_space<semaphore_mem>>) src(%dma_wait3A_69 : memref<10112x128xf32, #tpu.memory_space<hbm>>) dst(%arg14 : memref<128x128xf32, #tpu.memory_space<vmem>>)
      %dma_start3A_70 = arith.constant 0 : i32
      %dma_start3A_71 = arith.constant 0 : i32
      %dma_start3A_72 = tpu.memref_slice %arg16[%dma_start3A_70, %dma_start3A_71] : memref<10112x128xf32, #tpu.memory_space<vmem_shared>> -> memref<10112x128xf32, #tpu.memory_space<vmem_shared>>
      tpu.enqueue_indirect_dma source(%arg14 : memref<128x128xf32, #tpu.memory_space<vmem>>) target(%dma_start3A_72 : memref<10112x128xf32, #tpu.memory_space<vmem_shared>>) offsets(%arg11 : memref<128xi32, #tpu.memory_space<vmem>>) semaphore(%arg21 : memref<!tpu.dma_semaphore, #tpu.memory_space<semaphore_mem>>) {add = true}
      %dma_wait3A_73 = arith.constant 0 : i32
      %dma_wait3A_74 = arith.constant 0 : i32
      %dma_wait3A_75 = tpu.memref_slice %arg2[%dma_wait3A_73, %dma_wait3A_74] : memref<10112x128xf32, #tpu.memory_space<hbm>> -> memref<10112x128xf32, #tpu.memory_space<hbm>>
      tpu.wait_indirect_dma semaphore(%arg19 : memref<!tpu.dma_semaphore, #tpu.memory_space<semaphore_mem>>) src(%dma_wait3A_75 : memref<10112x128xf32, #tpu.memory_space<hbm>>) dst(%arg15 : memref<128x128xf32, #tpu.memory_space<vmem>>)
      %dma_start3A_76 = arith.constant 0 : i32
      %dma_start3A_77 = arith.constant 0 : i32
      %dma_start3A_78 = tpu.memref_slice %arg16[%dma_start3A_76, %dma_start3A_77] : memref<10112x128xf32, #tpu.memory_space<vmem_shared>> -> memref<10112x128xf32, #tpu.memory_space<vmem_shared>>
      tpu.enqueue_indirect_dma source(%arg15 : memref<128x128xf32, #tpu.memory_space<vmem>>) target(%dma_start3A_78 : memref<10112x128xf32, #tpu.memory_space<vmem_shared>>) offsets(%arg12 : memref<128xi32, #tpu.memory_space<vmem>>) semaphore(%arg22 : memref<!tpu.dma_semaphore, #tpu.memory_space<semaphore_mem>>) {add = true}
    }
    %scan3A_9 = arith.constant 27 : i32
    %dma_wait3A = arith.constant 0 : i32
    %dma_wait3A_10 = arith.constant 0 : i32
    %dma_wait3A_11 = tpu.memref_slice %arg16[%dma_wait3A, %dma_wait3A_10] : memref<10112x128xf32, #tpu.memory_space<vmem_shared>> -> memref<10112x128xf32, #tpu.memory_space<vmem_shared>>
    tpu.wait_indirect_dma semaphore(%arg20 : memref<!tpu.dma_semaphore, #tpu.memory_space<semaphore_mem>>) src(%arg13 : memref<128x128xf32, #tpu.memory_space<vmem>>) dst(%dma_wait3A_11 : memref<10112x128xf32, #tpu.memory_space<vmem_shared>>)
    %dma_wait3A_12 = arith.constant 0 : i32
    %dma_wait3A_13 = arith.constant 0 : i32
    %dma_wait3A_14 = tpu.memref_slice %arg16[%dma_wait3A_12, %dma_wait3A_13] : memref<10112x128xf32, #tpu.memory_space<vmem_shared>> -> memref<10112x128xf32, #tpu.memory_space<vmem_shared>>
    tpu.wait_indirect_dma semaphore(%arg21 : memref<!tpu.dma_semaphore, #tpu.memory_space<semaphore_mem>>) src(%arg14 : memref<128x128xf32, #tpu.memory_space<vmem>>) dst(%dma_wait3A_14 : memref<10112x128xf32, #tpu.memory_space<vmem_shared>>)
    %dma_wait3A_15 = arith.constant 0 : i32
    %dma_wait3A_16 = arith.constant 0 : i32
    %dma_wait3A_17 = tpu.memref_slice %arg16[%dma_wait3A_15, %dma_wait3A_16] : memref<10112x128xf32, #tpu.memory_space<vmem_shared>> -> memref<10112x128xf32, #tpu.memory_space<vmem_shared>>
    tpu.wait_indirect_dma semaphore(%arg22 : memref<!tpu.dma_semaphore, #tpu.memory_space<semaphore_mem>>) src(%arg15 : memref<128x128xf32, #tpu.memory_space<vmem>>) dst(%dma_wait3A_17 : memref<10112x128xf32, #tpu.memory_space<vmem_shared>>)
    %barrier3A_18 = arith.constant 0 : index
    tpu.barrier barrier_id(%barrier3A_18)
    "tpu.region"() ({
      %run_scoped3A = tpu.sem_alloc : memref<!tpu.dma_semaphore, #tpu.memory_space<semaphore_mem>>
      %dma_start3A = arith.constant 0 : i32
      %dma_start3A_19 = tpu.memref_slice %arg6[%arg0, %mul3A_2, %dma_start3A] : memref<2x10112x128xf32, #tpu.memory_space<hbm>> -> memref<1x632x128xf32, #tpu.memory_space<hbm>>
      %dma_start3A_20 = tpu.memref_squeeze %dma_start3A_19 : memref<1x632x128xf32, #tpu.memory_space<hbm>> -> memref<632x128xf32, #tpu.memory_space<hbm>>
      %dma_start3A_21 = arith.constant 0 : i32
      %dma_start3A_22 = tpu.memref_slice %arg16[%mul3A_2, %dma_start3A_21] : memref<10112x128xf32, #tpu.memory_space<vmem_shared>> -> memref<632x128xf32, #tpu.memory_space<vmem_shared>>
      tpu.enqueue_dma source(%dma_start3A_22 : memref<632x128xf32, #tpu.memory_space<vmem_shared>>) target(%dma_start3A_20 : memref<632x128xf32, #tpu.memory_space<hbm>>) target_semaphore(%run_scoped3A : memref<!tpu.dma_semaphore, #tpu.memory_space<semaphore_mem>>)
      %dma_wait3A_23 = arith.constant 0 : i32
      %dma_wait3A_24 = tpu.memref_slice %arg6[%arg0, %mul3A_2, %dma_wait3A_23] : memref<2x10112x128xf32, #tpu.memory_space<hbm>> -> memref<1x632x128xf32, #tpu.memory_space<hbm>>
      %dma_wait3A_25 = tpu.memref_squeeze %dma_wait3A_24 : memref<1x632x128xf32, #tpu.memory_space<hbm>> -> memref<632x128xf32, #tpu.memory_space<hbm>>
      %dma_wait3A_26 = arith.constant 0 : i32
      %dma_wait3A_27 = tpu.memref_slice %arg16[%mul3A_2, %dma_wait3A_26] : memref<10112x128xf32, #tpu.memory_space<vmem_shared>> -> memref<632x128xf32, #tpu.memory_space<vmem_shared>>
      tpu.wait_dma2 semaphore(%run_scoped3A : memref<!tpu.dma_semaphore, #tpu.memory_space<semaphore_mem>>) src(%dma_wait3A_27 : memref<632x128xf32, #tpu.memory_space<vmem_shared>>) dst(%dma_wait3A_25 : memref<632x128xf32, #tpu.memory_space<hbm>>)
      tpu.yield
    }) : () -> ()
    return
  }
}

#map = affine_map<(d0, d1) -> (0, 0)>
#map1 = affine_map<(d0, d1) -> (0)>
#map2 = affine_map<(d0, d1) -> (0, 0, 0)>
module attributes {stable_mosaic.version = 14 : i64} {
  func.func @segsum(%arg0: i32, %arg1: i32, %arg2: memref<10112x128xf32, #tpu.memory_space<hbm>>, %arg3: memref<331776xi32, #tpu.memory_space<hbm>>, %arg4: memref<331776xi32, #tpu.memory_space<hbm>>, %arg5: memref<10112x128xf32, #tpu.memory_space<hbm>>, %arg6: memref<2x10112x128xf32, #tpu.memory_space<hbm>>, %arg7: memref<128xi32, #tpu.memory_space<vmem>>, %arg8: memref<128xi32, #tpu.memory_space<vmem>>, %arg9: memref<128xi32, #tpu.memory_space<vmem>>, %arg10: memref<128xi32, #tpu.memory_space<vmem>>, %arg11: memref<128xi32, #tpu.memory_space<vmem>>, %arg12: memref<128xi32, #tpu.memory_space<vmem>>, %arg13: memref<128x128xf32, #tpu.memory_space<vmem>>, %arg14: memref<128x128xf32, #tpu.memory_space<vmem>>, %arg15: memref<128x128xf32, #tpu.memory_space<vmem>>, %arg16: memref<10112x128xf32, #tpu.memory_space<vmem_shared>>, %arg17: memref<!tpu.dma_semaphore, #tpu.memory_space<semaphore_mem>>, %arg18: memref<!tpu.dma_semaphore, #tpu.memory_space<semaphore_mem>>, %arg19: memref<!tpu.dma_semaphore, #tpu.memory_space<semaphore_mem>>, %arg20: memref<!tpu.dma_semaphore, #tpu.memory_space<semaphore_mem>>, %arg21: memref<!tpu.dma_semaphore, #tpu.memory_space<semaphore_mem>>, %arg22: memref<!tpu.dma_semaphore, #tpu.memory_space<semaphore_mem>>) attributes {dimension_semantics = [#tpu.dimension_semantics<core_parallel>, #tpu.dimension_semantics<subcore_parallel>], iteration_bounds = array<i64: 2, 16>, scalar_prefetch = 0 : i64, scratch_operands = 16 : i64, tpu.core_type = #tpu.core_type<sc_vector_subcore>, window_params = [{transform_indices = #map}, {transform_indices = #map1}, {transform_indices = #map1}, {transform_indices = #map}, {transform_indices = #map2}]} {
    %mul3A = arith.constant 2 : i32
    %mul3A_0 = arith.muli %arg1, %mul3A : i32
    %add3A = arith.addi %mul3A_0, %arg0 : i32
    %mul3A_1 = arith.constant 632 : i32
    %mul3A_2 = arith.muli %arg1, %mul3A_1 : i32
    "tpu.region"() ({
      %run_scoped3A = tpu.sem_alloc : memref<!tpu.dma_semaphore, #tpu.memory_space<semaphore_mem>>
      %dma_start3A = arith.constant 0 : i32
      %dma_start3A_19 = tpu.memref_slice %arg16[%mul3A_2, %dma_start3A] : memref<10112x128xf32, #tpu.memory_space<vmem_shared>> -> memref<632x128xf32, #tpu.memory_space<vmem_shared>>
      %dma_start3A_20 = arith.constant 0 : i32
      %dma_start3A_21 = tpu.memref_slice %arg5[%mul3A_2, %dma_start3A_20] : memref<10112x128xf32, #tpu.memory_space<hbm>> -> memref<632x128xf32, #tpu.memory_space<hbm>>
      tpu.enqueue_dma source(%dma_start3A_21 : memref<632x128xf32, #tpu.memory_space<hbm>>) target(%dma_start3A_19 : memref<632x128xf32, #tpu.memory_space<vmem_shared>>) target_semaphore(%run_scoped3A : memref<!tpu.dma_semaphore, #tpu.memory_space<semaphore_mem>>)
      %dma_wait3A_22 = arith.constant 0 : i32
      %dma_wait3A_23 = tpu.memref_slice %arg16[%mul3A_2, %dma_wait3A_22] : memref<10112x128xf32, #tpu.memory_space<vmem_shared>> -> memref<632x128xf32, #tpu.memory_space<vmem_shared>>
      %dma_wait3A_24 = arith.constant 0 : i32
      %dma_wait3A_25 = tpu.memref_slice %arg5[%mul3A_2, %dma_wait3A_24] : memref<10112x128xf32, #tpu.memory_space<hbm>> -> memref<632x128xf32, #tpu.memory_space<hbm>>
      tpu.wait_dma2 semaphore(%run_scoped3A : memref<!tpu.dma_semaphore, #tpu.memory_space<semaphore_mem>>) src(%dma_wait3A_25 : memref<632x128xf32, #tpu.memory_space<hbm>>) dst(%dma_wait3A_23 : memref<632x128xf32, #tpu.memory_space<vmem_shared>>)
      tpu.yield
    }) : () -> ()
    %mul3A_3 = arith.constant 81 : i32
    %mul3A_4 = arith.muli %add3A, %mul3A_3 : i32
    %barrier3A = arith.constant 0 : index
    tpu.barrier barrier_id(%barrier3A)
    %scan3A = arith.constant 0 : i32
    %scan3A_5 = arith.constant 0 : i32
    %scan3A_6 = arith.constant 27 : i32
    %scan3A_7 = arith.addi %scan3A_5, %scan3A_6 : i32
    %scan3A_8 = arith.constant 1 : i32
    scf.for %scan3A_19 = %scan3A_5 to %scan3A_7 step %scan3A_8  : i32 {
      %mul3A_20 = arith.constant 3 : i32
      %mul3A_21 = arith.muli %mul3A_20, %scan3A_19 : i32
      %add3A_22 = arith.addi %mul3A_4, %mul3A_21 : i32
      %add3A_23 = arith.constant 0 : i32
      %add3A_24 = arith.addi %add3A_22, %add3A_23 : i32
      %gt3A = arith.constant 0 : i32
      %gt3A_25 = arith.cmpi sgt, %scan3A_19, %gt3A : i32
      %convert_element_type3A = arith.extui %gt3A_25 : i1 to i32
      %cond3A = arith.constant 0 : i32
      %cond3A_26 = arith.cmpi ne, %convert_element_type3A, %cond3A : i32
      scf.if %cond3A_26 {
        %dma_wait3A_79 = arith.constant 0 : i32
        %dma_wait3A_80 = arith.constant 0 : i32
        %dma_wait3A_81 = tpu.memref_slice %arg16[%dma_wait3A_79, %dma_wait3A_80] : memref<10112x128xf32, #tpu.memory_space<vmem_shared>> -> memref<10112x128xf32, #tpu.memory_space<vmem_shared>>
        tpu.wait_indirect_dma semaphore(%arg20 : memref<!tpu.dma_semaphore, #tpu.memory_space<semaphore_mem>>) src(%arg13 : memref<128x128xf32, #tpu.memory_space<vmem>>) dst(%dma_wait3A_81 : memref<10112x128xf32, #tpu.memory_space<vmem_shared>>)
      } else {
      }
      %mul3A_27 = arith.constant 128 : i32
      %mul3A_28 = arith.muli %add3A_24, %mul3A_27 : i32
      "tpu.region"() ({
        %run_scoped3A = tpu.sem_alloc : memref<!tpu.dma_semaphore, #tpu.memory_space<semaphore_mem>>
        %dma_start3A_79 = tpu.memref_slice %arg3[%mul3A_28] : memref<331776xi32, #tpu.memory_space<hbm>> -> memref<128xi32, #tpu.memory_space<hbm>>
        %dma_start3A_80 = tpu.memref_slice %arg3[%mul3A_28] : memref<331776xi32, #tpu.memory_space<hbm>> -> memref<128xi32, #tpu.memory_space<hbm>>
        tpu.enqueue_dma source(%dma_start3A_80 : memref<128xi32, #tpu.memory_space<hbm>>) target(%arg7 : memref<128xi32, #tpu.memory_space<vmem>>) target_semaphore(%run_scoped3A : memref<!tpu.dma_semaphore, #tpu.memory_space<semaphore_mem>>)
        %dma_wait3A_81 = tpu.memref_slice %arg3[%mul3A_28] : memref<331776xi32, #tpu.memory_space<hbm>> -> memref<128xi32, #tpu.memory_space<hbm>>
        %dma_wait3A_82 = tpu.memref_slice %arg3[%mul3A_28] : memref<331776xi32, #tpu.memory_space<hbm>> -> memref<128xi32, #tpu.memory_space<hbm>>
        tpu.wait_dma2 semaphore(%run_scoped3A : memref<!tpu.dma_semaphore, #tpu.memory_space<semaphore_mem>>) src(%dma_wait3A_82 : memref<128xi32, #tpu.memory_space<hbm>>) dst(%arg7 : memref<128xi32, #tpu.memory_space<vmem>>)
        tpu.yield
      }) : () -> ()
      %mul3A_29 = arith.constant 128 : i32
      %mul3A_30 = arith.muli %add3A_24, %mul3A_29 : i32
      "tpu.region"() ({
        %run_scoped3A = tpu.sem_alloc : memref<!tpu.dma_semaphore, #tpu.memory_space<semaphore_mem>>
        %dma_start3A_79 = tpu.memref_slice %arg4[%mul3A_30] : memref<331776xi32, #tpu.memory_space<hbm>> -> memref<128xi32, #tpu.memory_space<hbm>>
        %dma_start3A_80 = tpu.memref_slice %arg4[%mul3A_30] : memref<331776xi32, #tpu.memory_space<hbm>> -> memref<128xi32, #tpu.memory_space<hbm>>
        tpu.enqueue_dma source(%dma_start3A_80 : memref<128xi32, #tpu.memory_space<hbm>>) target(%arg10 : memref<128xi32, #tpu.memory_space<vmem>>) target_semaphore(%run_scoped3A : memref<!tpu.dma_semaphore, #tpu.memory_space<semaphore_mem>>)
        %dma_wait3A_81 = tpu.memref_slice %arg4[%mul3A_30] : memref<331776xi32, #tpu.memory_space<hbm>> -> memref<128xi32, #tpu.memory_space<hbm>>
        %dma_wait3A_82 = tpu.memref_slice %arg4[%mul3A_30] : memref<331776xi32, #tpu.memory_space<hbm>> -> memref<128xi32, #tpu.memory_space<hbm>>
        tpu.wait_dma2 semaphore(%run_scoped3A : memref<!tpu.dma_semaphore, #tpu.memory_space<semaphore_mem>>) src(%dma_wait3A_82 : memref<128xi32, #tpu.memory_space<hbm>>) dst(%arg10 : memref<128xi32, #tpu.memory_space<vmem>>)
        tpu.yield
      }) : () -> ()
      %dma_start3A = arith.constant 0 : i32
      %dma_start3A_31 = arith.constant 0 : i32
      %dma_start3A_32 = tpu.memref_slice %arg2[%dma_start3A, %dma_start3A_31] : memref<10112x128xf32, #tpu.memory_space<hbm>> -> memref<10112x128xf32, #tpu.memory_space<hbm>>
      tpu.enqueue_indirect_dma source(%dma_start3A_32 : memref<10112x128xf32, #tpu.memory_space<hbm>>) target(%arg13 : memref<128x128xf32, #tpu.memory_space<vmem>>) offsets(%arg7 : memref<128xi32, #tpu.memory_space<vmem>>) semaphore(%arg17 : memref<!tpu.dma_semaphore, #tpu.memory_space<semaphore_mem>>)
      %add3A_33 = arith.constant 1 : i32
      %add3A_34 = arith.addi %add3A_22, %add3A_33 : i32
      %gt3A_35 = arith.constant 0 : i32
      %gt3A_36 = arith.cmpi sgt, %scan3A_19, %gt3A_35 : i32
      %convert_element_type3A_37 = arith.extui %gt3A_36 : i1 to i32
      %cond3A_38 = arith.constant 0 : i32
      %cond3A_39 = arith.cmpi ne, %convert_element_type3A_37, %cond3A_38 : i32
      scf.if %cond3A_39 {
        %dma_wait3A_79 = arith.constant 0 : i32
        %dma_wait3A_80 = arith.constant 0 : i32
        %dma_wait3A_81 = tpu.memref_slice %arg16[%dma_wait3A_79, %dma_wait3A_80] : memref<10112x128xf32, #tpu.memory_space<vmem_shared>> -> memref<10112x128xf32, #tpu.memory_space<vmem_shared>>
        tpu.wait_indirect_dma semaphore(%arg21 : memref<!tpu.dma_semaphore, #tpu.memory_space<semaphore_mem>>) src(%arg14 : memref<128x128xf32, #tpu.memory_space<vmem>>) dst(%dma_wait3A_81 : memref<10112x128xf32, #tpu.memory_space<vmem_shared>>)
      } else {
      }
      %mul3A_40 = arith.constant 128 : i32
      %mul3A_41 = arith.muli %add3A_34, %mul3A_40 : i32
      "tpu.region"() ({
        %run_scoped3A = tpu.sem_alloc : memref<!tpu.dma_semaphore, #tpu.memory_space<semaphore_mem>>
        %dma_start3A_79 = tpu.memref_slice %arg3[%mul3A_41] : memref<331776xi32, #tpu.memory_space<hbm>> -> memref<128xi32, #tpu.memory_space<hbm>>
        %dma_start3A_80 = tpu.memref_slice %arg3[%mul3A_41] : memref<331776xi32, #tpu.memory_space<hbm>> -> memref<128xi32, #tpu.memory_space<hbm>>
        tpu.enqueue_dma source(%dma_start3A_80 : memref<128xi32, #tpu.memory_space<hbm>>) target(%arg8 : memref<128xi32, #tpu.memory_space<vmem>>) target_semaphore(%run_scoped3A : memref<!tpu.dma_semaphore, #tpu.memory_space<semaphore_mem>>)
        %dma_wait3A_81 = tpu.memref_slice %arg3[%mul3A_41] : memref<331776xi32, #tpu.memory_space<hbm>> -> memref<128xi32, #tpu.memory_space<hbm>>
        %dma_wait3A_82 = tpu.memref_slice %arg3[%mul3A_41] : memref<331776xi32, #tpu.memory_space<hbm>> -> memref<128xi32, #tpu.memory_space<hbm>>
        tpu.wait_dma2 semaphore(%run_scoped3A : memref<!tpu.dma_semaphore, #tpu.memory_space<semaphore_mem>>) src(%dma_wait3A_82 : memref<128xi32, #tpu.memory_space<hbm>>) dst(%arg8 : memref<128xi32, #tpu.memory_space<vmem>>)
        tpu.yield
      }) : () -> ()
      %mul3A_42 = arith.constant 128 : i32
      %mul3A_43 = arith.muli %add3A_34, %mul3A_42 : i32
      "tpu.region"() ({
        %run_scoped3A = tpu.sem_alloc : memref<!tpu.dma_semaphore, #tpu.memory_space<semaphore_mem>>
        %dma_start3A_79 = tpu.memref_slice %arg4[%mul3A_43] : memref<331776xi32, #tpu.memory_space<hbm>> -> memref<128xi32, #tpu.memory_space<hbm>>
        %dma_start3A_80 = tpu.memref_slice %arg4[%mul3A_43] : memref<331776xi32, #tpu.memory_space<hbm>> -> memref<128xi32, #tpu.memory_space<hbm>>
        tpu.enqueue_dma source(%dma_start3A_80 : memref<128xi32, #tpu.memory_space<hbm>>) target(%arg11 : memref<128xi32, #tpu.memory_space<vmem>>) target_semaphore(%run_scoped3A : memref<!tpu.dma_semaphore, #tpu.memory_space<semaphore_mem>>)
        %dma_wait3A_81 = tpu.memref_slice %arg4[%mul3A_43] : memref<331776xi32, #tpu.memory_space<hbm>> -> memref<128xi32, #tpu.memory_space<hbm>>
        %dma_wait3A_82 = tpu.memref_slice %arg4[%mul3A_43] : memref<331776xi32, #tpu.memory_space<hbm>> -> memref<128xi32, #tpu.memory_space<hbm>>
        tpu.wait_dma2 semaphore(%run_scoped3A : memref<!tpu.dma_semaphore, #tpu.memory_space<semaphore_mem>>) src(%dma_wait3A_82 : memref<128xi32, #tpu.memory_space<hbm>>) dst(%arg11 : memref<128xi32, #tpu.memory_space<vmem>>)
        tpu.yield
      }) : () -> ()
      %dma_start3A_44 = arith.constant 0 : i32
      %dma_start3A_45 = arith.constant 0 : i32
      %dma_start3A_46 = tpu.memref_slice %arg2[%dma_start3A_44, %dma_start3A_45] : memref<10112x128xf32, #tpu.memory_space<hbm>> -> memref<10112x128xf32, #tpu.memory_space<hbm>>
      tpu.enqueue_indirect_dma source(%dma_start3A_46 : memref<10112x128xf32, #tpu.memory_space<hbm>>) target(%arg14 : memref<128x128xf32, #tpu.memory_space<vmem>>) offsets(%arg8 : memref<128xi32, #tpu.memory_space<vmem>>) semaphore(%arg18 : memref<!tpu.dma_semaphore, #tpu.memory_space<semaphore_mem>>)
      %add3A_47 = arith.constant 2 : i32
      %add3A_48 = arith.addi %add3A_22, %add3A_47 : i32
      %gt3A_49 = arith.constant 0 : i32
      %gt3A_50 = arith.cmpi sgt, %scan3A_19, %gt3A_49 : i32
      %convert_element_type3A_51 = arith.extui %gt3A_50 : i1 to i32
      %cond3A_52 = arith.constant 0 : i32
      %cond3A_53 = arith.cmpi ne, %convert_element_type3A_51, %cond3A_52 : i32
      scf.if %cond3A_53 {
        %dma_wait3A_79 = arith.constant 0 : i32
        %dma_wait3A_80 = arith.constant 0 : i32
        %dma_wait3A_81 = tpu.memref_slice %arg16[%dma_wait3A_79, %dma_wait3A_80] : memref<10112x128xf32, #tpu.memory_space<vmem_shared>> -> memref<10112x128xf32, #tpu.memory_space<vmem_shared>>
        tpu.wait_indirect_dma semaphore(%arg22 : memref<!tpu.dma_semaphore, #tpu.memory_space<semaphore_mem>>) src(%arg15 : memref<128x128xf32, #tpu.memory_space<vmem>>) dst(%dma_wait3A_81 : memref<10112x128xf32, #tpu.memory_space<vmem_shared>>)
      } else {
      }
      %mul3A_54 = arith.constant 128 : i32
      %mul3A_55 = arith.muli %add3A_48, %mul3A_54 : i32
      "tpu.region"() ({
        %run_scoped3A = tpu.sem_alloc : memref<!tpu.dma_semaphore, #tpu.memory_space<semaphore_mem>>
        %dma_start3A_79 = tpu.memref_slice %arg3[%mul3A_55] : memref<331776xi32, #tpu.memory_space<hbm>> -> memref<128xi32, #tpu.memory_space<hbm>>
        %dma_start3A_80 = tpu.memref_slice %arg3[%mul3A_55] : memref<331776xi32, #tpu.memory_space<hbm>> -> memref<128xi32, #tpu.memory_space<hbm>>
        tpu.enqueue_dma source(%dma_start3A_80 : memref<128xi32, #tpu.memory_space<hbm>>) target(%arg9 : memref<128xi32, #tpu.memory_space<vmem>>) target_semaphore(%run_scoped3A : memref<!tpu.dma_semaphore, #tpu.memory_space<semaphore_mem>>)
        %dma_wait3A_81 = tpu.memref_slice %arg3[%mul3A_55] : memref<331776xi32, #tpu.memory_space<hbm>> -> memref<128xi32, #tpu.memory_space<hbm>>
        %dma_wait3A_82 = tpu.memref_slice %arg3[%mul3A_55] : memref<331776xi32, #tpu.memory_space<hbm>> -> memref<128xi32, #tpu.memory_space<hbm>>
        tpu.wait_dma2 semaphore(%run_scoped3A : memref<!tpu.dma_semaphore, #tpu.memory_space<semaphore_mem>>) src(%dma_wait3A_82 : memref<128xi32, #tpu.memory_space<hbm>>) dst(%arg9 : memref<128xi32, #tpu.memory_space<vmem>>)
        tpu.yield
      }) : () -> ()
      %mul3A_56 = arith.constant 128 : i32
      %mul3A_57 = arith.muli %add3A_48, %mul3A_56 : i32
      "tpu.region"() ({
        %run_scoped3A = tpu.sem_alloc : memref<!tpu.dma_semaphore, #tpu.memory_space<semaphore_mem>>
        %dma_start3A_79 = tpu.memref_slice %arg4[%mul3A_57] : memref<331776xi32, #tpu.memory_space<hbm>> -> memref<128xi32, #tpu.memory_space<hbm>>
        %dma_start3A_80 = tpu.memref_slice %arg4[%mul3A_57] : memref<331776xi32, #tpu.memory_space<hbm>> -> memref<128xi32, #tpu.memory_space<hbm>>
        tpu.enqueue_dma source(%dma_start3A_80 : memref<128xi32, #tpu.memory_space<hbm>>) target(%arg12 : memref<128xi32, #tpu.memory_space<vmem>>) target_semaphore(%run_scoped3A : memref<!tpu.dma_semaphore, #tpu.memory_space<semaphore_mem>>)
        %dma_wait3A_81 = tpu.memref_slice %arg4[%mul3A_57] : memref<331776xi32, #tpu.memory_space<hbm>> -> memref<128xi32, #tpu.memory_space<hbm>>
        %dma_wait3A_82 = tpu.memref_slice %arg4[%mul3A_57] : memref<331776xi32, #tpu.memory_space<hbm>> -> memref<128xi32, #tpu.memory_space<hbm>>
        tpu.wait_dma2 semaphore(%run_scoped3A : memref<!tpu.dma_semaphore, #tpu.memory_space<semaphore_mem>>) src(%dma_wait3A_82 : memref<128xi32, #tpu.memory_space<hbm>>) dst(%arg12 : memref<128xi32, #tpu.memory_space<vmem>>)
        tpu.yield
      }) : () -> ()
      %dma_start3A_58 = arith.constant 0 : i32
      %dma_start3A_59 = arith.constant 0 : i32
      %dma_start3A_60 = tpu.memref_slice %arg2[%dma_start3A_58, %dma_start3A_59] : memref<10112x128xf32, #tpu.memory_space<hbm>> -> memref<10112x128xf32, #tpu.memory_space<hbm>>
      tpu.enqueue_indirect_dma source(%dma_start3A_60 : memref<10112x128xf32, #tpu.memory_space<hbm>>) target(%arg15 : memref<128x128xf32, #tpu.memory_space<vmem>>) offsets(%arg9 : memref<128xi32, #tpu.memory_space<vmem>>) semaphore(%arg19 : memref<!tpu.dma_semaphore, #tpu.memory_space<semaphore_mem>>)
      %dma_wait3A_61 = arith.constant 0 : i32
      %dma_wait3A_62 = arith.constant 0 : i32
      %dma_wait3A_63 = tpu.memref_slice %arg2[%dma_wait3A_61, %dma_wait3A_62] : memref<10112x128xf32, #tpu.memory_space<hbm>> -> memref<10112x128xf32, #tpu.memory_space<hbm>>
      tpu.wait_indirect_dma semaphore(%arg17 : memref<!tpu.dma_semaphore, #tpu.memory_space<semaphore_mem>>) src(%dma_wait3A_63 : memref<10112x128xf32, #tpu.memory_space<hbm>>) dst(%arg13 : memref<128x128xf32, #tpu.memory_space<vmem>>)
      %dma_start3A_64 = arith.constant 0 : i32
      %dma_start3A_65 = arith.constant 0 : i32
      %dma_start3A_66 = tpu.memref_slice %arg16[%dma_start3A_64, %dma_start3A_65] : memref<10112x128xf32, #tpu.memory_space<vmem_shared>> -> memref<10112x128xf32, #tpu.memory_space<vmem_shared>>
      tpu.enqueue_indirect_dma source(%arg13 : memref<128x128xf32, #tpu.memory_space<vmem>>) target(%dma_start3A_66 : memref<10112x128xf32, #tpu.memory_space<vmem_shared>>) offsets(%arg10 : memref<128xi32, #tpu.memory_space<vmem>>) semaphore(%arg20 : memref<!tpu.dma_semaphore, #tpu.memory_space<semaphore_mem>>) {add = true}
      %dma_wait3A_67 = arith.constant 0 : i32
      %dma_wait3A_68 = arith.constant 0 : i32
      %dma_wait3A_69 = tpu.memref_slice %arg2[%dma_wait3A_67, %dma_wait3A_68] : memref<10112x128xf32, #tpu.memory_space<hbm>> -> memref<10112x128xf32, #tpu.memory_space<hbm>>
      tpu.wait_indirect_dma semaphore(%arg18 : memref<!tpu.dma_semaphore, #tpu.memory_space<semaphore_mem>>) src(%dma_wait3A_69 : memref<10112x128xf32, #tpu.memory_space<hbm>>) dst(%arg14 : memref<128x128xf32, #tpu.memory_space<vmem>>)
      %dma_start3A_70 = arith.constant 0 : i32
      %dma_start3A_71 = arith.constant 0 : i32
      %dma_start3A_72 = tpu.memref_slice %arg16[%dma_start3A_70, %dma_start3A_71] : memref<10112x128xf32, #tpu.memory_space<vmem_shared>> -> memref<10112x128xf32, #tpu.memory_space<vmem_shared>>
      tpu.enqueue_indirect_dma source(%arg14 : memref<128x128xf32, #tpu.memory_space<vmem>>) target(%dma_start3A_72 : memref<10112x128xf32, #tpu.memory_space<vmem_shared>>) offsets(%arg11 : memref<128xi32, #tpu.memory_space<vmem>>) semaphore(%arg21 : memref<!tpu.dma_semaphore, #tpu.memory_space<semaphore_mem>>) {add = true}
      %dma_wait3A_73 = arith.constant 0 : i32
      %dma_wait3A_74 = arith.constant 0 : i32
      %dma_wait3A_75 = tpu.memref_slice %arg2[%dma_wait3A_73, %dma_wait3A_74] : memref<10112x128xf32, #tpu.memory_space<hbm>> -> memref<10112x128xf32, #tpu.memory_space<hbm>>
      tpu.wait_indirect_dma semaphore(%arg19 : memref<!tpu.dma_semaphore, #tpu.memory_space<semaphore_mem>>) src(%dma_wait3A_75 : memref<10112x128xf32, #tpu.memory_space<hbm>>) dst(%arg15 : memref<128x128xf32, #tpu.memory_space<vmem>>)
      %dma_start3A_76 = arith.constant 0 : i32
      %dma_start3A_77 = arith.constant 0 : i32
      %dma_start3A_78 = tpu.memref_slice %arg16[%dma_start3A_76, %dma_start3A_77] : memref<10112x128xf32, #tpu.memory_space<vmem_shared>> -> memref<10112x128xf32, #tpu.memory_space<vmem_shared>>
      tpu.enqueue_indirect_dma source(%arg15 : memref<128x128xf32, #tpu.memory_space<vmem>>) target(%dma_start3A_78 : memref<10112x128xf32, #tpu.memory_space<vmem_shared>>) offsets(%arg12 : memref<128xi32, #tpu.memory_space<vmem>>) semaphore(%arg22 : memref<!tpu.dma_semaphore, #tpu.memory_space<semaphore_mem>>) {add = true}
    }
    %scan3A_9 = arith.constant 27 : i32
    %dma_wait3A = arith.constant 0 : i32
    %dma_wait3A_10 = arith.constant 0 : i32
    %dma_wait3A_11 = tpu.memref_slice %arg16[%dma_wait3A, %dma_wait3A_10] : memref<10112x128xf32, #tpu.memory_space<vmem_shared>> -> memref<10112x128xf32, #tpu.memory_space<vmem_shared>>
    tpu.wait_indirect_dma semaphore(%arg20 : memref<!tpu.dma_semaphore, #tpu.memory_space<semaphore_mem>>) src(%arg13 : memref<128x128xf32, #tpu.memory_space<vmem>>) dst(%dma_wait3A_11 : memref<10112x128xf32, #tpu.memory_space<vmem_shared>>)
    %dma_wait3A_12 = arith.constant 0 : i32
    %dma_wait3A_13 = arith.constant 0 : i32
    %dma_wait3A_14 = tpu.memref_slice %arg16[%dma_wait3A_12, %dma_wait3A_13] : memref<10112x128xf32, #tpu.memory_space<vmem_shared>> -> memref<10112x128xf32, #tpu.memory_space<vmem_shared>>
    tpu.wait_indirect_dma semaphore(%arg21 : memref<!tpu.dma_semaphore, #tpu.memory_space<semaphore_mem>>) src(%arg14 : memref<128x128xf32, #tpu.memory_space<vmem>>) dst(%dma_wait3A_14 : memref<10112x128xf32, #tpu.memory_space<vmem_shared>>)
    %dma_wait3A_15 = arith.constant 0 : i32
    %dma_wait3A_16 = arith.constant 0 : i32
    %dma_wait3A_17 = tpu.memref_slice %arg16[%dma_wait3A_15, %dma_wait3A_16] : memref<10112x128xf32, #tpu.memory_space<vmem_shared>> -> memref<10112x128xf32, #tpu.memory_space<vmem_shared>>
    tpu.wait_indirect_dma semaphore(%arg22 : memref<!tpu.dma_semaphore, #tpu.memory_space<semaphore_mem>>) src(%arg15 : memref<128x128xf32, #tpu.memory_space<vmem>>) dst(%dma_wait3A_17 : memref<10112x128xf32, #tpu.memory_space<vmem_shared>>)
    %barrier3A_18 = arith.constant 0 : index
    tpu.barrier barrier_id(%barrier3A_18)
    "tpu.region"() ({
      %run_scoped3A = tpu.sem_alloc : memref<!tpu.dma_semaphore, #tpu.memory_space<semaphore_mem>>
      %dma_start3A = arith.constant 0 : i32
      %dma_start3A_19 = tpu.memref_slice %arg6[%arg0, %mul3A_2, %dma_start3A] : memref<2x10112x128xf32, #tpu.memory_space<hbm>> -> memref<1x632x128xf32, #tpu.memory_space<hbm>>
      %dma_start3A_20 = tpu.memref_squeeze %dma_start3A_19 : memref<1x632x128xf32, #tpu.memory_space<hbm>> -> memref<632x128xf32, #tpu.memory_space<hbm>>
      %dma_start3A_21 = arith.constant 0 : i32
      %dma_start3A_22 = tpu.memref_slice %arg16[%mul3A_2, %dma_start3A_21] : memref<10112x128xf32, #tpu.memory_space<vmem_shared>> -> memref<632x128xf32, #tpu.memory_space<vmem_shared>>
      tpu.enqueue_dma source(%dma_start3A_22 : memref<632x128xf32, #tpu.memory_space<vmem_shared>>) target(%dma_start3A_20 : memref<632x128xf32, #tpu.memory_space<hbm>>) target_semaphore(%run_scoped3A : memref<!tpu.dma_semaphore, #tpu.memory_space<semaphore_mem>>)
      %dma_wait3A_23 = arith.constant 0 : i32
      %dma_wait3A_24 = tpu.memref_slice %arg6[%arg0, %mul3A_2, %dma_wait3A_23] : memref<2x10112x128xf32, #tpu.memory_space<hbm>> -> memref<1x632x128xf32, #tpu.memory_space<hbm>>
      %dma_wait3A_25 = tpu.memref_squeeze %dma_wait3A_24 : memref<1x632x128xf32, #tpu.memory_space<hbm>> -> memref<632x128xf32, #tpu.memory_space<hbm>>
      %dma_wait3A_26 = arith.constant 0 : i32
      %dma_wait3A_27 = tpu.memref_slice %arg16[%mul3A_2, %dma_wait3A_26] : memref<10112x128xf32, #tpu.memory_space<vmem_shared>> -> memref<632x128xf32, #tpu.memory_space<vmem_shared>>
      tpu.wait_dma2 semaphore(%run_scoped3A : memref<!tpu.dma_semaphore, #tpu.memory_space<semaphore_mem>>) src(%dma_wait3A_27 : memref<632x128xf32, #tpu.memory_space<vmem_shared>>) dst(%dma_wait3A_25 : memref<632x128xf32, #tpu.memory_space<hbm>>)
      tpu.yield
    }) : () -> ()
    return
  }
}

#map = affine_map<(d0, d1) -> (0, 0)>
#map1 = affine_map<(d0, d1) -> (0)>
#map2 = affine_map<(d0, d1) -> (0, 0, 0)>
module attributes {stable_mosaic.version = 14 : i64} {
  func.func @segsum(%arg0: i32, %arg1: i32, %arg2: memref<10112x128xf32, #tpu.memory_space<hbm>>, %arg3: memref<331776xi32, #tpu.memory_space<hbm>>, %arg4: memref<331776xi32, #tpu.memory_space<hbm>>, %arg5: memref<10112x128xf32, #tpu.memory_space<hbm>>, %arg6: memref<2x10112x128xf32, #tpu.memory_space<hbm>>, %arg7: memref<128xi32, #tpu.memory_space<vmem>>, %arg8: memref<128xi32, #tpu.memory_space<vmem>>, %arg9: memref<128xi32, #tpu.memory_space<vmem>>, %arg10: memref<128xi32, #tpu.memory_space<vmem>>, %arg11: memref<128xi32, #tpu.memory_space<vmem>>, %arg12: memref<128xi32, #tpu.memory_space<vmem>>, %arg13: memref<128x128xf32, #tpu.memory_space<vmem>>, %arg14: memref<128x128xf32, #tpu.memory_space<vmem>>, %arg15: memref<128x128xf32, #tpu.memory_space<vmem>>, %arg16: memref<10112x128xf32, #tpu.memory_space<vmem_shared>>, %arg17: memref<!tpu.dma_semaphore, #tpu.memory_space<semaphore_mem>>, %arg18: memref<!tpu.dma_semaphore, #tpu.memory_space<semaphore_mem>>, %arg19: memref<!tpu.dma_semaphore, #tpu.memory_space<semaphore_mem>>, %arg20: memref<!tpu.dma_semaphore, #tpu.memory_space<semaphore_mem>>, %arg21: memref<!tpu.dma_semaphore, #tpu.memory_space<semaphore_mem>>, %arg22: memref<!tpu.dma_semaphore, #tpu.memory_space<semaphore_mem>>) attributes {dimension_semantics = [#tpu.dimension_semantics<core_parallel>, #tpu.dimension_semantics<subcore_parallel>], iteration_bounds = array<i64: 2, 16>, scalar_prefetch = 0 : i64, scratch_operands = 16 : i64, tpu.core_type = #tpu.core_type<sc_vector_subcore>, window_params = [{transform_indices = #map}, {transform_indices = #map1}, {transform_indices = #map1}, {transform_indices = #map}, {transform_indices = #map2}]} {
    %mul3A = arith.constant 2 : i32
    %mul3A_0 = arith.muli %arg1, %mul3A : i32
    %add3A = arith.addi %mul3A_0, %arg0 : i32
    %mul3A_1 = arith.constant 632 : i32
    %mul3A_2 = arith.muli %arg1, %mul3A_1 : i32
    "tpu.region"() ({
      %run_scoped3A = tpu.sem_alloc : memref<!tpu.dma_semaphore, #tpu.memory_space<semaphore_mem>>
      %dma_start3A = arith.constant 0 : i32
      %dma_start3A_19 = tpu.memref_slice %arg16[%mul3A_2, %dma_start3A] : memref<10112x128xf32, #tpu.memory_space<vmem_shared>> -> memref<632x128xf32, #tpu.memory_space<vmem_shared>>
      %dma_start3A_20 = arith.constant 0 : i32
      %dma_start3A_21 = tpu.memref_slice %arg5[%mul3A_2, %dma_start3A_20] : memref<10112x128xf32, #tpu.memory_space<hbm>> -> memref<632x128xf32, #tpu.memory_space<hbm>>
      tpu.enqueue_dma source(%dma_start3A_21 : memref<632x128xf32, #tpu.memory_space<hbm>>) target(%dma_start3A_19 : memref<632x128xf32, #tpu.memory_space<vmem_shared>>) target_semaphore(%run_scoped3A : memref<!tpu.dma_semaphore, #tpu.memory_space<semaphore_mem>>)
      %dma_wait3A_22 = arith.constant 0 : i32
      %dma_wait3A_23 = tpu.memref_slice %arg16[%mul3A_2, %dma_wait3A_22] : memref<10112x128xf32, #tpu.memory_space<vmem_shared>> -> memref<632x128xf32, #tpu.memory_space<vmem_shared>>
      %dma_wait3A_24 = arith.constant 0 : i32
      %dma_wait3A_25 = tpu.memref_slice %arg5[%mul3A_2, %dma_wait3A_24] : memref<10112x128xf32, #tpu.memory_space<hbm>> -> memref<632x128xf32, #tpu.memory_space<hbm>>
      tpu.wait_dma2 semaphore(%run_scoped3A : memref<!tpu.dma_semaphore, #tpu.memory_space<semaphore_mem>>) src(%dma_wait3A_25 : memref<632x128xf32, #tpu.memory_space<hbm>>) dst(%dma_wait3A_23 : memref<632x128xf32, #tpu.memory_space<vmem_shared>>)
      tpu.yield
    }) : () -> ()
    %mul3A_3 = arith.constant 81 : i32
    %mul3A_4 = arith.muli %add3A, %mul3A_3 : i32
    %barrier3A = arith.constant 0 : index
    tpu.barrier barrier_id(%barrier3A)
    %scan3A = arith.constant 0 : i32
    %scan3A_5 = arith.constant 0 : i32
    %scan3A_6 = arith.constant 27 : i32
    %scan3A_7 = arith.addi %scan3A_5, %scan3A_6 : i32
    %scan3A_8 = arith.constant 1 : i32
    scf.for %scan3A_19 = %scan3A_5 to %scan3A_7 step %scan3A_8  : i32 {
      %mul3A_20 = arith.constant 3 : i32
      %mul3A_21 = arith.muli %mul3A_20, %scan3A_19 : i32
      %add3A_22 = arith.addi %mul3A_4, %mul3A_21 : i32
      %add3A_23 = arith.constant 0 : i32
      %add3A_24 = arith.addi %add3A_22, %add3A_23 : i32
      %gt3A = arith.constant 0 : i32
      %gt3A_25 = arith.cmpi sgt, %scan3A_19, %gt3A : i32
      %convert_element_type3A = arith.extui %gt3A_25 : i1 to i32
      %cond3A = arith.constant 0 : i32
      %cond3A_26 = arith.cmpi ne, %convert_element_type3A, %cond3A : i32
      scf.if %cond3A_26 {
        %dma_wait3A_79 = arith.constant 0 : i32
        %dma_wait3A_80 = arith.constant 0 : i32
        %dma_wait3A_81 = tpu.memref_slice %arg16[%dma_wait3A_79, %dma_wait3A_80] : memref<10112x128xf32, #tpu.memory_space<vmem_shared>> -> memref<10112x128xf32, #tpu.memory_space<vmem_shared>>
        tpu.wait_indirect_dma semaphore(%arg20 : memref<!tpu.dma_semaphore, #tpu.memory_space<semaphore_mem>>) src(%arg13 : memref<128x128xf32, #tpu.memory_space<vmem>>) dst(%dma_wait3A_81 : memref<10112x128xf32, #tpu.memory_space<vmem_shared>>)
      } else {
      }
      %mul3A_27 = arith.constant 128 : i32
      %mul3A_28 = arith.muli %add3A_24, %mul3A_27 : i32
      "tpu.region"() ({
        %run_scoped3A = tpu.sem_alloc : memref<!tpu.dma_semaphore, #tpu.memory_space<semaphore_mem>>
        %dma_start3A_79 = tpu.memref_slice %arg3[%mul3A_28] : memref<331776xi32, #tpu.memory_space<hbm>> -> memref<128xi32, #tpu.memory_space<hbm>>
        %dma_start3A_80 = tpu.memref_slice %arg3[%mul3A_28] : memref<331776xi32, #tpu.memory_space<hbm>> -> memref<128xi32, #tpu.memory_space<hbm>>
        tpu.enqueue_dma source(%dma_start3A_80 : memref<128xi32, #tpu.memory_space<hbm>>) target(%arg7 : memref<128xi32, #tpu.memory_space<vmem>>) target_semaphore(%run_scoped3A : memref<!tpu.dma_semaphore, #tpu.memory_space<semaphore_mem>>)
        %dma_wait3A_81 = tpu.memref_slice %arg3[%mul3A_28] : memref<331776xi32, #tpu.memory_space<hbm>> -> memref<128xi32, #tpu.memory_space<hbm>>
        %dma_wait3A_82 = tpu.memref_slice %arg3[%mul3A_28] : memref<331776xi32, #tpu.memory_space<hbm>> -> memref<128xi32, #tpu.memory_space<hbm>>
        tpu.wait_dma2 semaphore(%run_scoped3A : memref<!tpu.dma_semaphore, #tpu.memory_space<semaphore_mem>>) src(%dma_wait3A_82 : memref<128xi32, #tpu.memory_space<hbm>>) dst(%arg7 : memref<128xi32, #tpu.memory_space<vmem>>)
        tpu.yield
      }) : () -> ()
      %mul3A_29 = arith.constant 128 : i32
      %mul3A_30 = arith.muli %add3A_24, %mul3A_29 : i32
      "tpu.region"() ({
        %run_scoped3A = tpu.sem_alloc : memref<!tpu.dma_semaphore, #tpu.memory_space<semaphore_mem>>
        %dma_start3A_79 = tpu.memref_slice %arg4[%mul3A_30] : memref<331776xi32, #tpu.memory_space<hbm>> -> memref<128xi32, #tpu.memory_space<hbm>>
        %dma_start3A_80 = tpu.memref_slice %arg4[%mul3A_30] : memref<331776xi32, #tpu.memory_space<hbm>> -> memref<128xi32, #tpu.memory_space<hbm>>
        tpu.enqueue_dma source(%dma_start3A_80 : memref<128xi32, #tpu.memory_space<hbm>>) target(%arg10 : memref<128xi32, #tpu.memory_space<vmem>>) target_semaphore(%run_scoped3A : memref<!tpu.dma_semaphore, #tpu.memory_space<semaphore_mem>>)
        %dma_wait3A_81 = tpu.memref_slice %arg4[%mul3A_30] : memref<331776xi32, #tpu.memory_space<hbm>> -> memref<128xi32, #tpu.memory_space<hbm>>
        %dma_wait3A_82 = tpu.memref_slice %arg4[%mul3A_30] : memref<331776xi32, #tpu.memory_space<hbm>> -> memref<128xi32, #tpu.memory_space<hbm>>
        tpu.wait_dma2 semaphore(%run_scoped3A : memref<!tpu.dma_semaphore, #tpu.memory_space<semaphore_mem>>) src(%dma_wait3A_82 : memref<128xi32, #tpu.memory_space<hbm>>) dst(%arg10 : memref<128xi32, #tpu.memory_space<vmem>>)
        tpu.yield
      }) : () -> ()
      %dma_start3A = arith.constant 0 : i32
      %dma_start3A_31 = arith.constant 0 : i32
      %dma_start3A_32 = tpu.memref_slice %arg2[%dma_start3A, %dma_start3A_31] : memref<10112x128xf32, #tpu.memory_space<hbm>> -> memref<10112x128xf32, #tpu.memory_space<hbm>>
      tpu.enqueue_indirect_dma source(%dma_start3A_32 : memref<10112x128xf32, #tpu.memory_space<hbm>>) target(%arg13 : memref<128x128xf32, #tpu.memory_space<vmem>>) offsets(%arg7 : memref<128xi32, #tpu.memory_space<vmem>>) semaphore(%arg17 : memref<!tpu.dma_semaphore, #tpu.memory_space<semaphore_mem>>)
      %add3A_33 = arith.constant 1 : i32
      %add3A_34 = arith.addi %add3A_22, %add3A_33 : i32
      %gt3A_35 = arith.constant 0 : i32
      %gt3A_36 = arith.cmpi sgt, %scan3A_19, %gt3A_35 : i32
      %convert_element_type3A_37 = arith.extui %gt3A_36 : i1 to i32
      %cond3A_38 = arith.constant 0 : i32
      %cond3A_39 = arith.cmpi ne, %convert_element_type3A_37, %cond3A_38 : i32
      scf.if %cond3A_39 {
        %dma_wait3A_79 = arith.constant 0 : i32
        %dma_wait3A_80 = arith.constant 0 : i32
        %dma_wait3A_81 = tpu.memref_slice %arg16[%dma_wait3A_79, %dma_wait3A_80] : memref<10112x128xf32, #tpu.memory_space<vmem_shared>> -> memref<10112x128xf32, #tpu.memory_space<vmem_shared>>
        tpu.wait_indirect_dma semaphore(%arg21 : memref<!tpu.dma_semaphore, #tpu.memory_space<semaphore_mem>>) src(%arg14 : memref<128x128xf32, #tpu.memory_space<vmem>>) dst(%dma_wait3A_81 : memref<10112x128xf32, #tpu.memory_space<vmem_shared>>)
      } else {
      }
      %mul3A_40 = arith.constant 128 : i32
      %mul3A_41 = arith.muli %add3A_34, %mul3A_40 : i32
      "tpu.region"() ({
        %run_scoped3A = tpu.sem_alloc : memref<!tpu.dma_semaphore, #tpu.memory_space<semaphore_mem>>
        %dma_start3A_79 = tpu.memref_slice %arg3[%mul3A_41] : memref<331776xi32, #tpu.memory_space<hbm>> -> memref<128xi32, #tpu.memory_space<hbm>>
        %dma_start3A_80 = tpu.memref_slice %arg3[%mul3A_41] : memref<331776xi32, #tpu.memory_space<hbm>> -> memref<128xi32, #tpu.memory_space<hbm>>
        tpu.enqueue_dma source(%dma_start3A_80 : memref<128xi32, #tpu.memory_space<hbm>>) target(%arg8 : memref<128xi32, #tpu.memory_space<vmem>>) target_semaphore(%run_scoped3A : memref<!tpu.dma_semaphore, #tpu.memory_space<semaphore_mem>>)
        %dma_wait3A_81 = tpu.memref_slice %arg3[%mul3A_41] : memref<331776xi32, #tpu.memory_space<hbm>> -> memref<128xi32, #tpu.memory_space<hbm>>
        %dma_wait3A_82 = tpu.memref_slice %arg3[%mul3A_41] : memref<331776xi32, #tpu.memory_space<hbm>> -> memref<128xi32, #tpu.memory_space<hbm>>
        tpu.wait_dma2 semaphore(%run_scoped3A : memref<!tpu.dma_semaphore, #tpu.memory_space<semaphore_mem>>) src(%dma_wait3A_82 : memref<128xi32, #tpu.memory_space<hbm>>) dst(%arg8 : memref<128xi32, #tpu.memory_space<vmem>>)
        tpu.yield
      }) : () -> ()
      %mul3A_42 = arith.constant 128 : i32
      %mul3A_43 = arith.muli %add3A_34, %mul3A_42 : i32
      "tpu.region"() ({
        %run_scoped3A = tpu.sem_alloc : memref<!tpu.dma_semaphore, #tpu.memory_space<semaphore_mem>>
        %dma_start3A_79 = tpu.memref_slice %arg4[%mul3A_43] : memref<331776xi32, #tpu.memory_space<hbm>> -> memref<128xi32, #tpu.memory_space<hbm>>
        %dma_start3A_80 = tpu.memref_slice %arg4[%mul3A_43] : memref<331776xi32, #tpu.memory_space<hbm>> -> memref<128xi32, #tpu.memory_space<hbm>>
        tpu.enqueue_dma source(%dma_start3A_80 : memref<128xi32, #tpu.memory_space<hbm>>) target(%arg11 : memref<128xi32, #tpu.memory_space<vmem>>) target_semaphore(%run_scoped3A : memref<!tpu.dma_semaphore, #tpu.memory_space<semaphore_mem>>)
        %dma_wait3A_81 = tpu.memref_slice %arg4[%mul3A_43] : memref<331776xi32, #tpu.memory_space<hbm>> -> memref<128xi32, #tpu.memory_space<hbm>>
        %dma_wait3A_82 = tpu.memref_slice %arg4[%mul3A_43] : memref<331776xi32, #tpu.memory_space<hbm>> -> memref<128xi32, #tpu.memory_space<hbm>>
        tpu.wait_dma2 semaphore(%run_scoped3A : memref<!tpu.dma_semaphore, #tpu.memory_space<semaphore_mem>>) src(%dma_wait3A_82 : memref<128xi32, #tpu.memory_space<hbm>>) dst(%arg11 : memref<128xi32, #tpu.memory_space<vmem>>)
        tpu.yield
      }) : () -> ()
      %dma_start3A_44 = arith.constant 0 : i32
      %dma_start3A_45 = arith.constant 0 : i32
      %dma_start3A_46 = tpu.memref_slice %arg2[%dma_start3A_44, %dma_start3A_45] : memref<10112x128xf32, #tpu.memory_space<hbm>> -> memref<10112x128xf32, #tpu.memory_space<hbm>>
      tpu.enqueue_indirect_dma source(%dma_start3A_46 : memref<10112x128xf32, #tpu.memory_space<hbm>>) target(%arg14 : memref<128x128xf32, #tpu.memory_space<vmem>>) offsets(%arg8 : memref<128xi32, #tpu.memory_space<vmem>>) semaphore(%arg18 : memref<!tpu.dma_semaphore, #tpu.memory_space<semaphore_mem>>)
      %add3A_47 = arith.constant 2 : i32
      %add3A_48 = arith.addi %add3A_22, %add3A_47 : i32
      %gt3A_49 = arith.constant 0 : i32
      %gt3A_50 = arith.cmpi sgt, %scan3A_19, %gt3A_49 : i32
      %convert_element_type3A_51 = arith.extui %gt3A_50 : i1 to i32
      %cond3A_52 = arith.constant 0 : i32
      %cond3A_53 = arith.cmpi ne, %convert_element_type3A_51, %cond3A_52 : i32
      scf.if %cond3A_53 {
        %dma_wait3A_79 = arith.constant 0 : i32
        %dma_wait3A_80 = arith.constant 0 : i32
        %dma_wait3A_81 = tpu.memref_slice %arg16[%dma_wait3A_79, %dma_wait3A_80] : memref<10112x128xf32, #tpu.memory_space<vmem_shared>> -> memref<10112x128xf32, #tpu.memory_space<vmem_shared>>
        tpu.wait_indirect_dma semaphore(%arg22 : memref<!tpu.dma_semaphore, #tpu.memory_space<semaphore_mem>>) src(%arg15 : memref<128x128xf32, #tpu.memory_space<vmem>>) dst(%dma_wait3A_81 : memref<10112x128xf32, #tpu.memory_space<vmem_shared>>)
      } else {
      }
      %mul3A_54 = arith.constant 128 : i32
      %mul3A_55 = arith.muli %add3A_48, %mul3A_54 : i32
      "tpu.region"() ({
        %run_scoped3A = tpu.sem_alloc : memref<!tpu.dma_semaphore, #tpu.memory_space<semaphore_mem>>
        %dma_start3A_79 = tpu.memref_slice %arg3[%mul3A_55] : memref<331776xi32, #tpu.memory_space<hbm>> -> memref<128xi32, #tpu.memory_space<hbm>>
        %dma_start3A_80 = tpu.memref_slice %arg3[%mul3A_55] : memref<331776xi32, #tpu.memory_space<hbm>> -> memref<128xi32, #tpu.memory_space<hbm>>
        tpu.enqueue_dma source(%dma_start3A_80 : memref<128xi32, #tpu.memory_space<hbm>>) target(%arg9 : memref<128xi32, #tpu.memory_space<vmem>>) target_semaphore(%run_scoped3A : memref<!tpu.dma_semaphore, #tpu.memory_space<semaphore_mem>>)
        %dma_wait3A_81 = tpu.memref_slice %arg3[%mul3A_55] : memref<331776xi32, #tpu.memory_space<hbm>> -> memref<128xi32, #tpu.memory_space<hbm>>
        %dma_wait3A_82 = tpu.memref_slice %arg3[%mul3A_55] : memref<331776xi32, #tpu.memory_space<hbm>> -> memref<128xi32, #tpu.memory_space<hbm>>
        tpu.wait_dma2 semaphore(%run_scoped3A : memref<!tpu.dma_semaphore, #tpu.memory_space<semaphore_mem>>) src(%dma_wait3A_82 : memref<128xi32, #tpu.memory_space<hbm>>) dst(%arg9 : memref<128xi32, #tpu.memory_space<vmem>>)
        tpu.yield
      }) : () -> ()
      %mul3A_56 = arith.constant 128 : i32
      %mul3A_57 = arith.muli %add3A_48, %mul3A_56 : i32
      "tpu.region"() ({
        %run_scoped3A = tpu.sem_alloc : memref<!tpu.dma_semaphore, #tpu.memory_space<semaphore_mem>>
        %dma_start3A_79 = tpu.memref_slice %arg4[%mul3A_57] : memref<331776xi32, #tpu.memory_space<hbm>> -> memref<128xi32, #tpu.memory_space<hbm>>
        %dma_start3A_80 = tpu.memref_slice %arg4[%mul3A_57] : memref<331776xi32, #tpu.memory_space<hbm>> -> memref<128xi32, #tpu.memory_space<hbm>>
        tpu.enqueue_dma source(%dma_start3A_80 : memref<128xi32, #tpu.memory_space<hbm>>) target(%arg12 : memref<128xi32, #tpu.memory_space<vmem>>) target_semaphore(%run_scoped3A : memref<!tpu.dma_semaphore, #tpu.memory_space<semaphore_mem>>)
        %dma_wait3A_81 = tpu.memref_slice %arg4[%mul3A_57] : memref<331776xi32, #tpu.memory_space<hbm>> -> memref<128xi32, #tpu.memory_space<hbm>>
        %dma_wait3A_82 = tpu.memref_slice %arg4[%mul3A_57] : memref<331776xi32, #tpu.memory_space<hbm>> -> memref<128xi32, #tpu.memory_space<hbm>>
        tpu.wait_dma2 semaphore(%run_scoped3A : memref<!tpu.dma_semaphore, #tpu.memory_space<semaphore_mem>>) src(%dma_wait3A_82 : memref<128xi32, #tpu.memory_space<hbm>>) dst(%arg12 : memref<128xi32, #tpu.memory_space<vmem>>)
        tpu.yield
      }) : () -> ()
      %dma_start3A_58 = arith.constant 0 : i32
      %dma_start3A_59 = arith.constant 0 : i32
      %dma_start3A_60 = tpu.memref_slice %arg2[%dma_start3A_58, %dma_start3A_59] : memref<10112x128xf32, #tpu.memory_space<hbm>> -> memref<10112x128xf32, #tpu.memory_space<hbm>>
      tpu.enqueue_indirect_dma source(%dma_start3A_60 : memref<10112x128xf32, #tpu.memory_space<hbm>>) target(%arg15 : memref<128x128xf32, #tpu.memory_space<vmem>>) offsets(%arg9 : memref<128xi32, #tpu.memory_space<vmem>>) semaphore(%arg19 : memref<!tpu.dma_semaphore, #tpu.memory_space<semaphore_mem>>)
      %dma_wait3A_61 = arith.constant 0 : i32
      %dma_wait3A_62 = arith.constant 0 : i32
      %dma_wait3A_63 = tpu.memref_slice %arg2[%dma_wait3A_61, %dma_wait3A_62] : memref<10112x128xf32, #tpu.memory_space<hbm>> -> memref<10112x128xf32, #tpu.memory_space<hbm>>
      tpu.wait_indirect_dma semaphore(%arg17 : memref<!tpu.dma_semaphore, #tpu.memory_space<semaphore_mem>>) src(%dma_wait3A_63 : memref<10112x128xf32, #tpu.memory_space<hbm>>) dst(%arg13 : memref<128x128xf32, #tpu.memory_space<vmem>>)
      %dma_start3A_64 = arith.constant 0 : i32
      %dma_start3A_65 = arith.constant 0 : i32
      %dma_start3A_66 = tpu.memref_slice %arg16[%dma_start3A_64, %dma_start3A_65] : memref<10112x128xf32, #tpu.memory_space<vmem_shared>> -> memref<10112x128xf32, #tpu.memory_space<vmem_shared>>
      tpu.enqueue_indirect_dma source(%arg13 : memref<128x128xf32, #tpu.memory_space<vmem>>) target(%dma_start3A_66 : memref<10112x128xf32, #tpu.memory_space<vmem_shared>>) offsets(%arg10 : memref<128xi32, #tpu.memory_space<vmem>>) semaphore(%arg20 : memref<!tpu.dma_semaphore, #tpu.memory_space<semaphore_mem>>) {add = true}
      %dma_wait3A_67 = arith.constant 0 : i32
      %dma_wait3A_68 = arith.constant 0 : i32
      %dma_wait3A_69 = tpu.memref_slice %arg2[%dma_wait3A_67, %dma_wait3A_68] : memref<10112x128xf32, #tpu.memory_space<hbm>> -> memref<10112x128xf32, #tpu.memory_space<hbm>>
      tpu.wait_indirect_dma semaphore(%arg18 : memref<!tpu.dma_semaphore, #tpu.memory_space<semaphore_mem>>) src(%dma_wait3A_69 : memref<10112x128xf32, #tpu.memory_space<hbm>>) dst(%arg14 : memref<128x128xf32, #tpu.memory_space<vmem>>)
      %dma_start3A_70 = arith.constant 0 : i32
      %dma_start3A_71 = arith.constant 0 : i32
      %dma_start3A_72 = tpu.memref_slice %arg16[%dma_start3A_70, %dma_start3A_71] : memref<10112x128xf32, #tpu.memory_space<vmem_shared>> -> memref<10112x128xf32, #tpu.memory_space<vmem_shared>>
      tpu.enqueue_indirect_dma source(%arg14 : memref<128x128xf32, #tpu.memory_space<vmem>>) target(%dma_start3A_72 : memref<10112x128xf32, #tpu.memory_space<vmem_shared>>) offsets(%arg11 : memref<128xi32, #tpu.memory_space<vmem>>) semaphore(%arg21 : memref<!tpu.dma_semaphore, #tpu.memory_space<semaphore_mem>>) {add = true}
      %dma_wait3A_73 = arith.constant 0 : i32
      %dma_wait3A_74 = arith.constant 0 : i32
      %dma_wait3A_75 = tpu.memref_slice %arg2[%dma_wait3A_73, %dma_wait3A_74] : memref<10112x128xf32, #tpu.memory_space<hbm>> -> memref<10112x128xf32, #tpu.memory_space<hbm>>
      tpu.wait_indirect_dma semaphore(%arg19 : memref<!tpu.dma_semaphore, #tpu.memory_space<semaphore_mem>>) src(%dma_wait3A_75 : memref<10112x128xf32, #tpu.memory_space<hbm>>) dst(%arg15 : memref<128x128xf32, #tpu.memory_space<vmem>>)
      %dma_start3A_76 = arith.constant 0 : i32
      %dma_start3A_77 = arith.constant 0 : i32
      %dma_start3A_78 = tpu.memref_slice %arg16[%dma_start3A_76, %dma_start3A_77] : memref<10112x128xf32, #tpu.memory_space<vmem_shared>> -> memref<10112x128xf32, #tpu.memory_space<vmem_shared>>
      tpu.enqueue_indirect_dma source(%arg15 : memref<128x128xf32, #tpu.memory_space<vmem>>) target(%dma_start3A_78 : memref<10112x128xf32, #tpu.memory_space<vmem_shared>>) offsets(%arg12 : memref<128xi32, #tpu.memory_space<vmem>>) semaphore(%arg22 : memref<!tpu.dma_semaphore, #tpu.memory_space<semaphore_mem>>) {add = true}
    }
    %scan3A_9 = arith.constant 27 : i32
    %dma_wait3A = arith.constant 0 : i32
    %dma_wait3A_10 = arith.constant 0 : i32
    %dma_wait3A_11 = tpu.memref_slice %arg16[%dma_wait3A, %dma_wait3A_10] : memref<10112x128xf32, #tpu.memory_space<vmem_shared>> -> memref<10112x128xf32, #tpu.memory_space<vmem_shared>>
    tpu.wait_indirect_dma semaphore(%arg20 : memref<!tpu.dma_semaphore, #tpu.memory_space<semaphore_mem>>) src(%arg13 : memref<128x128xf32, #tpu.memory_space<vmem>>) dst(%dma_wait3A_11 : memref<10112x128xf32, #tpu.memory_space<vmem_shared>>)
    %dma_wait3A_12 = arith.constant 0 : i32
    %dma_wait3A_13 = arith.constant 0 : i32
    %dma_wait3A_14 = tpu.memref_slice %arg16[%dma_wait3A_12, %dma_wait3A_13] : memref<10112x128xf32, #tpu.memory_space<vmem_shared>> -> memref<10112x128xf32, #tpu.memory_space<vmem_shared>>
    tpu.wait_indirect_dma semaphore(%arg21 : memref<!tpu.dma_semaphore, #tpu.memory_space<semaphore_mem>>) src(%arg14 : memref<128x128xf32, #tpu.memory_space<vmem>>) dst(%dma_wait3A_14 : memref<10112x128xf32, #tpu.memory_space<vmem_shared>>)
    %dma_wait3A_15 = arith.constant 0 : i32
    %dma_wait3A_16 = arith.constant 0 : i32
    %dma_wait3A_17 = tpu.memref_slice %arg16[%dma_wait3A_15, %dma_wait3A_16] : memref<10112x128xf32, #tpu.memory_space<vmem_shared>> -> memref<10112x128xf32, #tpu.memory_space<vmem_shared>>
    tpu.wait_indirect_dma semaphore(%arg22 : memref<!tpu.dma_semaphore, #tpu.memory_space<semaphore_mem>>) src(%arg15 : memref<128x128xf32, #tpu.memory_space<vmem>>) dst(%dma_wait3A_17 : memref<10112x128xf32, #tpu.memory_space<vmem_shared>>)
    %barrier3A_18 = arith.constant 0 : index
    tpu.barrier barrier_id(%barrier3A_18)
    "tpu.region"() ({
      %run_scoped3A = tpu.sem_alloc : memref<!tpu.dma_semaphore, #tpu.memory_space<semaphore_mem>>
      %dma_start3A = arith.constant 0 : i32
      %dma_start3A_19 = tpu.memref_slice %arg6[%arg0, %mul3A_2, %dma_start3A] : memref<2x10112x128xf32, #tpu.memory_space<hbm>> -> memref<1x632x128xf32, #tpu.memory_space<hbm>>
      %dma_start3A_20 = tpu.memref_squeeze %dma_start3A_19 : memref<1x632x128xf32, #tpu.memory_space<hbm>> -> memref<632x128xf32, #tpu.memory_space<hbm>>
      %dma_start3A_21 = arith.constant 0 : i32
      %dma_start3A_22 = tpu.memref_slice %arg16[%mul3A_2, %dma_start3A_21] : memref<10112x128xf32, #tpu.memory_space<vmem_shared>> -> memref<632x128xf32, #tpu.memory_space<vmem_shared>>
      tpu.enqueue_dma source(%dma_start3A_22 : memref<632x128xf32, #tpu.memory_space<vmem_shared>>) target(%dma_start3A_20 : memref<632x128xf32, #tpu.memory_space<hbm>>) target_semaphore(%run_scoped3A : memref<!tpu.dma_semaphore, #tpu.memory_space<semaphore_mem>>)
      %dma_wait3A_23 = arith.constant 0 : i32
      %dma_wait3A_24 = tpu.memref_slice %arg6[%arg0, %mul3A_2, %dma_wait3A_23] : memref<2x10112x128xf32, #tpu.memory_space<hbm>> -> memref<1x632x128xf32, #tpu.memory_space<hbm>>
      %dma_wait3A_25 = tpu.memref_squeeze %dma_wait3A_24 : memref<1x632x128xf32, #tpu.memory_space<hbm>> -> memref<632x128xf32, #tpu.memory_space<hbm>>
      %dma_wait3A_26 = arith.constant 0 : i32
      %dma_wait3A_27 = tpu.memref_slice %arg16[%mul3A_2, %dma_wait3A_26] : memref<10112x128xf32, #tpu.memory_space<vmem_shared>> -> memref<632x128xf32, #tpu.memory_space<vmem_shared>>
      tpu.wait_dma2 semaphore(%run_scoped3A : memref<!tpu.dma_semaphore, #tpu.memory_space<semaphore_mem>>) src(%dma_wait3A_27 : memref<632x128xf32, #tpu.memory_space<vmem_shared>>) dst(%dma_wait3A_25 : memref<632x128xf32, #tpu.memory_space<hbm>>)
      tpu.yield
    }) : () -> ()
    return
  }
}

#map = affine_map<(d0, d1) -> (0, 0)>
#map1 = affine_map<(d0, d1) -> (0)>
#map2 = affine_map<(d0, d1) -> (0, 0, 0)>
module attributes {stable_mosaic.version = 14 : i64} {
  func.func @segsum(%arg0: i32, %arg1: i32, %arg2: memref<10112x128xf32, #tpu.memory_space<hbm>>, %arg3: memref<331776xi32, #tpu.memory_space<hbm>>, %arg4: memref<331776xi32, #tpu.memory_space<hbm>>, %arg5: memref<10112x128xf32, #tpu.memory_space<hbm>>, %arg6: memref<2x10112x128xf32, #tpu.memory_space<hbm>>, %arg7: memref<128xi32, #tpu.memory_space<vmem>>, %arg8: memref<128xi32, #tpu.memory_space<vmem>>, %arg9: memref<128xi32, #tpu.memory_space<vmem>>, %arg10: memref<128xi32, #tpu.memory_space<vmem>>, %arg11: memref<128xi32, #tpu.memory_space<vmem>>, %arg12: memref<128xi32, #tpu.memory_space<vmem>>, %arg13: memref<128x128xf32, #tpu.memory_space<vmem>>, %arg14: memref<128x128xf32, #tpu.memory_space<vmem>>, %arg15: memref<128x128xf32, #tpu.memory_space<vmem>>, %arg16: memref<10112x128xf32, #tpu.memory_space<vmem_shared>>, %arg17: memref<!tpu.dma_semaphore, #tpu.memory_space<semaphore_mem>>, %arg18: memref<!tpu.dma_semaphore, #tpu.memory_space<semaphore_mem>>, %arg19: memref<!tpu.dma_semaphore, #tpu.memory_space<semaphore_mem>>, %arg20: memref<!tpu.dma_semaphore, #tpu.memory_space<semaphore_mem>>, %arg21: memref<!tpu.dma_semaphore, #tpu.memory_space<semaphore_mem>>, %arg22: memref<!tpu.dma_semaphore, #tpu.memory_space<semaphore_mem>>) attributes {dimension_semantics = [#tpu.dimension_semantics<core_parallel>, #tpu.dimension_semantics<subcore_parallel>], iteration_bounds = array<i64: 2, 16>, scalar_prefetch = 0 : i64, scratch_operands = 16 : i64, tpu.core_type = #tpu.core_type<sc_vector_subcore>, window_params = [{transform_indices = #map}, {transform_indices = #map1}, {transform_indices = #map1}, {transform_indices = #map}, {transform_indices = #map2}]} {
    %mul3A = arith.constant 2 : i32
    %mul3A_0 = arith.muli %arg1, %mul3A : i32
    %add3A = arith.addi %mul3A_0, %arg0 : i32
    %mul3A_1 = arith.constant 632 : i32
    %mul3A_2 = arith.muli %arg1, %mul3A_1 : i32
    "tpu.region"() ({
      %run_scoped3A = tpu.sem_alloc : memref<!tpu.dma_semaphore, #tpu.memory_space<semaphore_mem>>
      %dma_start3A = arith.constant 0 : i32
      %dma_start3A_19 = tpu.memref_slice %arg16[%mul3A_2, %dma_start3A] : memref<10112x128xf32, #tpu.memory_space<vmem_shared>> -> memref<632x128xf32, #tpu.memory_space<vmem_shared>>
      %dma_start3A_20 = arith.constant 0 : i32
      %dma_start3A_21 = tpu.memref_slice %arg5[%mul3A_2, %dma_start3A_20] : memref<10112x128xf32, #tpu.memory_space<hbm>> -> memref<632x128xf32, #tpu.memory_space<hbm>>
      tpu.enqueue_dma source(%dma_start3A_21 : memref<632x128xf32, #tpu.memory_space<hbm>>) target(%dma_start3A_19 : memref<632x128xf32, #tpu.memory_space<vmem_shared>>) target_semaphore(%run_scoped3A : memref<!tpu.dma_semaphore, #tpu.memory_space<semaphore_mem>>)
      %dma_wait3A_22 = arith.constant 0 : i32
      %dma_wait3A_23 = tpu.memref_slice %arg16[%mul3A_2, %dma_wait3A_22] : memref<10112x128xf32, #tpu.memory_space<vmem_shared>> -> memref<632x128xf32, #tpu.memory_space<vmem_shared>>
      %dma_wait3A_24 = arith.constant 0 : i32
      %dma_wait3A_25 = tpu.memref_slice %arg5[%mul3A_2, %dma_wait3A_24] : memref<10112x128xf32, #tpu.memory_space<hbm>> -> memref<632x128xf32, #tpu.memory_space<hbm>>
      tpu.wait_dma2 semaphore(%run_scoped3A : memref<!tpu.dma_semaphore, #tpu.memory_space<semaphore_mem>>) src(%dma_wait3A_25 : memref<632x128xf32, #tpu.memory_space<hbm>>) dst(%dma_wait3A_23 : memref<632x128xf32, #tpu.memory_space<vmem_shared>>)
      tpu.yield
    }) : () -> ()
    %mul3A_3 = arith.constant 81 : i32
    %mul3A_4 = arith.muli %add3A, %mul3A_3 : i32
    %barrier3A = arith.constant 0 : index
    tpu.barrier barrier_id(%barrier3A)
    %scan3A = arith.constant 0 : i32
    %scan3A_5 = arith.constant 0 : i32
    %scan3A_6 = arith.constant 27 : i32
    %scan3A_7 = arith.addi %scan3A_5, %scan3A_6 : i32
    %scan3A_8 = arith.constant 1 : i32
    scf.for %scan3A_19 = %scan3A_5 to %scan3A_7 step %scan3A_8  : i32 {
      %mul3A_20 = arith.constant 3 : i32
      %mul3A_21 = arith.muli %mul3A_20, %scan3A_19 : i32
      %add3A_22 = arith.addi %mul3A_4, %mul3A_21 : i32
      %add3A_23 = arith.constant 0 : i32
      %add3A_24 = arith.addi %add3A_22, %add3A_23 : i32
      %gt3A = arith.constant 0 : i32
      %gt3A_25 = arith.cmpi sgt, %scan3A_19, %gt3A : i32
      %convert_element_type3A = arith.extui %gt3A_25 : i1 to i32
      %cond3A = arith.constant 0 : i32
      %cond3A_26 = arith.cmpi ne, %convert_element_type3A, %cond3A : i32
      scf.if %cond3A_26 {
        %dma_wait3A_79 = arith.constant 0 : i32
        %dma_wait3A_80 = arith.constant 0 : i32
        %dma_wait3A_81 = tpu.memref_slice %arg16[%dma_wait3A_79, %dma_wait3A_80] : memref<10112x128xf32, #tpu.memory_space<vmem_shared>> -> memref<10112x128xf32, #tpu.memory_space<vmem_shared>>
        tpu.wait_indirect_dma semaphore(%arg20 : memref<!tpu.dma_semaphore, #tpu.memory_space<semaphore_mem>>) src(%arg13 : memref<128x128xf32, #tpu.memory_space<vmem>>) dst(%dma_wait3A_81 : memref<10112x128xf32, #tpu.memory_space<vmem_shared>>)
      } else {
      }
      %mul3A_27 = arith.constant 128 : i32
      %mul3A_28 = arith.muli %add3A_24, %mul3A_27 : i32
      "tpu.region"() ({
        %run_scoped3A = tpu.sem_alloc : memref<!tpu.dma_semaphore, #tpu.memory_space<semaphore_mem>>
        %dma_start3A_79 = tpu.memref_slice %arg3[%mul3A_28] : memref<331776xi32, #tpu.memory_space<hbm>> -> memref<128xi32, #tpu.memory_space<hbm>>
        %dma_start3A_80 = tpu.memref_slice %arg3[%mul3A_28] : memref<331776xi32, #tpu.memory_space<hbm>> -> memref<128xi32, #tpu.memory_space<hbm>>
        tpu.enqueue_dma source(%dma_start3A_80 : memref<128xi32, #tpu.memory_space<hbm>>) target(%arg7 : memref<128xi32, #tpu.memory_space<vmem>>) target_semaphore(%run_scoped3A : memref<!tpu.dma_semaphore, #tpu.memory_space<semaphore_mem>>)
        %dma_wait3A_81 = tpu.memref_slice %arg3[%mul3A_28] : memref<331776xi32, #tpu.memory_space<hbm>> -> memref<128xi32, #tpu.memory_space<hbm>>
        %dma_wait3A_82 = tpu.memref_slice %arg3[%mul3A_28] : memref<331776xi32, #tpu.memory_space<hbm>> -> memref<128xi32, #tpu.memory_space<hbm>>
        tpu.wait_dma2 semaphore(%run_scoped3A : memref<!tpu.dma_semaphore, #tpu.memory_space<semaphore_mem>>) src(%dma_wait3A_82 : memref<128xi32, #tpu.memory_space<hbm>>) dst(%arg7 : memref<128xi32, #tpu.memory_space<vmem>>)
        tpu.yield
      }) : () -> ()
      %mul3A_29 = arith.constant 128 : i32
      %mul3A_30 = arith.muli %add3A_24, %mul3A_29 : i32
      "tpu.region"() ({
        %run_scoped3A = tpu.sem_alloc : memref<!tpu.dma_semaphore, #tpu.memory_space<semaphore_mem>>
        %dma_start3A_79 = tpu.memref_slice %arg4[%mul3A_30] : memref<331776xi32, #tpu.memory_space<hbm>> -> memref<128xi32, #tpu.memory_space<hbm>>
        %dma_start3A_80 = tpu.memref_slice %arg4[%mul3A_30] : memref<331776xi32, #tpu.memory_space<hbm>> -> memref<128xi32, #tpu.memory_space<hbm>>
        tpu.enqueue_dma source(%dma_start3A_80 : memref<128xi32, #tpu.memory_space<hbm>>) target(%arg10 : memref<128xi32, #tpu.memory_space<vmem>>) target_semaphore(%run_scoped3A : memref<!tpu.dma_semaphore, #tpu.memory_space<semaphore_mem>>)
        %dma_wait3A_81 = tpu.memref_slice %arg4[%mul3A_30] : memref<331776xi32, #tpu.memory_space<hbm>> -> memref<128xi32, #tpu.memory_space<hbm>>
        %dma_wait3A_82 = tpu.memref_slice %arg4[%mul3A_30] : memref<331776xi32, #tpu.memory_space<hbm>> -> memref<128xi32, #tpu.memory_space<hbm>>
        tpu.wait_dma2 semaphore(%run_scoped3A : memref<!tpu.dma_semaphore, #tpu.memory_space<semaphore_mem>>) src(%dma_wait3A_82 : memref<128xi32, #tpu.memory_space<hbm>>) dst(%arg10 : memref<128xi32, #tpu.memory_space<vmem>>)
        tpu.yield
      }) : () -> ()
      %dma_start3A = arith.constant 0 : i32
      %dma_start3A_31 = arith.constant 0 : i32
      %dma_start3A_32 = tpu.memref_slice %arg2[%dma_start3A, %dma_start3A_31] : memref<10112x128xf32, #tpu.memory_space<hbm>> -> memref<10112x128xf32, #tpu.memory_space<hbm>>
      tpu.enqueue_indirect_dma source(%dma_start3A_32 : memref<10112x128xf32, #tpu.memory_space<hbm>>) target(%arg13 : memref<128x128xf32, #tpu.memory_space<vmem>>) offsets(%arg7 : memref<128xi32, #tpu.memory_space<vmem>>) semaphore(%arg17 : memref<!tpu.dma_semaphore, #tpu.memory_space<semaphore_mem>>)
      %add3A_33 = arith.constant 1 : i32
      %add3A_34 = arith.addi %add3A_22, %add3A_33 : i32
      %gt3A_35 = arith.constant 0 : i32
      %gt3A_36 = arith.cmpi sgt, %scan3A_19, %gt3A_35 : i32
      %convert_element_type3A_37 = arith.extui %gt3A_36 : i1 to i32
      %cond3A_38 = arith.constant 0 : i32
      %cond3A_39 = arith.cmpi ne, %convert_element_type3A_37, %cond3A_38 : i32
      scf.if %cond3A_39 {
        %dma_wait3A_79 = arith.constant 0 : i32
        %dma_wait3A_80 = arith.constant 0 : i32
        %dma_wait3A_81 = tpu.memref_slice %arg16[%dma_wait3A_79, %dma_wait3A_80] : memref<10112x128xf32, #tpu.memory_space<vmem_shared>> -> memref<10112x128xf32, #tpu.memory_space<vmem_shared>>
        tpu.wait_indirect_dma semaphore(%arg21 : memref<!tpu.dma_semaphore, #tpu.memory_space<semaphore_mem>>) src(%arg14 : memref<128x128xf32, #tpu.memory_space<vmem>>) dst(%dma_wait3A_81 : memref<10112x128xf32, #tpu.memory_space<vmem_shared>>)
      } else {
      }
      %mul3A_40 = arith.constant 128 : i32
      %mul3A_41 = arith.muli %add3A_34, %mul3A_40 : i32
      "tpu.region"() ({
        %run_scoped3A = tpu.sem_alloc : memref<!tpu.dma_semaphore, #tpu.memory_space<semaphore_mem>>
        %dma_start3A_79 = tpu.memref_slice %arg3[%mul3A_41] : memref<331776xi32, #tpu.memory_space<hbm>> -> memref<128xi32, #tpu.memory_space<hbm>>
        %dma_start3A_80 = tpu.memref_slice %arg3[%mul3A_41] : memref<331776xi32, #tpu.memory_space<hbm>> -> memref<128xi32, #tpu.memory_space<hbm>>
        tpu.enqueue_dma source(%dma_start3A_80 : memref<128xi32, #tpu.memory_space<hbm>>) target(%arg8 : memref<128xi32, #tpu.memory_space<vmem>>) target_semaphore(%run_scoped3A : memref<!tpu.dma_semaphore, #tpu.memory_space<semaphore_mem>>)
        %dma_wait3A_81 = tpu.memref_slice %arg3[%mul3A_41] : memref<331776xi32, #tpu.memory_space<hbm>> -> memref<128xi32, #tpu.memory_space<hbm>>
        %dma_wait3A_82 = tpu.memref_slice %arg3[%mul3A_41] : memref<331776xi32, #tpu.memory_space<hbm>> -> memref<128xi32, #tpu.memory_space<hbm>>
        tpu.wait_dma2 semaphore(%run_scoped3A : memref<!tpu.dma_semaphore, #tpu.memory_space<semaphore_mem>>) src(%dma_wait3A_82 : memref<128xi32, #tpu.memory_space<hbm>>) dst(%arg8 : memref<128xi32, #tpu.memory_space<vmem>>)
        tpu.yield
      }) : () -> ()
      %mul3A_42 = arith.constant 128 : i32
      %mul3A_43 = arith.muli %add3A_34, %mul3A_42 : i32
      "tpu.region"() ({
        %run_scoped3A = tpu.sem_alloc : memref<!tpu.dma_semaphore, #tpu.memory_space<semaphore_mem>>
        %dma_start3A_79 = tpu.memref_slice %arg4[%mul3A_43] : memref<331776xi32, #tpu.memory_space<hbm>> -> memref<128xi32, #tpu.memory_space<hbm>>
        %dma_start3A_80 = tpu.memref_slice %arg4[%mul3A_43] : memref<331776xi32, #tpu.memory_space<hbm>> -> memref<128xi32, #tpu.memory_space<hbm>>
        tpu.enqueue_dma source(%dma_start3A_80 : memref<128xi32, #tpu.memory_space<hbm>>) target(%arg11 : memref<128xi32, #tpu.memory_space<vmem>>) target_semaphore(%run_scoped3A : memref<!tpu.dma_semaphore, #tpu.memory_space<semaphore_mem>>)
        %dma_wait3A_81 = tpu.memref_slice %arg4[%mul3A_43] : memref<331776xi32, #tpu.memory_space<hbm>> -> memref<128xi32, #tpu.memory_space<hbm>>
        %dma_wait3A_82 = tpu.memref_slice %arg4[%mul3A_43] : memref<331776xi32, #tpu.memory_space<hbm>> -> memref<128xi32, #tpu.memory_space<hbm>>
        tpu.wait_dma2 semaphore(%run_scoped3A : memref<!tpu.dma_semaphore, #tpu.memory_space<semaphore_mem>>) src(%dma_wait3A_82 : memref<128xi32, #tpu.memory_space<hbm>>) dst(%arg11 : memref<128xi32, #tpu.memory_space<vmem>>)
        tpu.yield
      }) : () -> ()
      %dma_start3A_44 = arith.constant 0 : i32
      %dma_start3A_45 = arith.constant 0 : i32
      %dma_start3A_46 = tpu.memref_slice %arg2[%dma_start3A_44, %dma_start3A_45] : memref<10112x128xf32, #tpu.memory_space<hbm>> -> memref<10112x128xf32, #tpu.memory_space<hbm>>
      tpu.enqueue_indirect_dma source(%dma_start3A_46 : memref<10112x128xf32, #tpu.memory_space<hbm>>) target(%arg14 : memref<128x128xf32, #tpu.memory_space<vmem>>) offsets(%arg8 : memref<128xi32, #tpu.memory_space<vmem>>) semaphore(%arg18 : memref<!tpu.dma_semaphore, #tpu.memory_space<semaphore_mem>>)
      %add3A_47 = arith.constant 2 : i32
      %add3A_48 = arith.addi %add3A_22, %add3A_47 : i32
      %gt3A_49 = arith.constant 0 : i32
      %gt3A_50 = arith.cmpi sgt, %scan3A_19, %gt3A_49 : i32
      %convert_element_type3A_51 = arith.extui %gt3A_50 : i1 to i32
      %cond3A_52 = arith.constant 0 : i32
      %cond3A_53 = arith.cmpi ne, %convert_element_type3A_51, %cond3A_52 : i32
      scf.if %cond3A_53 {
        %dma_wait3A_79 = arith.constant 0 : i32
        %dma_wait3A_80 = arith.constant 0 : i32
        %dma_wait3A_81 = tpu.memref_slice %arg16[%dma_wait3A_79, %dma_wait3A_80] : memref<10112x128xf32, #tpu.memory_space<vmem_shared>> -> memref<10112x128xf32, #tpu.memory_space<vmem_shared>>
        tpu.wait_indirect_dma semaphore(%arg22 : memref<!tpu.dma_semaphore, #tpu.memory_space<semaphore_mem>>) src(%arg15 : memref<128x128xf32, #tpu.memory_space<vmem>>) dst(%dma_wait3A_81 : memref<10112x128xf32, #tpu.memory_space<vmem_shared>>)
      } else {
      }
      %mul3A_54 = arith.constant 128 : i32
      %mul3A_55 = arith.muli %add3A_48, %mul3A_54 : i32
      "tpu.region"() ({
        %run_scoped3A = tpu.sem_alloc : memref<!tpu.dma_semaphore, #tpu.memory_space<semaphore_mem>>
        %dma_start3A_79 = tpu.memref_slice %arg3[%mul3A_55] : memref<331776xi32, #tpu.memory_space<hbm>> -> memref<128xi32, #tpu.memory_space<hbm>>
        %dma_start3A_80 = tpu.memref_slice %arg3[%mul3A_55] : memref<331776xi32, #tpu.memory_space<hbm>> -> memref<128xi32, #tpu.memory_space<hbm>>
        tpu.enqueue_dma source(%dma_start3A_80 : memref<128xi32, #tpu.memory_space<hbm>>) target(%arg9 : memref<128xi32, #tpu.memory_space<vmem>>) target_semaphore(%run_scoped3A : memref<!tpu.dma_semaphore, #tpu.memory_space<semaphore_mem>>)
        %dma_wait3A_81 = tpu.memref_slice %arg3[%mul3A_55] : memref<331776xi32, #tpu.memory_space<hbm>> -> memref<128xi32, #tpu.memory_space<hbm>>
        %dma_wait3A_82 = tpu.memref_slice %arg3[%mul3A_55] : memref<331776xi32, #tpu.memory_space<hbm>> -> memref<128xi32, #tpu.memory_space<hbm>>
        tpu.wait_dma2 semaphore(%run_scoped3A : memref<!tpu.dma_semaphore, #tpu.memory_space<semaphore_mem>>) src(%dma_wait3A_82 : memref<128xi32, #tpu.memory_space<hbm>>) dst(%arg9 : memref<128xi32, #tpu.memory_space<vmem>>)
        tpu.yield
      }) : () -> ()
      %mul3A_56 = arith.constant 128 : i32
      %mul3A_57 = arith.muli %add3A_48, %mul3A_56 : i32
      "tpu.region"() ({
        %run_scoped3A = tpu.sem_alloc : memref<!tpu.dma_semaphore, #tpu.memory_space<semaphore_mem>>
        %dma_start3A_79 = tpu.memref_slice %arg4[%mul3A_57] : memref<331776xi32, #tpu.memory_space<hbm>> -> memref<128xi32, #tpu.memory_space<hbm>>
        %dma_start3A_80 = tpu.memref_slice %arg4[%mul3A_57] : memref<331776xi32, #tpu.memory_space<hbm>> -> memref<128xi32, #tpu.memory_space<hbm>>
        tpu.enqueue_dma source(%dma_start3A_80 : memref<128xi32, #tpu.memory_space<hbm>>) target(%arg12 : memref<128xi32, #tpu.memory_space<vmem>>) target_semaphore(%run_scoped3A : memref<!tpu.dma_semaphore, #tpu.memory_space<semaphore_mem>>)
        %dma_wait3A_81 = tpu.memref_slice %arg4[%mul3A_57] : memref<331776xi32, #tpu.memory_space<hbm>> -> memref<128xi32, #tpu.memory_space<hbm>>
        %dma_wait3A_82 = tpu.memref_slice %arg4[%mul3A_57] : memref<331776xi32, #tpu.memory_space<hbm>> -> memref<128xi32, #tpu.memory_space<hbm>>
        tpu.wait_dma2 semaphore(%run_scoped3A : memref<!tpu.dma_semaphore, #tpu.memory_space<semaphore_mem>>) src(%dma_wait3A_82 : memref<128xi32, #tpu.memory_space<hbm>>) dst(%arg12 : memref<128xi32, #tpu.memory_space<vmem>>)
        tpu.yield
      }) : () -> ()
      %dma_start3A_58 = arith.constant 0 : i32
      %dma_start3A_59 = arith.constant 0 : i32
      %dma_start3A_60 = tpu.memref_slice %arg2[%dma_start3A_58, %dma_start3A_59] : memref<10112x128xf32, #tpu.memory_space<hbm>> -> memref<10112x128xf32, #tpu.memory_space<hbm>>
      tpu.enqueue_indirect_dma source(%dma_start3A_60 : memref<10112x128xf32, #tpu.memory_space<hbm>>) target(%arg15 : memref<128x128xf32, #tpu.memory_space<vmem>>) offsets(%arg9 : memref<128xi32, #tpu.memory_space<vmem>>) semaphore(%arg19 : memref<!tpu.dma_semaphore, #tpu.memory_space<semaphore_mem>>)
      %dma_wait3A_61 = arith.constant 0 : i32
      %dma_wait3A_62 = arith.constant 0 : i32
      %dma_wait3A_63 = tpu.memref_slice %arg2[%dma_wait3A_61, %dma_wait3A_62] : memref<10112x128xf32, #tpu.memory_space<hbm>> -> memref<10112x128xf32, #tpu.memory_space<hbm>>
      tpu.wait_indirect_dma semaphore(%arg17 : memref<!tpu.dma_semaphore, #tpu.memory_space<semaphore_mem>>) src(%dma_wait3A_63 : memref<10112x128xf32, #tpu.memory_space<hbm>>) dst(%arg13 : memref<128x128xf32, #tpu.memory_space<vmem>>)
      %dma_start3A_64 = arith.constant 0 : i32
      %dma_start3A_65 = arith.constant 0 : i32
      %dma_start3A_66 = tpu.memref_slice %arg16[%dma_start3A_64, %dma_start3A_65] : memref<10112x128xf32, #tpu.memory_space<vmem_shared>> -> memref<10112x128xf32, #tpu.memory_space<vmem_shared>>
      tpu.enqueue_indirect_dma source(%arg13 : memref<128x128xf32, #tpu.memory_space<vmem>>) target(%dma_start3A_66 : memref<10112x128xf32, #tpu.memory_space<vmem_shared>>) offsets(%arg10 : memref<128xi32, #tpu.memory_space<vmem>>) semaphore(%arg20 : memref<!tpu.dma_semaphore, #tpu.memory_space<semaphore_mem>>) {add = true}
      %dma_wait3A_67 = arith.constant 0 : i32
      %dma_wait3A_68 = arith.constant 0 : i32
      %dma_wait3A_69 = tpu.memref_slice %arg2[%dma_wait3A_67, %dma_wait3A_68] : memref<10112x128xf32, #tpu.memory_space<hbm>> -> memref<10112x128xf32, #tpu.memory_space<hbm>>
      tpu.wait_indirect_dma semaphore(%arg18 : memref<!tpu.dma_semaphore, #tpu.memory_space<semaphore_mem>>) src(%dma_wait3A_69 : memref<10112x128xf32, #tpu.memory_space<hbm>>) dst(%arg14 : memref<128x128xf32, #tpu.memory_space<vmem>>)
      %dma_start3A_70 = arith.constant 0 : i32
      %dma_start3A_71 = arith.constant 0 : i32
      %dma_start3A_72 = tpu.memref_slice %arg16[%dma_start3A_70, %dma_start3A_71] : memref<10112x128xf32, #tpu.memory_space<vmem_shared>> -> memref<10112x128xf32, #tpu.memory_space<vmem_shared>>
      tpu.enqueue_indirect_dma source(%arg14 : memref<128x128xf32, #tpu.memory_space<vmem>>) target(%dma_start3A_72 : memref<10112x128xf32, #tpu.memory_space<vmem_shared>>) offsets(%arg11 : memref<128xi32, #tpu.memory_space<vmem>>) semaphore(%arg21 : memref<!tpu.dma_semaphore, #tpu.memory_space<semaphore_mem>>) {add = true}
      %dma_wait3A_73 = arith.constant 0 : i32
      %dma_wait3A_74 = arith.constant 0 : i32
      %dma_wait3A_75 = tpu.memref_slice %arg2[%dma_wait3A_73, %dma_wait3A_74] : memref<10112x128xf32, #tpu.memory_space<hbm>> -> memref<10112x128xf32, #tpu.memory_space<hbm>>
      tpu.wait_indirect_dma semaphore(%arg19 : memref<!tpu.dma_semaphore, #tpu.memory_space<semaphore_mem>>) src(%dma_wait3A_75 : memref<10112x128xf32, #tpu.memory_space<hbm>>) dst(%arg15 : memref<128x128xf32, #tpu.memory_space<vmem>>)
      %dma_start3A_76 = arith.constant 0 : i32
      %dma_start3A_77 = arith.constant 0 : i32
      %dma_start3A_78 = tpu.memref_slice %arg16[%dma_start3A_76, %dma_start3A_77] : memref<10112x128xf32, #tpu.memory_space<vmem_shared>> -> memref<10112x128xf32, #tpu.memory_space<vmem_shared>>
      tpu.enqueue_indirect_dma source(%arg15 : memref<128x128xf32, #tpu.memory_space<vmem>>) target(%dma_start3A_78 : memref<10112x128xf32, #tpu.memory_space<vmem_shared>>) offsets(%arg12 : memref<128xi32, #tpu.memory_space<vmem>>) semaphore(%arg22 : memref<!tpu.dma_semaphore, #tpu.memory_space<semaphore_mem>>) {add = true}
    }
    %scan3A_9 = arith.constant 27 : i32
    %dma_wait3A = arith.constant 0 : i32
    %dma_wait3A_10 = arith.constant 0 : i32
    %dma_wait3A_11 = tpu.memref_slice %arg16[%dma_wait3A, %dma_wait3A_10] : memref<10112x128xf32, #tpu.memory_space<vmem_shared>> -> memref<10112x128xf32, #tpu.memory_space<vmem_shared>>
    tpu.wait_indirect_dma semaphore(%arg20 : memref<!tpu.dma_semaphore, #tpu.memory_space<semaphore_mem>>) src(%arg13 : memref<128x128xf32, #tpu.memory_space<vmem>>) dst(%dma_wait3A_11 : memref<10112x128xf32, #tpu.memory_space<vmem_shared>>)
    %dma_wait3A_12 = arith.constant 0 : i32
    %dma_wait3A_13 = arith.constant 0 : i32
    %dma_wait3A_14 = tpu.memref_slice %arg16[%dma_wait3A_12, %dma_wait3A_13] : memref<10112x128xf32, #tpu.memory_space<vmem_shared>> -> memref<10112x128xf32, #tpu.memory_space<vmem_shared>>
    tpu.wait_indirect_dma semaphore(%arg21 : memref<!tpu.dma_semaphore, #tpu.memory_space<semaphore_mem>>) src(%arg14 : memref<128x128xf32, #tpu.memory_space<vmem>>) dst(%dma_wait3A_14 : memref<10112x128xf32, #tpu.memory_space<vmem_shared>>)
    %dma_wait3A_15 = arith.constant 0 : i32
    %dma_wait3A_16 = arith.constant 0 : i32
    %dma_wait3A_17 = tpu.memref_slice %arg16[%dma_wait3A_15, %dma_wait3A_16] : memref<10112x128xf32, #tpu.memory_space<vmem_shared>> -> memref<10112x128xf32, #tpu.memory_space<vmem_shared>>
    tpu.wait_indirect_dma semaphore(%arg22 : memref<!tpu.dma_semaphore, #tpu.memory_space<semaphore_mem>>) src(%arg15 : memref<128x128xf32, #tpu.memory_space<vmem>>) dst(%dma_wait3A_17 : memref<10112x128xf32, #tpu.memory_space<vmem_shared>>)
    %barrier3A_18 = arith.constant 0 : index
    tpu.barrier barrier_id(%barrier3A_18)
    "tpu.region"() ({
      %run_scoped3A = tpu.sem_alloc : memref<!tpu.dma_semaphore, #tpu.memory_space<semaphore_mem>>
      %dma_start3A = arith.constant 0 : i32
      %dma_start3A_19 = tpu.memref_slice %arg6[%arg0, %mul3A_2, %dma_start3A] : memref<2x10112x128xf32, #tpu.memory_space<hbm>> -> memref<1x632x128xf32, #tpu.memory_space<hbm>>
      %dma_start3A_20 = tpu.memref_squeeze %dma_start3A_19 : memref<1x632x128xf32, #tpu.memory_space<hbm>> -> memref<632x128xf32, #tpu.memory_space<hbm>>
      %dma_start3A_21 = arith.constant 0 : i32
      %dma_start3A_22 = tpu.memref_slice %arg16[%mul3A_2, %dma_start3A_21] : memref<10112x128xf32, #tpu.memory_space<vmem_shared>> -> memref<632x128xf32, #tpu.memory_space<vmem_shared>>
      tpu.enqueue_dma source(%dma_start3A_22 : memref<632x128xf32, #tpu.memory_space<vmem_shared>>) target(%dma_start3A_20 : memref<632x128xf32, #tpu.memory_space<hbm>>) target_semaphore(%run_scoped3A : memref<!tpu.dma_semaphore, #tpu.memory_space<semaphore_mem>>)
      %dma_wait3A_23 = arith.constant 0 : i32
      %dma_wait3A_24 = tpu.memref_slice %arg6[%arg0, %mul3A_2, %dma_wait3A_23] : memref<2x10112x128xf32, #tpu.memory_space<hbm>> -> memref<1x632x128xf32, #tpu.memory_space<hbm>>
      %dma_wait3A_25 = tpu.memref_squeeze %dma_wait3A_24 : memref<1x632x128xf32, #tpu.memory_space<hbm>> -> memref<632x128xf32, #tpu.memory_space<hbm>>
      %dma_wait3A_26 = arith.constant 0 : i32
      %dma_wait3A_27 = tpu.memref_slice %arg16[%mul3A_2, %dma_wait3A_26] : memref<10112x128xf32, #tpu.memory_space<vmem_shared>> -> memref<632x128xf32, #tpu.memory_space<vmem_shared>>
      tpu.wait_dma2 semaphore(%run_scoped3A : memref<!tpu.dma_semaphore, #tpu.memory_space<semaphore_mem>>) src(%dma_wait3A_27 : memref<632x128xf32, #tpu.memory_space<vmem_shared>>) dst(%dma_wait3A_25 : memref<632x128xf32, #tpu.memory_space<hbm>>)
      tpu.yield
    }) : () -> ()
    return
  }
}

#map = affine_map<(d0, d1) -> (0, 0)>
#map1 = affine_map<(d0, d1) -> (0)>
#map2 = affine_map<(d0, d1) -> (0, 0, 0)>
module attributes {stable_mosaic.version = 14 : i64} {
  func.func @segsum(%arg0: i32, %arg1: i32, %arg2: memref<10112x128xf32, #tpu.memory_space<hbm>>, %arg3: memref<331776xi32, #tpu.memory_space<hbm>>, %arg4: memref<331776xi32, #tpu.memory_space<hbm>>, %arg5: memref<10112x128xf32, #tpu.memory_space<hbm>>, %arg6: memref<2x10112x128xf32, #tpu.memory_space<hbm>>, %arg7: memref<128xi32, #tpu.memory_space<vmem>>, %arg8: memref<128xi32, #tpu.memory_space<vmem>>, %arg9: memref<128xi32, #tpu.memory_space<vmem>>, %arg10: memref<128xi32, #tpu.memory_space<vmem>>, %arg11: memref<128xi32, #tpu.memory_space<vmem>>, %arg12: memref<128xi32, #tpu.memory_space<vmem>>, %arg13: memref<128x128xf32, #tpu.memory_space<vmem>>, %arg14: memref<128x128xf32, #tpu.memory_space<vmem>>, %arg15: memref<128x128xf32, #tpu.memory_space<vmem>>, %arg16: memref<10112x128xf32, #tpu.memory_space<vmem_shared>>, %arg17: memref<!tpu.dma_semaphore, #tpu.memory_space<semaphore_mem>>, %arg18: memref<!tpu.dma_semaphore, #tpu.memory_space<semaphore_mem>>, %arg19: memref<!tpu.dma_semaphore, #tpu.memory_space<semaphore_mem>>, %arg20: memref<!tpu.dma_semaphore, #tpu.memory_space<semaphore_mem>>, %arg21: memref<!tpu.dma_semaphore, #tpu.memory_space<semaphore_mem>>, %arg22: memref<!tpu.dma_semaphore, #tpu.memory_space<semaphore_mem>>) attributes {dimension_semantics = [#tpu.dimension_semantics<core_parallel>, #tpu.dimension_semantics<subcore_parallel>], iteration_bounds = array<i64: 2, 16>, scalar_prefetch = 0 : i64, scratch_operands = 16 : i64, tpu.core_type = #tpu.core_type<sc_vector_subcore>, window_params = [{transform_indices = #map}, {transform_indices = #map1}, {transform_indices = #map1}, {transform_indices = #map}, {transform_indices = #map2}]} {
    %mul3A = arith.constant 2 : i32
    %mul3A_0 = arith.muli %arg1, %mul3A : i32
    %add3A = arith.addi %mul3A_0, %arg0 : i32
    %mul3A_1 = arith.constant 632 : i32
    %mul3A_2 = arith.muli %arg1, %mul3A_1 : i32
    "tpu.region"() ({
      %run_scoped3A = tpu.sem_alloc : memref<!tpu.dma_semaphore, #tpu.memory_space<semaphore_mem>>
      %dma_start3A = arith.constant 0 : i32
      %dma_start3A_19 = tpu.memref_slice %arg16[%mul3A_2, %dma_start3A] : memref<10112x128xf32, #tpu.memory_space<vmem_shared>> -> memref<632x128xf32, #tpu.memory_space<vmem_shared>>
      %dma_start3A_20 = arith.constant 0 : i32
      %dma_start3A_21 = tpu.memref_slice %arg5[%mul3A_2, %dma_start3A_20] : memref<10112x128xf32, #tpu.memory_space<hbm>> -> memref<632x128xf32, #tpu.memory_space<hbm>>
      tpu.enqueue_dma source(%dma_start3A_21 : memref<632x128xf32, #tpu.memory_space<hbm>>) target(%dma_start3A_19 : memref<632x128xf32, #tpu.memory_space<vmem_shared>>) target_semaphore(%run_scoped3A : memref<!tpu.dma_semaphore, #tpu.memory_space<semaphore_mem>>)
      %dma_wait3A_22 = arith.constant 0 : i32
      %dma_wait3A_23 = tpu.memref_slice %arg16[%mul3A_2, %dma_wait3A_22] : memref<10112x128xf32, #tpu.memory_space<vmem_shared>> -> memref<632x128xf32, #tpu.memory_space<vmem_shared>>
      %dma_wait3A_24 = arith.constant 0 : i32
      %dma_wait3A_25 = tpu.memref_slice %arg5[%mul3A_2, %dma_wait3A_24] : memref<10112x128xf32, #tpu.memory_space<hbm>> -> memref<632x128xf32, #tpu.memory_space<hbm>>
      tpu.wait_dma2 semaphore(%run_scoped3A : memref<!tpu.dma_semaphore, #tpu.memory_space<semaphore_mem>>) src(%dma_wait3A_25 : memref<632x128xf32, #tpu.memory_space<hbm>>) dst(%dma_wait3A_23 : memref<632x128xf32, #tpu.memory_space<vmem_shared>>)
      tpu.yield
    }) : () -> ()
    %mul3A_3 = arith.constant 81 : i32
    %mul3A_4 = arith.muli %add3A, %mul3A_3 : i32
    %barrier3A = arith.constant 0 : index
    tpu.barrier barrier_id(%barrier3A)
    %scan3A = arith.constant 0 : i32
    %scan3A_5 = arith.constant 0 : i32
    %scan3A_6 = arith.constant 27 : i32
    %scan3A_7 = arith.addi %scan3A_5, %scan3A_6 : i32
    %scan3A_8 = arith.constant 1 : i32
    scf.for %scan3A_19 = %scan3A_5 to %scan3A_7 step %scan3A_8  : i32 {
      %mul3A_20 = arith.constant 3 : i32
      %mul3A_21 = arith.muli %mul3A_20, %scan3A_19 : i32
      %add3A_22 = arith.addi %mul3A_4, %mul3A_21 : i32
      %add3A_23 = arith.constant 0 : i32
      %add3A_24 = arith.addi %add3A_22, %add3A_23 : i32
      %gt3A = arith.constant 0 : i32
      %gt3A_25 = arith.cmpi sgt, %scan3A_19, %gt3A : i32
      %convert_element_type3A = arith.extui %gt3A_25 : i1 to i32
      %cond3A = arith.constant 0 : i32
      %cond3A_26 = arith.cmpi ne, %convert_element_type3A, %cond3A : i32
      scf.if %cond3A_26 {
        %dma_wait3A_79 = arith.constant 0 : i32
        %dma_wait3A_80 = arith.constant 0 : i32
        %dma_wait3A_81 = tpu.memref_slice %arg16[%dma_wait3A_79, %dma_wait3A_80] : memref<10112x128xf32, #tpu.memory_space<vmem_shared>> -> memref<10112x128xf32, #tpu.memory_space<vmem_shared>>
        tpu.wait_indirect_dma semaphore(%arg20 : memref<!tpu.dma_semaphore, #tpu.memory_space<semaphore_mem>>) src(%arg13 : memref<128x128xf32, #tpu.memory_space<vmem>>) dst(%dma_wait3A_81 : memref<10112x128xf32, #tpu.memory_space<vmem_shared>>)
      } else {
      }
      %mul3A_27 = arith.constant 128 : i32
      %mul3A_28 = arith.muli %add3A_24, %mul3A_27 : i32
      "tpu.region"() ({
        %run_scoped3A = tpu.sem_alloc : memref<!tpu.dma_semaphore, #tpu.memory_space<semaphore_mem>>
        %dma_start3A_79 = tpu.memref_slice %arg3[%mul3A_28] : memref<331776xi32, #tpu.memory_space<hbm>> -> memref<128xi32, #tpu.memory_space<hbm>>
        %dma_start3A_80 = tpu.memref_slice %arg3[%mul3A_28] : memref<331776xi32, #tpu.memory_space<hbm>> -> memref<128xi32, #tpu.memory_space<hbm>>
        tpu.enqueue_dma source(%dma_start3A_80 : memref<128xi32, #tpu.memory_space<hbm>>) target(%arg7 : memref<128xi32, #tpu.memory_space<vmem>>) target_semaphore(%run_scoped3A : memref<!tpu.dma_semaphore, #tpu.memory_space<semaphore_mem>>)
        %dma_wait3A_81 = tpu.memref_slice %arg3[%mul3A_28] : memref<331776xi32, #tpu.memory_space<hbm>> -> memref<128xi32, #tpu.memory_space<hbm>>
        %dma_wait3A_82 = tpu.memref_slice %arg3[%mul3A_28] : memref<331776xi32, #tpu.memory_space<hbm>> -> memref<128xi32, #tpu.memory_space<hbm>>
        tpu.wait_dma2 semaphore(%run_scoped3A : memref<!tpu.dma_semaphore, #tpu.memory_space<semaphore_mem>>) src(%dma_wait3A_82 : memref<128xi32, #tpu.memory_space<hbm>>) dst(%arg7 : memref<128xi32, #tpu.memory_space<vmem>>)
        tpu.yield
      }) : () -> ()
      %mul3A_29 = arith.constant 128 : i32
      %mul3A_30 = arith.muli %add3A_24, %mul3A_29 : i32
      "tpu.region"() ({
        %run_scoped3A = tpu.sem_alloc : memref<!tpu.dma_semaphore, #tpu.memory_space<semaphore_mem>>
        %dma_start3A_79 = tpu.memref_slice %arg4[%mul3A_30] : memref<331776xi32, #tpu.memory_space<hbm>> -> memref<128xi32, #tpu.memory_space<hbm>>
        %dma_start3A_80 = tpu.memref_slice %arg4[%mul3A_30] : memref<331776xi32, #tpu.memory_space<hbm>> -> memref<128xi32, #tpu.memory_space<hbm>>
        tpu.enqueue_dma source(%dma_start3A_80 : memref<128xi32, #tpu.memory_space<hbm>>) target(%arg10 : memref<128xi32, #tpu.memory_space<vmem>>) target_semaphore(%run_scoped3A : memref<!tpu.dma_semaphore, #tpu.memory_space<semaphore_mem>>)
        %dma_wait3A_81 = tpu.memref_slice %arg4[%mul3A_30] : memref<331776xi32, #tpu.memory_space<hbm>> -> memref<128xi32, #tpu.memory_space<hbm>>
        %dma_wait3A_82 = tpu.memref_slice %arg4[%mul3A_30] : memref<331776xi32, #tpu.memory_space<hbm>> -> memref<128xi32, #tpu.memory_space<hbm>>
        tpu.wait_dma2 semaphore(%run_scoped3A : memref<!tpu.dma_semaphore, #tpu.memory_space<semaphore_mem>>) src(%dma_wait3A_82 : memref<128xi32, #tpu.memory_space<hbm>>) dst(%arg10 : memref<128xi32, #tpu.memory_space<vmem>>)
        tpu.yield
      }) : () -> ()
      %dma_start3A = arith.constant 0 : i32
      %dma_start3A_31 = arith.constant 0 : i32
      %dma_start3A_32 = tpu.memref_slice %arg2[%dma_start3A, %dma_start3A_31] : memref<10112x128xf32, #tpu.memory_space<hbm>> -> memref<10112x128xf32, #tpu.memory_space<hbm>>
      tpu.enqueue_indirect_dma source(%dma_start3A_32 : memref<10112x128xf32, #tpu.memory_space<hbm>>) target(%arg13 : memref<128x128xf32, #tpu.memory_space<vmem>>) offsets(%arg7 : memref<128xi32, #tpu.memory_space<vmem>>) semaphore(%arg17 : memref<!tpu.dma_semaphore, #tpu.memory_space<semaphore_mem>>)
      %add3A_33 = arith.constant 1 : i32
      %add3A_34 = arith.addi %add3A_22, %add3A_33 : i32
      %gt3A_35 = arith.constant 0 : i32
      %gt3A_36 = arith.cmpi sgt, %scan3A_19, %gt3A_35 : i32
      %convert_element_type3A_37 = arith.extui %gt3A_36 : i1 to i32
      %cond3A_38 = arith.constant 0 : i32
      %cond3A_39 = arith.cmpi ne, %convert_element_type3A_37, %cond3A_38 : i32
      scf.if %cond3A_39 {
        %dma_wait3A_79 = arith.constant 0 : i32
        %dma_wait3A_80 = arith.constant 0 : i32
        %dma_wait3A_81 = tpu.memref_slice %arg16[%dma_wait3A_79, %dma_wait3A_80] : memref<10112x128xf32, #tpu.memory_space<vmem_shared>> -> memref<10112x128xf32, #tpu.memory_space<vmem_shared>>
        tpu.wait_indirect_dma semaphore(%arg21 : memref<!tpu.dma_semaphore, #tpu.memory_space<semaphore_mem>>) src(%arg14 : memref<128x128xf32, #tpu.memory_space<vmem>>) dst(%dma_wait3A_81 : memref<10112x128xf32, #tpu.memory_space<vmem_shared>>)
      } else {
      }
      %mul3A_40 = arith.constant 128 : i32
      %mul3A_41 = arith.muli %add3A_34, %mul3A_40 : i32
      "tpu.region"() ({
        %run_scoped3A = tpu.sem_alloc : memref<!tpu.dma_semaphore, #tpu.memory_space<semaphore_mem>>
        %dma_start3A_79 = tpu.memref_slice %arg3[%mul3A_41] : memref<331776xi32, #tpu.memory_space<hbm>> -> memref<128xi32, #tpu.memory_space<hbm>>
        %dma_start3A_80 = tpu.memref_slice %arg3[%mul3A_41] : memref<331776xi32, #tpu.memory_space<hbm>> -> memref<128xi32, #tpu.memory_space<hbm>>
        tpu.enqueue_dma source(%dma_start3A_80 : memref<128xi32, #tpu.memory_space<hbm>>) target(%arg8 : memref<128xi32, #tpu.memory_space<vmem>>) target_semaphore(%run_scoped3A : memref<!tpu.dma_semaphore, #tpu.memory_space<semaphore_mem>>)
        %dma_wait3A_81 = tpu.memref_slice %arg3[%mul3A_41] : memref<331776xi32, #tpu.memory_space<hbm>> -> memref<128xi32, #tpu.memory_space<hbm>>
        %dma_wait3A_82 = tpu.memref_slice %arg3[%mul3A_41] : memref<331776xi32, #tpu.memory_space<hbm>> -> memref<128xi32, #tpu.memory_space<hbm>>
        tpu.wait_dma2 semaphore(%run_scoped3A : memref<!tpu.dma_semaphore, #tpu.memory_space<semaphore_mem>>) src(%dma_wait3A_82 : memref<128xi32, #tpu.memory_space<hbm>>) dst(%arg8 : memref<128xi32, #tpu.memory_space<vmem>>)
        tpu.yield
      }) : () -> ()
      %mul3A_42 = arith.constant 128 : i32
      %mul3A_43 = arith.muli %add3A_34, %mul3A_42 : i32
      "tpu.region"() ({
        %run_scoped3A = tpu.sem_alloc : memref<!tpu.dma_semaphore, #tpu.memory_space<semaphore_mem>>
        %dma_start3A_79 = tpu.memref_slice %arg4[%mul3A_43] : memref<331776xi32, #tpu.memory_space<hbm>> -> memref<128xi32, #tpu.memory_space<hbm>>
        %dma_start3A_80 = tpu.memref_slice %arg4[%mul3A_43] : memref<331776xi32, #tpu.memory_space<hbm>> -> memref<128xi32, #tpu.memory_space<hbm>>
        tpu.enqueue_dma source(%dma_start3A_80 : memref<128xi32, #tpu.memory_space<hbm>>) target(%arg11 : memref<128xi32, #tpu.memory_space<vmem>>) target_semaphore(%run_scoped3A : memref<!tpu.dma_semaphore, #tpu.memory_space<semaphore_mem>>)
        %dma_wait3A_81 = tpu.memref_slice %arg4[%mul3A_43] : memref<331776xi32, #tpu.memory_space<hbm>> -> memref<128xi32, #tpu.memory_space<hbm>>
        %dma_wait3A_82 = tpu.memref_slice %arg4[%mul3A_43] : memref<331776xi32, #tpu.memory_space<hbm>> -> memref<128xi32, #tpu.memory_space<hbm>>
        tpu.wait_dma2 semaphore(%run_scoped3A : memref<!tpu.dma_semaphore, #tpu.memory_space<semaphore_mem>>) src(%dma_wait3A_82 : memref<128xi32, #tpu.memory_space<hbm>>) dst(%arg11 : memref<128xi32, #tpu.memory_space<vmem>>)
        tpu.yield
      }) : () -> ()
      %dma_start3A_44 = arith.constant 0 : i32
      %dma_start3A_45 = arith.constant 0 : i32
      %dma_start3A_46 = tpu.memref_slice %arg2[%dma_start3A_44, %dma_start3A_45] : memref<10112x128xf32, #tpu.memory_space<hbm>> -> memref<10112x128xf32, #tpu.memory_space<hbm>>
      tpu.enqueue_indirect_dma source(%dma_start3A_46 : memref<10112x128xf32, #tpu.memory_space<hbm>>) target(%arg14 : memref<128x128xf32, #tpu.memory_space<vmem>>) offsets(%arg8 : memref<128xi32, #tpu.memory_space<vmem>>) semaphore(%arg18 : memref<!tpu.dma_semaphore, #tpu.memory_space<semaphore_mem>>)
      %add3A_47 = arith.constant 2 : i32
      %add3A_48 = arith.addi %add3A_22, %add3A_47 : i32
      %gt3A_49 = arith.constant 0 : i32
      %gt3A_50 = arith.cmpi sgt, %scan3A_19, %gt3A_49 : i32
      %convert_element_type3A_51 = arith.extui %gt3A_50 : i1 to i32
      %cond3A_52 = arith.constant 0 : i32
      %cond3A_53 = arith.cmpi ne, %convert_element_type3A_51, %cond3A_52 : i32
      scf.if %cond3A_53 {
        %dma_wait3A_79 = arith.constant 0 : i32
        %dma_wait3A_80 = arith.constant 0 : i32
        %dma_wait3A_81 = tpu.memref_slice %arg16[%dma_wait3A_79, %dma_wait3A_80] : memref<10112x128xf32, #tpu.memory_space<vmem_shared>> -> memref<10112x128xf32, #tpu.memory_space<vmem_shared>>
        tpu.wait_indirect_dma semaphore(%arg22 : memref<!tpu.dma_semaphore, #tpu.memory_space<semaphore_mem>>) src(%arg15 : memref<128x128xf32, #tpu.memory_space<vmem>>) dst(%dma_wait3A_81 : memref<10112x128xf32, #tpu.memory_space<vmem_shared>>)
      } else {
      }
      %mul3A_54 = arith.constant 128 : i32
      %mul3A_55 = arith.muli %add3A_48, %mul3A_54 : i32
      "tpu.region"() ({
        %run_scoped3A = tpu.sem_alloc : memref<!tpu.dma_semaphore, #tpu.memory_space<semaphore_mem>>
        %dma_start3A_79 = tpu.memref_slice %arg3[%mul3A_55] : memref<331776xi32, #tpu.memory_space<hbm>> -> memref<128xi32, #tpu.memory_space<hbm>>
        %dma_start3A_80 = tpu.memref_slice %arg3[%mul3A_55] : memref<331776xi32, #tpu.memory_space<hbm>> -> memref<128xi32, #tpu.memory_space<hbm>>
        tpu.enqueue_dma source(%dma_start3A_80 : memref<128xi32, #tpu.memory_space<hbm>>) target(%arg9 : memref<128xi32, #tpu.memory_space<vmem>>) target_semaphore(%run_scoped3A : memref<!tpu.dma_semaphore, #tpu.memory_space<semaphore_mem>>)
        %dma_wait3A_81 = tpu.memref_slice %arg3[%mul3A_55] : memref<331776xi32, #tpu.memory_space<hbm>> -> memref<128xi32, #tpu.memory_space<hbm>>
        %dma_wait3A_82 = tpu.memref_slice %arg3[%mul3A_55] : memref<331776xi32, #tpu.memory_space<hbm>> -> memref<128xi32, #tpu.memory_space<hbm>>
        tpu.wait_dma2 semaphore(%run_scoped3A : memref<!tpu.dma_semaphore, #tpu.memory_space<semaphore_mem>>) src(%dma_wait3A_82 : memref<128xi32, #tpu.memory_space<hbm>>) dst(%arg9 : memref<128xi32, #tpu.memory_space<vmem>>)
        tpu.yield
      }) : () -> ()
      %mul3A_56 = arith.constant 128 : i32
      %mul3A_57 = arith.muli %add3A_48, %mul3A_56 : i32
      "tpu.region"() ({
        %run_scoped3A = tpu.sem_alloc : memref<!tpu.dma_semaphore, #tpu.memory_space<semaphore_mem>>
        %dma_start3A_79 = tpu.memref_slice %arg4[%mul3A_57] : memref<331776xi32, #tpu.memory_space<hbm>> -> memref<128xi32, #tpu.memory_space<hbm>>
        %dma_start3A_80 = tpu.memref_slice %arg4[%mul3A_57] : memref<331776xi32, #tpu.memory_space<hbm>> -> memref<128xi32, #tpu.memory_space<hbm>>
        tpu.enqueue_dma source(%dma_start3A_80 : memref<128xi32, #tpu.memory_space<hbm>>) target(%arg12 : memref<128xi32, #tpu.memory_space<vmem>>) target_semaphore(%run_scoped3A : memref<!tpu.dma_semaphore, #tpu.memory_space<semaphore_mem>>)
        %dma_wait3A_81 = tpu.memref_slice %arg4[%mul3A_57] : memref<331776xi32, #tpu.memory_space<hbm>> -> memref<128xi32, #tpu.memory_space<hbm>>
        %dma_wait3A_82 = tpu.memref_slice %arg4[%mul3A_57] : memref<331776xi32, #tpu.memory_space<hbm>> -> memref<128xi32, #tpu.memory_space<hbm>>
        tpu.wait_dma2 semaphore(%run_scoped3A : memref<!tpu.dma_semaphore, #tpu.memory_space<semaphore_mem>>) src(%dma_wait3A_82 : memref<128xi32, #tpu.memory_space<hbm>>) dst(%arg12 : memref<128xi32, #tpu.memory_space<vmem>>)
        tpu.yield
      }) : () -> ()
      %dma_start3A_58 = arith.constant 0 : i32
      %dma_start3A_59 = arith.constant 0 : i32
      %dma_start3A_60 = tpu.memref_slice %arg2[%dma_start3A_58, %dma_start3A_59] : memref<10112x128xf32, #tpu.memory_space<hbm>> -> memref<10112x128xf32, #tpu.memory_space<hbm>>
      tpu.enqueue_indirect_dma source(%dma_start3A_60 : memref<10112x128xf32, #tpu.memory_space<hbm>>) target(%arg15 : memref<128x128xf32, #tpu.memory_space<vmem>>) offsets(%arg9 : memref<128xi32, #tpu.memory_space<vmem>>) semaphore(%arg19 : memref<!tpu.dma_semaphore, #tpu.memory_space<semaphore_mem>>)
      %dma_wait3A_61 = arith.constant 0 : i32
      %dma_wait3A_62 = arith.constant 0 : i32
      %dma_wait3A_63 = tpu.memref_slice %arg2[%dma_wait3A_61, %dma_wait3A_62] : memref<10112x128xf32, #tpu.memory_space<hbm>> -> memref<10112x128xf32, #tpu.memory_space<hbm>>
      tpu.wait_indirect_dma semaphore(%arg17 : memref<!tpu.dma_semaphore, #tpu.memory_space<semaphore_mem>>) src(%dma_wait3A_63 : memref<10112x128xf32, #tpu.memory_space<hbm>>) dst(%arg13 : memref<128x128xf32, #tpu.memory_space<vmem>>)
      %dma_start3A_64 = arith.constant 0 : i32
      %dma_start3A_65 = arith.constant 0 : i32
      %dma_start3A_66 = tpu.memref_slice %arg16[%dma_start3A_64, %dma_start3A_65] : memref<10112x128xf32, #tpu.memory_space<vmem_shared>> -> memref<10112x128xf32, #tpu.memory_space<vmem_shared>>
      tpu.enqueue_indirect_dma source(%arg13 : memref<128x128xf32, #tpu.memory_space<vmem>>) target(%dma_start3A_66 : memref<10112x128xf32, #tpu.memory_space<vmem_shared>>) offsets(%arg10 : memref<128xi32, #tpu.memory_space<vmem>>) semaphore(%arg20 : memref<!tpu.dma_semaphore, #tpu.memory_space<semaphore_mem>>) {add = true}
      %dma_wait3A_67 = arith.constant 0 : i32
      %dma_wait3A_68 = arith.constant 0 : i32
      %dma_wait3A_69 = tpu.memref_slice %arg2[%dma_wait3A_67, %dma_wait3A_68] : memref<10112x128xf32, #tpu.memory_space<hbm>> -> memref<10112x128xf32, #tpu.memory_space<hbm>>
      tpu.wait_indirect_dma semaphore(%arg18 : memref<!tpu.dma_semaphore, #tpu.memory_space<semaphore_mem>>) src(%dma_wait3A_69 : memref<10112x128xf32, #tpu.memory_space<hbm>>) dst(%arg14 : memref<128x128xf32, #tpu.memory_space<vmem>>)
      %dma_start3A_70 = arith.constant 0 : i32
      %dma_start3A_71 = arith.constant 0 : i32
      %dma_start3A_72 = tpu.memref_slice %arg16[%dma_start3A_70, %dma_start3A_71] : memref<10112x128xf32, #tpu.memory_space<vmem_shared>> -> memref<10112x128xf32, #tpu.memory_space<vmem_shared>>
      tpu.enqueue_indirect_dma source(%arg14 : memref<128x128xf32, #tpu.memory_space<vmem>>) target(%dma_start3A_72 : memref<10112x128xf32, #tpu.memory_space<vmem_shared>>) offsets(%arg11 : memref<128xi32, #tpu.memory_space<vmem>>) semaphore(%arg21 : memref<!tpu.dma_semaphore, #tpu.memory_space<semaphore_mem>>) {add = true}
      %dma_wait3A_73 = arith.constant 0 : i32
      %dma_wait3A_74 = arith.constant 0 : i32
      %dma_wait3A_75 = tpu.memref_slice %arg2[%dma_wait3A_73, %dma_wait3A_74] : memref<10112x128xf32, #tpu.memory_space<hbm>> -> memref<10112x128xf32, #tpu.memory_space<hbm>>
      tpu.wait_indirect_dma semaphore(%arg19 : memref<!tpu.dma_semaphore, #tpu.memory_space<semaphore_mem>>) src(%dma_wait3A_75 : memref<10112x128xf32, #tpu.memory_space<hbm>>) dst(%arg15 : memref<128x128xf32, #tpu.memory_space<vmem>>)
      %dma_start3A_76 = arith.constant 0 : i32
      %dma_start3A_77 = arith.constant 0 : i32
      %dma_start3A_78 = tpu.memref_slice %arg16[%dma_start3A_76, %dma_start3A_77] : memref<10112x128xf32, #tpu.memory_space<vmem_shared>> -> memref<10112x128xf32, #tpu.memory_space<vmem_shared>>
      tpu.enqueue_indirect_dma source(%arg15 : memref<128x128xf32, #tpu.memory_space<vmem>>) target(%dma_start3A_78 : memref<10112x128xf32, #tpu.memory_space<vmem_shared>>) offsets(%arg12 : memref<128xi32, #tpu.memory_space<vmem>>) semaphore(%arg22 : memref<!tpu.dma_semaphore, #tpu.memory_space<semaphore_mem>>) {add = true}
    }
    %scan3A_9 = arith.constant 27 : i32
    %dma_wait3A = arith.constant 0 : i32
    %dma_wait3A_10 = arith.constant 0 : i32
    %dma_wait3A_11 = tpu.memref_slice %arg16[%dma_wait3A, %dma_wait3A_10] : memref<10112x128xf32, #tpu.memory_space<vmem_shared>> -> memref<10112x128xf32, #tpu.memory_space<vmem_shared>>
    tpu.wait_indirect_dma semaphore(%arg20 : memref<!tpu.dma_semaphore, #tpu.memory_space<semaphore_mem>>) src(%arg13 : memref<128x128xf32, #tpu.memory_space<vmem>>) dst(%dma_wait3A_11 : memref<10112x128xf32, #tpu.memory_space<vmem_shared>>)
    %dma_wait3A_12 = arith.constant 0 : i32
    %dma_wait3A_13 = arith.constant 0 : i32
    %dma_wait3A_14 = tpu.memref_slice %arg16[%dma_wait3A_12, %dma_wait3A_13] : memref<10112x128xf32, #tpu.memory_space<vmem_shared>> -> memref<10112x128xf32, #tpu.memory_space<vmem_shared>>
    tpu.wait_indirect_dma semaphore(%arg21 : memref<!tpu.dma_semaphore, #tpu.memory_space<semaphore_mem>>) src(%arg14 : memref<128x128xf32, #tpu.memory_space<vmem>>) dst(%dma_wait3A_14 : memref<10112x128xf32, #tpu.memory_space<vmem_shared>>)
    %dma_wait3A_15 = arith.constant 0 : i32
    %dma_wait3A_16 = arith.constant 0 : i32
    %dma_wait3A_17 = tpu.memref_slice %arg16[%dma_wait3A_15, %dma_wait3A_16] : memref<10112x128xf32, #tpu.memory_space<vmem_shared>> -> memref<10112x128xf32, #tpu.memory_space<vmem_shared>>
    tpu.wait_indirect_dma semaphore(%arg22 : memref<!tpu.dma_semaphore, #tpu.memory_space<semaphore_mem>>) src(%arg15 : memref<128x128xf32, #tpu.memory_space<vmem>>) dst(%dma_wait3A_17 : memref<10112x128xf32, #tpu.memory_space<vmem_shared>>)
    %barrier3A_18 = arith.constant 0 : index
    tpu.barrier barrier_id(%barrier3A_18)
    "tpu.region"() ({
      %run_scoped3A = tpu.sem_alloc : memref<!tpu.dma_semaphore, #tpu.memory_space<semaphore_mem>>
      %dma_start3A = arith.constant 0 : i32
      %dma_start3A_19 = tpu.memref_slice %arg6[%arg0, %mul3A_2, %dma_start3A] : memref<2x10112x128xf32, #tpu.memory_space<hbm>> -> memref<1x632x128xf32, #tpu.memory_space<hbm>>
      %dma_start3A_20 = tpu.memref_squeeze %dma_start3A_19 : memref<1x632x128xf32, #tpu.memory_space<hbm>> -> memref<632x128xf32, #tpu.memory_space<hbm>>
      %dma_start3A_21 = arith.constant 0 : i32
      %dma_start3A_22 = tpu.memref_slice %arg16[%mul3A_2, %dma_start3A_21] : memref<10112x128xf32, #tpu.memory_space<vmem_shared>> -> memref<632x128xf32, #tpu.memory_space<vmem_shared>>
      tpu.enqueue_dma source(%dma_start3A_22 : memref<632x128xf32, #tpu.memory_space<vmem_shared>>) target(%dma_start3A_20 : memref<632x128xf32, #tpu.memory_space<hbm>>) target_semaphore(%run_scoped3A : memref<!tpu.dma_semaphore, #tpu.memory_space<semaphore_mem>>)
      %dma_wait3A_23 = arith.constant 0 : i32
      %dma_wait3A_24 = tpu.memref_slice %arg6[%arg0, %mul3A_2, %dma_wait3A_23] : memref<2x10112x128xf32, #tpu.memory_space<hbm>> -> memref<1x632x128xf32, #tpu.memory_space<hbm>>
      %dma_wait3A_25 = tpu.memref_squeeze %dma_wait3A_24 : memref<1x632x128xf32, #tpu.memory_space<hbm>> -> memref<632x128xf32, #tpu.memory_space<hbm>>
      %dma_wait3A_26 = arith.constant 0 : i32
      %dma_wait3A_27 = tpu.memref_slice %arg16[%mul3A_2, %dma_wait3A_26] : memref<10112x128xf32, #tpu.memory_space<vmem_shared>> -> memref<632x128xf32, #tpu.memory_space<vmem_shared>>
      tpu.wait_dma2 semaphore(%run_scoped3A : memref<!tpu.dma_semaphore, #tpu.memory_space<semaphore_mem>>) src(%dma_wait3A_27 : memref<632x128xf32, #tpu.memory_space<vmem_shared>>) dst(%dma_wait3A_25 : memref<632x128xf32, #tpu.memory_space<hbm>>)
      tpu.yield
    }) : () -> ()
    return
  }
}

module attributes {stable_mosaic.version = 14 : i64} {
  func.func @body(%arg0: i32, %arg1: memref<2x1264x128xf32, #tpu.memory_space<vmem>>, %arg2: memref<1264x128xf32, #tpu.memory_space<vmem>>, %arg3: memref<1264x1xf32, #tpu.memory_space<vmem>>, %arg4: memref<128x128xf32, #tpu.memory_space<vmem>>, %arg5: memref<128x128xf32, #tpu.memory_space<vmem>>, %arg6: memref<1x128xf32, #tpu.memory_space<vmem>>, %arg7: memref<1264x128xf32, #tpu.memory_space<vmem>>) attributes {dimension_semantics = [#tpu.dimension_semantics<arbitrary>], iteration_bounds = array<i64: 8>, scalar_prefetch = 0 : i64, scratch_operands = 0 : i64, tpu.core_type = #tpu.core_type<tc>, window_params = [{transform_indices = @transform_0, window_bounds = array<i64: 2, 1264, 128>}, {transform_indices = @transform_1, window_bounds = array<i64: 1264, 128>}, {transform_indices = @transform_2, window_bounds = array<i64: 1264, 1>}, {pipeline_mode = #tpu.pipeline_mode<synchronous>, transform_indices = @transform_3, window_bounds = array<i64: 128, 128>}, {pipeline_mode = #tpu.pipeline_mode<synchronous>, transform_indices = @transform_4, window_bounds = array<i64: 128, 128>}, {pipeline_mode = #tpu.pipeline_mode<synchronous>, transform_indices = @transform_5, window_bounds = array<i64: 1, 128>}, {transform_indices = @transform_6, window_bounds = array<i64: 1264, 128>}]} {
    %get3A = arith.constant 0 : index
    %get3A_0 = arith.constant 0 : index
    %get3A_1 = vector.load %arg3[%get3A, %get3A_0] : memref<1264x1xf32, #tpu.memory_space<vmem>>, vector<1264x1xf32>
    %max3A = arith.constant 1.000000e+00 : f32
    %max3A_2 = vector.broadcast %max3A : f32 to vector<1264x1xf32>
    %max3A_3 = arith.maximumf %get3A_1, %max3A_2 : vector<1264x1xf32>
    %div3A = arith.constant 1.000000e+00 : f32
    %div3A_4 = vector.broadcast %div3A : f32 to vector<1264x1xf32>
    %div3A_5 = arith.divf %div3A_4, %max3A_3 : vector<1264x1xf32>
    %get3A_6 = arith.constant 0 : index
    %get3A_7 = arith.constant 0 : index
    %get3A_8 = arith.constant 0 : index
    %get3A_9 = vector.load %arg1[%get3A_6, %get3A_7, %get3A_8] : memref<2x1264x128xf32, #tpu.memory_space<vmem>>, vector<1x1264x128xf32>
    %get3A_10 = vector.shape_cast %get3A_9 : vector<1x1264x128xf32> to vector<1264x128xf32>
    %get3A_11 = arith.constant 1 : index
    %get3A_12 = arith.constant 0 : index
    %get3A_13 = arith.constant 0 : index
    %get3A_14 = vector.load %arg1[%get3A_11, %get3A_12, %get3A_13] : memref<2x1264x128xf32, #tpu.memory_space<vmem>>, vector<1x1264x128xf32>
    %get3A_15 = vector.shape_cast %get3A_14 : vector<1x1264x128xf32> to vector<1264x128xf32>
    %add3A = arith.addf %get3A_10, %get3A_15 : vector<1264x128xf32>
    %mul3A = vector.broadcast %div3A_5 : vector<1264x1xf32> to vector<1264x128xf32>
    %mul3A_16 = arith.mulf %add3A, %mul3A : vector<1264x128xf32>
    %get3A_17 = arith.constant 0 : index
    %get3A_18 = arith.constant 0 : index
    %get3A_19 = vector.load %arg4[%get3A_17, %get3A_18] : memref<128x128xf32, #tpu.memory_space<vmem>>, vector<128x128xf32>
    %dot_general3A = arith.constant dense<0.000000e+00> : vector<1264x128xf32>
    %dot_general3A_20 = tpu.matmul %mul3A_16, %get3A_19, %dot_general3A {dimension_numbers = #tpu.dot_dimension_numbers<[1], [0], [0], [1], [0, 0, 1, 1], [], []>, transpose_lhs_hint = false} : vector<1264x128xf32>, vector<128x128xf32>, vector<1264x128xf32> -> vector<1264x128xf32>
    %get3A_21 = arith.constant 0 : index
    %get3A_22 = arith.constant 0 : index
    %get3A_23 = vector.load %arg2[%get3A_21, %get3A_22] : memref<1264x128xf32, #tpu.memory_space<vmem>>, vector<1264x128xf32>
    %get3A_24 = arith.constant 0 : index
    %get3A_25 = arith.constant 0 : index
    %get3A_26 = vector.load %arg5[%get3A_24, %get3A_25] : memref<128x128xf32, #tpu.memory_space<vmem>>, vector<128x128xf32>
    %dot_general3A_27 = arith.constant dense<0.000000e+00> : vector<1264x128xf32>
    %dot_general3A_28 = tpu.matmul %get3A_23, %get3A_26, %dot_general3A_27 {dimension_numbers = #tpu.dot_dimension_numbers<[1], [0], [0], [1], [0, 0, 1, 1], [], []>, transpose_lhs_hint = false} : vector<1264x128xf32>, vector<128x128xf32>, vector<1264x128xf32> -> vector<1264x128xf32>
    %add3A_29 = arith.addf %dot_general3A_20, %dot_general3A_28 : vector<1264x128xf32>
    %get3A_30 = arith.constant 0 : index
    %get3A_31 = arith.constant 0 : index
    %get3A_32 = vector.load %arg6[%get3A_30, %get3A_31] : memref<1x128xf32, #tpu.memory_space<vmem>>, vector<1x128xf32>
    %add3A_33 = vector.broadcast %get3A_32 : vector<1x128xf32> to vector<1264x128xf32>
    %add3A_34 = arith.addf %add3A_29, %add3A_33 : vector<1264x128xf32>
    %max3A_35 = arith.constant 0.000000e+00 : f32
    %max3A_36 = vector.broadcast %max3A_35 : f32 to vector<1264x128xf32>
    %max3A_37 = arith.maximumf %add3A_34, %max3A_36 : vector<1264x128xf32>
    %swap3A = arith.constant 0 : index
    %swap3A_38 = arith.constant 0 : index
    %swap3A_39 = vector.load %arg7[%swap3A, %swap3A_38] : memref<1264x128xf32, #tpu.memory_space<vmem>>, vector<1264x128xf32>
    tpu.vector_store %arg7[%swap3A, %swap3A_38], %max3A_37 {strides = array<i32>} : memref<1264x128xf32, #tpu.memory_space<vmem>>, vector<1264x128xf32>,
    return
  }
  func.func @transform_0(%arg0: i32) -> (i32, i32, i32) {
    %c0_i32 = arith.constant 0 : i32
    %c0_i32_0 = arith.constant 0 : i32
    %c0_i32_1 = arith.constant 0 : i32
    return %c0_i32, %arg0, %c0_i32_0 : i32, i32, i32
  }
  func.func @transform_1(%arg0: i32) -> (i32, i32) {
    %c0_i32 = arith.constant 0 : i32
    %c0_i32_0 = arith.constant 0 : i32
    return %arg0, %c0_i32 : i32, i32
  }
  func.func @transform_2(%arg0: i32) -> (i32, i32) {
    %c0_i32 = arith.constant 0 : i32
    %c0_i32_0 = arith.constant 0 : i32
    return %arg0, %c0_i32 : i32, i32
  }
  func.func @transform_3(%arg0: i32) -> (i32, i32) {
    %c0_i32 = arith.constant 0 : i32
    %c0_i32_0 = arith.constant 0 : i32
    %c0_i32_1 = arith.constant 0 : i32
    return %c0_i32, %c0_i32_0 : i32, i32
  }
  func.func @transform_4(%arg0: i32) -> (i32, i32) {
    %c0_i32 = arith.constant 0 : i32
    %c0_i32_0 = arith.constant 0 : i32
    %c0_i32_1 = arith.constant 0 : i32
    return %c0_i32, %c0_i32_0 : i32, i32
  }
  func.func @transform_5(%arg0: i32) -> (i32, i32) {
    %c0_i32 = arith.constant 0 : i32
    %c0_i32_0 = arith.constant 0 : i32
    %c0_i32_1 = arith.constant 0 : i32
    return %c0_i32, %c0_i32_0 : i32, i32
  }
  func.func @transform_6(%arg0: i32) -> (i32, i32) {
    %c0_i32 = arith.constant 0 : i32
    %c0_i32_0 = arith.constant 0 : i32
    return %arg0, %c0_i32 : i32, i32
  }
}

module attributes {stable_mosaic.version = 14 : i64} {
  func.func @body(%arg0: i32, %arg1: memref<2x1264x128xf32, #tpu.memory_space<vmem>>, %arg2: memref<1264x128xf32, #tpu.memory_space<vmem>>, %arg3: memref<1264x1xf32, #tpu.memory_space<vmem>>, %arg4: memref<128x128xf32, #tpu.memory_space<vmem>>, %arg5: memref<128x128xf32, #tpu.memory_space<vmem>>, %arg6: memref<1x128xf32, #tpu.memory_space<vmem>>, %arg7: memref<1264x128xf32, #tpu.memory_space<vmem>>) attributes {dimension_semantics = [#tpu.dimension_semantics<arbitrary>], iteration_bounds = array<i64: 8>, scalar_prefetch = 0 : i64, scratch_operands = 0 : i64, tpu.core_type = #tpu.core_type<tc>, window_params = [{transform_indices = @transform_0, window_bounds = array<i64: 2, 1264, 128>}, {transform_indices = @transform_1, window_bounds = array<i64: 1264, 128>}, {transform_indices = @transform_2, window_bounds = array<i64: 1264, 1>}, {pipeline_mode = #tpu.pipeline_mode<synchronous>, transform_indices = @transform_3, window_bounds = array<i64: 128, 128>}, {pipeline_mode = #tpu.pipeline_mode<synchronous>, transform_indices = @transform_4, window_bounds = array<i64: 128, 128>}, {pipeline_mode = #tpu.pipeline_mode<synchronous>, transform_indices = @transform_5, window_bounds = array<i64: 1, 128>}, {transform_indices = @transform_6, window_bounds = array<i64: 1264, 128>}]} {
    %get3A = arith.constant 0 : index
    %get3A_0 = arith.constant 0 : index
    %get3A_1 = vector.load %arg3[%get3A, %get3A_0] : memref<1264x1xf32, #tpu.memory_space<vmem>>, vector<1264x1xf32>
    %max3A = arith.constant 1.000000e+00 : f32
    %max3A_2 = vector.broadcast %max3A : f32 to vector<1264x1xf32>
    %max3A_3 = arith.maximumf %get3A_1, %max3A_2 : vector<1264x1xf32>
    %div3A = arith.constant 1.000000e+00 : f32
    %div3A_4 = vector.broadcast %div3A : f32 to vector<1264x1xf32>
    %div3A_5 = arith.divf %div3A_4, %max3A_3 : vector<1264x1xf32>
    %get3A_6 = arith.constant 0 : index
    %get3A_7 = arith.constant 0 : index
    %get3A_8 = arith.constant 0 : index
    %get3A_9 = vector.load %arg1[%get3A_6, %get3A_7, %get3A_8] : memref<2x1264x128xf32, #tpu.memory_space<vmem>>, vector<1x1264x128xf32>
    %get3A_10 = vector.shape_cast %get3A_9 : vector<1x1264x128xf32> to vector<1264x128xf32>
    %get3A_11 = arith.constant 1 : index
    %get3A_12 = arith.constant 0 : index
    %get3A_13 = arith.constant 0 : index
    %get3A_14 = vector.load %arg1[%get3A_11, %get3A_12, %get3A_13] : memref<2x1264x128xf32, #tpu.memory_space<vmem>>, vector<1x1264x128xf32>
    %get3A_15 = vector.shape_cast %get3A_14 : vector<1x1264x128xf32> to vector<1264x128xf32>
    %add3A = arith.addf %get3A_10, %get3A_15 : vector<1264x128xf32>
    %mul3A = vector.broadcast %div3A_5 : vector<1264x1xf32> to vector<1264x128xf32>
    %mul3A_16 = arith.mulf %add3A, %mul3A : vector<1264x128xf32>
    %get3A_17 = arith.constant 0 : index
    %get3A_18 = arith.constant 0 : index
    %get3A_19 = vector.load %arg4[%get3A_17, %get3A_18] : memref<128x128xf32, #tpu.memory_space<vmem>>, vector<128x128xf32>
    %dot_general3A = arith.constant dense<0.000000e+00> : vector<1264x128xf32>
    %dot_general3A_20 = tpu.matmul %mul3A_16, %get3A_19, %dot_general3A {dimension_numbers = #tpu.dot_dimension_numbers<[1], [0], [0], [1], [0, 0, 1, 1], [], []>, transpose_lhs_hint = false} : vector<1264x128xf32>, vector<128x128xf32>, vector<1264x128xf32> -> vector<1264x128xf32>
    %get3A_21 = arith.constant 0 : index
    %get3A_22 = arith.constant 0 : index
    %get3A_23 = vector.load %arg2[%get3A_21, %get3A_22] : memref<1264x128xf32, #tpu.memory_space<vmem>>, vector<1264x128xf32>
    %get3A_24 = arith.constant 0 : index
    %get3A_25 = arith.constant 0 : index
    %get3A_26 = vector.load %arg5[%get3A_24, %get3A_25] : memref<128x128xf32, #tpu.memory_space<vmem>>, vector<128x128xf32>
    %dot_general3A_27 = arith.constant dense<0.000000e+00> : vector<1264x128xf32>
    %dot_general3A_28 = tpu.matmul %get3A_23, %get3A_26, %dot_general3A_27 {dimension_numbers = #tpu.dot_dimension_numbers<[1], [0], [0], [1], [0, 0, 1, 1], [], []>, transpose_lhs_hint = false} : vector<1264x128xf32>, vector<128x128xf32>, vector<1264x128xf32> -> vector<1264x128xf32>
    %add3A_29 = arith.addf %dot_general3A_20, %dot_general3A_28 : vector<1264x128xf32>
    %get3A_30 = arith.constant 0 : index
    %get3A_31 = arith.constant 0 : index
    %get3A_32 = vector.load %arg6[%get3A_30, %get3A_31] : memref<1x128xf32, #tpu.memory_space<vmem>>, vector<1x128xf32>
    %add3A_33 = vector.broadcast %get3A_32 : vector<1x128xf32> to vector<1264x128xf32>
    %add3A_34 = arith.addf %add3A_29, %add3A_33 : vector<1264x128xf32>
    %swap3A = arith.constant 0 : index
    %swap3A_35 = arith.constant 0 : index
    %swap3A_36 = vector.load %arg7[%swap3A, %swap3A_35] : memref<1264x128xf32, #tpu.memory_space<vmem>>, vector<1264x128xf32>
    tpu.vector_store %arg7[%swap3A, %swap3A_35], %add3A_34 {strides = array<i32>} : memref<1264x128xf32, #tpu.memory_space<vmem>>, vector<1264x128xf32>,
    return
  }
  func.func @transform_0(%arg0: i32) -> (i32, i32, i32) {
    %c0_i32 = arith.constant 0 : i32
    %c0_i32_0 = arith.constant 0 : i32
    %c0_i32_1 = arith.constant 0 : i32
    return %c0_i32, %arg0, %c0_i32_0 : i32, i32, i32
  }
  func.func @transform_1(%arg0: i32) -> (i32, i32) {
    %c0_i32 = arith.constant 0 : i32
    %c0_i32_0 = arith.constant 0 : i32
    return %arg0, %c0_i32 : i32, i32
  }
  func.func @transform_2(%arg0: i32) -> (i32, i32) {
    %c0_i32 = arith.constant 0 : i32
    %c0_i32_0 = arith.constant 0 : i32
    return %arg0, %c0_i32 : i32, i32
  }
  func.func @transform_3(%arg0: i32) -> (i32, i32) {
    %c0_i32 = arith.constant 0 : i32
    %c0_i32_0 = arith.constant 0 : i32
    %c0_i32_1 = arith.constant 0 : i32
    return %c0_i32, %c0_i32_0 : i32, i32
  }
  func.func @transform_4(%arg0: i32) -> (i32, i32) {
    %c0_i32 = arith.constant 0 : i32
    %c0_i32_0 = arith.constant 0 : i32
    %c0_i32_1 = arith.constant 0 : i32
    return %c0_i32, %c0_i32_0 : i32, i32
  }
  func.func @transform_5(%arg0: i32) -> (i32, i32) {
    %c0_i32 = arith.constant 0 : i32
    %c0_i32_0 = arith.constant 0 : i32
    %c0_i32_1 = arith.constant 0 : i32
    return %c0_i32, %c0_i32_0 : i32, i32
  }
  func.func @transform_6(%arg0: i32) -> (i32, i32) {
    %c0_i32 = arith.constant 0 : i32
    %c0_i32_0 = arith.constant 0 : i32
    return %arg0, %c0_i32 : i32, i32
  }
}

</mosaic_0001>

<sc_bundles>
// kernel: kernel.17.cloned.1.call-start
scs
__scs_entry_jumppad:
0x0: {  	(pc) =	sbr.rel $0x88, $3  }
0x1: {  	(tag) =	ssettag $0x0;
	lr =	simm.s32 $0x1  }
0x2: {  	[smem:$0x3F9C] =	sst lr;
	_ =	strace $0xD0000000  }
0x3: {  	_ = 	snop  }
0x4: {  	_ = 	snop  }
0x5: {  	_ = 	snop  }
0x6: {  	_ = 	snop  }
0x7: {  	_ = 	snop  }
__scs_overlays_trampoline_lowered:
0x8: {  	[smem:$0x3FAB] =	sst s0  }
0x9: {  	[smem:$0x3FAC] =	sst s1  }
0xa: {  	[smem:$0x3FAD] =	sst s2  }
0xb: {  	[smem:$0x3FAE] =	sst s3  }
0xc: {  	[smem:$0x3FAF] =	sst s4  }
0xd: {  	[smem:$0x3FB0] =	sst s5  }
0xe: {  	[smem:$0x3FB1] =	sst s6  }
0xf: {  	[smem:$0x3FB2] =	sst s7  }
0x10: {  	[smem:$0x3FB3] =	sst s8  }
0x11: {  	[smem:$0x3FB4] =	sst s9;
	s0 =	simm.s32 @!p0 $0x0  }
0x12: {  	s1 =	sld [smem:$0x3F9A];
	s0 =	simm.s32 @p0 $0x1  }
0x13: {  	[smem:$0x3FB5] =	sst s0;
	s0 =	simm.s32 @!p1 $0x0  }
0x14: {  	s2 =	sld [smem:$0x3F99];
	s0 =	simm.s32 @p1 $0x1  }
0x15: {  	[smem:$0x3FB6] =	sst s0;
	s0 =	simm.s32 @!p2 $0x0  }
0x16: {  	s3 =	sld [smem:$0x3FDB];
	s0 =	simm.s32 @p2 $0x1  }
0x17: {  	s4 =	simm.s32 $0x1BF5;
	[smem:$0x3FB8] =	sst s0  }
0x18: {  	s0 =	sld [smem:$0x3F9B];
	_ =	swait.ge [sflag:s4], $0x0  }
0x19: {  	s7 =	sld [smem:$0x3F9C]  }
0x1a: {  	s8 =	sadd.s32 $0xFFFFE003, lr  }
0x1b: {  	s9 =	sadd.s32 $0xFFFFFEF7, lr;
	s5 =	simm.s32 $0xFFFFFFFF;
	p2 =	slt.u32 s8, $0xFFFFF086  }
0x1c: {  	p1 =	slt.u32 s9, $0xF7A;
	s5 =	simm.s32 @!p2 $0x0  }
0x1d: {  	s5 =	simm.s32 @p1 $0x1;
	p0 =	seq.s32 s7, s2  }
0x1e: {  	s7 =	smul.u32 @!p0 $0xF7A, s2;
	p2 =	seq.s32 @!p0 s5, $0x0  }
0x1f: {  	s9 =	smul.u32 $0xF7A, s1;
	s8 =	simm.s32 @!p0 $0x1BF5;
	p2 =	por !p2, p0  }
0x20: {  	[sflag:s8] =	ssyncset.s32 @!p0 $0xFFFFF086;
	s6 =	sadd.s32 @!p0 s3, s7;
	s7 =	simm.s32 @!p0 $0x108  }
0x21: {  	s3 =	sadd.s32 s3, s9;
	s6 =	sadd.s32 @!p0 $0x88, s6;
	s7 =	simm.s32 @p2 $0x1082  }
0x22: {  	[simem:s7], [sflag:s8] =	dma.local @!p0 [hbm:s6], $0xF7A  }
0x23: {  	s9 =	sor.u32 $0xD0000000, s2;
	s6 =	simm.s32 $0x108;
	_ =	swait.ge @!p0 [sflag:s8], $0x0  }
0x24: {  	s3 =	sadd.s32 $0x88, s3;
	s6 =	simm.s32 @!p1 $0x1082;
	[sflag:s4] =	ssyncset.s32 $0xFFFFF086  }
0x25: {  	[simem:s6], [sflag:s4] =	dma.local [hbm:s3], $0xF7A  }
0x26: {  	[smem:$0x3F9C] =	sst s1;
	(tag) =	ssettag s2;
	_ =	strace s9  }
0x27: {  	s1 =	sld [smem:$0x3FAC]  }
0x28: {  	s2 =	sld [smem:$0x3FAD]  }
0x29: {  	s4 =	sld [smem:$0x3FAF]  }
0x2a: {  	p0 =	seq.s32 s5, $0x0;
	s5 =	sld [smem:$0x3FB0]  }
0x2b: {  	s6 =	sld [smem:$0x3FB1]  }
0x2c: {  	s7 =	sld [smem:$0x3FB2]  }
0x2d: {  	s3 =	simm.s32 $0x108;
	s8 =	sld [smem:$0x3FB3]  }
0x2e: {  	s3 =	simm.s32 @!p0 $0x1082;
	s9 =	sld [smem:$0x3FB4]  }
0x2f: {  	lr =	sadd.s32 s0, s3;
	s0 =	sld [smem:$0x3FAB]  }
0x30: {  	s3 =	sld [smem:$0x3FAE]  }
0x31: {  	[smem:$0x3FB7] =	sst s10  }
0x32: {  	s10 =	sld [smem:$0x3FB5];
	_ =	sdelay $0x3  }
0x33: {  	p0 =	seq.s32 s10, $0x1;
	s10 =	sld [smem:$0x3FB7];
	_ =	sdelay $0x3  }
0x34: {  	[smem:$0x3FB7] =	sst s10  }
0x35: {  	s10 =	sld [smem:$0x3FB6];
	_ =	sdelay $0x3  }
0x36: {  	p1 =	seq.s32 s10, $0x1;
	s10 =	sld [smem:$0x3FB7];
	_ =	sdelay $0x3  }
0x37: {  	[smem:$0x3FB7] =	sst s10  }
0x38: {  	s10 =	sld [smem:$0x3FB8]  }
0x39: {  	_ = 	snop;
	(pc) =	sbr.ind lr, $3  }
0x3a: {  	_ = 	snop  }
0x3b: {  	_ = 	snop  }
0x3c: {  	p2 =	seq.s32 s10, $0x1;
	s10 =	sld [smem:$0x3FB7]  }
0x3d: {  	_ =	shalt  }
0x3e: {  	_ =	shalt  }
0x3f: {  	_ =	shalt  }
0x40: {  	_ =	shalt  }
0x41: {  	_ =	shalt  }
0x42: {  	_ =	shalt  }
0x43: {  	_ =	shalt  }
0x44: {  	_ =	shalt  }
0x45: {  	_ =	shalt  }
0x46: {  	_ =	shalt  }
0x47: {  	_ =	shalt  }
0x48: {  	_ =	shalt  }
0x49: {  	_ =	shalt  }
0x4a: {  	_ =	shalt  }
0x4b: {  	_ =	shalt  }
0x4c: {  	_ =	shalt  }
0x4d: {  	_ =	shalt  }
0x4e: {  	_ =	shalt  }
0x4f: {  	_ =	shalt  }
0x50: {  	_ =	shalt  }
0x51: {  	_ =	shalt  }
0x52: {  	_ =	shalt  }
0x53: {  	_ =	shalt  }
0x54: {  	_ =	shalt  }
0x55: {  	_ =	shalt  }
0x56: {  	_ =	shalt  }
0x57: {  	_ =	shalt  }
0x58: {  	_ =	shalt  }
0x59: {  	_ =	shalt  }
0x5a: {  	_ =	shalt  }
0x5b: {  	_ =	shalt  }
0x5c: {  	_ =	shalt  }
0x5d: {  	_ =	shalt  }
0x5e: {  	_ =	shalt  }
0x5f: {  	_ =	shalt  }
0x60: {  	_ =	shalt  }
0x61: {  	_ =	shalt  }
0x62: {  	_ =	shalt  }
0x63: {  	_ =	shalt  }
0x64: {  	_ =	shalt  }
0x65: {  	_ =	shalt  }
0x66: {  	_ =	shalt  }
0x67: {  	_ =	shalt  }
0x68: {  	_ =	shalt  }
0x69: {  	_ =	shalt  }
0x6a: {  	_ =	shalt  }
0x6b: {  	_ =	shalt  }
0x6c: {  	_ =	shalt  }
0x6d: {  	_ =	shalt  }
0x6e: {  	_ =	shalt  }
0x6f: {  	_ =	shalt  }
0x70: {  	_ =	shalt  }
0x71: {  	_ =	shalt  }
0x72: {  	_ =	shalt  }
0x73: {  	_ =	shalt  }
0x74: {  	_ =	shalt  }
0x75: {  	_ =	shalt  }
0x76: {  	_ =	shalt  }
0x77: {  	_ =	shalt  }
0x78: {  	_ =	shalt  }
0x79: {  	_ =	shalt  }
0x7a: {  	_ =	shalt  }
0x7b: {  	_ =	shalt  }
0x7c: {  	_ =	shalt  }
0x7d: {  	_ =	shalt  }
0x7e: {  	_ =	shalt  }
0x7f: {  	_ =	shalt  }
0x80: {  	_ =	shalt  }
0x81: {  	_ =	shalt  }
0x82: {  	_ =	shalt  }
0x83: {  	_ =	shalt  }
0x84: {  	_ =	shalt  }
0x85: {  	_ =	shalt  }
0x86: {  	_ =	shalt  }
0x87: {  	_ =	shalt  }
.Lfunc_end0:
.L_simem_size_0:
called_computation_lowered:
.L_overlay_start_0:
0x88: {  	s2 =	sld [smem:$0x3FD9]  }
0x89: {  	s3 =	sld [smem:$0x3FFE];
	_ =	sdelay $0x1  }
0x8a: {  	s1 =	srdreg.scid  }
0x8b: {  	s0 =	sand.u32 $0x1, s1  }
0x8c: {  	s16 =	sshll.u32 s0, $0xA;
	s2 =	sadd.s32 s3, s2  }
0x8d: {  	s2 =	sadd.s32 s2, s16  }
0x8e: {  	[smem:$0x3FC3] =	sst s2  }
0x8f: {  	_ = 	snop  }
0x90: {  	(tm) =	ssettm $0x1  }
0x91: {  	s17 =	sld [smem:$0x3FFB];
	_ =	sdelay $0x3  }
0x92: {  	_ =	strace s17  }
0x93: {  	s2 =	sld [smem:$0x3FFC];
	_ =	sdelay $0x3  }
0x94: {  	_ =	strace s2  }
0x95: {  	s2 =	sld [smem:$0x3FFD];
	_ =	sdelay $0x3  }
0x96: {  	_ =	strace s2  }
0x97: {  	_ =	strace $0x8FFFFFFF  }
0x98: {  	s18 =	sld [smem:$0x3FDB];
	_ =	sdelay $0x1  }
0x99: {  	s19 =	simm.s32 $_scs_section_size  }
0x9a: {  	s4 =	simm.s32 $_size__tile_overlayer_lowered;
	s5 =	simm.s32 $_tile_overlayer_lowered  }
0x9b: {  	s22 =	simm.s32 $0x1BFF;
	s21 =	sshll.u32 s5, $0x1;
	s2 =	sadd.s32 s19, s18  }
0x9c: {  	s6 =	simm.s32 $0x0;
	s20 =	sshll.u32 s4, $0x1;
	s4 =	sadd.s32 s21, s2  }
0x9d: {  	[timem:s6], [sflag:s22] =	dma.local [hbm:s4], s20  }
0x9e: {  	_ =	swait.ge [sflag:s22], s20  }
0x9f: {  	s3 =	ssub.s32 $0x0, s20;
	[sflag:s22] =	ssyncset.done $0x0  }
0xa0: {  	[sflag:s22] =	ssyncadd.s32 s3;
	_ =	sdelay $0x1  }
0xa1: {  	s23 =	simm.s32 $0x1B8B  }
0xa2: {  	_ =	swait.ge [sflag:s23], $0x1  }
0xa3: {  	[sflag:s23] =	ssyncset.done $0x0  }
0xa4: {  	s25 =	simm.s32 $0x1B8E;
	s24 =	sld [smem:$0x3FFE];
	[sflag:s23] =	ssyncadd.s32 $0xFFFFFFFF  }
0xa5: {  	s26 =	simm.s32 $execute0_lowered;
	[smem:$0x3FD2] =	sst s25  }
0xa6: {  	s4 =	sshll.u32 s26, $0x1;
	_ =	strace $0x80000046;
	[dreg:$0x1] =	wrdreg $0xFFFFFFFF  }
0xa7: {  	s28 =	simm.s32 $_size_execute0_lowered;
	s2 =	sadd.s32 s2, s4;
	[dreg:$0x0] =	wrdreg $0x0  }
0xa8: {  	s4 =	sshll.u32 s28, $0x1;
	[dreg:$0x2] =	wrdreg s2  }
0xa9: {  	[dreg:$0x3] =	wrdreg s4  }
0xaa: {  	[dreg:$0x4] =	wrdreg $0xC0  }
0xab: {  	_ =	task [dreg:s6], $0x5FFFF  }
0xac: {  	[dreg:$0x1] =	wrdreg $0xFFFFFFFF  }
0xad: {  	[dreg:$0x0] =	wrdreg $0x60  }
0xae: {  	[dreg:$0x2] =	wrdreg s24  }
0xaf: {  	[dreg:$0x3] =	wrdreg $0x41800  }
0xb0: {  	[dreg:$0x4] =	wrdreg $0x9  }
0xb1: {  	_ =	task.clear_ibuf [dreg:s6], $0x5FFFF;
	_ =	strace $0x90000046  }
0xb2: {  	s29 =	simm.s32 $0x9;
	_ =	strace $0x80000048  }
0xb3: {  	_ =	swait.ge [sflag:s29], $0x1  }
0xb4: {  	[sflag:s29] =	ssyncadd.s32 $0xFFFFFFFF  }
0xb5: {  	_ =	strace $0x90000048  }
0xb6: {  	_ =	sfence  }
0xb7: {  	s30 =	sld [smem:$0x0];
	_ =	sdelay $0x2  }
0xb8: {  	s31 =	sshll.u32 s1, $0xD;
	s1 =	sshrl.u32 s1, $0x2  }
0xb9: {  	s3 =	sand.u32 $0x4000, s31;
	s1 =	sadd.s32 s1, s30  }
0xba: {  	s0 =	sor.u32 s3, s0;
	s1 =	sshll.u32 s1, $0x11  }
0xbb: {  	s0 =	sor.u32 s1, s0  }
0xbc: {  	s0 =	sadd.s32 $0x8F2B, s0  }
0xbd: {  	[sflag:s0] =	ssyncadd.remote.s32 $0x1  }
0xbe: {  	_ =	sfence.sel $0xFFFF  }
0xbf: {  	[dreg:$0x0] =	wrdreg $0xFFFFFFFF;
	(pc) =	sbr.abs _section_cstart, $3  }
0xc0: {  	[dreg:$0x1] =	wrdreg $0xFFFFFFFF  }
0xc1: {  	_ =	task.clear_ibuf [dreg:s6], $0x2FFFF;
	_ =	strace $0x9FFFFFFF  }
0xc2: {  	(tm) =	ssettm $0x7FFFFFFF  }
0xc3: {  	_ =	shalt  }
tec
execute0_lowered:
.L_overlay_start_1:
0x0: {  	(tag) =	ssettag $0x1  }
0x1: {  	s5 =	rddreg [dreg:$0x0]  }
0x2: {  	s2 =	rddreg [dreg:$0x1]  }
0x3: {  	s0 =	rddreg [dreg:$0x2]  }
0x4: {  	s1 =	stileid.u32;
	s4 =	srdreg.scid;
	s3 =	simm.s32 $0x0  }
0x5: {  	s16 =	simm.s32 $0x80;
	s17 =	simm.s32 $0x100;
	s18 =	simm.s32 $0x1  }
0x6: {  	s19 =	simm.s32 $0x2;
	s20 =	simm.s32 $0x3;
	s21 =	simm.s32 $0x0  }
0x7: {  	s6 =	smul.u32 $0x13C00, s1;
	s9 =	sand.u32 $0x1, s4;
	[smem:$0x7FF] =	sst s3  }
0x8: {  	s11 =	sadd.s32 $0x5A00, s5;
	s4 =	sadd.s32 $0x37400, s5;
	s28 =	smul.u32 $0x4F000, s1  }
0x9: {  	s10 =	sshll.u32 s1, $0x1;
	s13 =	smul.u32 $0xA20, s1;
	s14 =	sshll.u32 s1, $0x6  }
0xa: {  	s7 =	smul.u32 $0x13C000, s9;
	_ =	strace $0x80000047;
	s29 =	ssub.s32 $0x2, s9  }
0xb: {  	s10 =	sor.u32 s9, s10;
	s31 =	smul.u32 $0x510, s9;
	s14 =	sor.u32 $0x1C04, s14  }
0xc: {  	s8 =	sshrl.u32 s6, $0x3;
	s12 =	sshrl.u32 s29, $0x1;
	s30 =	smul.u32 $0x510, s10  }
0xd: {  	s6 =	sadd.s32 s6, s7;
	s26 =	sadd.s32 s8, s5;
	s8 =	sshrl.u32 s28, $0x2  }
0xe: {  	s12 =	ssub.s32 s29, s12;
	s6 =	sshrl.u32 s6, $0x3;
	s15 =	sadd.s32 s8, s2  }
0xf: {  	s7 =	smax.u32 s12, $0x1;
	s8 =	sadd.s32 s11, s30;
	s11 =	sadd.s32 s13, s11  }
0x10: {  	s12 =	simm.s32 $0x180;
	s13 =	simm.s32 $0x4;
	s6 =	sadd.s32 s6, s5  }
0x11: {  	s5 =	sadd.s32 $0xFC00, s26;
	s9 =	sadd.s32 $0x10, s8;
	s10 =	sadd.s32 $0x20, s8  }
0x12: {  	s11 =	sadd.s32 s31, s11;
	s15 =	sshrl.u32 s15, $0x3;
	s6 =	sadd.s32 $0x37C00, s6  }
.LBB2_1:
0x13: {  	[tilespmem:s12], [sflag:$0x4] =	stream.linear.gather [hbm4b:s4+s3], $0x4000, $0x38;
	[tilespmem:$0x17D80] =	vst v63  }
0x14: {  	_ =	swait.ge [sflag:s13], $0x4000  }
0x15: {  	[sflag:s13] =	ssyncset.done $0x0  }
0x16: {  	[sflag:s13] =	ssyncadd.s32 $0xFFFFC000  }
0x17: {  	[spmem:s15], [sflag:s14] =	dma.local [hbm:s5], $0x2780  }
0x18: {  	_ =	swait.ge [sflag:s13], $0x2780  }
0x19: {  	[sflag:s13] =	ssyncset.done $0x0  }
0x1a: {  	[sflag:s13] =	ssyncadd.s32 $0xFFFFD880  }
0x1b: {  	[bflag:$0x0] =	sbarrier.arrive $0xFFFF  }
0x1c: {  	[tilespmem:s3], [sflag:$0x4] =	stream.linear.gather [hbm4b:s8+s3], $0x80, $0x38;
	[tilespmem:$0x17D80] =	vst v63  }
0x1d: {  	_ =	swait.ge [sflag:s13], $0x80  }
0x1e: {  	[sflag:s13] =	ssyncset.done $0x0  }
0x1f: {  	[sflag:s13] =	ssyncadd.s32 $0xFFFFFF80  }
0x20: {  	[spmem:s2] =	stream.indirect.scatter.add.f32 [tilespmem:s12], [sflag:$0x1], $0x80, s3, s16, $0xb8;
	[tilespmem:$0x17D80] =	vst v63  }
0x21: {  	_ = 	snop  }
0x22: {  	[tilespmem:s16], [sflag:$0x4] =	stream.linear.gather [hbm4b:s9+s3], $0x80, $0x38;
	[tilespmem:$0x17D80] =	vst v63  }
0x23: {  	_ =	swait.ge [sflag:s13], $0x80  }
0x24: {  	[sflag:s13] =	ssyncset.done $0x0  }
0x25: {  	[sflag:s13] =	ssyncadd.s32 $0xFFFFFF80  }
0x26: {  	[spmem:s2] =	stream.indirect.scatter.add.f32 [tilespmem:s12], [sflag:$0x2], $0x80, s16, s16, $0xb8;
	[tilespmem:$0x17D80] =	vst v63  }
0x27: {  	_ = 	snop  }
0x28: {  	[tilespmem:s17], [sflag:$0x4] =	stream.linear.gather [hbm4b:s10+s3], $0x80, $0x38;
	[tilespmem:$0x17D80] =	vst v63  }
0x29: {  	_ =	swait.ge [sflag:s13], $0x80  }
0x2a: {  	[sflag:s13] =	ssyncset.done $0x0  }
0x2b: {  	[sflag:s13] =	ssyncadd.s32 $0xFFFFFF80  }
0x2c: {  	[spmem:s2] =	stream.indirect.scatter.add.f32 [tilespmem:s12], [sflag:$0x3], $0x80, s17, s16, $0xb8;
	[tilespmem:$0x17D80] =	vst v63  }
0x2d: {  	_ =	swait.ge [sflag:s18], $0x4000  }
0x2e: {  	s22 =	sadd.s32 $0xFFFFFB20, s11;
	[sflag:s18] =	ssyncset.done $0x0  }
0x2f: {  	s23 =	sadd.s32 $0x510, s22;
	[sflag:s18] =	ssyncadd.s32 $0xFFFFC000  }
0x30: {  	[tilespmem:s3], [sflag:$0x4] =	stream.linear.gather [hbm4b:s23+s3], $0x80, $0x38;
	[tilespmem:$0x17D80] =	vst v63  }
0x31: {  	_ =	swait.ge [sflag:s13], $0x80  }
0x32: {  	[sflag:s13] =	ssyncset.done $0x0  }
0x33: {  	[sflag:s13] =	ssyncadd.s32 $0xFFFFFF80  }
0x34: {  	[spmem:s2] =	stream.indirect.scatter.add.f32 [tilespmem:s12], [sflag:$0x1], $0x80, s3, s16, $0xb8;
	[tilespmem:$0x17D80] =	vst v63  }
0x35: {  	_ =	swait.ge [sflag:s19], $0x4000  }
0x36: {  	[sflag:s19] =	ssyncset.done $0x0  }
0x37: {  	s31 =	sadd.s32 $0x520, s22;
	[sflag:s19] =	ssyncadd.s32 $0xFFFFC000  }
0x38: {  	[tilespmem:s16], [sflag:$0x4] =	stream.linear.gather [hbm4b:s31+s3], $0x80, $0x38;
	[tilespmem:$0x17D80] =	vst v63  }
0x39: {  	_ =	swait.ge [sflag:s13], $0x80  }
0x3a: {  	[sflag:s13] =	ssyncset.done $0x0  }
0x3b: {  	[sflag:s13] =	ssyncadd.s32 $0xFFFFFF80  }
0x3c: {  	[spmem:s2] =	stream.indirect.scatter.add.f32 [tilespmem:s12], [sflag:$0x2], $0x80, s16, s16, $0xb8;
	[tilespmem:$0x17D80] =	vst v63  }
0x3d: {  	_ =	swait.ge [sflag:s20], $0x4000  }
0x3e: {  	[sflag:s20] =	ssyncset.done $0x0  }
0x3f: {  	s22 =	sadd.s32 $0x530, s22;
	[sflag:s20] =	ssyncadd.s32 $0xFFFFC000  }
0x40: {  	[tilespmem:s17], [sflag:$0x4] =	stream.linear.gather [hbm4b:s22+s3], $0x80, $0x38;
	[tilespmem:$0x17D80] =	vst v63  }
0x41: {  	_ =	swait.ge [sflag:s13], $0x80  }
0x42: {  	[sflag:s13] =	ssyncset.done $0x0  }
0x43: {  	s22 =	simm.s32 $0xFFFFFB50;
	[sflag:s13] =	ssyncadd.s32 $0xFFFFFF80  }
.LBB2_2:
0x44: {  	[spmem:s2] =	stream.indirect.scatter.add.f32 [tilespmem:s12], [sflag:$0x3], $0x80, s17, s16, $0xb8;
	[tilespmem:$0x17D80] =	vst v63  }
0x45: {  	s23 =	smov.u32 s22  }
0x46: {  	p0 =	sne.s32 s22, $0xFFFFFFD0;
	s22 =	sadd.s32 $0x30, s22;
	_ =	swait.ge [sflag:s18], $0x4000  }
0x47: {  	s23 =	sadd.s32 s23, s11;
	[sflag:s18] =	ssyncset.done $0x0  }
0x48: {  	s24 =	sadd.s32 $0x510, s23;
	[sflag:s18] =	ssyncadd.s32 $0xFFFFC000  }
0x49: {  	[tilespmem:s3], [sflag:$0x4] =	stream.linear.gather [hbm4b:s24+s3], $0x80, $0x38;
	[tilespmem:$0x17D80] =	vst v63  }
0x4a: {  	_ =	swait.ge [sflag:s13], $0x80  }
0x4b: {  	[sflag:s13] =	ssyncset.done $0x0  }
0x4c: {  	[sflag:s13] =	ssyncadd.s32 $0xFFFFFF80  }
0x4d: {  	[spmem:s2] =	stream.indirect.scatter.add.f32 [tilespmem:s12], [sflag:$0x1], $0x80, s3, s16, $0xb8;
	[tilespmem:$0x17D80] =	vst v63  }
0x4e: {  	_ =	swait.ge [sflag:s19], $0x4000  }
0x4f: {  	[sflag:s19] =	ssyncset.done $0x0  }
0x50: {  	s24 =	sadd.s32 $0x520, s23;
	[sflag:s19] =	ssyncadd.s32 $0xFFFFC000  }
0x51: {  	[tilespmem:s16], [sflag:$0x4] =	stream.linear.gather [hbm4b:s24+s3], $0x80, $0x38;
	[tilespmem:$0x17D80] =	vst v63  }
0x52: {  	_ =	swait.ge [sflag:s13], $0x80  }
0x53: {  	[sflag:s13] =	ssyncset.done $0x0  }
0x54: {  	[sflag:s13] =	ssyncadd.s32 $0xFFFFFF80  }
0x55: {  	[spmem:s2] =	stream.indirect.scatter.add.f32 [tilespmem:s12], [sflag:$0x2], $0x80, s16, s16, $0xb8;
	[tilespmem:$0x17D80] =	vst v63  }
0x56: {  	_ =	swait.ge [sflag:s20], $0x4000  }
0x57: {  	[sflag:s20] =	ssyncset.done $0x0  }
.Ltmp0:
0x58: {  	s23 =	sadd.s32 $0x530, s23;
	[sflag:s20] =	ssyncadd.s32 $0xFFFFC000;
	(pc) =	sbr.rel @p0 .LBB2_2-.Ltmp0, $4  }
0x59: {  	[tilespmem:s17], [sflag:$0x4] =	stream.linear.gather [hbm4b:s23+s3], $0x80, $0x38;
	[tilespmem:$0x17D80] =	vst v63  }
0x5a: {  	_ =	swait.ge [sflag:s13], $0x80  }
0x5b: {  	[sflag:s13] =	ssyncset.done $0x0  }
0x5c: {  	[sflag:s13] =	ssyncadd.s32 $0xFFFFFF80  }
0x5d: {  	[spmem:s2] =	stream.indirect.scatter.add.f32 [tilespmem:s12], [sflag:$0x3], $0x80, s17, s16, $0xb8;
	[tilespmem:$0x17D80] =	vst v63  }
0x5e: {  	_ =	swait.ge [sflag:s18], $0x4000  }
0x5f: {  	[sflag:s18] =	ssyncset.done $0x0  }
0x60: {  	[sflag:s18] =	ssyncadd.s32 $0xFFFFC000  }
0x61: {  	_ =	swait.ge [sflag:s19], $0x4000  }
0x62: {  	[sflag:s19] =	ssyncset.done $0x0  }
0x63: {  	[sflag:s19] =	ssyncadd.s32 $0xFFFFC000  }
0x64: {  	_ =	swait.ge [sflag:s20], $0x4000  }
0x65: {  	s21 =	sadd.s32 $0x1, s21;
	[sflag:s20] =	ssyncset.done $0x0  }
0x66: {  	p0 =	sne.s32 s21, s7;
	[sflag:s20] =	ssyncadd.s32 $0xFFFFC000  }
.Ltmp1:
0x67: {  	[bflag:$0x0] =	sbarrier.arrive $0xFFFF;
	(pc) =	sbr.rel @p0 .LBB2_1-.Ltmp1, $4  }
0x68: {  	[hbm:s6], [sflag:s14] =	dma.local [spmem:s15], $0x2780  }
0x69: {  	_ =	swait.ge [sflag:s13], $0x2780  }
0x6a: {  	[sflag:s13] =	ssyncset.done $0x0  }
0x6b: {  	[sflag:s13] =	ssyncadd.s32 $0xFFFFD880  }
0x6c: {  	_ =	sfence.sel $0x180000  }
0x6d: {  	[bflag:$0x0] =	sbarrier.arrive $0xFFFF  }
0x6e: {  	p0 =	sne.s32 s1, $0x0;
	_ =	strace $0x90000047  }
0x6f: {  	s0 =	sadd.s32 @!p0 $0x100000, s0;
	[bflag:$0x2] =	sbarrier.arrive $0xFFFF  }
0x70: {  	[sflag:s0] =	ssyncadd.tile.s32 @!p0 $0x1;
	_ =	shalt  }
.Lfunc_end2:
_tile_overlayer_lowered:
.L_overlay_start_2:
0x71: {  	(tag) =	ssettag $0x2  }
0x72: {  	s0 =	rddreg [dreg:$0x0];
	s2 =	stileid.u32  }
0x73: {  	s1 =	rddreg [dreg:$0x1];
	p0 =	sne.s32 s2, $0x0  }
0x74: {  	s3 =	rddreg [dreg:$0x2];
	[bflag:$0x3] =	sbarrier.arrive $0xFFFF;
	s2 =	simm.s32 @!p0 $0x1C04  }
0x75: {  	[timem:s3], [sflag:s2] =	dma.local @!p0 [hbm:s0], s1  }
0x76: {  	s0 =	simm.s32 @!p0 $0x4  }
0x77: {  	_ =	swait.ge @!p0 [sflag:s0], s1  }
0x78: {  	s1 =	ssub.s32 @!p0 $0x0, s1;
	[sflag:s0] =	ssyncset.done @!p0 $0x0  }
0x79: {  	[sflag:s0] =	ssyncadd.s32 @!p0 s1  }
0x7a: {  	[bflag:$0x3] =	sbarrier.arrive $0xFFFF  }
0x7b: {  	_ =	shalt  }

// kernel: kernel.20.cloned.1.call-start
scs
__scs_entry_jumppad:
0x0: {  	(pc) =	sbr.rel $0x88, $3  }
0x1: {  	(tag) =	ssettag $0x0;
	lr =	simm.s32 $0x1  }
0x2: {  	[smem:$0x3F9C] =	sst lr;
	_ =	strace $0xD0000000  }
0x3: {  	_ = 	snop  }
0x4: {  	_ = 	snop  }
0x5: {  	_ = 	snop  }
0x6: {  	_ = 	snop  }
0x7: {  	_ = 	snop  }
__scs_overlays_trampoline_lowered:
0x8: {  	[smem:$0x3FAB] =	sst s0  }
0x9: {  	[smem:$0x3FAC] =	sst s1  }
0xa: {  	[smem:$0x3FAD] =	sst s2  }
0xb: {  	[smem:$0x3FAE] =	sst s3  }
0xc: {  	[smem:$0x3FAF] =	sst s4  }
0xd: {  	[smem:$0x3FB0] =	sst s5  }
0xe: {  	[smem:$0x3FB1] =	sst s6  }
0xf: {  	[smem:$0x3FB2] =	sst s7  }
0x10: {  	[smem:$0x3FB3] =	sst s8  }
0x11: {  	[smem:$0x3FB4] =	sst s9;
	s0 =	simm.s32 @!p0 $0x0  }
0x12: {  	s1 =	sld [smem:$0x3F9A];
	s0 =	simm.s32 @p0 $0x1  }
0x13: {  	[smem:$0x3FB5] =	sst s0;
	s0 =	simm.s32 @!p1 $0x0  }
0x14: {  	s2 =	sld [smem:$0x3F99];
	s0 =	simm.s32 @p1 $0x1  }
0x15: {  	[smem:$0x3FB6] =	sst s0;
	s0 =	simm.s32 @!p2 $0x0  }
0x16: {  	s3 =	sld [smem:$0x3FDB];
	s0 =	simm.s32 @p2 $0x1  }
0x17: {  	s4 =	simm.s32 $0x1BF5;
	[smem:$0x3FB8] =	sst s0  }
0x18: {  	s0 =	sld [smem:$0x3F9B];
	_ =	swait.ge [sflag:s4], $0x0  }
0x19: {  	s7 =	sld [smem:$0x3F9C]  }
0x1a: {  	s8 =	sadd.s32 $0xFFFFE003, lr  }
0x1b: {  	s9 =	sadd.s32 $0xFFFFFEF7, lr;
	s5 =	simm.s32 $0xFFFFFFFF;
	p2 =	slt.u32 s8, $0xFFFFF086  }
0x1c: {  	p1 =	slt.u32 s9, $0xF7A;
	s5 =	simm.s32 @!p2 $0x0  }
0x1d: {  	s5 =	simm.s32 @p1 $0x1;
	p0 =	seq.s32 s7, s2  }
0x1e: {  	s7 =	smul.u32 @!p0 $0xF7A, s2;
	p2 =	seq.s32 @!p0 s5, $0x0  }
0x1f: {  	s9 =	smul.u32 $0xF7A, s1;
	s8 =	simm.s32 @!p0 $0x1BF5;
	p2 =	por !p2, p0  }
0x20: {  	[sflag:s8] =	ssyncset.s32 @!p0 $0xFFFFF086;
	s6 =	sadd.s32 @!p0 s3, s7;
	s7 =	simm.s32 @!p0 $0x108  }
0x21: {  	s3 =	sadd.s32 s3, s9;
	s6 =	sadd.s32 @!p0 $0x88, s6;
	s7 =	simm.s32 @p2 $0x1082  }
0x22: {  	[simem:s7], [sflag:s8] =	dma.local @!p0 [hbm:s6], $0xF7A  }
0x23: {  	s9 =	sor.u32 $0xD0000000, s2;
	s6 =	simm.s32 $0x108;
	_ =	swait.ge @!p0 [sflag:s8], $0x0  }
0x24: {  	s3 =	sadd.s32 $0x88, s3;
	s6 =	simm.s32 @!p1 $0x1082;
	[sflag:s4] =	ssyncset.s32 $0xFFFFF086  }
0x25: {  	[simem:s6], [sflag:s4] =	dma.local [hbm:s3], $0xF7A  }
0x26: {  	[smem:$0x3F9C] =	sst s1;
	(tag) =	ssettag s2;
	_ =	strace s9  }
0x27: {  	s1 =	sld [smem:$0x3FAC]  }
0x28: {  	s2 =	sld [smem:$0x3FAD]  }
0x29: {  	s4 =	sld [smem:$0x3FAF]  }
0x2a: {  	p0 =	seq.s32 s5, $0x0;
	s5 =	sld [smem:$0x3FB0]  }
0x2b: {  	s6 =	sld [smem:$0x3FB1]  }
0x2c: {  	s7 =	sld [smem:$0x3FB2]  }
0x2d: {  	s3 =	simm.s32 $0x108;
	s8 =	sld [smem:$0x3FB3]  }
0x2e: {  	s3 =	simm.s32 @!p0 $0x1082;
	s9 =	sld [smem:$0x3FB4]  }
0x2f: {  	lr =	sadd.s32 s0, s3;
	s0 =	sld [smem:$0x3FAB]  }
0x30: {  	s3 =	sld [smem:$0x3FAE]  }
0x31: {  	[smem:$0x3FB7] =	sst s10  }
0x32: {  	s10 =	sld [smem:$0x3FB5];
	_ =	sdelay $0x3  }
0x33: {  	p0 =	seq.s32 s10, $0x1;
	s10 =	sld [smem:$0x3FB7];
	_ =	sdelay $0x3  }
0x34: {  	[smem:$0x3FB7] =	sst s10  }
0x35: {  	s10 =	sld [smem:$0x3FB6];
	_ =	sdelay $0x3  }
0x36: {  	p1 =	seq.s32 s10, $0x1;
	s10 =	sld [smem:$0x3FB7];
	_ =	sdelay $0x3  }
0x37: {  	[smem:$0x3FB7] =	sst s10  }
0x38: {  	s10 =	sld [smem:$0x3FB8]  }
0x39: {  	_ = 	snop;
	(pc) =	sbr.ind lr, $3  }
0x3a: {  	_ = 	snop  }
0x3b: {  	_ = 	snop  }
0x3c: {  	p2 =	seq.s32 s10, $0x1;
	s10 =	sld [smem:$0x3FB7]  }
0x3d: {  	_ =	shalt  }
0x3e: {  	_ =	shalt  }
0x3f: {  	_ =	shalt  }
0x40: {  	_ =	shalt  }
0x41: {  	_ =	shalt  }
0x42: {  	_ =	shalt  }
0x43: {  	_ =	shalt  }
0x44: {  	_ =	shalt  }
0x45: {  	_ =	shalt  }
0x46: {  	_ =	shalt  }
0x47: {  	_ =	shalt  }
0x48: {  	_ =	shalt  }
0x49: {  	_ =	shalt  }
0x4a: {  	_ =	shalt  }
0x4b: {  	_ =	shalt  }
0x4c: {  	_ =	shalt  }
0x4d: {  	_ =	shalt  }
0x4e: {  	_ =	shalt  }
0x4f: {  	_ =	shalt  }
0x50: {  	_ =	shalt  }
0x51: {  	_ =	shalt  }
0x52: {  	_ =	shalt  }
0x53: {  	_ =	shalt  }
0x54: {  	_ =	shalt  }
0x55: {  	_ =	shalt  }
0x56: {  	_ =	shalt  }
0x57: {  	_ =	shalt  }
0x58: {  	_ =	shalt  }
0x59: {  	_ =	shalt  }
0x5a: {  	_ =	shalt  }
0x5b: {  	_ =	shalt  }
0x5c: {  	_ =	shalt  }
0x5d: {  	_ =	shalt  }
0x5e: {  	_ =	shalt  }
0x5f: {  	_ =	shalt  }
0x60: {  	_ =	shalt  }
0x61: {  	_ =	shalt  }
0x62: {  	_ =	shalt  }
0x63: {  	_ =	shalt  }
0x64: {  	_ =	shalt  }
0x65: {  	_ =	shalt  }
0x66: {  	_ =	shalt  }
0x67: {  	_ =	shalt  }
0x68: {  	_ =	shalt  }
0x69: {  	_ =	shalt  }
0x6a: {  	_ =	shalt  }
0x6b: {  	_ =	shalt  }
0x6c: {  	_ =	shalt  }
0x6d: {  	_ =	shalt  }
0x6e: {  	_ =	shalt  }
0x6f: {  	_ =	shalt  }
0x70: {  	_ =	shalt  }
0x71: {  	_ =	shalt  }
0x72: {  	_ =	shalt  }
0x73: {  	_ =	shalt  }
0x74: {  	_ =	shalt  }
0x75: {  	_ =	shalt  }
0x76: {  	_ =	shalt  }
0x77: {  	_ =	shalt  }
0x78: {  	_ =	shalt  }
0x79: {  	_ =	shalt  }
0x7a: {  	_ =	shalt  }
0x7b: {  	_ =	shalt  }
0x7c: {  	_ =	shalt  }
0x7d: {  	_ =	shalt  }
0x7e: {  	_ =	shalt  }
0x7f: {  	_ =	shalt  }
0x80: {  	_ =	shalt  }
0x81: {  	_ =	shalt  }
0x82: {  	_ =	shalt  }
0x83: {  	_ =	shalt  }
0x84: {  	_ =	shalt  }
0x85: {  	_ =	shalt  }
0x86: {  	_ =	shalt  }
0x87: {  	_ =	shalt  }
.Lfunc_end0:
.L_simem_size_0:
called_computation.1_lowered:
.L_overlay_start_0:
0x88: {  	s2 =	sld [smem:$0x3FD9]  }
0x89: {  	s3 =	sld [smem:$0x3FFE];
	_ =	sdelay $0x1  }
0x8a: {  	s1 =	srdreg.scid  }
0x8b: {  	s0 =	sand.u32 $0x1, s1  }
0x8c: {  	s17 =	sshll.u32 s0, $0xA;
	s2 =	sadd.s32 s3, s2  }
0x8d: {  	s2 =	sadd.s32 s2, s17  }
0x8e: {  	[smem:$0x3FC3] =	sst s2  }
0x8f: {  	_ = 	snop  }
0x90: {  	s18 =	sld [smem:$0x3FD0];
	(tm) =	ssettm $0x1  }
0x91: {  	s19 =	sld [smem:$0x3FFB];
	_ =	sdelay $0x3  }
0x92: {  	_ =	strace s19  }
0x93: {  	s2 =	sld [smem:$0x3FFC];
	_ =	sdelay $0x3  }
0x94: {  	_ =	strace s2  }
0x95: {  	s2 =	sld [smem:$0x3FFD];
	_ =	sdelay $0x3  }
0x96: {  	_ =	strace s2  }
0x97: {  	_ =	strace $0x8FFFFFFF  }
0x98: {  	s20 =	sld [smem:$0x3FDB];
	_ =	sdelay $0x1  }
0x99: {  	s4 =	simm.s32 $_scs_section_size  }
0x9a: {  	s5 =	simm.s32 $_size__tile_overlayer_lowered;
	s6 =	simm.s32 $_tile_overlayer_lowered  }
0x9b: {  	s7 =	simm.s32 $0x1BFF;
	s21 =	sshll.u32 s6, $0x1;
	s4 =	sadd.s32 s4, s20  }
0x9c: {  	s22 =	simm.s32 $0x0;
	s5 =	sshll.u32 s5, $0x1;
	s6 =	sadd.s32 s21, s4  }
0x9d: {  	[timem:s22], [sflag:s7] =	dma.local [hbm:s6], s5  }
0x9e: {  	_ =	swait.ge [sflag:s7], s5  }
0x9f: {  	s5 =	ssub.s32 $0x0, s5;
	[sflag:s7] =	ssyncset.done $0x0  }
0xa0: {  	[sflag:s7] =	ssyncadd.s32 s5;
	_ =	sdelay $0x1  }
0xa1: {  	s23 =	simm.s32 $0x1B8B  }
0xa2: {  	_ =	swait.ge [sflag:s23], $0x1  }
0xa3: {  	[sflag:s23] =	ssyncset.done $0x0  }
0xa4: {  	[sflag:s23] =	ssyncadd.s32 $0xFFFFFFFF  }
0xa5: {  	s5 =	sld [smem:$0x0]  }
0xa6: {  	s6 =	sand.u32 $0xFFFFFFFE, s1  }
0xa7: {  	p0 =	sne.s32 s1, s6  }
0xa8: {  	s6 =	sshll.u32 @p0 s6, $0xE  }
0xa9: {  	s6 =	sadd.s32 @p0 $0x11B8D, s6;
	s7 =	sshll.u32 @p0 s5, $0x11  }
0xaa: {  	s6 =	sor.u32 @p0 s7, s6  }
0xab: {  	[sflag:s6] =	ssyncadd.remote.s32 @p0 $0x1;
	_ =	sdelay $0x1  }
0xac: {  	s6 =	simm.s32 @p0 $0x1B8D  }
0xad: {  	_ =	swait.eq @p0 [sflag:s6], $0x1  }
0xae: {  	[sflag:s6] =	ssyncadd.s32 @p0 $0xFFFFFFFF  }
0xaf: {  	s7 =	sshll.u32 @!p0 s1, $0xE  }
0xb0: {  	s7 =	sor.u32 @!p0 $0x4000, s7;
	s6 =	simm.s32 @!p0 $0x1B8D  }
0xb1: {  	s5 =	sshll.u32 @!p0 s5, $0x11;
	s7 =	sadd.s32 @!p0 $0x11B8D, s7;
	_ =	swait.eq @!p0 [sflag:s6], $0x1  }
0xb2: {  	s5 =	sor.u32 @!p0 s5, s7;
	[sflag:s6] =	ssyncadd.s32 @!p0 $0xFFFFFFFF  }
0xb3: {  	s25 =	simm.s32 $0x1B8E;
	s24 =	sld [smem:$0x3FFE];
	[sflag:s5] =	ssyncadd.remote.s32 @!p0 $0x1  }
0xb4: {  	s26 =	simm.s32 $execute0_lowered;
	[smem:$0x3FD2] =	sst s25  }
0xb5: {  	s6 =	sshll.u32 s26, $0x1;
	_ =	strace $0x80000049;
	[dreg:$0x1] =	wrdreg $0xFFFFFFFF  }
0xb6: {  	s28 =	simm.s32 $_size_execute0_lowered;
	s4 =	sadd.s32 s4, s6;
	[dreg:$0x0] =	wrdreg $0x0  }
0xb7: {  	s6 =	sshll.u32 s28, $0x1;
	[dreg:$0x2] =	wrdreg s4  }
0xb8: {  	[dreg:$0x3] =	wrdreg s6  }
0xb9: {  	[dreg:$0x4] =	wrdreg $0xC0  }
0xba: {  	_ =	task [dreg:s22], $0x5FFFF  }
0xbb: {  	[dreg:$0x1] =	wrdreg $0xFFFFFFFF  }
0xbc: {  	[dreg:$0x0] =	wrdreg $0x60  }
0xbd: {  	[dreg:$0x2] =	wrdreg s24  }
0xbe: {  	[dreg:$0x3] =	wrdreg s18  }
0xbf: {  	[dreg:$0x4] =	wrdreg $0xC3000  }
0xc0: {  	[dreg:$0x5] =	wrdreg $0xA  }
0xc1: {  	_ =	task.clear_ibuf [dreg:s22], $0x6FFFF;
	_ =	strace $0x90000049  }
0xc2: {  	s29 =	simm.s32 $0xA;
	_ =	strace $0x8000004B  }
0xc3: {  	_ =	swait.ge [sflag:s29], $0x1  }
0xc4: {  	[sflag:s29] =	ssyncadd.s32 $0xFFFFFFFF  }
0xc5: {  	_ =	strace $0x9000004B  }
0xc6: {  	_ =	sfence  }
0xc7: {  	s30 =	sld [smem:$0x0];
	_ =	sdelay $0x2  }
0xc8: {  	s31 =	sshll.u32 s1, $0xD;
	s1 =	sshrl.u32 s1, $0x2  }
0xc9: {  	s4 =	sand.u32 $0x4000, s31;
	s1 =	sadd.s32 s1, s30  }
0xca: {  	s0 =	sor.u32 s4, s0;
	s1 =	sshll.u32 s1, $0x11  }
0xcb: {  	s0 =	sor.u32 s1, s0  }
0xcc: {  	s0 =	sadd.s32 $0x8F2B, s0  }
0xcd: {  	[sflag:s0] =	ssyncadd.remote.s32 $0x1  }
0xce: {  	_ =	sfence.sel $0xFFFF  }
0xcf: {  	[dreg:$0x0] =	wrdreg $0xFFFFFFFF;
	(pc) =	sbr.abs _section_cstart, $3  }
0xd0: {  	[dreg:$0x1] =	wrdreg $0xFFFFFFFF  }
0xd1: {  	_ =	task.clear_ibuf [dreg:s22], $0x2FFFF;
	_ =	strace $0x9FFFFFFF  }
0xd2: {  	(tm) =	ssettm $0x7FFFFFFF  }
0xd3: {  	_ =	shalt  }
tec
execute0_lowered:
.L_overlay_start_1:
0x0: {  	(tag) =	ssettag $0x1  }
0x1: {  	s5 =	rddreg [dreg:$0x0]  }
0x2: {  	s10 =	rddreg [dreg:$0x1]  }
0x3: {  	s2 =	rddreg [dreg:$0x2];
	s0 =	stileid.u32  }
0x4: {  	s4 =	srdreg.scid;
	s3 =	simm.s32 $0x0;
	s16 =	simm.s32 $0x200  }
0x5: {  	s17 =	simm.s32 $0x4300;
	s18 =	simm.s32 $0x100;
	s19 =	simm.s32 $0x280  }
0x6: {  	s20 =	simm.s32 $0x8300;
	s21 =	simm.s32 $0x1;
	s22 =	simm.s32 $0x2  }
0x7: {  	s23 =	simm.s32 $0x3;
	s24 =	simm.s32 $0x4;
	s11 =	smul.u32 $0xA20, s0  }
0x8: {  	s28 =	simm.s32 $0x0;
	s6 =	smul.u32 $0x13C00, s0;
	s7 =	sand.u32 $0x1, s4  }
0x9: {  	[smem:$0x7FF] =	sst s3;
	s4 =	sadd.s32 $0x86C00, s5;
	s13 =	smul.u32 $0x4F000, s0  }
0xa: {  	s31 =	sshll.u32 s0, $0x6;
	s8 =	smul.u32 $0x13C000, s7;
	_ =	strace $0x8000004A  }
0xb: {  	s25 =	ssub.s32 $0x2, s7;
	s30 =	smul.u32 $0x510, s7;
	s9 =	sadd.s32 s11, s5  }
0xc: {  	s12 =	sshrl.u32 s6, $0x3;
	s26 =	sshrl.u32 s25, $0x1;
	s29 =	sshrl.u32 s13, $0x2  }
0xd: {  	s10 =	sadd.s32 s11, s10;
	s13 =	simm.s32 $0x180;
	s6 =	sadd.s32 s6, s8  }
0xe: {  	s12 =	sadd.s32 s12, s5;
	s8 =	ssub.s32 s25, s26;
	s15 =	sadd.s32 s29, s2  }
0xf: {  	s9 =	sadd.s32 s30, s9;
	s10 =	sadd.s32 s30, s10;
	s25 =	simm.s32 $0x5  }
0x10: {  	s26 =	simm.s32 $0x6;
	s6 =	sshrl.u32 s6, $0x3;
	s8 =	smax.u32 s8, $0x1  }
0x11: {  	s9 =	sadd.s32 $0x5A00, s9;
	s11 =	sshrl.u32 s15, $0x3;
	s15 =	simm.s32 $0x300  }
0x12: {  	s14 =	sadd.s32 s6, s5;
	s5 =	sadd.s32 $0xFC00, s12;
	s6 =	sor.u32 $0x1C07, s31  }
0x13: {  	s12 =	simm.s32 $0x7;
	s7 =	sadd.s32 $0xAE400, s14;
	s14 =	simm.s32 $0x80  }
.LBB2_1:
0x14: {  	[spmem:s11], [sflag:s6] =	dma.local [hbm:s5], $0x2780  }
0x15: {  	_ =	swait.ge [sflag:s12], $0x2780  }
0x16: {  	[sflag:s12] =	ssyncset.done $0x0  }
0x17: {  	p0 =	por $0x1, $0x1;
	[sflag:s12] =	ssyncadd.s32 $0xFFFFD880  }
0x18: {  	s29 =	simm.s32 @!p0 $0x4;
	[bflag:$0x0] =	sbarrier.arrive $0xFFFF  }
0x19: {  	_ =	swait.ge @!p0 [sflag:s29], $0x4000  }
0x1a: {  	[sflag:s29] =	ssyncset.done @!p0 $0x0  }
0x1b: {  	[sflag:s29] =	ssyncadd.s32 @!p0 $0xFFFFC000;
	s29 =	sadd.s32 $0x0, s10  }
0x1c: {  	[tilespmem:s3], [sflag:$0x7] =	stream.linear.gather [hbm4b:s29+s3], $0x80, $0x38;
	[tilespmem:$0x1FF00] =	vst v63  }
0x1d: {  	_ =	swait.ge [sflag:s12], $0x80  }
0x1e: {  	[sflag:s12] =	ssyncset.done $0x0  }
0x1f: {  	s30 =	sadd.s32 $0x0, s9;
	[sflag:s12] =	ssyncadd.s32 $0xFFFFFF80  }
0x20: {  	[tilespmem:s13], [sflag:$0x7] =	stream.linear.gather [hbm4b:s30+s3], $0x80, $0x38;
	[tilespmem:$0x1FF00] =	vst v63  }
0x21: {  	_ =	swait.ge [sflag:s12], $0x80  }
0x22: {  	[sflag:s12] =	ssyncset.done $0x0  }
0x23: {  	s31 =	simm.s32 @!p0 $0x5;
	[sflag:s12] =	ssyncadd.s32 $0xFFFFFF80  }
0x24: {  	[tilespmem:s15], [sflag:$0x1] =	stream.indirect.gather [hbm4b:s4+s14], $0x80, s3, s14, $0xb8;
	[tilespmem:$0x1FF00] =	vst v63  }
0x25: {  	_ =	swait.ge @!p0 [sflag:s31], $0x4000  }
0x26: {  	[sflag:s31] =	ssyncset.done @!p0 $0x0  }
0x27: {  	s0 =	sadd.s32 $0x10, s29;
	[sflag:s31] =	ssyncadd.s32 @!p0 $0xFFFFC000  }
0x28: {  	[tilespmem:s14], [sflag:$0x7] =	stream.linear.gather [hbm4b:s0+s3], $0x80, $0x38;
	[tilespmem:$0x1FF00] =	vst v63  }
0x29: {  	_ =	swait.ge [sflag:s12], $0x80  }
0x2a: {  	[sflag:s12] =	ssyncset.done $0x0  }
0x2b: {  	s1 =	sadd.s32 $0x10, s30;
	[sflag:s12] =	ssyncadd.s32 $0xFFFFFF80  }
0x2c: {  	[tilespmem:s16], [sflag:$0x7] =	stream.linear.gather [hbm4b:s1+s3], $0x80, $0x38;
	[tilespmem:$0x1FF00] =	vst v63  }
0x2d: {  	_ =	swait.ge [sflag:s12], $0x80  }
0x2e: {  	[sflag:s12] =	ssyncset.done $0x0  }
0x2f: {  	s31 =	simm.s32 @!p0 $0x6;
	[sflag:s12] =	ssyncadd.s32 $0xFFFFFF80  }
0x30: {  	[tilespmem:s17], [sflag:$0x2] =	stream.indirect.gather [hbm4b:s4+s14], $0x80, s14, s14, $0xb8;
	[tilespmem:$0x1FF00] =	vst v63  }
0x31: {  	_ =	swait.ge @!p0 [sflag:s31], $0x4000  }
0x32: {  	[sflag:s31] =	ssyncset.done @!p0 $0x0  }
0x33: {  	s29 =	sadd.s32 $0x20, s29;
	[sflag:s31] =	ssyncadd.s32 @!p0 $0xFFFFC000  }
0x34: {  	[tilespmem:s18], [sflag:$0x7] =	stream.linear.gather [hbm4b:s29+s3], $0x80, $0x38;
	[tilespmem:$0x1FF00] =	vst v63  }
0x35: {  	_ =	swait.ge [sflag:s12], $0x80  }
0x36: {  	[sflag:s12] =	ssyncset.done $0x0  }
0x37: {  	s29 =	sadd.s32 $0x20, s30;
	[sflag:s12] =	ssyncadd.s32 $0xFFFFFF80  }
0x38: {  	[tilespmem:s19], [sflag:$0x7] =	stream.linear.gather [hbm4b:s29+s3], $0x80, $0x38;
	[tilespmem:$0x1FF00] =	vst v63  }
0x39: {  	_ =	swait.ge [sflag:s12], $0x80  }
0x3a: {  	[sflag:s12] =	ssyncset.done $0x0  }
0x3b: {  	[sflag:s12] =	ssyncadd.s32 $0xFFFFFF80  }
0x3c: {  	[tilespmem:s20], [sflag:$0x3] =	stream.indirect.gather [hbm4b:s4+s14], $0x80, s18, s14, $0xb8;
	[tilespmem:$0x1FF00] =	vst v63  }
0x3d: {  	_ =	swait.ge [sflag:s21], $0x4000  }
0x3e: {  	[sflag:s21] =	ssyncset.done $0x0  }
0x3f: {  	[sflag:s21] =	ssyncadd.s32 $0xFFFFC000  }
0x40: {  	[spmem:s2] =	stream.indirect.scatter.add.f32 [tilespmem:s15], [sflag:$0x4], $0x80, s13, s14, $0xb8;
	[tilespmem:$0x1FF00] =	vst v63  }
0x41: {  	_ =	swait.ge [sflag:s22], $0x4000  }
0x42: {  	[sflag:s22] =	ssyncset.done $0x0  }
0x43: {  	[sflag:s22] =	ssyncadd.s32 $0xFFFFC000  }
0x44: {  	[spmem:s2] =	stream.indirect.scatter.add.f32 [tilespmem:s17], [sflag:$0x5], $0x80, s16, s14, $0xb8;
	[tilespmem:$0x1FF00] =	vst v63  }
0x45: {  	p0 =	por $0x0, $0x0;
	_ =	swait.ge [sflag:s23], $0x4000  }
0x46: {  	s30 =	simm.s32 $0x60;
	s29 =	simm.s32 $0x30;
	[sflag:s23] =	ssyncset.done $0x0  }
.LBB2_2:
0x47: {  	s31 =	simm.s32 @!p0 $0x4  }
0x48: {  	[sflag:s23] =	ssyncadd.s32 $0xFFFFC000;
	s0 =	smov.u32 s30;
	s30 =	sadd.s32 $0x30, s30  }
0x49: {  	[spmem:s2] =	stream.indirect.scatter.add.f32 [tilespmem:s20], [sflag:$0x6], $0x80, s19, s14, $0xb8;
	[tilespmem:$0x1FF00] =	vst v63  }
0x4a: {  	p1 =	sne.s32 s30, $0x510;
	_ =	swait.ge @!p0 [sflag:s31], $0x4000  }
0x4b: {  	[sflag:s31] =	ssyncset.done @!p0 $0x0  }
0x4c: {  	[sflag:s31] =	ssyncadd.s32 @!p0 $0xFFFFC000;
	s31 =	sadd.s32 s29, s10  }
0x4d: {  	[tilespmem:s3], [sflag:$0x7] =	stream.linear.gather [hbm4b:s31+s3], $0x80, $0x38;
	[tilespmem:$0x1FF00] =	vst v63  }
0x4e: {  	_ =	swait.ge [sflag:s12], $0x80  }
0x4f: {  	[sflag:s12] =	ssyncset.done $0x0  }
0x50: {  	s1 =	sadd.s32 s29, s9;
	s29 =	smov.u32 s0;
	[sflag:s12] =	ssyncadd.s32 $0xFFFFFF80  }
0x51: {  	[tilespmem:s13], [sflag:$0x7] =	stream.linear.gather [hbm4b:s1+s3], $0x80, $0x38;
	[tilespmem:$0x1FF00] =	vst v63  }
0x52: {  	_ =	swait.ge [sflag:s12], $0x80  }
0x53: {  	[sflag:s12] =	ssyncset.done $0x0  }
0x54: {  	s0 =	simm.s32 @!p0 $0x5;
	[sflag:s12] =	ssyncadd.s32 $0xFFFFFF80  }
0x55: {  	[tilespmem:s15], [sflag:$0x1] =	stream.indirect.gather [hbm4b:s4+s14], $0x80, s3, s14, $0xb8;
	[tilespmem:$0x1FF00] =	vst v63  }
0x56: {  	_ =	swait.ge @!p0 [sflag:s0], $0x4000  }
0x57: {  	[sflag:s0] =	ssyncset.done @!p0 $0x0  }
0x58: {  	[sflag:s0] =	ssyncadd.s32 @!p0 $0xFFFFC000;
	s0 =	sadd.s32 $0x10, s31  }
0x59: {  	[tilespmem:s14], [sflag:$0x7] =	stream.linear.gather [hbm4b:s0+s3], $0x80, $0x38;
	[tilespmem:$0x1FF00] =	vst v63  }
0x5a: {  	_ =	swait.ge [sflag:s12], $0x80  }
0x5b: {  	[sflag:s12] =	ssyncset.done $0x0  }
0x5c: {  	s0 =	sadd.s32 $0x10, s1;
	[sflag:s12] =	ssyncadd.s32 $0xFFFFFF80  }
0x5d: {  	[tilespmem:s16], [sflag:$0x7] =	stream.linear.gather [hbm4b:s0+s3], $0x80, $0x38;
	[tilespmem:$0x1FF00] =	vst v63  }
0x5e: {  	_ =	swait.ge [sflag:s12], $0x80  }
0x5f: {  	[sflag:s12] =	ssyncset.done $0x0  }
0x60: {  	s0 =	simm.s32 @!p0 $0x6;
	[sflag:s12] =	ssyncadd.s32 $0xFFFFFF80  }
0x61: {  	[tilespmem:s17], [sflag:$0x2] =	stream.indirect.gather [hbm4b:s4+s14], $0x80, s14, s14, $0xb8;
	[tilespmem:$0x1FF00] =	vst v63  }
0x62: {  	_ =	swait.ge @!p0 [sflag:s0], $0x4000  }
0x63: {  	[sflag:s0] =	ssyncset.done @!p0 $0x0  }
0x64: {  	[sflag:s0] =	ssyncadd.s32 @!p0 $0xFFFFC000;
	s0 =	sadd.s32 $0x20, s31  }
0x65: {  	[tilespmem:s18], [sflag:$0x7] =	stream.linear.gather [hbm4b:s0+s3], $0x80, $0x38;
	[tilespmem:$0x1FF00] =	vst v63  }
0x66: {  	_ =	swait.ge [sflag:s12], $0x80  }
0x67: {  	[sflag:s12] =	ssyncset.done $0x0  }
0x68: {  	s0 =	sadd.s32 $0x20, s1;
	[sflag:s12] =	ssyncadd.s32 $0xFFFFFF80  }
0x69: {  	[tilespmem:s19], [sflag:$0x7] =	stream.linear.gather [hbm4b:s0+s3], $0x80, $0x38;
	[tilespmem:$0x1FF00] =	vst v63  }
0x6a: {  	_ =	swait.ge [sflag:s12], $0x80  }
0x6b: {  	[sflag:s12] =	ssyncset.done $0x0  }
0x6c: {  	[sflag:s12] =	ssyncadd.s32 $0xFFFFFF80  }
0x6d: {  	[tilespmem:s20], [sflag:$0x3] =	stream.indirect.gather [hbm4b:s4+s14], $0x80, s18, s14, $0xb8;
	[tilespmem:$0x1FF00] =	vst v63  }
0x6e: {  	_ =	swait.ge [sflag:s21], $0x4000  }
0x6f: {  	[sflag:s21] =	ssyncset.done $0x0  }
0x70: {  	[sflag:s21] =	ssyncadd.s32 $0xFFFFC000  }
0x71: {  	[spmem:s2] =	stream.indirect.scatter.add.f32 [tilespmem:s15], [sflag:$0x4], $0x80, s13, s14, $0xb8;
	[tilespmem:$0x1FF00] =	vst v63  }
0x72: {  	_ =	swait.ge [sflag:s22], $0x4000  }
.Ltmp0:
0x73: {  	[sflag:s22] =	ssyncset.done $0x0;
	(pc) =	sbr.rel @p1 .LBB2_2-.Ltmp0, $4  }
0x74: {  	[sflag:s22] =	ssyncadd.s32 $0xFFFFC000  }
0x75: {  	[spmem:s2] =	stream.indirect.scatter.add.f32 [tilespmem:s17], [sflag:$0x5], $0x80, s16, s14, $0xb8;
	[tilespmem:$0x1FF00] =	vst v63  }
0x76: {  	_ =	swait.ge [sflag:s23], $0x4000  }
0x77: {  	p0 =	seq.s32 s29, $0x0;
	[sflag:s23] =	ssyncset.done $0x0  }
0x78: {  	s0 =	simm.s32 @!p0 $0x4;
	[sflag:s23] =	ssyncadd.s32 $0xFFFFC000  }
0x79: {  	[spmem:s2] =	stream.indirect.scatter.add.f32 [tilespmem:s20], [sflag:$0x6], $0x80, s19, s14, $0xb8;
	[tilespmem:$0x1FF00] =	vst v63  }
0x7a: {  	_ =	swait.ge @!p0 [sflag:s0], $0x4000  }
0x7b: {  	[sflag:s0] =	ssyncset.done @!p0 $0x0  }
0x7c: {  	[sflag:s0] =	ssyncadd.s32 @!p0 $0xFFFFC000;
	s0 =	sadd.s32 s29, s10  }
0x7d: {  	[tilespmem:s3], [sflag:$0x7] =	stream.linear.gather [hbm4b:s0+s3], $0x80, $0x38;
	[tilespmem:$0x1FF00] =	vst v63  }
0x7e: {  	_ =	swait.ge [sflag:s12], $0x80  }
0x7f: {  	[sflag:s12] =	ssyncset.done $0x0  }
0x80: {  	s1 =	sadd.s32 s29, s9;
	[sflag:s12] =	ssyncadd.s32 $0xFFFFFF80  }
0x81: {  	[tilespmem:s13], [sflag:$0x7] =	stream.linear.gather [hbm4b:s1+s3], $0x80, $0x38;
	[tilespmem:$0x1FF00] =	vst v63  }
0x82: {  	_ =	swait.ge [sflag:s12], $0x80  }
0x83: {  	[sflag:s12] =	ssyncset.done $0x0  }
0x84: {  	s29 =	simm.s32 @!p0 $0x5;
	[sflag:s12] =	ssyncadd.s32 $0xFFFFFF80  }
0x85: {  	[tilespmem:s15], [sflag:$0x1] =	stream.indirect.gather [hbm4b:s4+s14], $0x80, s3, s14, $0xb8;
	[tilespmem:$0x1FF00] =	vst v63  }
0x86: {  	_ =	swait.ge @!p0 [sflag:s29], $0x4000  }
0x87: {  	[sflag:s29] =	ssyncset.done @!p0 $0x0  }
0x88: {  	s31 =	sadd.s32 $0x10, s0;
	[sflag:s29] =	ssyncadd.s32 @!p0 $0xFFFFC000  }
0x89: {  	[tilespmem:s14], [sflag:$0x7] =	stream.linear.gather [hbm4b:s31+s3], $0x80, $0x38;
	[tilespmem:$0x1FF00] =	vst v63  }
0x8a: {  	_ =	swait.ge [sflag:s12], $0x80  }
0x8b: {  	[sflag:s12] =	ssyncset.done $0x0  }
0x8c: {  	s30 =	sadd.s32 $0x10, s1;
	[sflag:s12] =	ssyncadd.s32 $0xFFFFFF80  }
0x8d: {  	[tilespmem:s16], [sflag:$0x7] =	stream.linear.gather [hbm4b:s30+s3], $0x80, $0x38;
	[tilespmem:$0x1FF00] =	vst v63  }
0x8e: {  	_ =	swait.ge [sflag:s12], $0x80  }
0x8f: {  	[sflag:s12] =	ssyncset.done $0x0  }
0x90: {  	s29 =	simm.s32 @!p0 $0x6;
	[sflag:s12] =	ssyncadd.s32 $0xFFFFFF80  }
0x91: {  	[tilespmem:s17], [sflag:$0x2] =	stream.indirect.gather [hbm4b:s4+s14], $0x80, s14, s14, $0xb8;
	[tilespmem:$0x1FF00] =	vst v63  }
0x92: {  	_ =	swait.ge @!p0 [sflag:s29], $0x4000  }
0x93: {  	[sflag:s29] =	ssyncset.done @!p0 $0x0  }
0x94: {  	s0 =	sadd.s32 $0x20, s0;
	[sflag:s29] =	ssyncadd.s32 @!p0 $0xFFFFC000  }
0x95: {  	[tilespmem:s18], [sflag:$0x7] =	stream.linear.gather [hbm4b:s0+s3], $0x80, $0x38;
	[tilespmem:$0x1FF00] =	vst v63  }
0x96: {  	_ =	swait.ge [sflag:s12], $0x80  }
0x97: {  	[sflag:s12] =	ssyncset.done $0x0  }
0x98: {  	s31 =	sadd.s32 $0x20, s1;
	[sflag:s12] =	ssyncadd.s32 $0xFFFFFF80  }
0x99: {  	[tilespmem:s19], [sflag:$0x7] =	stream.linear.gather [hbm4b:s31+s3], $0x80, $0x38;
	[tilespmem:$0x1FF00] =	vst v63  }
0x9a: {  	_ =	swait.ge [sflag:s12], $0x80  }
0x9b: {  	[sflag:s12] =	ssyncset.done $0x0  }
0x9c: {  	[sflag:s12] =	ssyncadd.s32 $0xFFFFFF80  }
0x9d: {  	[tilespmem:s20], [sflag:$0x3] =	stream.indirect.gather [hbm4b:s4+s14], $0x80, s18, s14, $0xb8;
	[tilespmem:$0x1FF00] =	vst v63  }
0x9e: {  	_ =	swait.ge [sflag:s21], $0x4000  }
0x9f: {  	[sflag:s21] =	ssyncset.done $0x0  }
0xa0: {  	[sflag:s21] =	ssyncadd.s32 $0xFFFFC000  }
0xa1: {  	[spmem:s2] =	stream.indirect.scatter.add.f32 [tilespmem:s15], [sflag:$0x4], $0x80, s13, s14, $0xb8;
	[tilespmem:$0x1FF00] =	vst v63  }
0xa2: {  	_ =	swait.ge [sflag:s22], $0x4000  }
0xa3: {  	[sflag:s22] =	ssyncset.done $0x0  }
0xa4: {  	[sflag:s22] =	ssyncadd.s32 $0xFFFFC000  }
0xa5: {  	[spmem:s2] =	stream.indirect.scatter.add.f32 [tilespmem:s17], [sflag:$0x5], $0x80, s16, s14, $0xb8;
	[tilespmem:$0x1FF00] =	vst v63  }
0xa6: {  	_ =	swait.ge [sflag:s23], $0x4000  }
0xa7: {  	[sflag:s23] =	ssyncset.done $0x0  }
0xa8: {  	[sflag:s23] =	ssyncadd.s32 $0xFFFFC000  }
0xa9: {  	[spmem:s2] =	stream.indirect.scatter.add.f32 [tilespmem:s20], [sflag:$0x6], $0x80, s19, s14, $0xb8;
	[tilespmem:$0x1FF00] =	vst v63  }
0xaa: {  	_ =	swait.ge [sflag:s24], $0x4000  }
0xab: {  	[sflag:s24] =	ssyncset.done $0x0  }
0xac: {  	[sflag:s24] =	ssyncadd.s32 $0xFFFFC000  }
0xad: {  	_ =	swait.ge [sflag:s25], $0x4000  }
0xae: {  	[sflag:s25] =	ssyncset.done $0x0  }
0xaf: {  	[sflag:s25] =	ssyncadd.s32 $0xFFFFC000  }
0xb0: {  	_ =	swait.ge [sflag:s26], $0x4000  }
0xb1: {  	s28 =	sadd.s32 $0x1, s28;
	[sflag:s26] =	ssyncset.done $0x0  }
0xb2: {  	p0 =	sne.s32 s28, s8;
	[sflag:s26] =	ssyncadd.s32 $0xFFFFC000  }
.Ltmp1:
0xb3: {  	[bflag:$0x0] =	sbarrier.arrive $0xFFFF;
	(pc) =	sbr.rel @p0 .LBB2_1-.Ltmp1, $4  }
0xb4: {  	[hbm:s7], [sflag:s6] =	dma.local [spmem:s11], $0x2780  }
0xb5: {  	_ =	swait.ge [sflag:s12], $0x2780  }
0xb6: {  	[sflag:s12] =	ssyncset.done $0x0  }
0xb7: {  	[sflag:s12] =	ssyncadd.s32 $0xFFFFD880  }
0xb8: {  	_ =	sfence.sel $0x180000  }
0xb9: {  	[bflag:$0x0] =	sbarrier.arrive $0xFFFF  }
0xba: {  	_ =	strace $0x9000004A  }
0xbb: {  	s0 =	stileid.u32;
	[bflag:$0x2] =	sbarrier.arrive $0xFFFF  }
0xbc: {  	p0 =	sne.s32 s0, $0x0;
	s0 =	rddreg [dreg:$0x3]  }
0xbd: {  	s0 =	sadd.s32 @!p0 $0x100000, s0  }
0xbe: {  	[sflag:s0] =	ssyncadd.tile.s32 @!p0 $0x1;
	_ =	shalt  }
.Lfunc_end2:
_tile_overlayer_lowered:
.L_overlay_start_2:
0xbf: {  	(tag) =	ssettag $0x2  }
0xc0: {  	s0 =	rddreg [dreg:$0x0];
	s2 =	stileid.u32  }
0xc1: {  	s1 =	rddreg [dreg:$0x1];
	p0 =	sne.s32 s2, $0x0  }
0xc2: {  	s3 =	rddreg [dreg:$0x2];
	[bflag:$0x3] =	sbarrier.arrive $0xFFFF;
	s2 =	simm.s32 @!p0 $0x1C07  }
0xc3: {  	[timem:s3], [sflag:s2] =	dma.local @!p0 [hbm:s0], s1  }
0xc4: {  	s0 =	simm.s32 @!p0 $0x7  }
0xc5: {  	_ =	swait.ge @!p0 [sflag:s0], s1  }
0xc6: {  	s1 =	ssub.s32 @!p0 $0x0, s1;
	[sflag:s0] =	ssyncset.done @!p0 $0x0  }
0xc7: {  	[sflag:s0] =	ssyncadd.s32 @!p0 s1  }
0xc8: {  	[bflag:$0x3] =	sbarrier.arrive $0xFFFF  }
0xc9: {  	_ =	shalt  }

// kernel: kernel.23.cloned.1.call-start
scs
__scs_entry_jumppad:
0x0: {  	(pc) =	sbr.rel $0x88, $3  }
0x1: {  	(tag) =	ssettag $0x0;
	lr =	simm.s32 $0x1  }
0x2: {  	[smem:$0x3F9C] =	sst lr;
	_ =	strace $0xD0000000  }
0x3: {  	_ = 	snop  }
0x4: {  	_ = 	snop  }
0x5: {  	_ = 	snop  }
0x6: {  	_ = 	snop  }
0x7: {  	_ = 	snop  }
__scs_overlays_trampoline_lowered:
0x8: {  	[smem:$0x3FAB] =	sst s0  }
0x9: {  	[smem:$0x3FAC] =	sst s1  }
0xa: {  	[smem:$0x3FAD] =	sst s2  }
0xb: {  	[smem:$0x3FAE] =	sst s3  }
0xc: {  	[smem:$0x3FAF] =	sst s4  }
0xd: {  	[smem:$0x3FB0] =	sst s5  }
0xe: {  	[smem:$0x3FB1] =	sst s6  }
0xf: {  	[smem:$0x3FB2] =	sst s7  }
0x10: {  	[smem:$0x3FB3] =	sst s8  }
0x11: {  	[smem:$0x3FB4] =	sst s9;
	s0 =	simm.s32 @!p0 $0x0  }
0x12: {  	s1 =	sld [smem:$0x3F9A];
	s0 =	simm.s32 @p0 $0x1  }
0x13: {  	[smem:$0x3FB5] =	sst s0;
	s0 =	simm.s32 @!p1 $0x0  }
0x14: {  	s2 =	sld [smem:$0x3F99];
	s0 =	simm.s32 @p1 $0x1  }
0x15: {  	[smem:$0x3FB6] =	sst s0;
	s0 =	simm.s32 @!p2 $0x0  }
0x16: {  	s3 =	sld [smem:$0x3FDB];
	s0 =	simm.s32 @p2 $0x1  }
0x17: {  	s4 =	simm.s32 $0x1BF5;
	[smem:$0x3FB8] =	sst s0  }
0x18: {  	s0 =	sld [smem:$0x3F9B];
	_ =	swait.ge [sflag:s4], $0x0  }
0x19: {  	s7 =	sld [smem:$0x3F9C]  }
0x1a: {  	s8 =	sadd.s32 $0xFFFFE003, lr  }
0x1b: {  	s9 =	sadd.s32 $0xFFFFFEF7, lr;
	s5 =	simm.s32 $0xFFFFFFFF;
	p2 =	slt.u32 s8, $0xFFFFF086  }
0x1c: {  	p1 =	slt.u32 s9, $0xF7A;
	s5 =	simm.s32 @!p2 $0x0  }
0x1d: {  	s5 =	simm.s32 @p1 $0x1;
	p0 =	seq.s32 s7, s2  }
0x1e: {  	s7 =	smul.u32 @!p0 $0xF7A, s2;
	p2 =	seq.s32 @!p0 s5, $0x0  }
0x1f: {  	s9 =	smul.u32 $0xF7A, s1;
	s8 =	simm.s32 @!p0 $0x1BF5;
	p2 =	por !p2, p0  }
0x20: {  	[sflag:s8] =	ssyncset.s32 @!p0 $0xFFFFF086;
	s6 =	sadd.s32 @!p0 s3, s7;
	s7 =	simm.s32 @!p0 $0x108  }
0x21: {  	s3 =	sadd.s32 s3, s9;
	s6 =	sadd.s32 @!p0 $0x88, s6;
	s7 =	simm.s32 @p2 $0x1082  }
0x22: {  	[simem:s7], [sflag:s8] =	dma.local @!p0 [hbm:s6], $0xF7A  }
0x23: {  	s9 =	sor.u32 $0xD0000000, s2;
	s6 =	simm.s32 $0x108;
	_ =	swait.ge @!p0 [sflag:s8], $0x0  }
0x24: {  	s3 =	sadd.s32 $0x88, s3;
	s6 =	simm.s32 @!p1 $0x1082;
	[sflag:s4] =	ssyncset.s32 $0xFFFFF086  }
0x25: {  	[simem:s6], [sflag:s4] =	dma.local [hbm:s3], $0xF7A  }
0x26: {  	[smem:$0x3F9C] =	sst s1;
	(tag) =	ssettag s2;
	_ =	strace s9  }
0x27: {  	s1 =	sld [smem:$0x3FAC]  }
0x28: {  	s2 =	sld [smem:$0x3FAD]  }
0x29: {  	s4 =	sld [smem:$0x3FAF]  }
0x2a: {  	p0 =	seq.s32 s5, $0x0;
	s5 =	sld [smem:$0x3FB0]  }
0x2b: {  	s6 =	sld [smem:$0x3FB1]  }
0x2c: {  	s7 =	sld [smem:$0x3FB2]  }
0x2d: {  	s3 =	simm.s32 $0x108;
	s8 =	sld [smem:$0x3FB3]  }
0x2e: {  	s3 =	simm.s32 @!p0 $0x1082;
	s9 =	sld [smem:$0x3FB4]  }
0x2f: {  	lr =	sadd.s32 s0, s3;
	s0 =	sld [smem:$0x3FAB]  }
0x30: {  	s3 =	sld [smem:$0x3FAE]  }
0x31: {  	[smem:$0x3FB7] =	sst s10  }
0x32: {  	s10 =	sld [smem:$0x3FB5];
	_ =	sdelay $0x3  }
0x33: {  	p0 =	seq.s32 s10, $0x1;
	s10 =	sld [smem:$0x3FB7];
	_ =	sdelay $0x3  }
0x34: {  	[smem:$0x3FB7] =	sst s10  }
0x35: {  	s10 =	sld [smem:$0x3FB6];
	_ =	sdelay $0x3  }
0x36: {  	p1 =	seq.s32 s10, $0x1;
	s10 =	sld [smem:$0x3FB7];
	_ =	sdelay $0x3  }
0x37: {  	[smem:$0x3FB7] =	sst s10  }
0x38: {  	s10 =	sld [smem:$0x3FB8]  }
0x39: {  	_ = 	snop;
	(pc) =	sbr.ind lr, $3  }
0x3a: {  	_ = 	snop  }
0x3b: {  	_ = 	snop  }
0x3c: {  	p2 =	seq.s32 s10, $0x1;
	s10 =	sld [smem:$0x3FB7]  }
0x3d: {  	_ =	shalt  }
0x3e: {  	_ =	shalt  }
0x3f: {  	_ =	shalt  }
0x40: {  	_ =	shalt  }
0x41: {  	_ =	shalt  }
0x42: {  	_ =	shalt  }
0x43: {  	_ =	shalt  }
0x44: {  	_ =	shalt  }
0x45: {  	_ =	shalt  }
0x46: {  	_ =	shalt  }
0x47: {  	_ =	shalt  }
0x48: {  	_ =	shalt  }
0x49: {  	_ =	shalt  }
0x4a: {  	_ =	shalt  }
0x4b: {  	_ =	shalt  }
0x4c: {  	_ =	shalt  }
0x4d: {  	_ =	shalt  }
0x4e: {  	_ =	shalt  }
0x4f: {  	_ =	shalt  }
0x50: {  	_ =	shalt  }
0x51: {  	_ =	shalt  }
0x52: {  	_ =	shalt  }
0x53: {  	_ =	shalt  }
0x54: {  	_ =	shalt  }
0x55: {  	_ =	shalt  }
0x56: {  	_ =	shalt  }
0x57: {  	_ =	shalt  }
0x58: {  	_ =	shalt  }
0x59: {  	_ =	shalt  }
0x5a: {  	_ =	shalt  }
0x5b: {  	_ =	shalt  }
0x5c: {  	_ =	shalt  }
0x5d: {  	_ =	shalt  }
0x5e: {  	_ =	shalt  }
0x5f: {  	_ =	shalt  }
0x60: {  	_ =	shalt  }
0x61: {  	_ =	shalt  }
0x62: {  	_ =	shalt  }
0x63: {  	_ =	shalt  }
0x64: {  	_ =	shalt  }
0x65: {  	_ =	shalt  }
0x66: {  	_ =	shalt  }
0x67: {  	_ =	shalt  }
0x68: {  	_ =	shalt  }
0x69: {  	_ =	shalt  }
0x6a: {  	_ =	shalt  }
0x6b: {  	_ =	shalt  }
0x6c: {  	_ =	shalt  }
0x6d: {  	_ =	shalt  }
0x6e: {  	_ =	shalt  }
0x6f: {  	_ =	shalt  }
0x70: {  	_ =	shalt  }
0x71: {  	_ =	shalt  }
0x72: {  	_ =	shalt  }
0x73: {  	_ =	shalt  }
0x74: {  	_ =	shalt  }
0x75: {  	_ =	shalt  }
0x76: {  	_ =	shalt  }
0x77: {  	_ =	shalt  }
0x78: {  	_ =	shalt  }
0x79: {  	_ =	shalt  }
0x7a: {  	_ =	shalt  }
0x7b: {  	_ =	shalt  }
0x7c: {  	_ =	shalt  }
0x7d: {  	_ =	shalt  }
0x7e: {  	_ =	shalt  }
0x7f: {  	_ =	shalt  }
0x80: {  	_ =	shalt  }
0x81: {  	_ =	shalt  }
0x82: {  	_ =	shalt  }
0x83: {  	_ =	shalt  }
0x84: {  	_ =	shalt  }
0x85: {  	_ =	shalt  }
0x86: {  	_ =	shalt  }
0x87: {  	_ =	shalt  }
.Lfunc_end0:
.L_simem_size_0:
called_computation.2_lowered:
.L_overlay_start_0:
0x88: {  	s2 =	sld [smem:$0x3FD9]  }
0x89: {  	s3 =	sld [smem:$0x3FFE];
	_ =	sdelay $0x1  }
0x8a: {  	s1 =	srdreg.scid  }
0x8b: {  	s0 =	sand.u32 $0x1, s1  }
0x8c: {  	s17 =	sshll.u32 s0, $0xA;
	s2 =	sadd.s32 s3, s2  }
0x8d: {  	s2 =	sadd.s32 s2, s17  }
0x8e: {  	[smem:$0x3FC3] =	sst s2  }
0x8f: {  	_ = 	snop  }
0x90: {  	s2 =	sld [smem:$0x3FD0];
	(tm) =	ssettm $0x1  }
0x91: {  	s18 =	sld [smem:$0x3FFB];
	_ =	sdelay $0x3  }
0x92: {  	_ =	strace s18  }
0x93: {  	s3 =	sld [smem:$0x3FFC];
	_ =	sdelay $0x3  }
0x94: {  	_ =	strace s3  }
0x95: {  	s3 =	sld [smem:$0x3FFD];
	_ =	sdelay $0x3  }
0x96: {  	_ =	strace s3  }
0x97: {  	_ =	strace $0x8FFFFFFF  }
0x98: {  	s19 =	sld [smem:$0x3FDB];
	_ =	sdelay $0x1  }
0x99: {  	s4 =	simm.s32 $_scs_section_size  }
0x9a: {  	s5 =	simm.s32 $_size__tile_overlayer_lowered;
	s6 =	simm.s32 $_tile_overlayer_lowered  }
0x9b: {  	s22 =	simm.s32 $0x1BFF;
	s21 =	sshll.u32 s6, $0x1;
	s3 =	sadd.s32 s4, s19  }
0x9c: {  	s7 =	simm.s32 $0x0;
	s20 =	sshll.u32 s5, $0x1;
	s5 =	sadd.s32 s21, s3  }
0x9d: {  	[timem:s7], [sflag:s22] =	dma.local [hbm:s5], s20  }
0x9e: {  	_ =	swait.ge [sflag:s22], s20  }
0x9f: {  	s4 =	ssub.s32 $0x0, s20;
	[sflag:s22] =	ssyncset.done $0x0  }
0xa0: {  	[sflag:s22] =	ssyncadd.s32 s4;
	_ =	sdelay $0x1  }
0xa1: {  	s23 =	simm.s32 $0x1B8B  }
0xa2: {  	_ =	swait.ge [sflag:s23], $0x1  }
0xa3: {  	[sflag:s23] =	ssyncset.done $0x0  }
0xa4: {  	s25 =	simm.s32 $0x1B8E;
	s24 =	sld [smem:$0x3FFE];
	[sflag:s23] =	ssyncadd.s32 $0xFFFFFFFF  }
0xa5: {  	s26 =	simm.s32 $execute0_lowered;
	[smem:$0x3FD2] =	sst s25  }
0xa6: {  	s5 =	sshll.u32 s26, $0x1;
	_ =	strace $0x8000004C;
	[dreg:$0x1] =	wrdreg $0xFFFFFFFF  }
0xa7: {  	s28 =	simm.s32 $_size_execute0_lowered;
	s3 =	sadd.s32 s3, s5;
	[dreg:$0x0] =	wrdreg $0x0  }
0xa8: {  	s5 =	sshll.u32 s28, $0x1;
	[dreg:$0x2] =	wrdreg s3  }
0xa9: {  	[dreg:$0x3] =	wrdreg s5  }
0xaa: {  	[dreg:$0x4] =	wrdreg $0xC0  }
0xab: {  	_ =	task [dreg:s7], $0x5FFFF  }
0xac: {  	[dreg:$0x1] =	wrdreg $0xFFFFFFFF  }
0xad: {  	[dreg:$0x0] =	wrdreg $0x60  }
0xae: {  	[dreg:$0x2] =	wrdreg s24  }
0xaf: {  	[dreg:$0x3] =	wrdreg s2  }
0xb0: {  	[dreg:$0x4] =	wrdreg $0xC3000  }
0xb1: {  	[dreg:$0x5] =	wrdreg $0x9  }
0xb2: {  	_ =	task.clear_ibuf [dreg:s7], $0x6FFFF;
	_ =	strace $0x9000004C  }
0xb3: {  	s29 =	simm.s32 $0x9;
	_ =	strace $0x8000004E  }
0xb4: {  	_ =	swait.ge [sflag:s29], $0x1  }
0xb5: {  	[sflag:s29] =	ssyncadd.s32 $0xFFFFFFFF  }
0xb6: {  	_ =	strace $0x9000004E  }
0xb7: {  	_ =	sfence  }
0xb8: {  	s30 =	sld [smem:$0x0];
	_ =	sdelay $0x2  }
0xb9: {  	s31 =	sshll.u32 s1, $0xD;
	s1 =	sshrl.u32 s1, $0x2  }
0xba: {  	s3 =	sand.u32 $0x4000, s31;
	s1 =	sadd.s32 s1, s30  }
0xbb: {  	s0 =	sor.u32 s3, s0;
	s1 =	sshll.u32 s1, $0x11  }
0xbc: {  	s0 =	sor.u32 s1, s0  }
0xbd: {  	s0 =	sadd.s32 $0x8F2B, s0  }
0xbe: {  	[sflag:s0] =	ssyncadd.remote.s32 $0x1  }
0xbf: {  	_ =	sfence.sel $0xFFFF  }
0xc0: {  	[dreg:$0x0] =	wrdreg $0xFFFFFFFF;
	(pc) =	sbr.abs _section_cstart, $3  }
0xc1: {  	[dreg:$0x1] =	wrdreg $0xFFFFFFFF  }
0xc2: {  	_ =	task.clear_ibuf [dreg:s7], $0x2FFFF;
	_ =	strace $0x9FFFFFFF  }
0xc3: {  	(tm) =	ssettm $0x7FFFFFFF  }
tec
execute0_lowered:
.L_overlay_start_1:
0x0: {  	(tag) =	ssettag $0x1  }
0x1: {  	s5 =	rddreg [dreg:$0x0]  }
0x2: {  	s10 =	rddreg [dreg:$0x1]  }
0x3: {  	s2 =	rddreg [dreg:$0x2];
	s0 =	stileid.u32  }
0x4: {  	s4 =	srdreg.scid;
	s3 =	simm.s32 $0x0;
	s16 =	simm.s32 $0x200  }
0x5: {  	s17 =	simm.s32 $0x4300;
	s18 =	simm.s32 $0x100;
	s19 =	simm.s32 $0x280  }
0x6: {  	s20 =	simm.s32 $0x8300;
	s21 =	simm.s32 $0x1;
	s22 =	simm.s32 $0x2  }
0x7: {  	s23 =	simm.s32 $0x3;
	s24 =	simm.s32 $0x4;
	s11 =	smul.u32 $0xA20, s0  }
0x8: {  	s28 =	simm.s32 $0x0;
	s6 =	smul.u32 $0x13C00, s0;
	s7 =	sand.u32 $0x1, s4  }
0x9: {  	[smem:$0x7FF] =	sst s3;
	s4 =	sadd.s32 $0x37400, s5;
	s13 =	smul.u32 $0x4F000, s0  }
0xa: {  	s31 =	sshll.u32 s0, $0x6;
	s8 =	smul.u32 $0x13C000, s7;
	_ =	strace $0x8000004D  }
0xb: {  	s25 =	ssub.s32 $0x2, s7;
	s30 =	smul.u32 $0x510, s7;
	s9 =	sadd.s32 s11, s5  }
0xc: {  	s12 =	sshrl.u32 s6, $0x3;
	s26 =	sshrl.u32 s25, $0x1;
	s29 =	sshrl.u32 s13, $0x2  }
0xd: {  	s10 =	sadd.s32 s11, s10;
	s13 =	simm.s32 $0x180;
	s6 =	sadd.s32 s6, s8  }
0xe: {  	s12 =	sadd.s32 s12, s5;
	s8 =	ssub.s32 s25, s26;
	s15 =	sadd.s32 s29, s2  }
0xf: {  	s9 =	sadd.s32 s30, s9;
	s10 =	sadd.s32 s30, s10;
	s25 =	simm.s32 $0x5  }
0x10: {  	s26 =	simm.s32 $0x6;
	s6 =	sshrl.u32 s6, $0x3;
	s8 =	smax.u32 s8, $0x1  }
0x11: {  	s9 =	sadd.s32 $0x5A00, s9;
	s11 =	sshrl.u32 s15, $0x3;
	s15 =	simm.s32 $0x300  }
0x12: {  	s14 =	sadd.s32 s6, s5;
	s5 =	sadd.s32 $0xFC00, s12;
	s6 =	sor.u32 $0x1C07, s31  }
0x13: {  	s12 =	simm.s32 $0x7;
	s7 =	sadd.s32 $0x5EC00, s14;
	s14 =	simm.s32 $0x80  }
.LBB2_1:
0x14: {  	[spmem:s11], [sflag:s6] =	dma.local [hbm:s5], $0x2780  }
0x15: {  	_ =	swait.ge [sflag:s12], $0x2780  }
0x16: {  	[sflag:s12] =	ssyncset.done $0x0  }
0x17: {  	p0 =	por $0x1, $0x1;
	[sflag:s12] =	ssyncadd.s32 $0xFFFFD880  }
0x18: {  	s29 =	simm.s32 @!p0 $0x4;
	[bflag:$0x0] =	sbarrier.arrive $0xFFFF  }
0x19: {  	_ =	swait.ge @!p0 [sflag:s29], $0x4000  }
0x1a: {  	[sflag:s29] =	ssyncset.done @!p0 $0x0  }
0x1b: {  	[sflag:s29] =	ssyncadd.s32 @!p0 $0xFFFFC000;
	s29 =	sadd.s32 $0x0, s10  }
0x1c: {  	[tilespmem:s3], [sflag:$0x7] =	stream.linear.gather [hbm4b:s29+s3], $0x80, $0x38;
	[tilespmem:$0x1FF00] =	vst v63  }
0x1d: {  	_ =	swait.ge [sflag:s12], $0x80  }
0x1e: {  	[sflag:s12] =	ssyncset.done $0x0  }
0x1f: {  	s30 =	sadd.s32 $0x0, s9;
	[sflag:s12] =	ssyncadd.s32 $0xFFFFFF80  }
0x20: {  	[tilespmem:s13], [sflag:$0x7] =	stream.linear.gather [hbm4b:s30+s3], $0x80, $0x38;
	[tilespmem:$0x1FF00] =	vst v63  }
0x21: {  	_ =	swait.ge [sflag:s12], $0x80  }
0x22: {  	[sflag:s12] =	ssyncset.done $0x0  }
0x23: {  	s31 =	simm.s32 @!p0 $0x5;
	[sflag:s12] =	ssyncadd.s32 $0xFFFFFF80  }
0x24: {  	[tilespmem:s15], [sflag:$0x1] =	stream.indirect.gather [hbm4b:s4+s14], $0x80, s3, s14, $0xb8;
	[tilespmem:$0x1FF00] =	vst v63  }
0x25: {  	_ =	swait.ge @!p0 [sflag:s31], $0x4000  }
0x26: {  	[sflag:s31] =	ssyncset.done @!p0 $0x0  }
0x27: {  	s0 =	sadd.s32 $0x10, s29;
	[sflag:s31] =	ssyncadd.s32 @!p0 $0xFFFFC000  }
0x28: {  	[tilespmem:s14], [sflag:$0x7] =	stream.linear.gather [hbm4b:s0+s3], $0x80, $0x38;
	[tilespmem:$0x1FF00] =	vst v63  }
0x29: {  	_ =	swait.ge [sflag:s12], $0x80  }
0x2a: {  	[sflag:s12] =	ssyncset.done $0x0  }
0x2b: {  	s1 =	sadd.s32 $0x10, s30;
	[sflag:s12] =	ssyncadd.s32 $0xFFFFFF80  }
0x2c: {  	[tilespmem:s16], [sflag:$0x7] =	stream.linear.gather [hbm4b:s1+s3], $0x80, $0x38;
	[tilespmem:$0x1FF00] =	vst v63  }
0x2d: {  	_ =	swait.ge [sflag:s12], $0x80  }
0x2e: {  	[sflag:s12] =	ssyncset.done $0x0  }
0x2f: {  	s31 =	simm.s32 @!p0 $0x6;
	[sflag:s12] =	ssyncadd.s32 $0xFFFFFF80  }
0x30: {  	[tilespmem:s17], [sflag:$0x2] =	stream.indirect.gather [hbm4b:s4+s14], $0x80, s14, s14, $0xb8;
	[tilespmem:$0x1FF00] =	vst v63  }
0x31: {  	_ =	swait.ge @!p0 [sflag:s31], $0x4000  }
0x32: {  	[sflag:s31] =	ssyncset.done @!p0 $0x0  }
0x33: {  	s29 =	sadd.s32 $0x20, s29;
	[sflag:s31] =	ssyncadd.s32 @!p0 $0xFFFFC000  }
0x34: {  	[tilespmem:s18], [sflag:$0x7] =	stream.linear.gather [hbm4b:s29+s3], $0x80, $0x38;
	[tilespmem:$0x1FF00] =	vst v63  }
0x35: {  	_ =	swait.ge [sflag:s12], $0x80  }
0x36: {  	[sflag:s12] =	ssyncset.done $0x0  }
0x37: {  	s29 =	sadd.s32 $0x20, s30;
	[sflag:s12] =	ssyncadd.s32 $0xFFFFFF80  }
0x38: {  	[tilespmem:s19], [sflag:$0x7] =	stream.linear.gather [hbm4b:s29+s3], $0x80, $0x38;
	[tilespmem:$0x1FF00] =	vst v63  }
0x39: {  	_ =	swait.ge [sflag:s12], $0x80  }
0x3a: {  	[sflag:s12] =	ssyncset.done $0x0  }
0x3b: {  	[sflag:s12] =	ssyncadd.s32 $0xFFFFFF80  }
0x3c: {  	[tilespmem:s20], [sflag:$0x3] =	stream.indirect.gather [hbm4b:s4+s14], $0x80, s18, s14, $0xb8;
	[tilespmem:$0x1FF00] =	vst v63  }
0x3d: {  	_ =	swait.ge [sflag:s21], $0x4000  }
0x3e: {  	[sflag:s21] =	ssyncset.done $0x0  }
0x3f: {  	[sflag:s21] =	ssyncadd.s32 $0xFFFFC000  }
0x40: {  	[spmem:s2] =	stream.indirect.scatter.add.f32 [tilespmem:s15], [sflag:$0x4], $0x80, s13, s14, $0xb8;
	[tilespmem:$0x1FF00] =	vst v63  }
0x41: {  	_ =	swait.ge [sflag:s22], $0x4000  }
0x42: {  	[sflag:s22] =	ssyncset.done $0x0  }
0x43: {  	[sflag:s22] =	ssyncadd.s32 $0xFFFFC000  }
0x44: {  	[spmem:s2] =	stream.indirect.scatter.add.f32 [tilespmem:s17], [sflag:$0x5], $0x80, s16, s14, $0xb8;
	[tilespmem:$0x1FF00] =	vst v63  }
0x45: {  	p0 =	por $0x0, $0x0;
	_ =	swait.ge [sflag:s23], $0x4000  }
0x46: {  	s30 =	simm.s32 $0x60;
	s29 =	simm.s32 $0x30;
	[sflag:s23] =	ssyncset.done $0x0  }
.LBB2_2:
0x47: {  	s31 =	simm.s32 @!p0 $0x4  }
0x48: {  	[sflag:s23] =	ssyncadd.s32 $0xFFFFC000;
	s0 =	smov.u32 s30;
	s30 =	sadd.s32 $0x30, s30  }
0x49: {  	[spmem:s2] =	stream.indirect.scatter.add.f32 [tilespmem:s20], [sflag:$0x6], $0x80, s19, s14, $0xb8;
	[tilespmem:$0x1FF00] =	vst v63  }
0x4a: {  	p1 =	sne.s32 s30, $0x510;
	_ =	swait.ge @!p0 [sflag:s31], $0x4000  }
0x4b: {  	[sflag:s31] =	ssyncset.done @!p0 $0x0  }
0x4c: {  	[sflag:s31] =	ssyncadd.s32 @!p0 $0xFFFFC000;
	s31 =	sadd.s32 s29, s10  }
0x4d: {  	[tilespmem:s3], [sflag:$0x7] =	stream.linear.gather [hbm4b:s31+s3], $0x80, $0x38;
	[tilespmem:$0x1FF00] =	vst v63  }
0x4e: {  	_ =	swait.ge [sflag:s12], $0x80  }
0x4f: {  	[sflag:s12] =	ssyncset.done $0x0  }
0x50: {  	s1 =	sadd.s32 s29, s9;
	s29 =	smov.u32 s0;
	[sflag:s12] =	ssyncadd.s32 $0xFFFFFF80  }
0x51: {  	[tilespmem:s13], [sflag:$0x7] =	stream.linear.gather [hbm4b:s1+s3], $0x80, $0x38;
	[tilespmem:$0x1FF00] =	vst v63  }
0x52: {  	_ =	swait.ge [sflag:s12], $0x80  }
0x53: {  	[sflag:s12] =	ssyncset.done $0x0  }
0x54: {  	s0 =	simm.s32 @!p0 $0x5;
	[sflag:s12] =	ssyncadd.s32 $0xFFFFFF80  }
0x55: {  	[tilespmem:s15], [sflag:$0x1] =	stream.indirect.gather [hbm4b:s4+s14], $0x80, s3, s14, $0xb8;
	[tilespmem:$0x1FF00] =	vst v63  }
0x56: {  	_ =	swait.ge @!p0 [sflag:s0], $0x4000  }
0x57: {  	[sflag:s0] =	ssyncset.done @!p0 $0x0  }
0x58: {  	[sflag:s0] =	ssyncadd.s32 @!p0 $0xFFFFC000;
	s0 =	sadd.s32 $0x10, s31  }
0x59: {  	[tilespmem:s14], [sflag:$0x7] =	stream.linear.gather [hbm4b:s0+s3], $0x80, $0x38;
	[tilespmem:$0x1FF00] =	vst v63  }
0x5a: {  	_ =	swait.ge [sflag:s12], $0x80  }
0x5b: {  	[sflag:s12] =	ssyncset.done $0x0  }
0x5c: {  	s0 =	sadd.s32 $0x10, s1;
	[sflag:s12] =	ssyncadd.s32 $0xFFFFFF80  }
0x5d: {  	[tilespmem:s16], [sflag:$0x7] =	stream.linear.gather [hbm4b:s0+s3], $0x80, $0x38;
	[tilespmem:$0x1FF00] =	vst v63  }
0x5e: {  	_ =	swait.ge [sflag:s12], $0x80  }
0x5f: {  	[sflag:s12] =	ssyncset.done $0x0  }
0x60: {  	s0 =	simm.s32 @!p0 $0x6;
	[sflag:s12] =	ssyncadd.s32 $0xFFFFFF80  }
0x61: {  	[tilespmem:s17], [sflag:$0x2] =	stream.indirect.gather [hbm4b:s4+s14], $0x80, s14, s14, $0xb8;
	[tilespmem:$0x1FF00] =	vst v63  }
0x62: {  	_ =	swait.ge @!p0 [sflag:s0], $0x4000  }
0x63: {  	[sflag:s0] =	ssyncset.done @!p0 $0x0  }
0x64: {  	[sflag:s0] =	ssyncadd.s32 @!p0 $0xFFFFC000;
	s0 =	sadd.s32 $0x20, s31  }
0x65: {  	[tilespmem:s18], [sflag:$0x7] =	stream.linear.gather [hbm4b:s0+s3], $0x80, $0x38;
	[tilespmem:$0x1FF00] =	vst v63  }
0x66: {  	_ =	swait.ge [sflag:s12], $0x80  }
0x67: {  	[sflag:s12] =	ssyncset.done $0x0  }
0x68: {  	s0 =	sadd.s32 $0x20, s1;
	[sflag:s12] =	ssyncadd.s32 $0xFFFFFF80  }
0x69: {  	[tilespmem:s19], [sflag:$0x7] =	stream.linear.gather [hbm4b:s0+s3], $0x80, $0x38;
	[tilespmem:$0x1FF00] =	vst v63  }
0x6a: {  	_ =	swait.ge [sflag:s12], $0x80  }
0x6b: {  	[sflag:s12] =	ssyncset.done $0x0  }
0x6c: {  	[sflag:s12] =	ssyncadd.s32 $0xFFFFFF80  }
0x6d: {  	[tilespmem:s20], [sflag:$0x3] =	stream.indirect.gather [hbm4b:s4+s14], $0x80, s18, s14, $0xb8;
	[tilespmem:$0x1FF00] =	vst v63  }
0x6e: {  	_ =	swait.ge [sflag:s21], $0x4000  }
0x6f: {  	[sflag:s21] =	ssyncset.done $0x0  }
0x70: {  	[sflag:s21] =	ssyncadd.s32 $0xFFFFC000  }
0x71: {  	[spmem:s2] =	stream.indirect.scatter.add.f32 [tilespmem:s15], [sflag:$0x4], $0x80, s13, s14, $0xb8;
	[tilespmem:$0x1FF00] =	vst v63  }
0x72: {  	_ =	swait.ge [sflag:s22], $0x4000  }
.Ltmp0:
0x73: {  	[sflag:s22] =	ssyncset.done $0x0;
	(pc) =	sbr.rel @p1 .LBB2_2-.Ltmp0, $4  }
0x74: {  	[sflag:s22] =	ssyncadd.s32 $0xFFFFC000  }
0x75: {  	[spmem:s2] =	stream.indirect.scatter.add.f32 [tilespmem:s17], [sflag:$0x5], $0x80, s16, s14, $0xb8;
	[tilespmem:$0x1FF00] =	vst v63  }
0x76: {  	_ =	swait.ge [sflag:s23], $0x4000  }
0x77: {  	p0 =	seq.s32 s29, $0x0;
	[sflag:s23] =	ssyncset.done $0x0  }
0x78: {  	s0 =	simm.s32 @!p0 $0x4;
	[sflag:s23] =	ssyncadd.s32 $0xFFFFC000  }
0x79: {  	[spmem:s2] =	stream.indirect.scatter.add.f32 [tilespmem:s20], [sflag:$0x6], $0x80, s19, s14, $0xb8;
	[tilespmem:$0x1FF00] =	vst v63  }
0x7a: {  	_ =	swait.ge @!p0 [sflag:s0], $0x4000  }
0x7b: {  	[sflag:s0] =	ssyncset.done @!p0 $0x0  }
0x7c: {  	[sflag:s0] =	ssyncadd.s32 @!p0 $0xFFFFC000;
	s0 =	sadd.s32 s29, s10  }
0x7d: {  	[tilespmem:s3], [sflag:$0x7] =	stream.linear.gather [hbm4b:s0+s3], $0x80, $0x38;
	[tilespmem:$0x1FF00] =	vst v63  }
0x7e: {  	_ =	swait.ge [sflag:s12], $0x80  }
0x7f: {  	[sflag:s12] =	ssyncset.done $0x0  }
0x80: {  	s1 =	sadd.s32 s29, s9;
	[sflag:s12] =	ssyncadd.s32 $0xFFFFFF80  }
0x81: {  	[tilespmem:s13], [sflag:$0x7] =	stream.linear.gather [hbm4b:s1+s3], $0x80, $0x38;
	[tilespmem:$0x1FF00] =	vst v63  }
0x82: {  	_ =	swait.ge [sflag:s12], $0x80  }
0x83: {  	[sflag:s12] =	ssyncset.done $0x0  }
0x84: {  	s29 =	simm.s32 @!p0 $0x5;
	[sflag:s12] =	ssyncadd.s32 $0xFFFFFF80  }
0x85: {  	[tilespmem:s15], [sflag:$0x1] =	stream.indirect.gather [hbm4b:s4+s14], $0x80, s3, s14, $0xb8;
	[tilespmem:$0x1FF00] =	vst v63  }
0x86: {  	_ =	swait.ge @!p0 [sflag:s29], $0x4000  }
0x87: {  	[sflag:s29] =	ssyncset.done @!p0 $0x0  }
0x88: {  	s31 =	sadd.s32 $0x10, s0;
	[sflag:s29] =	ssyncadd.s32 @!p0 $0xFFFFC000  }
0x89: {  	[tilespmem:s14], [sflag:$0x7] =	stream.linear.gather [hbm4b:s31+s3], $0x80, $0x38;
	[tilespmem:$0x1FF00] =	vst v63  }
0x8a: {  	_ =	swait.ge [sflag:s12], $0x80  }
0x8b: {  	[sflag:s12] =	ssyncset.done $0x0  }
0x8c: {  	s30 =	sadd.s32 $0x10, s1;
	[sflag:s12] =	ssyncadd.s32 $0xFFFFFF80  }
0x8d: {  	[tilespmem:s16], [sflag:$0x7] =	stream.linear.gather [hbm4b:s30+s3], $0x80, $0x38;
	[tilespmem:$0x1FF00] =	vst v63  }
0x8e: {  	_ =	swait.ge [sflag:s12], $0x80  }
0x8f: {  	[sflag:s12] =	ssyncset.done $0x0  }
0x90: {  	s29 =	simm.s32 @!p0 $0x6;
	[sflag:s12] =	ssyncadd.s32 $0xFFFFFF80  }
0x91: {  	[tilespmem:s17], [sflag:$0x2] =	stream.indirect.gather [hbm4b:s4+s14], $0x80, s14, s14, $0xb8;
	[tilespmem:$0x1FF00] =	vst v63  }
0x92: {  	_ =	swait.ge @!p0 [sflag:s29], $0x4000  }
0x93: {  	[sflag:s29] =	ssyncset.done @!p0 $0x0  }
0x94: {  	s0 =	sadd.s32 $0x20, s0;
	[sflag:s29] =	ssyncadd.s32 @!p0 $0xFFFFC000  }
0x95: {  	[tilespmem:s18], [sflag:$0x7] =	stream.linear.gather [hbm4b:s0+s3], $0x80, $0x38;
	[tilespmem:$0x1FF00] =	vst v63  }
0x96: {  	_ =	swait.ge [sflag:s12], $0x80  }
0x97: {  	[sflag:s12] =	ssyncset.done $0x0  }
0x98: {  	s31 =	sadd.s32 $0x20, s1;
	[sflag:s12] =	ssyncadd.s32 $0xFFFFFF80  }
0x99: {  	[tilespmem:s19], [sflag:$0x7] =	stream.linear.gather [hbm4b:s31+s3], $0x80, $0x38;
	[tilespmem:$0x1FF00] =	vst v63  }
0x9a: {  	_ =	swait.ge [sflag:s12], $0x80  }
0x9b: {  	[sflag:s12] =	ssyncset.done $0x0  }
0x9c: {  	[sflag:s12] =	ssyncadd.s32 $0xFFFFFF80  }
0x9d: {  	[tilespmem:s20], [sflag:$0x3] =	stream.indirect.gather [hbm4b:s4+s14], $0x80, s18, s14, $0xb8;
	[tilespmem:$0x1FF00] =	vst v63  }
0x9e: {  	_ =	swait.ge [sflag:s21], $0x4000  }
0x9f: {  	[sflag:s21] =	ssyncset.done $0x0  }
0xa0: {  	[sflag:s21] =	ssyncadd.s32 $0xFFFFC000  }
0xa1: {  	[spmem:s2] =	stream.indirect.scatter.add.f32 [tilespmem:s15], [sflag:$0x4], $0x80, s13, s14, $0xb8;
	[tilespmem:$0x1FF00] =	vst v63  }
0xa2: {  	_ =	swait.ge [sflag:s22], $0x4000  }
0xa3: {  	[sflag:s22] =	ssyncset.done $0x0  }
0xa4: {  	[sflag:s22] =	ssyncadd.s32 $0xFFFFC000  }
0xa5: {  	[spmem:s2] =	stream.indirect.scatter.add.f32 [tilespmem:s17], [sflag:$0x5], $0x80, s16, s14, $0xb8;
	[tilespmem:$0x1FF00] =	vst v63  }
0xa6: {  	_ =	swait.ge [sflag:s23], $0x4000  }
0xa7: {  	[sflag:s23] =	ssyncset.done $0x0  }
0xa8: {  	[sflag:s23] =	ssyncadd.s32 $0xFFFFC000  }
0xa9: {  	[spmem:s2] =	stream.indirect.scatter.add.f32 [tilespmem:s20], [sflag:$0x6], $0x80, s19, s14, $0xb8;
	[tilespmem:$0x1FF00] =	vst v63  }
0xaa: {  	_ =	swait.ge [sflag:s24], $0x4000  }
0xab: {  	[sflag:s24] =	ssyncset.done $0x0  }
0xac: {  	[sflag:s24] =	ssyncadd.s32 $0xFFFFC000  }
0xad: {  	_ =	swait.ge [sflag:s25], $0x4000  }
0xae: {  	[sflag:s25] =	ssyncset.done $0x0  }
0xaf: {  	[sflag:s25] =	ssyncadd.s32 $0xFFFFC000  }
0xb0: {  	_ =	swait.ge [sflag:s26], $0x4000  }
0xb1: {  	s28 =	sadd.s32 $0x1, s28;
	[sflag:s26] =	ssyncset.done $0x0  }
0xb2: {  	p0 =	sne.s32 s28, s8;
	[sflag:s26] =	ssyncadd.s32 $0xFFFFC000  }
.Ltmp1:
0xb3: {  	[bflag:$0x0] =	sbarrier.arrive $0xFFFF;
	(pc) =	sbr.rel @p0 .LBB2_1-.Ltmp1, $4  }
0xb4: {  	[hbm:s7], [sflag:s6] =	dma.local [spmem:s11], $0x2780  }
0xb5: {  	_ =	swait.ge [sflag:s12], $0x2780  }
0xb6: {  	[sflag:s12] =	ssyncset.done $0x0  }
0xb7: {  	[sflag:s12] =	ssyncadd.s32 $0xFFFFD880  }
0xb8: {  	_ =	sfence.sel $0x180000  }
0xb9: {  	[bflag:$0x0] =	sbarrier.arrive $0xFFFF  }
0xba: {  	_ =	strace $0x9000004D  }
0xbb: {  	s0 =	stileid.u32;
	[bflag:$0x2] =	sbarrier.arrive $0xFFFF  }
0xbc: {  	p0 =	sne.s32 s0, $0x0;
	s0 =	rddreg [dreg:$0x3]  }
0xbd: {  	s0 =	sadd.s32 @!p0 $0x100000, s0  }
0xbe: {  	[sflag:s0] =	ssyncadd.tile.s32 @!p0 $0x1;
	_ =	shalt  }
.Lfunc_end2:
_tile_overlayer_lowered:
.L_overlay_start_2:
0xbf: {  	(tag) =	ssettag $0x2  }
0xc0: {  	s0 =	rddreg [dreg:$0x0];
	s2 =	stileid.u32  }
0xc1: {  	s1 =	rddreg [dreg:$0x1];
	p0 =	sne.s32 s2, $0x0  }
0xc2: {  	s3 =	rddreg [dreg:$0x2];
	[bflag:$0x3] =	sbarrier.arrive $0xFFFF;
	s2 =	simm.s32 @!p0 $0x1C07  }
0xc3: {  	[timem:s3], [sflag:s2] =	dma.local @!p0 [hbm:s0], s1  }
0xc4: {  	s0 =	simm.s32 @!p0 $0x7  }
0xc5: {  	_ =	swait.ge @!p0 [sflag:s0], s1  }
0xc6: {  	s1 =	ssub.s32 @!p0 $0x0, s1;
	[sflag:s0] =	ssyncset.done @!p0 $0x0  }
0xc7: {  	[sflag:s0] =	ssyncadd.s32 @!p0 s1  }
0xc8: {  	[bflag:$0x3] =	sbarrier.arrive $0xFFFF  }
0xc9: {  	_ =	shalt  }

// kernel: kernel.26.cloned.1.call-start
scs
__scs_entry_jumppad:
0x0: {  	(pc) =	sbr.rel $0x88, $3  }
0x1: {  	(tag) =	ssettag $0x0;
	lr =	simm.s32 $0x1  }
0x2: {  	[smem:$0x3F9C] =	sst lr;
	_ =	strace $0xD0000000  }
0x3: {  	_ = 	snop  }
0x4: {  	_ = 	snop  }
0x5: {  	_ = 	snop  }
0x6: {  	_ = 	snop  }
0x7: {  	_ = 	snop  }
__scs_overlays_trampoline_lowered:
0x8: {  	[smem:$0x3FAB] =	sst s0  }
0x9: {  	[smem:$0x3FAC] =	sst s1  }
0xa: {  	[smem:$0x3FAD] =	sst s2  }
0xb: {  	[smem:$0x3FAE] =	sst s3  }
0xc: {  	[smem:$0x3FAF] =	sst s4  }
0xd: {  	[smem:$0x3FB0] =	sst s5  }
0xe: {  	[smem:$0x3FB1] =	sst s6  }
0xf: {  	[smem:$0x3FB2] =	sst s7  }
0x10: {  	[smem:$0x3FB3] =	sst s8  }
0x11: {  	[smem:$0x3FB4] =	sst s9;
	s0 =	simm.s32 @!p0 $0x0  }
0x12: {  	s1 =	sld [smem:$0x3F9A];
	s0 =	simm.s32 @p0 $0x1  }
0x13: {  	[smem:$0x3FB5] =	sst s0;
	s0 =	simm.s32 @!p1 $0x0  }
0x14: {  	s2 =	sld [smem:$0x3F99];
	s0 =	simm.s32 @p1 $0x1  }
0x15: {  	[smem:$0x3FB6] =	sst s0;
	s0 =	simm.s32 @!p2 $0x0  }
0x16: {  	s3 =	sld [smem:$0x3FDB];
	s0 =	simm.s32 @p2 $0x1  }
0x17: {  	s4 =	simm.s32 $0x1BF5;
	[smem:$0x3FB8] =	sst s0  }
0x18: {  	s0 =	sld [smem:$0x3F9B];
	_ =	swait.ge [sflag:s4], $0x0  }
0x19: {  	s7 =	sld [smem:$0x3F9C]  }
0x1a: {  	s8 =	sadd.s32 $0xFFFFE003, lr  }
0x1b: {  	s9 =	sadd.s32 $0xFFFFFEF7, lr;
	s5 =	simm.s32 $0xFFFFFFFF;
	p2 =	slt.u32 s8, $0xFFFFF086  }
0x1c: {  	p1 =	slt.u32 s9, $0xF7A;
	s5 =	simm.s32 @!p2 $0x0  }
0x1d: {  	s5 =	simm.s32 @p1 $0x1;
	p0 =	seq.s32 s7, s2  }
0x1e: {  	s7 =	smul.u32 @!p0 $0xF7A, s2;
	p2 =	seq.s32 @!p0 s5, $0x0  }
0x1f: {  	s9 =	smul.u32 $0xF7A, s1;
	s8 =	simm.s32 @!p0 $0x1BF5;
	p2 =	por !p2, p0  }
0x20: {  	[sflag:s8] =	ssyncset.s32 @!p0 $0xFFFFF086;
	s6 =	sadd.s32 @!p0 s3, s7;
	s7 =	simm.s32 @!p0 $0x108  }
0x21: {  	s3 =	sadd.s32 s3, s9;
	s6 =	sadd.s32 @!p0 $0x88, s6;
	s7 =	simm.s32 @p2 $0x1082  }
0x22: {  	[simem:s7], [sflag:s8] =	dma.local @!p0 [hbm:s6], $0xF7A  }
0x23: {  	s9 =	sor.u32 $0xD0000000, s2;
	s6 =	simm.s32 $0x108;
	_ =	swait.ge @!p0 [sflag:s8], $0x0  }
0x24: {  	s3 =	sadd.s32 $0x88, s3;
	s6 =	simm.s32 @!p1 $0x1082;
	[sflag:s4] =	ssyncset.s32 $0xFFFFF086  }
0x25: {  	[simem:s6], [sflag:s4] =	dma.local [hbm:s3], $0xF7A  }
0x26: {  	[smem:$0x3F9C] =	sst s1;
	(tag) =	ssettag s2;
	_ =	strace s9  }
0x27: {  	s1 =	sld [smem:$0x3FAC]  }
0x28: {  	s2 =	sld [smem:$0x3FAD]  }
0x29: {  	s4 =	sld [smem:$0x3FAF]  }
0x2a: {  	p0 =	seq.s32 s5, $0x0;
	s5 =	sld [smem:$0x3FB0]  }
0x2b: {  	s6 =	sld [smem:$0x3FB1]  }
0x2c: {  	s7 =	sld [smem:$0x3FB2]  }
0x2d: {  	s3 =	simm.s32 $0x108;
	s8 =	sld [smem:$0x3FB3]  }
0x2e: {  	s3 =	simm.s32 @!p0 $0x1082;
	s9 =	sld [smem:$0x3FB4]  }
0x2f: {  	lr =	sadd.s32 s0, s3;
	s0 =	sld [smem:$0x3FAB]  }
0x30: {  	s3 =	sld [smem:$0x3FAE]  }
0x31: {  	[smem:$0x3FB7] =	sst s10  }
0x32: {  	s10 =	sld [smem:$0x3FB5];
	_ =	sdelay $0x3  }
0x33: {  	p0 =	seq.s32 s10, $0x1;
	s10 =	sld [smem:$0x3FB7];
	_ =	sdelay $0x3  }
0x34: {  	[smem:$0x3FB7] =	sst s10  }
0x35: {  	s10 =	sld [smem:$0x3FB6];
	_ =	sdelay $0x3  }
0x36: {  	p1 =	seq.s32 s10, $0x1;
	s10 =	sld [smem:$0x3FB7];
	_ =	sdelay $0x3  }
0x37: {  	[smem:$0x3FB7] =	sst s10  }
0x38: {  	s10 =	sld [smem:$0x3FB8]  }
0x39: {  	_ = 	snop;
	(pc) =	sbr.ind lr, $3  }
0x3a: {  	_ = 	snop  }
0x3b: {  	_ = 	snop  }
0x3c: {  	p2 =	seq.s32 s10, $0x1;
	s10 =	sld [smem:$0x3FB7]  }
0x3d: {  	_ =	shalt  }
0x3e: {  	_ =	shalt  }
0x3f: {  	_ =	shalt  }
0x40: {  	_ =	shalt  }
0x41: {  	_ =	shalt  }
0x42: {  	_ =	shalt  }
0x43: {  	_ =	shalt  }
0x44: {  	_ =	shalt  }
0x45: {  	_ =	shalt  }
0x46: {  	_ =	shalt  }
0x47: {  	_ =	shalt  }
0x48: {  	_ =	shalt  }
0x49: {  	_ =	shalt  }
0x4a: {  	_ =	shalt  }
0x4b: {  	_ =	shalt  }
0x4c: {  	_ =	shalt  }
0x4d: {  	_ =	shalt  }
0x4e: {  	_ =	shalt  }
0x4f: {  	_ =	shalt  }
0x50: {  	_ =	shalt  }
0x51: {  	_ =	shalt  }
0x52: {  	_ =	shalt  }
0x53: {  	_ =	shalt  }
0x54: {  	_ =	shalt  }
0x55: {  	_ =	shalt  }
0x56: {  	_ =	shalt  }
0x57: {  	_ =	shalt  }
0x58: {  	_ =	shalt  }
0x59: {  	_ =	shalt  }
0x5a: {  	_ =	shalt  }
0x5b: {  	_ =	shalt  }
0x5c: {  	_ =	shalt  }
0x5d: {  	_ =	shalt  }
0x5e: {  	_ =	shalt  }
0x5f: {  	_ =	shalt  }
0x60: {  	_ =	shalt  }
0x61: {  	_ =	shalt  }
0x62: {  	_ =	shalt  }
0x63: {  	_ =	shalt  }
0x64: {  	_ =	shalt  }
0x65: {  	_ =	shalt  }
0x66: {  	_ =	shalt  }
0x67: {  	_ =	shalt  }
0x68: {  	_ =	shalt  }
0x69: {  	_ =	shalt  }
0x6a: {  	_ =	shalt  }
0x6b: {  	_ =	shalt  }
0x6c: {  	_ =	shalt  }
0x6d: {  	_ =	shalt  }
0x6e: {  	_ =	shalt  }
0x6f: {  	_ =	shalt  }
0x70: {  	_ =	shalt  }
0x71: {  	_ =	shalt  }
0x72: {  	_ =	shalt  }
0x73: {  	_ =	shalt  }
0x74: {  	_ =	shalt  }
0x75: {  	_ =	shalt  }
0x76: {  	_ =	shalt  }
0x77: {  	_ =	shalt  }
0x78: {  	_ =	shalt  }
0x79: {  	_ =	shalt  }
0x7a: {  	_ =	shalt  }
0x7b: {  	_ =	shalt  }
0x7c: {  	_ =	shalt  }
0x7d: {  	_ =	shalt  }
0x7e: {  	_ =	shalt  }
0x7f: {  	_ =	shalt  }
0x80: {  	_ =	shalt  }
0x81: {  	_ =	shalt  }
0x82: {  	_ =	shalt  }
0x83: {  	_ =	shalt  }
0x84: {  	_ =	shalt  }
0x85: {  	_ =	shalt  }
0x86: {  	_ =	shalt  }
0x87: {  	_ =	shalt  }
.Lfunc_end0:
.L_simem_size_0:
called_computation.3_lowered:
.L_overlay_start_0:
0x88: {  	s2 =	sld [smem:$0x3FD9]  }
0x89: {  	s3 =	sld [smem:$0x3FFE];
	_ =	sdelay $0x1  }
0x8a: {  	s1 =	srdreg.scid  }
0x8b: {  	s0 =	sand.u32 $0x1, s1  }
0x8c: {  	s17 =	sshll.u32 s0, $0xA;
	s2 =	sadd.s32 s3, s2  }
0x8d: {  	s2 =	sadd.s32 s2, s17  }
0x8e: {  	[smem:$0x3FC3] =	sst s2  }
0x8f: {  	_ = 	snop  }
0x90: {  	s2 =	sld [smem:$0x3FD0];
	(tm) =	ssettm $0x1  }
0x91: {  	s18 =	sld [smem:$0x3FFB];
	_ =	sdelay $0x3  }
0x92: {  	_ =	strace s18  }
0x93: {  	s3 =	sld [smem:$0x3FFC];
	_ =	sdelay $0x3  }
0x94: {  	_ =	strace s3  }
0x95: {  	s3 =	sld [smem:$0x3FFD];
	_ =	sdelay $0x3  }
0x96: {  	_ =	strace s3  }
0x97: {  	_ =	strace $0x8FFFFFFF  }
0x98: {  	s19 =	sld [smem:$0x3FDB];
	_ =	sdelay $0x1  }
0x99: {  	s4 =	simm.s32 $_scs_section_size  }
0x9a: {  	s5 =	simm.s32 $_size__tile_overlayer_lowered;
	s6 =	simm.s32 $_tile_overlayer_lowered  }
0x9b: {  	s22 =	simm.s32 $0x1BFF;
	s21 =	sshll.u32 s6, $0x1;
	s3 =	sadd.s32 s4, s19  }
0x9c: {  	s7 =	simm.s32 $0x0;
	s20 =	sshll.u32 s5, $0x1;
	s5 =	sadd.s32 s21, s3  }
0x9d: {  	[timem:s7], [sflag:s22] =	dma.local [hbm:s5], s20  }
0x9e: {  	_ =	swait.ge [sflag:s22], s20  }
0x9f: {  	s4 =	ssub.s32 $0x0, s20;
	[sflag:s22] =	ssyncset.done $0x0  }
0xa0: {  	[sflag:s22] =	ssyncadd.s32 s4;
	_ =	sdelay $0x1  }
0xa1: {  	s23 =	simm.s32 $0x1B8B  }
0xa2: {  	_ =	swait.ge [sflag:s23], $0x1  }
0xa3: {  	[sflag:s23] =	ssyncset.done $0x0  }
0xa4: {  	s25 =	simm.s32 $0x1B8E;
	s24 =	sld [smem:$0x3FFE];
	[sflag:s23] =	ssyncadd.s32 $0xFFFFFFFF  }
0xa5: {  	s26 =	simm.s32 $execute0_lowered;
	[smem:$0x3FD2] =	sst s25  }
0xa6: {  	s5 =	sshll.u32 s26, $0x1;
	_ =	strace $0x8000004F;
	[dreg:$0x1] =	wrdreg $0xFFFFFFFF  }
0xa7: {  	s28 =	simm.s32 $_size_execute0_lowered;
	s3 =	sadd.s32 s3, s5;
	[dreg:$0x0] =	wrdreg $0x0  }
0xa8: {  	s5 =	sshll.u32 s28, $0x1;
	[dreg:$0x2] =	wrdreg s3  }
0xa9: {  	[dreg:$0x3] =	wrdreg s5  }
0xaa: {  	[dreg:$0x4] =	wrdreg $0xC0  }
0xab: {  	_ =	task [dreg:s7], $0x5FFFF  }
0xac: {  	[dreg:$0x1] =	wrdreg $0xFFFFFFFF  }
0xad: {  	[dreg:$0x0] =	wrdreg $0x60  }
0xae: {  	[dreg:$0x2] =	wrdreg s24  }
0xaf: {  	[dreg:$0x3] =	wrdreg s2  }
0xb0: {  	[dreg:$0x4] =	wrdreg $0xC3000  }
0xb1: {  	[dreg:$0x5] =	wrdreg $0x9  }
0xb2: {  	_ =	task.clear_ibuf [dreg:s7], $0x6FFFF;
	_ =	strace $0x9000004F  }
0xb3: {  	s29 =	simm.s32 $0x9;
	_ =	strace $0x80000051  }
0xb4: {  	_ =	swait.ge [sflag:s29], $0x1  }
0xb5: {  	[sflag:s29] =	ssyncadd.s32 $0xFFFFFFFF  }
0xb6: {  	_ =	strace $0x90000051  }
0xb7: {  	_ =	sfence  }
0xb8: {  	s30 =	sld [smem:$0x0];
	_ =	sdelay $0x2  }
0xb9: {  	s31 =	sshll.u32 s1, $0xD;
	s1 =	sshrl.u32 s1, $0x2  }
0xba: {  	s3 =	sand.u32 $0x4000, s31;
	s1 =	sadd.s32 s1, s30  }
0xbb: {  	s0 =	sor.u32 s3, s0;
	s1 =	sshll.u32 s1, $0x11  }
0xbc: {  	s0 =	sor.u32 s1, s0  }
0xbd: {  	s0 =	sadd.s32 $0x8F2B, s0  }
0xbe: {  	[sflag:s0] =	ssyncadd.remote.s32 $0x1  }
0xbf: {  	_ =	sfence.sel $0xFFFF  }
0xc0: {  	[dreg:$0x0] =	wrdreg $0xFFFFFFFF;
	(pc) =	sbr.abs _section_cstart, $3  }
0xc1: {  	[dreg:$0x1] =	wrdreg $0xFFFFFFFF  }
0xc2: {  	_ =	task.clear_ibuf [dreg:s7], $0x2FFFF;
	_ =	strace $0x9FFFFFFF  }
0xc3: {  	(tm) =	ssettm $0x7FFFFFFF  }
tec
execute0_lowered:
.L_overlay_start_1:
0x0: {  	(tag) =	ssettag $0x1  }
0x1: {  	s5 =	rddreg [dreg:$0x0]  }
0x2: {  	s10 =	rddreg [dreg:$0x1]  }
0x3: {  	s2 =	rddreg [dreg:$0x2];
	s0 =	stileid.u32  }
0x4: {  	s4 =	srdreg.scid;
	s3 =	simm.s32 $0x0;
	s16 =	simm.s32 $0x200  }
0x5: {  	s17 =	simm.s32 $0x4300;
	s18 =	simm.s32 $0x100;
	s19 =	simm.s32 $0x280  }
0x6: {  	s20 =	simm.s32 $0x8300;
	s21 =	simm.s32 $0x1;
	s22 =	simm.s32 $0x2  }
0x7: {  	s23 =	simm.s32 $0x3;
	s24 =	simm.s32 $0x4;
	s11 =	smul.u32 $0xA20, s0  }
0x8: {  	s28 =	simm.s32 $0x0;
	s6 =	smul.u32 $0x13C00, s0;
	s7 =	sand.u32 $0x1, s4  }
0x9: {  	[smem:$0x7FF] =	sst s3;
	s4 =	sadd.s32 $0x37400, s5;
	s13 =	smul.u32 $0x4F000, s0  }
0xa: {  	s31 =	sshll.u32 s0, $0x6;
	s8 =	smul.u32 $0x13C000, s7;
	_ =	strace $0x80000050  }
0xb: {  	s25 =	ssub.s32 $0x2, s7;
	s30 =	smul.u32 $0x510, s7;
	s9 =	sadd.s32 s11, s5  }
0xc: {  	s12 =	sshrl.u32 s6, $0x3;
	s26 =	sshrl.u32 s25, $0x1;
	s29 =	sshrl.u32 s13, $0x2  }
0xd: {  	s10 =	sadd.s32 s11, s10;
	s13 =	simm.s32 $0x180;
	s6 =	sadd.s32 s6, s8  }
0xe: {  	s12 =	sadd.s32 s12, s5;
	s8 =	ssub.s32 s25, s26;
	s15 =	sadd.s32 s29, s2  }
0xf: {  	s9 =	sadd.s32 s30, s9;
	s10 =	sadd.s32 s30, s10;
	s25 =	simm.s32 $0x5  }
0x10: {  	s26 =	simm.s32 $0x6;
	s6 =	sshrl.u32 s6, $0x3;
	s8 =	smax.u32 s8, $0x1  }
0x11: {  	s9 =	sadd.s32 $0x5A00, s9;
	s11 =	sshrl.u32 s15, $0x3;
	s15 =	simm.s32 $0x300  }
0x12: {  	s14 =	sadd.s32 s6, s5;
	s5 =	sadd.s32 $0xFC00, s12;
	s6 =	sor.u32 $0x1C07, s31  }
0x13: {  	s12 =	simm.s32 $0x7;
	s7 =	sadd.s32 $0x5EC00, s14;
	s14 =	simm.s32 $0x80  }
.LBB2_1:
0x14: {  	[spmem:s11], [sflag:s6] =	dma.local [hbm:s5], $0x2780  }
0x15: {  	_ =	swait.ge [sflag:s12], $0x2780  }
0x16: {  	[sflag:s12] =	ssyncset.done $0x0  }
0x17: {  	p0 =	por $0x1, $0x1;
	[sflag:s12] =	ssyncadd.s32 $0xFFFFD880  }
0x18: {  	s29 =	simm.s32 @!p0 $0x4;
	[bflag:$0x0] =	sbarrier.arrive $0xFFFF  }
0x19: {  	_ =	swait.ge @!p0 [sflag:s29], $0x4000  }
0x1a: {  	[sflag:s29] =	ssyncset.done @!p0 $0x0  }
0x1b: {  	[sflag:s29] =	ssyncadd.s32 @!p0 $0xFFFFC000;
	s29 =	sadd.s32 $0x0, s10  }
0x1c: {  	[tilespmem:s3], [sflag:$0x7] =	stream.linear.gather [hbm4b:s29+s3], $0x80, $0x38;
	[tilespmem:$0x1FF00] =	vst v63  }
0x1d: {  	_ =	swait.ge [sflag:s12], $0x80  }
0x1e: {  	[sflag:s12] =	ssyncset.done $0x0  }
0x1f: {  	s30 =	sadd.s32 $0x0, s9;
	[sflag:s12] =	ssyncadd.s32 $0xFFFFFF80  }
0x20: {  	[tilespmem:s13], [sflag:$0x7] =	stream.linear.gather [hbm4b:s30+s3], $0x80, $0x38;
	[tilespmem:$0x1FF00] =	vst v63  }
0x21: {  	_ =	swait.ge [sflag:s12], $0x80  }
0x22: {  	[sflag:s12] =	ssyncset.done $0x0  }
0x23: {  	s31 =	simm.s32 @!p0 $0x5;
	[sflag:s12] =	ssyncadd.s32 $0xFFFFFF80  }
0x24: {  	[tilespmem:s15], [sflag:$0x1] =	stream.indirect.gather [hbm4b:s4+s14], $0x80, s3, s14, $0xb8;
	[tilespmem:$0x1FF00] =	vst v63  }
0x25: {  	_ =	swait.ge @!p0 [sflag:s31], $0x4000  }
0x26: {  	[sflag:s31] =	ssyncset.done @!p0 $0x0  }
0x27: {  	s0 =	sadd.s32 $0x10, s29;
	[sflag:s31] =	ssyncadd.s32 @!p0 $0xFFFFC000  }
0x28: {  	[tilespmem:s14], [sflag:$0x7] =	stream.linear.gather [hbm4b:s0+s3], $0x80, $0x38;
	[tilespmem:$0x1FF00] =	vst v63  }
0x29: {  	_ =	swait.ge [sflag:s12], $0x80  }
0x2a: {  	[sflag:s12] =	ssyncset.done $0x0  }
0x2b: {  	s1 =	sadd.s32 $0x10, s30;
	[sflag:s12] =	ssyncadd.s32 $0xFFFFFF80  }
0x2c: {  	[tilespmem:s16], [sflag:$0x7] =	stream.linear.gather [hbm4b:s1+s3], $0x80, $0x38;
	[tilespmem:$0x1FF00] =	vst v63  }
0x2d: {  	_ =	swait.ge [sflag:s12], $0x80  }
0x2e: {  	[sflag:s12] =	ssyncset.done $0x0  }
0x2f: {  	s31 =	simm.s32 @!p0 $0x6;
	[sflag:s12] =	ssyncadd.s32 $0xFFFFFF80  }
0x30: {  	[tilespmem:s17], [sflag:$0x2] =	stream.indirect.gather [hbm4b:s4+s14], $0x80, s14, s14, $0xb8;
	[tilespmem:$0x1FF00] =	vst v63  }
0x31: {  	_ =	swait.ge @!p0 [sflag:s31], $0x4000  }
0x32: {  	[sflag:s31] =	ssyncset.done @!p0 $0x0  }
0x33: {  	s29 =	sadd.s32 $0x20, s29;
	[sflag:s31] =	ssyncadd.s32 @!p0 $0xFFFFC000  }
0x34: {  	[tilespmem:s18], [sflag:$0x7] =	stream.linear.gather [hbm4b:s29+s3], $0x80, $0x38;
	[tilespmem:$0x1FF00] =	vst v63  }
0x35: {  	_ =	swait.ge [sflag:s12], $0x80  }
0x36: {  	[sflag:s12] =	ssyncset.done $0x0  }
0x37: {  	s29 =	sadd.s32 $0x20, s30;
	[sflag:s12] =	ssyncadd.s32 $0xFFFFFF80  }
0x38: {  	[tilespmem:s19], [sflag:$0x7] =	stream.linear.gather [hbm4b:s29+s3], $0x80, $0x38;
	[tilespmem:$0x1FF00] =	vst v63  }
0x39: {  	_ =	swait.ge [sflag:s12], $0x80  }
0x3a: {  	[sflag:s12] =	ssyncset.done $0x0  }
0x3b: {  	[sflag:s12] =	ssyncadd.s32 $0xFFFFFF80  }
0x3c: {  	[tilespmem:s20], [sflag:$0x3] =	stream.indirect.gather [hbm4b:s4+s14], $0x80, s18, s14, $0xb8;
	[tilespmem:$0x1FF00] =	vst v63  }
0x3d: {  	_ =	swait.ge [sflag:s21], $0x4000  }
0x3e: {  	[sflag:s21] =	ssyncset.done $0x0  }
0x3f: {  	[sflag:s21] =	ssyncadd.s32 $0xFFFFC000  }
0x40: {  	[spmem:s2] =	stream.indirect.scatter.add.f32 [tilespmem:s15], [sflag:$0x4], $0x80, s13, s14, $0xb8;
	[tilespmem:$0x1FF00] =	vst v63  }
0x41: {  	_ =	swait.ge [sflag:s22], $0x4000  }
0x42: {  	[sflag:s22] =	ssyncset.done $0x0  }
0x43: {  	[sflag:s22] =	ssyncadd.s32 $0xFFFFC000  }
0x44: {  	[spmem:s2] =	stream.indirect.scatter.add.f32 [tilespmem:s17], [sflag:$0x5], $0x80, s16, s14, $0xb8;
	[tilespmem:$0x1FF00] =	vst v63  }
0x45: {  	p0 =	por $0x0, $0x0;
	_ =	swait.ge [sflag:s23], $0x4000  }
0x46: {  	s30 =	simm.s32 $0x60;
	s29 =	simm.s32 $0x30;
	[sflag:s23] =	ssyncset.done $0x0  }
.LBB2_2:
0x47: {  	s31 =	simm.s32 @!p0 $0x4  }
0x48: {  	[sflag:s23] =	ssyncadd.s32 $0xFFFFC000;
	s0 =	smov.u32 s30;
	s30 =	sadd.s32 $0x30, s30  }
0x49: {  	[spmem:s2] =	stream.indirect.scatter.add.f32 [tilespmem:s20], [sflag:$0x6], $0x80, s19, s14, $0xb8;
	[tilespmem:$0x1FF00] =	vst v63  }
0x4a: {  	p1 =	sne.s32 s30, $0x510;
	_ =	swait.ge @!p0 [sflag:s31], $0x4000  }
0x4b: {  	[sflag:s31] =	ssyncset.done @!p0 $0x0  }
0x4c: {  	[sflag:s31] =	ssyncadd.s32 @!p0 $0xFFFFC000;
	s31 =	sadd.s32 s29, s10  }
0x4d: {  	[tilespmem:s3], [sflag:$0x7] =	stream.linear.gather [hbm4b:s31+s3], $0x80, $0x38;
	[tilespmem:$0x1FF00] =	vst v63  }
0x4e: {  	_ =	swait.ge [sflag:s12], $0x80  }
0x4f: {  	[sflag:s12] =	ssyncset.done $0x0  }
0x50: {  	s1 =	sadd.s32 s29, s9;
	s29 =	smov.u32 s0;
	[sflag:s12] =	ssyncadd.s32 $0xFFFFFF80  }
0x51: {  	[tilespmem:s13], [sflag:$0x7] =	stream.linear.gather [hbm4b:s1+s3], $0x80, $0x38;
	[tilespmem:$0x1FF00] =	vst v63  }
0x52: {  	_ =	swait.ge [sflag:s12], $0x80  }
0x53: {  	[sflag:s12] =	ssyncset.done $0x0  }
0x54: {  	s0 =	simm.s32 @!p0 $0x5;
	[sflag:s12] =	ssyncadd.s32 $0xFFFFFF80  }
0x55: {  	[tilespmem:s15], [sflag:$0x1] =	stream.indirect.gather [hbm4b:s4+s14], $0x80, s3, s14, $0xb8;
	[tilespmem:$0x1FF00] =	vst v63  }
0x56: {  	_ =	swait.ge @!p0 [sflag:s0], $0x4000  }
0x57: {  	[sflag:s0] =	ssyncset.done @!p0 $0x0  }
0x58: {  	[sflag:s0] =	ssyncadd.s32 @!p0 $0xFFFFC000;
	s0 =	sadd.s32 $0x10, s31  }
0x59: {  	[tilespmem:s14], [sflag:$0x7] =	stream.linear.gather [hbm4b:s0+s3], $0x80, $0x38;
	[tilespmem:$0x1FF00] =	vst v63  }
0x5a: {  	_ =	swait.ge [sflag:s12], $0x80  }
0x5b: {  	[sflag:s12] =	ssyncset.done $0x0  }
0x5c: {  	s0 =	sadd.s32 $0x10, s1;
	[sflag:s12] =	ssyncadd.s32 $0xFFFFFF80  }
0x5d: {  	[tilespmem:s16], [sflag:$0x7] =	stream.linear.gather [hbm4b:s0+s3], $0x80, $0x38;
	[tilespmem:$0x1FF00] =	vst v63  }
0x5e: {  	_ =	swait.ge [sflag:s12], $0x80  }
0x5f: {  	[sflag:s12] =	ssyncset.done $0x0  }
0x60: {  	s0 =	simm.s32 @!p0 $0x6;
	[sflag:s12] =	ssyncadd.s32 $0xFFFFFF80  }
0x61: {  	[tilespmem:s17], [sflag:$0x2] =	stream.indirect.gather [hbm4b:s4+s14], $0x80, s14, s14, $0xb8;
	[tilespmem:$0x1FF00] =	vst v63  }
0x62: {  	_ =	swait.ge @!p0 [sflag:s0], $0x4000  }
0x63: {  	[sflag:s0] =	ssyncset.done @!p0 $0x0  }
0x64: {  	[sflag:s0] =	ssyncadd.s32 @!p0 $0xFFFFC000;
	s0 =	sadd.s32 $0x20, s31  }
0x65: {  	[tilespmem:s18], [sflag:$0x7] =	stream.linear.gather [hbm4b:s0+s3], $0x80, $0x38;
	[tilespmem:$0x1FF00] =	vst v63  }
0x66: {  	_ =	swait.ge [sflag:s12], $0x80  }
0x67: {  	[sflag:s12] =	ssyncset.done $0x0  }
0x68: {  	s0 =	sadd.s32 $0x20, s1;
	[sflag:s12] =	ssyncadd.s32 $0xFFFFFF80  }
0x69: {  	[tilespmem:s19], [sflag:$0x7] =	stream.linear.gather [hbm4b:s0+s3], $0x80, $0x38;
	[tilespmem:$0x1FF00] =	vst v63  }
0x6a: {  	_ =	swait.ge [sflag:s12], $0x80  }
0x6b: {  	[sflag:s12] =	ssyncset.done $0x0  }
0x6c: {  	[sflag:s12] =	ssyncadd.s32 $0xFFFFFF80  }
0x6d: {  	[tilespmem:s20], [sflag:$0x3] =	stream.indirect.gather [hbm4b:s4+s14], $0x80, s18, s14, $0xb8;
	[tilespmem:$0x1FF00] =	vst v63  }
0x6e: {  	_ =	swait.ge [sflag:s21], $0x4000  }
0x6f: {  	[sflag:s21] =	ssyncset.done $0x0  }
0x70: {  	[sflag:s21] =	ssyncadd.s32 $0xFFFFC000  }
0x71: {  	[spmem:s2] =	stream.indirect.scatter.add.f32 [tilespmem:s15], [sflag:$0x4], $0x80, s13, s14, $0xb8;
	[tilespmem:$0x1FF00] =	vst v63  }
0x72: {  	_ =	swait.ge [sflag:s22], $0x4000  }
.Ltmp0:
0x73: {  	[sflag:s22] =	ssyncset.done $0x0;
	(pc) =	sbr.rel @p1 .LBB2_2-.Ltmp0, $4  }
0x74: {  	[sflag:s22] =	ssyncadd.s32 $0xFFFFC000  }
0x75: {  	[spmem:s2] =	stream.indirect.scatter.add.f32 [tilespmem:s17], [sflag:$0x5], $0x80, s16, s14, $0xb8;
	[tilespmem:$0x1FF00] =	vst v63  }
0x76: {  	_ =	swait.ge [sflag:s23], $0x4000  }
0x77: {  	p0 =	seq.s32 s29, $0x0;
	[sflag:s23] =	ssyncset.done $0x0  }
0x78: {  	s0 =	simm.s32 @!p0 $0x4;
	[sflag:s23] =	ssyncadd.s32 $0xFFFFC000  }
0x79: {  	[spmem:s2] =	stream.indirect.scatter.add.f32 [tilespmem:s20], [sflag:$0x6], $0x80, s19, s14, $0xb8;
	[tilespmem:$0x1FF00] =	vst v63  }
0x7a: {  	_ =	swait.ge @!p0 [sflag:s0], $0x4000  }
0x7b: {  	[sflag:s0] =	ssyncset.done @!p0 $0x0  }
0x7c: {  	[sflag:s0] =	ssyncadd.s32 @!p0 $0xFFFFC000;
	s0 =	sadd.s32 s29, s10  }
0x7d: {  	[tilespmem:s3], [sflag:$0x7] =	stream.linear.gather [hbm4b:s0+s3], $0x80, $0x38;
	[tilespmem:$0x1FF00] =	vst v63  }
0x7e: {  	_ =	swait.ge [sflag:s12], $0x80  }
0x7f: {  	[sflag:s12] =	ssyncset.done $0x0  }
0x80: {  	s1 =	sadd.s32 s29, s9;
	[sflag:s12] =	ssyncadd.s32 $0xFFFFFF80  }
0x81: {  	[tilespmem:s13], [sflag:$0x7] =	stream.linear.gather [hbm4b:s1+s3], $0x80, $0x38;
	[tilespmem:$0x1FF00] =	vst v63  }
0x82: {  	_ =	swait.ge [sflag:s12], $0x80  }
0x83: {  	[sflag:s12] =	ssyncset.done $0x0  }
0x84: {  	s29 =	simm.s32 @!p0 $0x5;
	[sflag:s12] =	ssyncadd.s32 $0xFFFFFF80  }
0x85: {  	[tilespmem:s15], [sflag:$0x1] =	stream.indirect.gather [hbm4b:s4+s14], $0x80, s3, s14, $0xb8;
	[tilespmem:$0x1FF00] =	vst v63  }
0x86: {  	_ =	swait.ge @!p0 [sflag:s29], $0x4000  }
0x87: {  	[sflag:s29] =	ssyncset.done @!p0 $0x0  }
0x88: {  	s31 =	sadd.s32 $0x10, s0;
	[sflag:s29] =	ssyncadd.s32 @!p0 $0xFFFFC000  }
0x89: {  	[tilespmem:s14], [sflag:$0x7] =	stream.linear.gather [hbm4b:s31+s3], $0x80, $0x38;
	[tilespmem:$0x1FF00] =	vst v63  }
0x8a: {  	_ =	swait.ge [sflag:s12], $0x80  }
0x8b: {  	[sflag:s12] =	ssyncset.done $0x0  }
0x8c: {  	s30 =	sadd.s32 $0x10, s1;
	[sflag:s12] =	ssyncadd.s32 $0xFFFFFF80  }
0x8d: {  	[tilespmem:s16], [sflag:$0x7] =	stream.linear.gather [hbm4b:s30+s3], $0x80, $0x38;
	[tilespmem:$0x1FF00] =	vst v63  }
0x8e: {  	_ =	swait.ge [sflag:s12], $0x80  }
0x8f: {  	[sflag:s12] =	ssyncset.done $0x0  }
0x90: {  	s29 =	simm.s32 @!p0 $0x6;
	[sflag:s12] =	ssyncadd.s32 $0xFFFFFF80  }
0x91: {  	[tilespmem:s17], [sflag:$0x2] =	stream.indirect.gather [hbm4b:s4+s14], $0x80, s14, s14, $0xb8;
	[tilespmem:$0x1FF00] =	vst v63  }
0x92: {  	_ =	swait.ge @!p0 [sflag:s29], $0x4000  }
0x93: {  	[sflag:s29] =	ssyncset.done @!p0 $0x0  }
0x94: {  	s0 =	sadd.s32 $0x20, s0;
	[sflag:s29] =	ssyncadd.s32 @!p0 $0xFFFFC000  }
0x95: {  	[tilespmem:s18], [sflag:$0x7] =	stream.linear.gather [hbm4b:s0+s3], $0x80, $0x38;
	[tilespmem:$0x1FF00] =	vst v63  }
0x96: {  	_ =	swait.ge [sflag:s12], $0x80  }
0x97: {  	[sflag:s12] =	ssyncset.done $0x0  }
0x98: {  	s31 =	sadd.s32 $0x20, s1;
	[sflag:s12] =	ssyncadd.s32 $0xFFFFFF80  }
0x99: {  	[tilespmem:s19], [sflag:$0x7] =	stream.linear.gather [hbm4b:s31+s3], $0x80, $0x38;
	[tilespmem:$0x1FF00] =	vst v63  }
0x9a: {  	_ =	swait.ge [sflag:s12], $0x80  }
0x9b: {  	[sflag:s12] =	ssyncset.done $0x0  }
0x9c: {  	[sflag:s12] =	ssyncadd.s32 $0xFFFFFF80  }
0x9d: {  	[tilespmem:s20], [sflag:$0x3] =	stream.indirect.gather [hbm4b:s4+s14], $0x80, s18, s14, $0xb8;
	[tilespmem:$0x1FF00] =	vst v63  }
0x9e: {  	_ =	swait.ge [sflag:s21], $0x4000  }
0x9f: {  	[sflag:s21] =	ssyncset.done $0x0  }
0xa0: {  	[sflag:s21] =	ssyncadd.s32 $0xFFFFC000  }
0xa1: {  	[spmem:s2] =	stream.indirect.scatter.add.f32 [tilespmem:s15], [sflag:$0x4], $0x80, s13, s14, $0xb8;
	[tilespmem:$0x1FF00] =	vst v63  }
0xa2: {  	_ =	swait.ge [sflag:s22], $0x4000  }
0xa3: {  	[sflag:s22] =	ssyncset.done $0x0  }
0xa4: {  	[sflag:s22] =	ssyncadd.s32 $0xFFFFC000  }
0xa5: {  	[spmem:s2] =	stream.indirect.scatter.add.f32 [tilespmem:s17], [sflag:$0x5], $0x80, s16, s14, $0xb8;
	[tilespmem:$0x1FF00] =	vst v63  }
0xa6: {  	_ =	swait.ge [sflag:s23], $0x4000  }
0xa7: {  	[sflag:s23] =	ssyncset.done $0x0  }
0xa8: {  	[sflag:s23] =	ssyncadd.s32 $0xFFFFC000  }
0xa9: {  	[spmem:s2] =	stream.indirect.scatter.add.f32 [tilespmem:s20], [sflag:$0x6], $0x80, s19, s14, $0xb8;
	[tilespmem:$0x1FF00] =	vst v63  }
0xaa: {  	_ =	swait.ge [sflag:s24], $0x4000  }
0xab: {  	[sflag:s24] =	ssyncset.done $0x0  }
0xac: {  	[sflag:s24] =	ssyncadd.s32 $0xFFFFC000  }
0xad: {  	_ =	swait.ge [sflag:s25], $0x4000  }
0xae: {  	[sflag:s25] =	ssyncset.done $0x0  }
0xaf: {  	[sflag:s25] =	ssyncadd.s32 $0xFFFFC000  }
0xb0: {  	_ =	swait.ge [sflag:s26], $0x4000  }
0xb1: {  	s28 =	sadd.s32 $0x1, s28;
	[sflag:s26] =	ssyncset.done $0x0  }
0xb2: {  	p0 =	sne.s32 s28, s8;
	[sflag:s26] =	ssyncadd.s32 $0xFFFFC000  }
.Ltmp1:
0xb3: {  	[bflag:$0x0] =	sbarrier.arrive $0xFFFF;
	(pc) =	sbr.rel @p0 .LBB2_1-.Ltmp1, $4  }
0xb4: {  	[hbm:s7], [sflag:s6] =	dma.local [spmem:s11], $0x2780  }
0xb5: {  	_ =	swait.ge [sflag:s12], $0x2780  }
0xb6: {  	[sflag:s12] =	ssyncset.done $0x0  }
0xb7: {  	[sflag:s12] =	ssyncadd.s32 $0xFFFFD880  }
0xb8: {  	_ =	sfence.sel $0x180000  }
0xb9: {  	[bflag:$0x0] =	sbarrier.arrive $0xFFFF  }
0xba: {  	_ =	strace $0x90000050  }
0xbb: {  	s0 =	stileid.u32;
	[bflag:$0x2] =	sbarrier.arrive $0xFFFF  }
0xbc: {  	p0 =	sne.s32 s0, $0x0;
	s0 =	rddreg [dreg:$0x3]  }
0xbd: {  	s0 =	sadd.s32 @!p0 $0x100000, s0  }
0xbe: {  	[sflag:s0] =	ssyncadd.tile.s32 @!p0 $0x1;
	_ =	shalt  }
.Lfunc_end2:
_tile_overlayer_lowered:
.L_overlay_start_2:
0xbf: {  	(tag) =	ssettag $0x2  }
0xc0: {  	s0 =	rddreg [dreg:$0x0];
	s2 =	stileid.u32  }
0xc1: {  	s1 =	rddreg [dreg:$0x1];
	p0 =	sne.s32 s2, $0x0  }
0xc2: {  	s3 =	rddreg [dreg:$0x2];
	[bflag:$0x3] =	sbarrier.arrive $0xFFFF;
	s2 =	simm.s32 @!p0 $0x1C07  }
0xc3: {  	[timem:s3], [sflag:s2] =	dma.local @!p0 [hbm:s0], s1  }
0xc4: {  	s0 =	simm.s32 @!p0 $0x7  }
0xc5: {  	_ =	swait.ge @!p0 [sflag:s0], s1  }
0xc6: {  	s1 =	ssub.s32 @!p0 $0x0, s1;
	[sflag:s0] =	ssyncset.done @!p0 $0x0  }
0xc7: {  	[sflag:s0] =	ssyncadd.s32 @!p0 s1  }
0xc8: {  	[bflag:$0x3] =	sbarrier.arrive $0xFFFF  }
0xc9: {  	_ =	shalt  }

// kernel: kernel.29.cloned.1.call-start
scs
__scs_entry_jumppad:
0x0: {  	(pc) =	sbr.rel $0x88, $3  }
0x1: {  	(tag) =	ssettag $0x0;
	lr =	simm.s32 $0x1  }
0x2: {  	[smem:$0x3F9C] =	sst lr;
	_ =	strace $0xD0000000  }
0x3: {  	_ = 	snop  }
0x4: {  	_ = 	snop  }
0x5: {  	_ = 	snop  }
0x6: {  	_ = 	snop  }
0x7: {  	_ = 	snop  }
__scs_overlays_trampoline_lowered:
0x8: {  	[smem:$0x3FAB] =	sst s0  }
0x9: {  	[smem:$0x3FAC] =	sst s1  }
0xa: {  	[smem:$0x3FAD] =	sst s2  }
0xb: {  	[smem:$0x3FAE] =	sst s3  }
0xc: {  	[smem:$0x3FAF] =	sst s4  }
0xd: {  	[smem:$0x3FB0] =	sst s5  }
0xe: {  	[smem:$0x3FB1] =	sst s6  }
0xf: {  	[smem:$0x3FB2] =	sst s7  }
0x10: {  	[smem:$0x3FB3] =	sst s8  }
0x11: {  	[smem:$0x3FB4] =	sst s9;
	s0 =	simm.s32 @!p0 $0x0  }
0x12: {  	s1 =	sld [smem:$0x3F9A];
	s0 =	simm.s32 @p0 $0x1  }
0x13: {  	[smem:$0x3FB5] =	sst s0;
	s0 =	simm.s32 @!p1 $0x0  }
0x14: {  	s2 =	sld [smem:$0x3F99];
	s0 =	simm.s32 @p1 $0x1  }
0x15: {  	[smem:$0x3FB6] =	sst s0;
	s0 =	simm.s32 @!p2 $0x0  }
0x16: {  	s3 =	sld [smem:$0x3FDB];
	s0 =	simm.s32 @p2 $0x1  }
0x17: {  	s4 =	simm.s32 $0x1BF5;
	[smem:$0x3FB8] =	sst s0  }
0x18: {  	s0 =	sld [smem:$0x3F9B];
	_ =	swait.ge [sflag:s4], $0x0  }
0x19: {  	s7 =	sld [smem:$0x3F9C]  }
0x1a: {  	s8 =	sadd.s32 $0xFFFFE003, lr  }
0x1b: {  	s9 =	sadd.s32 $0xFFFFFEF7, lr;
	s5 =	simm.s32 $0xFFFFFFFF;
	p2 =	slt.u32 s8, $0xFFFFF086  }
0x1c: {  	p1 =	slt.u32 s9, $0xF7A;
	s5 =	simm.s32 @!p2 $0x0  }
0x1d: {  	s5 =	simm.s32 @p1 $0x1;
	p0 =	seq.s32 s7, s2  }
0x1e: {  	s7 =	smul.u32 @!p0 $0xF7A, s2;
	p2 =	seq.s32 @!p0 s5, $0x0  }
0x1f: {  	s9 =	smul.u32 $0xF7A, s1;
	s8 =	simm.s32 @!p0 $0x1BF5;
	p2 =	por !p2, p0  }
0x20: {  	[sflag:s8] =	ssyncset.s32 @!p0 $0xFFFFF086;
	s6 =	sadd.s32 @!p0 s3, s7;
	s7 =	simm.s32 @!p0 $0x108  }
0x21: {  	s3 =	sadd.s32 s3, s9;
	s6 =	sadd.s32 @!p0 $0x88, s6;
	s7 =	simm.s32 @p2 $0x1082  }
0x22: {  	[simem:s7], [sflag:s8] =	dma.local @!p0 [hbm:s6], $0xF7A  }
0x23: {  	s9 =	sor.u32 $0xD0000000, s2;
	s6 =	simm.s32 $0x108;
	_ =	swait.ge @!p0 [sflag:s8], $0x0  }
0x24: {  	s3 =	sadd.s32 $0x88, s3;
	s6 =	simm.s32 @!p1 $0x1082;
	[sflag:s4] =	ssyncset.s32 $0xFFFFF086  }
0x25: {  	[simem:s6], [sflag:s4] =	dma.local [hbm:s3], $0xF7A  }
0x26: {  	[smem:$0x3F9C] =	sst s1;
	(tag) =	ssettag s2;
	_ =	strace s9  }
0x27: {  	s1 =	sld [smem:$0x3FAC]  }
0x28: {  	s2 =	sld [smem:$0x3FAD]  }
0x29: {  	s4 =	sld [smem:$0x3FAF]  }
0x2a: {  	p0 =	seq.s32 s5, $0x0;
	s5 =	sld [smem:$0x3FB0]  }
0x2b: {  	s6 =	sld [smem:$0x3FB1]  }
0x2c: {  	s7 =	sld [smem:$0x3FB2]  }
0x2d: {  	s3 =	simm.s32 $0x108;
	s8 =	sld [smem:$0x3FB3]  }
0x2e: {  	s3 =	simm.s32 @!p0 $0x1082;
	s9 =	sld [smem:$0x3FB4]  }
0x2f: {  	lr =	sadd.s32 s0, s3;
	s0 =	sld [smem:$0x3FAB]  }
0x30: {  	s3 =	sld [smem:$0x3FAE]  }
0x31: {  	[smem:$0x3FB7] =	sst s10  }
0x32: {  	s10 =	sld [smem:$0x3FB5];
	_ =	sdelay $0x3  }
0x33: {  	p0 =	seq.s32 s10, $0x1;
	s10 =	sld [smem:$0x3FB7];
	_ =	sdelay $0x3  }
0x34: {  	[smem:$0x3FB7] =	sst s10  }
0x35: {  	s10 =	sld [smem:$0x3FB6];
	_ =	sdelay $0x3  }
0x36: {  	p1 =	seq.s32 s10, $0x1;
	s10 =	sld [smem:$0x3FB7];
	_ =	sdelay $0x3  }
0x37: {  	[smem:$0x3FB7] =	sst s10  }
0x38: {  	s10 =	sld [smem:$0x3FB8]  }
0x39: {  	_ = 	snop;
	(pc) =	sbr.ind lr, $3  }
0x3a: {  	_ = 	snop  }
0x3b: {  	_ = 	snop  }
0x3c: {  	p2 =	seq.s32 s10, $0x1;
	s10 =	sld [smem:$0x3FB7]  }
0x3d: {  	_ =	shalt  }
0x3e: {  	_ =	shalt  }
0x3f: {  	_ =	shalt  }
0x40: {  	_ =	shalt  }
0x41: {  	_ =	shalt  }
0x42: {  	_ =	shalt  }
0x43: {  	_ =	shalt  }
0x44: {  	_ =	shalt  }
0x45: {  	_ =	shalt  }
0x46: {  	_ =	shalt  }
0x47: {  	_ =	shalt  }
0x48: {  	_ =	shalt  }
0x49: {  	_ =	shalt  }
0x4a: {  	_ =	shalt  }
0x4b: {  	_ =	shalt  }
0x4c: {  	_ =	shalt  }
0x4d: {  	_ =	shalt  }
0x4e: {  	_ =	shalt  }
0x4f: {  	_ =	shalt  }
0x50: {  	_ =	shalt  }
0x51: {  	_ =	shalt  }
0x52: {  	_ =	shalt  }
0x53: {  	_ =	shalt  }
0x54: {  	_ =	shalt  }
0x55: {  	_ =	shalt  }
0x56: {  	_ =	shalt  }
0x57: {  	_ =	shalt  }
0x58: {  	_ =	shalt  }
0x59: {  	_ =	shalt  }
0x5a: {  	_ =	shalt  }
0x5b: {  	_ =	shalt  }
0x5c: {  	_ =	shalt  }
0x5d: {  	_ =	shalt  }
0x5e: {  	_ =	shalt  }
0x5f: {  	_ =	shalt  }
0x60: {  	_ =	shalt  }
0x61: {  	_ =	shalt  }
0x62: {  	_ =	shalt  }
0x63: {  	_ =	shalt  }
0x64: {  	_ =	shalt  }
0x65: {  	_ =	shalt  }
0x66: {  	_ =	shalt  }
0x67: {  	_ =	shalt  }
0x68: {  	_ =	shalt  }
0x69: {  	_ =	shalt  }
0x6a: {  	_ =	shalt  }
0x6b: {  	_ =	shalt  }
0x6c: {  	_ =	shalt  }
0x6d: {  	_ =	shalt  }
0x6e: {  	_ =	shalt  }
0x6f: {  	_ =	shalt  }
0x70: {  	_ =	shalt  }
0x71: {  	_ =	shalt  }
0x72: {  	_ =	shalt  }
0x73: {  	_ =	shalt  }
0x74: {  	_ =	shalt  }
0x75: {  	_ =	shalt  }
0x76: {  	_ =	shalt  }
0x77: {  	_ =	shalt  }
0x78: {  	_ =	shalt  }
0x79: {  	_ =	shalt  }
0x7a: {  	_ =	shalt  }
0x7b: {  	_ =	shalt  }
0x7c: {  	_ =	shalt  }
0x7d: {  	_ =	shalt  }
0x7e: {  	_ =	shalt  }
0x7f: {  	_ =	shalt  }
0x80: {  	_ =	shalt  }
0x81: {  	_ =	shalt  }
0x82: {  	_ =	shalt  }
0x83: {  	_ =	shalt  }
0x84: {  	_ =	shalt  }
0x85: {  	_ =	shalt  }
0x86: {  	_ =	shalt  }
0x87: {  	_ =	shalt  }
.Lfunc_end0:
.L_simem_size_0:
called_computation.4_lowered:
.L_overlay_start_0:
0x88: {  	s2 =	sld [smem:$0x3FD9]  }
0x89: {  	s3 =	sld [smem:$0x3FFE];
	_ =	sdelay $0x1  }
0x8a: {  	s1 =	srdreg.scid  }
0x8b: {  	s0 =	sand.u32 $0x1, s1  }
0x8c: {  	s17 =	sshll.u32 s0, $0xA;
	s2 =	sadd.s32 s3, s2  }
0x8d: {  	s2 =	sadd.s32 s2, s17  }
0x8e: {  	[smem:$0x3FC3] =	sst s2  }
0x8f: {  	_ = 	snop  }
0x90: {  	s2 =	sld [smem:$0x3FD0];
	(tm) =	ssettm $0x1  }
0x91: {  	s18 =	sld [smem:$0x3FFB];
	_ =	sdelay $0x3  }
0x92: {  	_ =	strace s18  }
0x93: {  	s3 =	sld [smem:$0x3FFC];
	_ =	sdelay $0x3  }
0x94: {  	_ =	strace s3  }
0x95: {  	s3 =	sld [smem:$0x3FFD];
	_ =	sdelay $0x3  }
0x96: {  	_ =	strace s3  }
0x97: {  	_ =	strace $0x8FFFFFFF  }
0x98: {  	s19 =	sld [smem:$0x3FDB];
	_ =	sdelay $0x1  }
0x99: {  	s4 =	simm.s32 $_scs_section_size  }
0x9a: {  	s5 =	simm.s32 $_size__tile_overlayer_lowered;
	s6 =	simm.s32 $_tile_overlayer_lowered  }
0x9b: {  	s22 =	simm.s32 $0x1BFF;
	s21 =	sshll.u32 s6, $0x1;
	s3 =	sadd.s32 s4, s19  }
0x9c: {  	s7 =	simm.s32 $0x0;
	s20 =	sshll.u32 s5, $0x1;
	s5 =	sadd.s32 s21, s3  }
0x9d: {  	[timem:s7], [sflag:s22] =	dma.local [hbm:s5], s20  }
0x9e: {  	_ =	swait.ge [sflag:s22], s20  }
0x9f: {  	s4 =	ssub.s32 $0x0, s20;
	[sflag:s22] =	ssyncset.done $0x0  }
0xa0: {  	[sflag:s22] =	ssyncadd.s32 s4;
	_ =	sdelay $0x1  }
0xa1: {  	s23 =	simm.s32 $0x1B8B  }
0xa2: {  	_ =	swait.ge [sflag:s23], $0x1  }
0xa3: {  	[sflag:s23] =	ssyncset.done $0x0  }
0xa4: {  	s25 =	simm.s32 $0x1B8E;
	s24 =	sld [smem:$0x3FFE];
	[sflag:s23] =	ssyncadd.s32 $0xFFFFFFFF  }
0xa5: {  	s26 =	simm.s32 $execute0_lowered;
	[smem:$0x3FD2] =	sst s25  }
0xa6: {  	s5 =	sshll.u32 s26, $0x1;
	_ =	strace $0x80000052;
	[dreg:$0x1] =	wrdreg $0xFFFFFFFF  }
0xa7: {  	s28 =	simm.s32 $_size_execute0_lowered;
	s3 =	sadd.s32 s3, s5;
	[dreg:$0x0] =	wrdreg $0x0  }
0xa8: {  	s5 =	sshll.u32 s28, $0x1;
	[dreg:$0x2] =	wrdreg s3  }
0xa9: {  	[dreg:$0x3] =	wrdreg s5  }
0xaa: {  	[dreg:$0x4] =	wrdreg $0xC0  }
0xab: {  	_ =	task [dreg:s7], $0x5FFFF  }
0xac: {  	[dreg:$0x1] =	wrdreg $0xFFFFFFFF  }
0xad: {  	[dreg:$0x0] =	wrdreg $0x60  }
0xae: {  	[dreg:$0x2] =	wrdreg s24  }
0xaf: {  	[dreg:$0x3] =	wrdreg s2  }
0xb0: {  	[dreg:$0x4] =	wrdreg $0xC3000  }
0xb1: {  	[dreg:$0x5] =	wrdreg $0x9  }
0xb2: {  	_ =	task.clear_ibuf [dreg:s7], $0x6FFFF;
	_ =	strace $0x90000052  }
0xb3: {  	s29 =	simm.s32 $0x9;
	_ =	strace $0x80000054  }
0xb4: {  	_ =	swait.ge [sflag:s29], $0x1  }
0xb5: {  	[sflag:s29] =	ssyncadd.s32 $0xFFFFFFFF  }
0xb6: {  	_ =	strace $0x90000054  }
0xb7: {  	_ =	sfence  }
0xb8: {  	s30 =	sld [smem:$0x0];
	_ =	sdelay $0x2  }
0xb9: {  	s31 =	sshll.u32 s1, $0xD;
	s1 =	sshrl.u32 s1, $0x2  }
0xba: {  	s3 =	sand.u32 $0x4000, s31;
	s1 =	sadd.s32 s1, s30  }
0xbb: {  	s0 =	sor.u32 s3, s0;
	s1 =	sshll.u32 s1, $0x11  }
0xbc: {  	s0 =	sor.u32 s1, s0  }
0xbd: {  	s0 =	sadd.s32 $0x8F2B, s0  }
0xbe: {  	[sflag:s0] =	ssyncadd.remote.s32 $0x1  }
0xbf: {  	_ =	sfence.sel $0xFFFF  }
0xc0: {  	[dreg:$0x0] =	wrdreg $0xFFFFFFFF;
	(pc) =	sbr.abs _section_cstart, $3  }
0xc1: {  	[dreg:$0x1] =	wrdreg $0xFFFFFFFF  }
0xc2: {  	_ =	task.clear_ibuf [dreg:s7], $0x2FFFF;
	_ =	strace $0x9FFFFFFF  }
0xc3: {  	(tm) =	ssettm $0x7FFFFFFF  }
tec
execute0_lowered:
.L_overlay_start_1:
0x0: {  	(tag) =	ssettag $0x1  }
0x1: {  	s5 =	rddreg [dreg:$0x0]  }
0x2: {  	s10 =	rddreg [dreg:$0x1]  }
0x3: {  	s2 =	rddreg [dreg:$0x2];
	s0 =	stileid.u32  }
0x4: {  	s4 =	srdreg.scid;
	s3 =	simm.s32 $0x0;
	s16 =	simm.s32 $0x200  }
0x5: {  	s17 =	simm.s32 $0x4300;
	s18 =	simm.s32 $0x100;
	s19 =	simm.s32 $0x280  }
0x6: {  	s20 =	simm.s32 $0x8300;
	s21 =	simm.s32 $0x1;
	s22 =	simm.s32 $0x2  }
0x7: {  	s23 =	simm.s32 $0x3;
	s24 =	simm.s32 $0x4;
	s11 =	smul.u32 $0xA20, s0  }
0x8: {  	s28 =	simm.s32 $0x0;
	s6 =	smul.u32 $0x13C00, s0;
	s7 =	sand.u32 $0x1, s4  }
0x9: {  	[smem:$0x7FF] =	sst s3;
	s4 =	sadd.s32 $0x37400, s5;
	s13 =	smul.u32 $0x4F000, s0  }
0xa: {  	s31 =	sshll.u32 s0, $0x6;
	s8 =	smul.u32 $0x13C000, s7;
	_ =	strace $0x80000053  }
0xb: {  	s25 =	ssub.s32 $0x2, s7;
	s30 =	smul.u32 $0x510, s7;
	s9 =	sadd.s32 s11, s5  }
0xc: {  	s12 =	sshrl.u32 s6, $0x3;
	s26 =	sshrl.u32 s25, $0x1;
	s29 =	sshrl.u32 s13, $0x2  }
0xd: {  	s10 =	sadd.s32 s11, s10;
	s13 =	simm.s32 $0x180;
	s6 =	sadd.s32 s6, s8  }
0xe: {  	s12 =	sadd.s32 s12, s5;
	s8 =	ssub.s32 s25, s26;
	s15 =	sadd.s32 s29, s2  }
0xf: {  	s9 =	sadd.s32 s30, s9;
	s10 =	sadd.s32 s30, s10;
	s25 =	simm.s32 $0x5  }
0x10: {  	s26 =	simm.s32 $0x6;
	s6 =	sshrl.u32 s6, $0x3;
	s8 =	smax.u32 s8, $0x1  }
0x11: {  	s9 =	sadd.s32 $0x5A00, s9;
	s11 =	sshrl.u32 s15, $0x3;
	s15 =	simm.s32 $0x300  }
0x12: {  	s14 =	sadd.s32 s6, s5;
	s5 =	sadd.s32 $0xFC00, s12;
	s6 =	sor.u32 $0x1C07, s31  }
0x13: {  	s12 =	simm.s32 $0x7;
	s7 =	sadd.s32 $0x5EC00, s14;
	s14 =	simm.s32 $0x80  }
.LBB2_1:
0x14: {  	[spmem:s11], [sflag:s6] =	dma.local [hbm:s5], $0x2780  }
0x15: {  	_ =	swait.ge [sflag:s12], $0x2780  }
0x16: {  	[sflag:s12] =	ssyncset.done $0x0  }
0x17: {  	p0 =	por $0x1, $0x1;
	[sflag:s12] =	ssyncadd.s32 $0xFFFFD880  }
0x18: {  	s29 =	simm.s32 @!p0 $0x4;
	[bflag:$0x0] =	sbarrier.arrive $0xFFFF  }
0x19: {  	_ =	swait.ge @!p0 [sflag:s29], $0x4000  }
0x1a: {  	[sflag:s29] =	ssyncset.done @!p0 $0x0  }
0x1b: {  	[sflag:s29] =	ssyncadd.s32 @!p0 $0xFFFFC000;
	s29 =	sadd.s32 $0x0, s10  }
0x1c: {  	[tilespmem:s3], [sflag:$0x7] =	stream.linear.gather [hbm4b:s29+s3], $0x80, $0x38;
	[tilespmem:$0x1FF00] =	vst v63  }
0x1d: {  	_ =	swait.ge [sflag:s12], $0x80  }
0x1e: {  	[sflag:s12] =	ssyncset.done $0x0  }
0x1f: {  	s30 =	sadd.s32 $0x0, s9;
	[sflag:s12] =	ssyncadd.s32 $0xFFFFFF80  }
0x20: {  	[tilespmem:s13], [sflag:$0x7] =	stream.linear.gather [hbm4b:s30+s3], $0x80, $0x38;
	[tilespmem:$0x1FF00] =	vst v63  }
0x21: {  	_ =	swait.ge [sflag:s12], $0x80  }
0x22: {  	[sflag:s12] =	ssyncset.done $0x0  }
0x23: {  	s31 =	simm.s32 @!p0 $0x5;
	[sflag:s12] =	ssyncadd.s32 $0xFFFFFF80  }
0x24: {  	[tilespmem:s15], [sflag:$0x1] =	stream.indirect.gather [hbm4b:s4+s14], $0x80, s3, s14, $0xb8;
	[tilespmem:$0x1FF00] =	vst v63  }
0x25: {  	_ =	swait.ge @!p0 [sflag:s31], $0x4000  }
0x26: {  	[sflag:s31] =	ssyncset.done @!p0 $0x0  }
0x27: {  	s0 =	sadd.s32 $0x10, s29;
	[sflag:s31] =	ssyncadd.s32 @!p0 $0xFFFFC000  }
0x28: {  	[tilespmem:s14], [sflag:$0x7] =	stream.linear.gather [hbm4b:s0+s3], $0x80, $0x38;
	[tilespmem:$0x1FF00] =	vst v63  }
0x29: {  	_ =	swait.ge [sflag:s12], $0x80  }
0x2a: {  	[sflag:s12] =	ssyncset.done $0x0  }
0x2b: {  	s1 =	sadd.s32 $0x10, s30;
	[sflag:s12] =	ssyncadd.s32 $0xFFFFFF80  }
0x2c: {  	[tilespmem:s16], [sflag:$0x7] =	stream.linear.gather [hbm4b:s1+s3], $0x80, $0x38;
	[tilespmem:$0x1FF00] =	vst v63  }
0x2d: {  	_ =	swait.ge [sflag:s12], $0x80  }
0x2e: {  	[sflag:s12] =	ssyncset.done $0x0  }
0x2f: {  	s31 =	simm.s32 @!p0 $0x6;
	[sflag:s12] =	ssyncadd.s32 $0xFFFFFF80  }
0x30: {  	[tilespmem:s17], [sflag:$0x2] =	stream.indirect.gather [hbm4b:s4+s14], $0x80, s14, s14, $0xb8;
	[tilespmem:$0x1FF00] =	vst v63  }
0x31: {  	_ =	swait.ge @!p0 [sflag:s31], $0x4000  }
0x32: {  	[sflag:s31] =	ssyncset.done @!p0 $0x0  }
0x33: {  	s29 =	sadd.s32 $0x20, s29;
	[sflag:s31] =	ssyncadd.s32 @!p0 $0xFFFFC000  }
0x34: {  	[tilespmem:s18], [sflag:$0x7] =	stream.linear.gather [hbm4b:s29+s3], $0x80, $0x38;
	[tilespmem:$0x1FF00] =	vst v63  }
0x35: {  	_ =	swait.ge [sflag:s12], $0x80  }
0x36: {  	[sflag:s12] =	ssyncset.done $0x0  }
0x37: {  	s29 =	sadd.s32 $0x20, s30;
	[sflag:s12] =	ssyncadd.s32 $0xFFFFFF80  }
0x38: {  	[tilespmem:s19], [sflag:$0x7] =	stream.linear.gather [hbm4b:s29+s3], $0x80, $0x38;
	[tilespmem:$0x1FF00] =	vst v63  }
0x39: {  	_ =	swait.ge [sflag:s12], $0x80  }
0x3a: {  	[sflag:s12] =	ssyncset.done $0x0  }
0x3b: {  	[sflag:s12] =	ssyncadd.s32 $0xFFFFFF80  }
0x3c: {  	[tilespmem:s20], [sflag:$0x3] =	stream.indirect.gather [hbm4b:s4+s14], $0x80, s18, s14, $0xb8;
	[tilespmem:$0x1FF00] =	vst v63  }
0x3d: {  	_ =	swait.ge [sflag:s21], $0x4000  }
0x3e: {  	[sflag:s21] =	ssyncset.done $0x0  }
0x3f: {  	[sflag:s21] =	ssyncadd.s32 $0xFFFFC000  }
0x40: {  	[spmem:s2] =	stream.indirect.scatter.add.f32 [tilespmem:s15], [sflag:$0x4], $0x80, s13, s14, $0xb8;
	[tilespmem:$0x1FF00] =	vst v63  }
0x41: {  	_ =	swait.ge [sflag:s22], $0x4000  }
0x42: {  	[sflag:s22] =	ssyncset.done $0x0  }
0x43: {  	[sflag:s22] =	ssyncadd.s32 $0xFFFFC000  }
0x44: {  	[spmem:s2] =	stream.indirect.scatter.add.f32 [tilespmem:s17], [sflag:$0x5], $0x80, s16, s14, $0xb8;
	[tilespmem:$0x1FF00] =	vst v63  }
0x45: {  	p0 =	por $0x0, $0x0;
	_ =	swait.ge [sflag:s23], $0x4000  }
0x46: {  	s30 =	simm.s32 $0x60;
	s29 =	simm.s32 $0x30;
	[sflag:s23] =	ssyncset.done $0x0  }
.LBB2_2:
0x47: {  	s31 =	simm.s32 @!p0 $0x4  }
0x48: {  	[sflag:s23] =	ssyncadd.s32 $0xFFFFC000;
	s0 =	smov.u32 s30;
	s30 =	sadd.s32 $0x30, s30  }
0x49: {  	[spmem:s2] =	stream.indirect.scatter.add.f32 [tilespmem:s20], [sflag:$0x6], $0x80, s19, s14, $0xb8;
	[tilespmem:$0x1FF00] =	vst v63  }
0x4a: {  	p1 =	sne.s32 s30, $0x510;
	_ =	swait.ge @!p0 [sflag:s31], $0x4000  }
0x4b: {  	[sflag:s31] =	ssyncset.done @!p0 $0x0  }
0x4c: {  	[sflag:s31] =	ssyncadd.s32 @!p0 $0xFFFFC000;
	s31 =	sadd.s32 s29, s10  }
0x4d: {  	[tilespmem:s3], [sflag:$0x7] =	stream.linear.gather [hbm4b:s31+s3], $0x80, $0x38;
	[tilespmem:$0x1FF00] =	vst v63  }
0x4e: {  	_ =	swait.ge [sflag:s12], $0x80  }
0x4f: {  	[sflag:s12] =	ssyncset.done $0x0  }
0x50: {  	s1 =	sadd.s32 s29, s9;
	s29 =	smov.u32 s0;
	[sflag:s12] =	ssyncadd.s32 $0xFFFFFF80  }
0x51: {  	[tilespmem:s13], [sflag:$0x7] =	stream.linear.gather [hbm4b:s1+s3], $0x80, $0x38;
	[tilespmem:$0x1FF00] =	vst v63  }
0x52: {  	_ =	swait.ge [sflag:s12], $0x80  }
0x53: {  	[sflag:s12] =	ssyncset.done $0x0  }
0x54: {  	s0 =	simm.s32 @!p0 $0x5;
	[sflag:s12] =	ssyncadd.s32 $0xFFFFFF80  }
0x55: {  	[tilespmem:s15], [sflag:$0x1] =	stream.indirect.gather [hbm4b:s4+s14], $0x80, s3, s14, $0xb8;
	[tilespmem:$0x1FF00] =	vst v63  }
0x56: {  	_ =	swait.ge @!p0 [sflag:s0], $0x4000  }
0x57: {  	[sflag:s0] =	ssyncset.done @!p0 $0x0  }
0x58: {  	[sflag:s0] =	ssyncadd.s32 @!p0 $0xFFFFC000;
	s0 =	sadd.s32 $0x10, s31  }
0x59: {  	[tilespmem:s14], [sflag:$0x7] =	stream.linear.gather [hbm4b:s0+s3], $0x80, $0x38;
	[tilespmem:$0x1FF00] =	vst v63  }
0x5a: {  	_ =	swait.ge [sflag:s12], $0x80  }
0x5b: {  	[sflag:s12] =	ssyncset.done $0x0  }
0x5c: {  	s0 =	sadd.s32 $0x10, s1;
	[sflag:s12] =	ssyncadd.s32 $0xFFFFFF80  }
0x5d: {  	[tilespmem:s16], [sflag:$0x7] =	stream.linear.gather [hbm4b:s0+s3], $0x80, $0x38;
	[tilespmem:$0x1FF00] =	vst v63  }
0x5e: {  	_ =	swait.ge [sflag:s12], $0x80  }
0x5f: {  	[sflag:s12] =	ssyncset.done $0x0  }
0x60: {  	s0 =	simm.s32 @!p0 $0x6;
	[sflag:s12] =	ssyncadd.s32 $0xFFFFFF80  }
0x61: {  	[tilespmem:s17], [sflag:$0x2] =	stream.indirect.gather [hbm4b:s4+s14], $0x80, s14, s14, $0xb8;
	[tilespmem:$0x1FF00] =	vst v63  }
0x62: {  	_ =	swait.ge @!p0 [sflag:s0], $0x4000  }
0x63: {  	[sflag:s0] =	ssyncset.done @!p0 $0x0  }
0x64: {  	[sflag:s0] =	ssyncadd.s32 @!p0 $0xFFFFC000;
	s0 =	sadd.s32 $0x20, s31  }
0x65: {  	[tilespmem:s18], [sflag:$0x7] =	stream.linear.gather [hbm4b:s0+s3], $0x80, $0x38;
	[tilespmem:$0x1FF00] =	vst v63  }
0x66: {  	_ =	swait.ge [sflag:s12], $0x80  }
0x67: {  	[sflag:s12] =	ssyncset.done $0x0  }
0x68: {  	s0 =	sadd.s32 $0x20, s1;
	[sflag:s12] =	ssyncadd.s32 $0xFFFFFF80  }
0x69: {  	[tilespmem:s19], [sflag:$0x7] =	stream.linear.gather [hbm4b:s0+s3], $0x80, $0x38;
	[tilespmem:$0x1FF00] =	vst v63  }
0x6a: {  	_ =	swait.ge [sflag:s12], $0x80  }
0x6b: {  	[sflag:s12] =	ssyncset.done $0x0  }
0x6c: {  	[sflag:s12] =	ssyncadd.s32 $0xFFFFFF80  }
0x6d: {  	[tilespmem:s20], [sflag:$0x3] =	stream.indirect.gather [hbm4b:s4+s14], $0x80, s18, s14, $0xb8;
	[tilespmem:$0x1FF00] =	vst v63  }
0x6e: {  	_ =	swait.ge [sflag:s21], $0x4000  }
0x6f: {  	[sflag:s21] =	ssyncset.done $0x0  }
0x70: {  	[sflag:s21] =	ssyncadd.s32 $0xFFFFC000  }
0x71: {  	[spmem:s2] =	stream.indirect.scatter.add.f32 [tilespmem:s15], [sflag:$0x4], $0x80, s13, s14, $0xb8;
	[tilespmem:$0x1FF00] =	vst v63  }
0x72: {  	_ =	swait.ge [sflag:s22], $0x4000  }
.Ltmp0:
0x73: {  	[sflag:s22] =	ssyncset.done $0x0;
	(pc) =	sbr.rel @p1 .LBB2_2-.Ltmp0, $4  }
0x74: {  	[sflag:s22] =	ssyncadd.s32 $0xFFFFC000  }
0x75: {  	[spmem:s2] =	stream.indirect.scatter.add.f32 [tilespmem:s17], [sflag:$0x5], $0x80, s16, s14, $0xb8;
	[tilespmem:$0x1FF00] =	vst v63  }
0x76: {  	_ =	swait.ge [sflag:s23], $0x4000  }
0x77: {  	p0 =	seq.s32 s29, $0x0;
	[sflag:s23] =	ssyncset.done $0x0  }
0x78: {  	s0 =	simm.s32 @!p0 $0x4;
	[sflag:s23] =	ssyncadd.s32 $0xFFFFC000  }
0x79: {  	[spmem:s2] =	stream.indirect.scatter.add.f32 [tilespmem:s20], [sflag:$0x6], $0x80, s19, s14, $0xb8;
	[tilespmem:$0x1FF00] =	vst v63  }
0x7a: {  	_ =	swait.ge @!p0 [sflag:s0], $0x4000  }
0x7b: {  	[sflag:s0] =	ssyncset.done @!p0 $0x0  }
0x7c: {  	[sflag:s0] =	ssyncadd.s32 @!p0 $0xFFFFC000;
	s0 =	sadd.s32 s29, s10  }
0x7d: {  	[tilespmem:s3], [sflag:$0x7] =	stream.linear.gather [hbm4b:s0+s3], $0x80, $0x38;
	[tilespmem:$0x1FF00] =	vst v63  }
0x7e: {  	_ =	swait.ge [sflag:s12], $0x80  }
0x7f: {  	[sflag:s12] =	ssyncset.done $0x0  }
0x80: {  	s1 =	sadd.s32 s29, s9;
	[sflag:s12] =	ssyncadd.s32 $0xFFFFFF80  }
0x81: {  	[tilespmem:s13], [sflag:$0x7] =	stream.linear.gather [hbm4b:s1+s3], $0x80, $0x38;
	[tilespmem:$0x1FF00] =	vst v63  }
0x82: {  	_ =	swait.ge [sflag:s12], $0x80  }
0x83: {  	[sflag:s12] =	ssyncset.done $0x0  }
0x84: {  	s29 =	simm.s32 @!p0 $0x5;
	[sflag:s12] =	ssyncadd.s32 $0xFFFFFF80  }
0x85: {  	[tilespmem:s15], [sflag:$0x1] =	stream.indirect.gather [hbm4b:s4+s14], $0x80, s3, s14, $0xb8;
	[tilespmem:$0x1FF00] =	vst v63  }
0x86: {  	_ =	swait.ge @!p0 [sflag:s29], $0x4000  }
0x87: {  	[sflag:s29] =	ssyncset.done @!p0 $0x0  }
0x88: {  	s31 =	sadd.s32 $0x10, s0;
	[sflag:s29] =	ssyncadd.s32 @!p0 $0xFFFFC000  }
0x89: {  	[tilespmem:s14], [sflag:$0x7] =	stream.linear.gather [hbm4b:s31+s3], $0x80, $0x38;
	[tilespmem:$0x1FF00] =	vst v63  }
0x8a: {  	_ =	swait.ge [sflag:s12], $0x80  }
0x8b: {  	[sflag:s12] =	ssyncset.done $0x0  }
0x8c: {  	s30 =	sadd.s32 $0x10, s1;
	[sflag:s12] =	ssyncadd.s32 $0xFFFFFF80  }
0x8d: {  	[tilespmem:s16], [sflag:$0x7] =	stream.linear.gather [hbm4b:s30+s3], $0x80, $0x38;
	[tilespmem:$0x1FF00] =	vst v63  }
0x8e: {  	_ =	swait.ge [sflag:s12], $0x80  }
0x8f: {  	[sflag:s12] =	ssyncset.done $0x0  }
0x90: {  	s29 =	simm.s32 @!p0 $0x6;
	[sflag:s12] =	ssyncadd.s32 $0xFFFFFF80  }
0x91: {  	[tilespmem:s17], [sflag:$0x2] =	stream.indirect.gather [hbm4b:s4+s14], $0x80, s14, s14, $0xb8;
	[tilespmem:$0x1FF00] =	vst v63  }
0x92: {  	_ =	swait.ge @!p0 [sflag:s29], $0x4000  }
0x93: {  	[sflag:s29] =	ssyncset.done @!p0 $0x0  }
0x94: {  	s0 =	sadd.s32 $0x20, s0;
	[sflag:s29] =	ssyncadd.s32 @!p0 $0xFFFFC000  }
0x95: {  	[tilespmem:s18], [sflag:$0x7] =	stream.linear.gather [hbm4b:s0+s3], $0x80, $0x38;
	[tilespmem:$0x1FF00] =	vst v63  }
0x96: {  	_ =	swait.ge [sflag:s12], $0x80  }
0x97: {  	[sflag:s12] =	ssyncset.done $0x0  }
0x98: {  	s31 =	sadd.s32 $0x20, s1;
	[sflag:s12] =	ssyncadd.s32 $0xFFFFFF80  }
0x99: {  	[tilespmem:s19], [sflag:$0x7] =	stream.linear.gather [hbm4b:s31+s3], $0x80, $0x38;
	[tilespmem:$0x1FF00] =	vst v63  }
0x9a: {  	_ =	swait.ge [sflag:s12], $0x80  }
0x9b: {  	[sflag:s12] =	ssyncset.done $0x0  }
0x9c: {  	[sflag:s12] =	ssyncadd.s32 $0xFFFFFF80  }
0x9d: {  	[tilespmem:s20], [sflag:$0x3] =	stream.indirect.gather [hbm4b:s4+s14], $0x80, s18, s14, $0xb8;
	[tilespmem:$0x1FF00] =	vst v63  }
0x9e: {  	_ =	swait.ge [sflag:s21], $0x4000  }
0x9f: {  	[sflag:s21] =	ssyncset.done $0x0  }
0xa0: {  	[sflag:s21] =	ssyncadd.s32 $0xFFFFC000  }
0xa1: {  	[spmem:s2] =	stream.indirect.scatter.add.f32 [tilespmem:s15], [sflag:$0x4], $0x80, s13, s14, $0xb8;
	[tilespmem:$0x1FF00] =	vst v63  }
0xa2: {  	_ =	swait.ge [sflag:s22], $0x4000  }
0xa3: {  	[sflag:s22] =	ssyncset.done $0x0  }
0xa4: {  	[sflag:s22] =	ssyncadd.s32 $0xFFFFC000  }
0xa5: {  	[spmem:s2] =	stream.indirect.scatter.add.f32 [tilespmem:s17], [sflag:$0x5], $0x80, s16, s14, $0xb8;
	[tilespmem:$0x1FF00] =	vst v63  }
0xa6: {  	_ =	swait.ge [sflag:s23], $0x4000  }
0xa7: {  	[sflag:s23] =	ssyncset.done $0x0  }
0xa8: {  	[sflag:s23] =	ssyncadd.s32 $0xFFFFC000  }
0xa9: {  	[spmem:s2] =	stream.indirect.scatter.add.f32 [tilespmem:s20], [sflag:$0x6], $0x80, s19, s14, $0xb8;
	[tilespmem:$0x1FF00] =	vst v63  }
0xaa: {  	_ =	swait.ge [sflag:s24], $0x4000  }
0xab: {  	[sflag:s24] =	ssyncset.done $0x0  }
0xac: {  	[sflag:s24] =	ssyncadd.s32 $0xFFFFC000  }
0xad: {  	_ =	swait.ge [sflag:s25], $0x4000  }
0xae: {  	[sflag:s25] =	ssyncset.done $0x0  }
0xaf: {  	[sflag:s25] =	ssyncadd.s32 $0xFFFFC000  }
0xb0: {  	_ =	swait.ge [sflag:s26], $0x4000  }
0xb1: {  	s28 =	sadd.s32 $0x1, s28;
	[sflag:s26] =	ssyncset.done $0x0  }
0xb2: {  	p0 =	sne.s32 s28, s8;
	[sflag:s26] =	ssyncadd.s32 $0xFFFFC000  }
.Ltmp1:
0xb3: {  	[bflag:$0x0] =	sbarrier.arrive $0xFFFF;
	(pc) =	sbr.rel @p0 .LBB2_1-.Ltmp1, $4  }
0xb4: {  	[hbm:s7], [sflag:s6] =	dma.local [spmem:s11], $0x2780  }
0xb5: {  	_ =	swait.ge [sflag:s12], $0x2780  }
0xb6: {  	[sflag:s12] =	ssyncset.done $0x0  }
0xb7: {  	[sflag:s12] =	ssyncadd.s32 $0xFFFFD880  }
0xb8: {  	_ =	sfence.sel $0x180000  }
0xb9: {  	[bflag:$0x0] =	sbarrier.arrive $0xFFFF  }
0xba: {  	_ =	strace $0x90000053  }
0xbb: {  	s0 =	stileid.u32;
	[bflag:$0x2] =	sbarrier.arrive $0xFFFF  }
0xbc: {  	p0 =	sne.s32 s0, $0x0;
	s0 =	rddreg [dreg:$0x3]  }
0xbd: {  	s0 =	sadd.s32 @!p0 $0x100000, s0  }
0xbe: {  	[sflag:s0] =	ssyncadd.tile.s32 @!p0 $0x1;
	_ =	shalt  }
.Lfunc_end2:
_tile_overlayer_lowered:
.L_overlay_start_2:
0xbf: {  	(tag) =	ssettag $0x2  }
0xc0: {  	s0 =	rddreg [dreg:$0x0];
	s2 =	stileid.u32  }
0xc1: {  	s1 =	rddreg [dreg:$0x1];
	p0 =	sne.s32 s2, $0x0  }
0xc2: {  	s3 =	rddreg [dreg:$0x2];
	[bflag:$0x3] =	sbarrier.arrive $0xFFFF;
	s2 =	simm.s32 @!p0 $0x1C07  }
0xc3: {  	[timem:s3], [sflag:s2] =	dma.local @!p0 [hbm:s0], s1  }
0xc4: {  	s0 =	simm.s32 @!p0 $0x7  }
0xc5: {  	_ =	swait.ge @!p0 [sflag:s0], s1  }
0xc6: {  	s1 =	ssub.s32 @!p0 $0x0, s1;
	[sflag:s0] =	ssyncset.done @!p0 $0x0  }
0xc7: {  	[sflag:s0] =	ssyncadd.s32 @!p0 s1  }
0xc8: {  	[bflag:$0x3] =	sbarrier.arrive $0xFFFF  }
0xc9: {  	_ =	shalt  }

// kernel: kernel.32.cloned.1.call-start
scs
__scs_entry_jumppad:
0x0: {  	(pc) =	sbr.rel $0x88, $3  }
0x1: {  	(tag) =	ssettag $0x0;
	lr =	simm.s32 $0x1  }
0x2: {  	[smem:$0x3F9C] =	sst lr;
	_ =	strace $0xD0000000  }
0x3: {  	_ = 	snop  }
0x4: {  	_ = 	snop  }
0x5: {  	_ = 	snop  }
0x6: {  	_ = 	snop  }
0x7: {  	_ = 	snop  }
__scs_overlays_trampoline_lowered:
0x8: {  	[smem:$0x3FAB] =	sst s0  }
0x9: {  	[smem:$0x3FAC] =	sst s1  }
0xa: {  	[smem:$0x3FAD] =	sst s2  }
0xb: {  	[smem:$0x3FAE] =	sst s3  }
0xc: {  	[smem:$0x3FAF] =	sst s4  }
0xd: {  	[smem:$0x3FB0] =	sst s5  }
0xe: {  	[smem:$0x3FB1] =	sst s6  }
0xf: {  	[smem:$0x3FB2] =	sst s7  }
0x10: {  	[smem:$0x3FB3] =	sst s8  }
0x11: {  	[smem:$0x3FB4] =	sst s9;
	s0 =	simm.s32 @!p0 $0x0  }
0x12: {  	s1 =	sld [smem:$0x3F9A];
	s0 =	simm.s32 @p0 $0x1  }
0x13: {  	[smem:$0x3FB5] =	sst s0;
	s0 =	simm.s32 @!p1 $0x0  }
0x14: {  	s2 =	sld [smem:$0x3F99];
	s0 =	simm.s32 @p1 $0x1  }
0x15: {  	[smem:$0x3FB6] =	sst s0;
	s0 =	simm.s32 @!p2 $0x0  }
0x16: {  	s3 =	sld [smem:$0x3FDB];
	s0 =	simm.s32 @p2 $0x1  }
0x17: {  	s4 =	simm.s32 $0x1BF5;
	[smem:$0x3FB8] =	sst s0  }
0x18: {  	s0 =	sld [smem:$0x3F9B];
	_ =	swait.ge [sflag:s4], $0x0  }
0x19: {  	s7 =	sld [smem:$0x3F9C]  }
0x1a: {  	s8 =	sadd.s32 $0xFFFFE003, lr  }
0x1b: {  	s9 =	sadd.s32 $0xFFFFFEF7, lr;
	s5 =	simm.s32 $0xFFFFFFFF;
	p2 =	slt.u32 s8, $0xFFFFF086  }
0x1c: {  	p1 =	slt.u32 s9, $0xF7A;
	s5 =	simm.s32 @!p2 $0x0  }
0x1d: {  	s5 =	simm.s32 @p1 $0x1;
	p0 =	seq.s32 s7, s2  }
0x1e: {  	s7 =	smul.u32 @!p0 $0xF7A, s2;
	p2 =	seq.s32 @!p0 s5, $0x0  }
0x1f: {  	s9 =	smul.u32 $0xF7A, s1;
	s8 =	simm.s32 @!p0 $0x1BF5;
	p2 =	por !p2, p0  }
0x20: {  	[sflag:s8] =	ssyncset.s32 @!p0 $0xFFFFF086;
	s6 =	sadd.s32 @!p0 s3, s7;
	s7 =	simm.s32 @!p0 $0x108  }
0x21: {  	s3 =	sadd.s32 s3, s9;
	s6 =	sadd.s32 @!p0 $0x88, s6;
	s7 =	simm.s32 @p2 $0x1082  }
0x22: {  	[simem:s7], [sflag:s8] =	dma.local @!p0 [hbm:s6], $0xF7A  }
0x23: {  	s9 =	sor.u32 $0xD0000000, s2;
	s6 =	simm.s32 $0x108;
	_ =	swait.ge @!p0 [sflag:s8], $0x0  }
0x24: {  	s3 =	sadd.s32 $0x88, s3;
	s6 =	simm.s32 @!p1 $0x1082;
	[sflag:s4] =	ssyncset.s32 $0xFFFFF086  }
0x25: {  	[simem:s6], [sflag:s4] =	dma.local [hbm:s3], $0xF7A  }
0x26: {  	[smem:$0x3F9C] =	sst s1;
	(tag) =	ssettag s2;
	_ =	strace s9  }
0x27: {  	s1 =	sld [smem:$0x3FAC]  }
0x28: {  	s2 =	sld [smem:$0x3FAD]  }
0x29: {  	s4 =	sld [smem:$0x3FAF]  }
0x2a: {  	p0 =	seq.s32 s5, $0x0;
	s5 =	sld [smem:$0x3FB0]  }
0x2b: {  	s6 =	sld [smem:$0x3FB1]  }
0x2c: {  	s7 =	sld [smem:$0x3FB2]  }
0x2d: {  	s3 =	simm.s32 $0x108;
	s8 =	sld [smem:$0x3FB3]  }
0x2e: {  	s3 =	simm.s32 @!p0 $0x1082;
	s9 =	sld [smem:$0x3FB4]  }
0x2f: {  	lr =	sadd.s32 s0, s3;
	s0 =	sld [smem:$0x3FAB]  }
0x30: {  	s3 =	sld [smem:$0x3FAE]  }
0x31: {  	[smem:$0x3FB7] =	sst s10  }
0x32: {  	s10 =	sld [smem:$0x3FB5];
	_ =	sdelay $0x3  }
0x33: {  	p0 =	seq.s32 s10, $0x1;
	s10 =	sld [smem:$0x3FB7];
	_ =	sdelay $0x3  }
0x34: {  	[smem:$0x3FB7] =	sst s10  }
0x35: {  	s10 =	sld [smem:$0x3FB6];
	_ =	sdelay $0x3  }
0x36: {  	p1 =	seq.s32 s10, $0x1;
	s10 =	sld [smem:$0x3FB7];
	_ =	sdelay $0x3  }
0x37: {  	[smem:$0x3FB7] =	sst s10  }
0x38: {  	s10 =	sld [smem:$0x3FB8]  }
0x39: {  	_ = 	snop;
	(pc) =	sbr.ind lr, $3  }
0x3a: {  	_ = 	snop  }
0x3b: {  	_ = 	snop  }
0x3c: {  	p2 =	seq.s32 s10, $0x1;
	s10 =	sld [smem:$0x3FB7]  }
0x3d: {  	_ =	shalt  }
0x3e: {  	_ =	shalt  }
0x3f: {  	_ =	shalt  }
0x40: {  	_ =	shalt  }
0x41: {  	_ =	shalt  }
0x42: {  	_ =	shalt  }
0x43: {  	_ =	shalt  }
0x44: {  	_ =	shalt  }
0x45: {  	_ =	shalt  }
0x46: {  	_ =	shalt  }
0x47: {  	_ =	shalt  }
0x48: {  	_ =	shalt  }
0x49: {  	_ =	shalt  }
0x4a: {  	_ =	shalt  }
0x4b: {  	_ =	shalt  }
0x4c: {  	_ =	shalt  }
0x4d: {  	_ =	shalt  }
0x4e: {  	_ =	shalt  }
0x4f: {  	_ =	shalt  }
0x50: {  	_ =	shalt  }
0x51: {  	_ =	shalt  }
0x52: {  	_ =	shalt  }
0x53: {  	_ =	shalt  }
0x54: {  	_ =	shalt  }
0x55: {  	_ =	shalt  }
0x56: {  	_ =	shalt  }
0x57: {  	_ =	shalt  }
0x58: {  	_ =	shalt  }
0x59: {  	_ =	shalt  }
0x5a: {  	_ =	shalt  }
0x5b: {  	_ =	shalt  }
0x5c: {  	_ =	shalt  }
0x5d: {  	_ =	shalt  }
0x5e: {  	_ =	shalt  }
0x5f: {  	_ =	shalt  }
0x60: {  	_ =	shalt  }
0x61: {  	_ =	shalt  }
0x62: {  	_ =	shalt  }
0x63: {  	_ =	shalt  }
0x64: {  	_ =	shalt  }
0x65: {  	_ =	shalt  }
0x66: {  	_ =	shalt  }
0x67: {  	_ =	shalt  }
0x68: {  	_ =	shalt  }
0x69: {  	_ =	shalt  }
0x6a: {  	_ =	shalt  }
0x6b: {  	_ =	shalt  }
0x6c: {  	_ =	shalt  }
0x6d: {  	_ =	shalt  }
0x6e: {  	_ =	shalt  }
0x6f: {  	_ =	shalt  }
0x70: {  	_ =	shalt  }
0x71: {  	_ =	shalt  }
0x72: {  	_ =	shalt  }
0x73: {  	_ =	shalt  }
0x74: {  	_ =	shalt  }
0x75: {  	_ =	shalt  }
0x76: {  	_ =	shalt  }
0x77: {  	_ =	shalt  }
0x78: {  	_ =	shalt  }
0x79: {  	_ =	shalt  }
0x7a: {  	_ =	shalt  }
0x7b: {  	_ =	shalt  }
0x7c: {  	_ =	shalt  }
0x7d: {  	_ =	shalt  }
0x7e: {  	_ =	shalt  }
0x7f: {  	_ =	shalt  }
0x80: {  	_ =	shalt  }
0x81: {  	_ =	shalt  }
0x82: {  	_ =	shalt  }
0x83: {  	_ =	shalt  }
0x84: {  	_ =	shalt  }
0x85: {  	_ =	shalt  }
0x86: {  	_ =	shalt  }
0x87: {  	_ =	shalt  }
.Lfunc_end0:
.L_simem_size_0:
called_computation.5_lowered:
.L_overlay_start_0:
0x88: {  	s2 =	sld [smem:$0x3FD9]  }
0x89: {  	s3 =	sld [smem:$0x3FFE];
	_ =	sdelay $0x1  }
0x8a: {  	s1 =	srdreg.scid  }
0x8b: {  	s0 =	sand.u32 $0x1, s1  }
0x8c: {  	s17 =	sshll.u32 s0, $0xA;
	s2 =	sadd.s32 s3, s2  }
0x8d: {  	s2 =	sadd.s32 s2, s17  }
0x8e: {  	[smem:$0x3FC3] =	sst s2  }
0x8f: {  	_ = 	snop  }
0x90: {  	s2 =	sld [smem:$0x3FD0];
	(tm) =	ssettm $0x1  }
0x91: {  	s18 =	sld [smem:$0x3FFB];
	_ =	sdelay $0x3  }
0x92: {  	_ =	strace s18  }
0x93: {  	s3 =	sld [smem:$0x3FFC];
	_ =	sdelay $0x3  }
0x94: {  	_ =	strace s3  }
0x95: {  	s3 =	sld [smem:$0x3FFD];
	_ =	sdelay $0x3  }
0x96: {  	_ =	strace s3  }
0x97: {  	_ =	strace $0x8FFFFFFF  }
0x98: {  	s19 =	sld [smem:$0x3FDB];
	_ =	sdelay $0x1  }
0x99: {  	s4 =	simm.s32 $_scs_section_size  }
0x9a: {  	s5 =	simm.s32 $_size__tile_overlayer_lowered;
	s6 =	simm.s32 $_tile_overlayer_lowered  }
0x9b: {  	s22 =	simm.s32 $0x1BFF;
	s21 =	sshll.u32 s6, $0x1;
	s3 =	sadd.s32 s4, s19  }
0x9c: {  	s7 =	simm.s32 $0x0;
	s20 =	sshll.u32 s5, $0x1;
	s5 =	sadd.s32 s21, s3  }
0x9d: {  	[timem:s7], [sflag:s22] =	dma.local [hbm:s5], s20  }
0x9e: {  	_ =	swait.ge [sflag:s22], s20  }
0x9f: {  	s4 =	ssub.s32 $0x0, s20;
	[sflag:s22] =	ssyncset.done $0x0  }
0xa0: {  	[sflag:s22] =	ssyncadd.s32 s4;
	_ =	sdelay $0x1  }
0xa1: {  	s23 =	simm.s32 $0x1B8B  }
0xa2: {  	_ =	swait.ge [sflag:s23], $0x1  }
0xa3: {  	[sflag:s23] =	ssyncset.done $0x0  }
0xa4: {  	s25 =	simm.s32 $0x1B8E;
	s24 =	sld [smem:$0x3FFE];
	[sflag:s23] =	ssyncadd.s32 $0xFFFFFFFF  }
0xa5: {  	s26 =	simm.s32 $execute0_lowered;
	[smem:$0x3FD2] =	sst s25  }
0xa6: {  	s5 =	sshll.u32 s26, $0x1;
	_ =	strace $0x80000055;
	[dreg:$0x1] =	wrdreg $0xFFFFFFFF  }
0xa7: {  	s28 =	simm.s32 $_size_execute0_lowered;
	s3 =	sadd.s32 s3, s5;
	[dreg:$0x0] =	wrdreg $0x0  }
0xa8: {  	s5 =	sshll.u32 s28, $0x1;
	[dreg:$0x2] =	wrdreg s3  }
0xa9: {  	[dreg:$0x3] =	wrdreg s5  }
0xaa: {  	[dreg:$0x4] =	wrdreg $0xC0  }
0xab: {  	_ =	task [dreg:s7], $0x5FFFF  }
0xac: {  	[dreg:$0x1] =	wrdreg $0xFFFFFFFF  }
0xad: {  	[dreg:$0x0] =	wrdreg $0x60  }
0xae: {  	[dreg:$0x2] =	wrdreg s24  }
0xaf: {  	[dreg:$0x3] =	wrdreg s2  }
0xb0: {  	[dreg:$0x4] =	wrdreg $0xC3000  }
0xb1: {  	[dreg:$0x5] =	wrdreg $0x9  }
0xb2: {  	_ =	task.clear_ibuf [dreg:s7], $0x6FFFF;
	_ =	strace $0x90000055  }
0xb3: {  	s29 =	simm.s32 $0x9;
	_ =	strace $0x80000057  }
0xb4: {  	_ =	swait.ge [sflag:s29], $0x1  }
0xb5: {  	[sflag:s29] =	ssyncadd.s32 $0xFFFFFFFF  }
0xb6: {  	_ =	strace $0x90000057  }
0xb7: {  	_ =	sfence  }
0xb8: {  	s30 =	sld [smem:$0x0];
	_ =	sdelay $0x2  }
0xb9: {  	s31 =	sshll.u32 s1, $0xD;
	s1 =	sshrl.u32 s1, $0x2  }
0xba: {  	s3 =	sand.u32 $0x4000, s31;
	s1 =	sadd.s32 s1, s30  }
0xbb: {  	s0 =	sor.u32 s3, s0;
	s1 =	sshll.u32 s1, $0x11  }
0xbc: {  	s0 =	sor.u32 s1, s0  }
0xbd: {  	s0 =	sadd.s32 $0x8F2B, s0  }
0xbe: {  	[sflag:s0] =	ssyncadd.remote.s32 $0x1  }
0xbf: {  	_ =	sfence.sel $0xFFFF  }
0xc0: {  	[dreg:$0x0] =	wrdreg $0xFFFFFFFF;
	(pc) =	sbr.abs _section_cstart, $3  }
0xc1: {  	[dreg:$0x1] =	wrdreg $0xFFFFFFFF  }
0xc2: {  	_ =	task.clear_ibuf [dreg:s7], $0x2FFFF;
	_ =	strace $0x9FFFFFFF  }
0xc3: {  	(tm) =	ssettm $0x7FFFFFFF  }
tec
execute0_lowered:
.L_overlay_start_1:
0x0: {  	(tag) =	ssettag $0x1  }
0x1: {  	s5 =	rddreg [dreg:$0x0]  }
0x2: {  	s10 =	rddreg [dreg:$0x1]  }
0x3: {  	s2 =	rddreg [dreg:$0x2];
	s0 =	stileid.u32  }
0x4: {  	s4 =	srdreg.scid;
	s3 =	simm.s32 $0x0;
	s16 =	simm.s32 $0x200  }
0x5: {  	s17 =	simm.s32 $0x4300;
	s18 =	simm.s32 $0x100;
	s19 =	simm.s32 $0x280  }
0x6: {  	s20 =	simm.s32 $0x8300;
	s21 =	simm.s32 $0x1;
	s22 =	simm.s32 $0x2  }
0x7: {  	s23 =	simm.s32 $0x3;
	s24 =	simm.s32 $0x4;
	s11 =	smul.u32 $0xA20, s0  }
0x8: {  	s28 =	simm.s32 $0x0;
	s6 =	smul.u32 $0x13C00, s0;
	s7 =	sand.u32 $0x1, s4  }
0x9: {  	[smem:$0x7FF] =	sst s3;
	s4 =	sadd.s32 $0x37400, s5;
	s13 =	smul.u32 $0x4F000, s0  }
0xa: {  	s31 =	sshll.u32 s0, $0x6;
	s8 =	smul.u32 $0x13C000, s7;
	_ =	strace $0x80000056  }
0xb: {  	s25 =	ssub.s32 $0x2, s7;
	s30 =	smul.u32 $0x510, s7;
	s9 =	sadd.s32 s11, s5  }
0xc: {  	s12 =	sshrl.u32 s6, $0x3;
	s26 =	sshrl.u32 s25, $0x1;
	s29 =	sshrl.u32 s13, $0x2  }
0xd: {  	s10 =	sadd.s32 s11, s10;
	s13 =	simm.s32 $0x180;
	s6 =	sadd.s32 s6, s8  }
0xe: {  	s12 =	sadd.s32 s12, s5;
	s8 =	ssub.s32 s25, s26;
	s15 =	sadd.s32 s29, s2  }
0xf: {  	s9 =	sadd.s32 s30, s9;
	s10 =	sadd.s32 s30, s10;
	s25 =	simm.s32 $0x5  }
0x10: {  	s26 =	simm.s32 $0x6;
	s6 =	sshrl.u32 s6, $0x3;
	s8 =	smax.u32 s8, $0x1  }
0x11: {  	s9 =	sadd.s32 $0x5A00, s9;
	s11 =	sshrl.u32 s15, $0x3;
	s15 =	simm.s32 $0x300  }
0x12: {  	s14 =	sadd.s32 s6, s5;
	s5 =	sadd.s32 $0xFC00, s12;
	s6 =	sor.u32 $0x1C07, s31  }
0x13: {  	s12 =	simm.s32 $0x7;
	s7 =	sadd.s32 $0x5EC00, s14;
	s14 =	simm.s32 $0x80  }
.LBB2_1:
0x14: {  	[spmem:s11], [sflag:s6] =	dma.local [hbm:s5], $0x2780  }
0x15: {  	_ =	swait.ge [sflag:s12], $0x2780  }
0x16: {  	[sflag:s12] =	ssyncset.done $0x0  }
0x17: {  	p0 =	por $0x1, $0x1;
	[sflag:s12] =	ssyncadd.s32 $0xFFFFD880  }
0x18: {  	s29 =	simm.s32 @!p0 $0x4;
	[bflag:$0x0] =	sbarrier.arrive $0xFFFF  }
0x19: {  	_ =	swait.ge @!p0 [sflag:s29], $0x4000  }
0x1a: {  	[sflag:s29] =	ssyncset.done @!p0 $0x0  }
0x1b: {  	[sflag:s29] =	ssyncadd.s32 @!p0 $0xFFFFC000;
	s29 =	sadd.s32 $0x0, s10  }
0x1c: {  	[tilespmem:s3], [sflag:$0x7] =	stream.linear.gather [hbm4b:s29+s3], $0x80, $0x38;
	[tilespmem:$0x1FF00] =	vst v63  }
0x1d: {  	_ =	swait.ge [sflag:s12], $0x80  }
0x1e: {  	[sflag:s12] =	ssyncset.done $0x0  }
0x1f: {  	s30 =	sadd.s32 $0x0, s9;
	[sflag:s12] =	ssyncadd.s32 $0xFFFFFF80  }
0x20: {  	[tilespmem:s13], [sflag:$0x7] =	stream.linear.gather [hbm4b:s30+s3], $0x80, $0x38;
	[tilespmem:$0x1FF00] =	vst v63  }
0x21: {  	_ =	swait.ge [sflag:s12], $0x80  }
0x22: {  	[sflag:s12] =	ssyncset.done $0x0  }
0x23: {  	s31 =	simm.s32 @!p0 $0x5;
	[sflag:s12] =	ssyncadd.s32 $0xFFFFFF80  }
0x24: {  	[tilespmem:s15], [sflag:$0x1] =	stream.indirect.gather [hbm4b:s4+s14], $0x80, s3, s14, $0xb8;
	[tilespmem:$0x1FF00] =	vst v63  }
0x25: {  	_ =	swait.ge @!p0 [sflag:s31], $0x4000  }
0x26: {  	[sflag:s31] =	ssyncset.done @!p0 $0x0  }
0x27: {  	s0 =	sadd.s32 $0x10, s29;
	[sflag:s31] =	ssyncadd.s32 @!p0 $0xFFFFC000  }
0x28: {  	[tilespmem:s14], [sflag:$0x7] =	stream.linear.gather [hbm4b:s0+s3], $0x80, $0x38;
	[tilespmem:$0x1FF00] =	vst v63  }
0x29: {  	_ =	swait.ge [sflag:s12], $0x80  }
0x2a: {  	[sflag:s12] =	ssyncset.done $0x0  }
0x2b: {  	s1 =	sadd.s32 $0x10, s30;
	[sflag:s12] =	ssyncadd.s32 $0xFFFFFF80  }
0x2c: {  	[tilespmem:s16], [sflag:$0x7] =	stream.linear.gather [hbm4b:s1+s3], $0x80, $0x38;
	[tilespmem:$0x1FF00] =	vst v63  }
0x2d: {  	_ =	swait.ge [sflag:s12], $0x80  }
0x2e: {  	[sflag:s12] =	ssyncset.done $0x0  }
0x2f: {  	s31 =	simm.s32 @!p0 $0x6;
	[sflag:s12] =	ssyncadd.s32 $0xFFFFFF80  }
0x30: {  	[tilespmem:s17], [sflag:$0x2] =	stream.indirect.gather [hbm4b:s4+s14], $0x80, s14, s14, $0xb8;
	[tilespmem:$0x1FF00] =	vst v63  }
0x31: {  	_ =	swait.ge @!p0 [sflag:s31], $0x4000  }
0x32: {  	[sflag:s31] =	ssyncset.done @!p0 $0x0  }
0x33: {  	s29 =	sadd.s32 $0x20, s29;
	[sflag:s31] =	ssyncadd.s32 @!p0 $0xFFFFC000  }
0x34: {  	[tilespmem:s18], [sflag:$0x7] =	stream.linear.gather [hbm4b:s29+s3], $0x80, $0x38;
	[tilespmem:$0x1FF00] =	vst v63  }
0x35: {  	_ =	swait.ge [sflag:s12], $0x80  }
0x36: {  	[sflag:s12] =	ssyncset.done $0x0  }
0x37: {  	s29 =	sadd.s32 $0x20, s30;
	[sflag:s12] =	ssyncadd.s32 $0xFFFFFF80  }
0x38: {  	[tilespmem:s19], [sflag:$0x7] =	stream.linear.gather [hbm4b:s29+s3], $0x80, $0x38;
	[tilespmem:$0x1FF00] =	vst v63  }
0x39: {  	_ =	swait.ge [sflag:s12], $0x80  }
0x3a: {  	[sflag:s12] =	ssyncset.done $0x0  }
0x3b: {  	[sflag:s12] =	ssyncadd.s32 $0xFFFFFF80  }
0x3c: {  	[tilespmem:s20], [sflag:$0x3] =	stream.indirect.gather [hbm4b:s4+s14], $0x80, s18, s14, $0xb8;
	[tilespmem:$0x1FF00] =	vst v63  }
0x3d: {  	_ =	swait.ge [sflag:s21], $0x4000  }
0x3e: {  	[sflag:s21] =	ssyncset.done $0x0  }
0x3f: {  	[sflag:s21] =	ssyncadd.s32 $0xFFFFC000  }
0x40: {  	[spmem:s2] =	stream.indirect.scatter.add.f32 [tilespmem:s15], [sflag:$0x4], $0x80, s13, s14, $0xb8;
	[tilespmem:$0x1FF00] =	vst v63  }
0x41: {  	_ =	swait.ge [sflag:s22], $0x4000  }
0x42: {  	[sflag:s22] =	ssyncset.done $0x0  }
0x43: {  	[sflag:s22] =	ssyncadd.s32 $0xFFFFC000  }
0x44: {  	[spmem:s2] =	stream.indirect.scatter.add.f32 [tilespmem:s17], [sflag:$0x5], $0x80, s16, s14, $0xb8;
	[tilespmem:$0x1FF00] =	vst v63  }
0x45: {  	p0 =	por $0x0, $0x0;
	_ =	swait.ge [sflag:s23], $0x4000  }
0x46: {  	s30 =	simm.s32 $0x60;
	s29 =	simm.s32 $0x30;
	[sflag:s23] =	ssyncset.done $0x0  }
.LBB2_2:
0x47: {  	s31 =	simm.s32 @!p0 $0x4  }
0x48: {  	[sflag:s23] =	ssyncadd.s32 $0xFFFFC000;
	s0 =	smov.u32 s30;
	s30 =	sadd.s32 $0x30, s30  }
0x49: {  	[spmem:s2] =	stream.indirect.scatter.add.f32 [tilespmem:s20], [sflag:$0x6], $0x80, s19, s14, $0xb8;
	[tilespmem:$0x1FF00] =	vst v63  }
0x4a: {  	p1 =	sne.s32 s30, $0x510;
	_ =	swait.ge @!p0 [sflag:s31], $0x4000  }
0x4b: {  	[sflag:s31] =	ssyncset.done @!p0 $0x0  }
0x4c: {  	[sflag:s31] =	ssyncadd.s32 @!p0 $0xFFFFC000;
	s31 =	sadd.s32 s29, s10  }
0x4d: {  	[tilespmem:s3], [sflag:$0x7] =	stream.linear.gather [hbm4b:s31+s3], $0x80, $0x38;
	[tilespmem:$0x1FF00] =	vst v63  }
0x4e: {  	_ =	swait.ge [sflag:s12], $0x80  }
0x4f: {  	[sflag:s12] =	ssyncset.done $0x0  }
0x50: {  	s1 =	sadd.s32 s29, s9;
	s29 =	smov.u32 s0;
	[sflag:s12] =	ssyncadd.s32 $0xFFFFFF80  }
0x51: {  	[tilespmem:s13], [sflag:$0x7] =	stream.linear.gather [hbm4b:s1+s3], $0x80, $0x38;
	[tilespmem:$0x1FF00] =	vst v63  }
0x52: {  	_ =	swait.ge [sflag:s12], $0x80  }
0x53: {  	[sflag:s12] =	ssyncset.done $0x0  }
0x54: {  	s0 =	simm.s32 @!p0 $0x5;
	[sflag:s12] =	ssyncadd.s32 $0xFFFFFF80  }
0x55: {  	[tilespmem:s15], [sflag:$0x1] =	stream.indirect.gather [hbm4b:s4+s14], $0x80, s3, s14, $0xb8;
	[tilespmem:$0x1FF00] =	vst v63  }
0x56: {  	_ =	swait.ge @!p0 [sflag:s0], $0x4000  }
0x57: {  	[sflag:s0] =	ssyncset.done @!p0 $0x0  }
0x58: {  	[sflag:s0] =	ssyncadd.s32 @!p0 $0xFFFFC000;
	s0 =	sadd.s32 $0x10, s31  }
0x59: {  	[tilespmem:s14], [sflag:$0x7] =	stream.linear.gather [hbm4b:s0+s3], $0x80, $0x38;
	[tilespmem:$0x1FF00] =	vst v63  }
0x5a: {  	_ =	swait.ge [sflag:s12], $0x80  }
0x5b: {  	[sflag:s12] =	ssyncset.done $0x0  }
0x5c: {  	s0 =	sadd.s32 $0x10, s1;
	[sflag:s12] =	ssyncadd.s32 $0xFFFFFF80  }
0x5d: {  	[tilespmem:s16], [sflag:$0x7] =	stream.linear.gather [hbm4b:s0+s3], $0x80, $0x38;
	[tilespmem:$0x1FF00] =	vst v63  }
0x5e: {  	_ =	swait.ge [sflag:s12], $0x80  }
0x5f: {  	[sflag:s12] =	ssyncset.done $0x0  }
0x60: {  	s0 =	simm.s32 @!p0 $0x6;
	[sflag:s12] =	ssyncadd.s32 $0xFFFFFF80  }
0x61: {  	[tilespmem:s17], [sflag:$0x2] =	stream.indirect.gather [hbm4b:s4+s14], $0x80, s14, s14, $0xb8;
	[tilespmem:$0x1FF00] =	vst v63  }
0x62: {  	_ =	swait.ge @!p0 [sflag:s0], $0x4000  }
0x63: {  	[sflag:s0] =	ssyncset.done @!p0 $0x0  }
0x64: {  	[sflag:s0] =	ssyncadd.s32 @!p0 $0xFFFFC000;
	s0 =	sadd.s32 $0x20, s31  }
0x65: {  	[tilespmem:s18], [sflag:$0x7] =	stream.linear.gather [hbm4b:s0+s3], $0x80, $0x38;
	[tilespmem:$0x1FF00] =	vst v63  }
0x66: {  	_ =	swait.ge [sflag:s12], $0x80  }
0x67: {  	[sflag:s12] =	ssyncset.done $0x0  }
0x68: {  	s0 =	sadd.s32 $0x20, s1;
	[sflag:s12] =	ssyncadd.s32 $0xFFFFFF80  }
0x69: {  	[tilespmem:s19], [sflag:$0x7] =	stream.linear.gather [hbm4b:s0+s3], $0x80, $0x38;
	[tilespmem:$0x1FF00] =	vst v63  }
0x6a: {  	_ =	swait.ge [sflag:s12], $0x80  }
0x6b: {  	[sflag:s12] =	ssyncset.done $0x0  }
0x6c: {  	[sflag:s12] =	ssyncadd.s32 $0xFFFFFF80  }
0x6d: {  	[tilespmem:s20], [sflag:$0x3] =	stream.indirect.gather [hbm4b:s4+s14], $0x80, s18, s14, $0xb8;
	[tilespmem:$0x1FF00] =	vst v63  }
0x6e: {  	_ =	swait.ge [sflag:s21], $0x4000  }
0x6f: {  	[sflag:s21] =	ssyncset.done $0x0  }
0x70: {  	[sflag:s21] =	ssyncadd.s32 $0xFFFFC000  }
0x71: {  	[spmem:s2] =	stream.indirect.scatter.add.f32 [tilespmem:s15], [sflag:$0x4], $0x80, s13, s14, $0xb8;
	[tilespmem:$0x1FF00] =	vst v63  }
0x72: {  	_ =	swait.ge [sflag:s22], $0x4000  }
.Ltmp0:
0x73: {  	[sflag:s22] =	ssyncset.done $0x0;
	(pc) =	sbr.rel @p1 .LBB2_2-.Ltmp0, $4  }
0x74: {  	[sflag:s22] =	ssyncadd.s32 $0xFFFFC000  }
0x75: {  	[spmem:s2] =	stream.indirect.scatter.add.f32 [tilespmem:s17], [sflag:$0x5], $0x80, s16, s14, $0xb8;
	[tilespmem:$0x1FF00] =	vst v63  }
0x76: {  	_ =	swait.ge [sflag:s23], $0x4000  }
0x77: {  	p0 =	seq.s32 s29, $0x0;
	[sflag:s23] =	ssyncset.done $0x0  }
0x78: {  	s0 =	simm.s32 @!p0 $0x4;
	[sflag:s23] =	ssyncadd.s32 $0xFFFFC000  }
0x79: {  	[spmem:s2] =	stream.indirect.scatter.add.f32 [tilespmem:s20], [sflag:$0x6], $0x80, s19, s14, $0xb8;
	[tilespmem:$0x1FF00] =	vst v63  }
0x7a: {  	_ =	swait.ge @!p0 [sflag:s0], $0x4000  }
0x7b: {  	[sflag:s0] =	ssyncset.done @!p0 $0x0  }
0x7c: {  	[sflag:s0] =	ssyncadd.s32 @!p0 $0xFFFFC000;
	s0 =	sadd.s32 s29, s10  }
0x7d: {  	[tilespmem:s3], [sflag:$0x7] =	stream.linear.gather [hbm4b:s0+s3], $0x80, $0x38;
	[tilespmem:$0x1FF00] =	vst v63  }
0x7e: {  	_ =	swait.ge [sflag:s12], $0x80  }
0x7f: {  	[sflag:s12] =	ssyncset.done $0x0  }
0x80: {  	s1 =	sadd.s32 s29, s9;
	[sflag:s12] =	ssyncadd.s32 $0xFFFFFF80  }
0x81: {  	[tilespmem:s13], [sflag:$0x7] =	stream.linear.gather [hbm4b:s1+s3], $0x80, $0x38;
	[tilespmem:$0x1FF00] =	vst v63  }
0x82: {  	_ =	swait.ge [sflag:s12], $0x80  }
0x83: {  	[sflag:s12] =	ssyncset.done $0x0  }
0x84: {  	s29 =	simm.s32 @!p0 $0x5;
	[sflag:s12] =	ssyncadd.s32 $0xFFFFFF80  }
0x85: {  	[tilespmem:s15], [sflag:$0x1] =	stream.indirect.gather [hbm4b:s4+s14], $0x80, s3, s14, $0xb8;
	[tilespmem:$0x1FF00] =	vst v63  }
0x86: {  	_ =	swait.ge @!p0 [sflag:s29], $0x4000  }
0x87: {  	[sflag:s29] =	ssyncset.done @!p0 $0x0  }
0x88: {  	s31 =	sadd.s32 $0x10, s0;
	[sflag:s29] =	ssyncadd.s32 @!p0 $0xFFFFC000  }
0x89: {  	[tilespmem:s14], [sflag:$0x7] =	stream.linear.gather [hbm4b:s31+s3], $0x80, $0x38;
	[tilespmem:$0x1FF00] =	vst v63  }
0x8a: {  	_ =	swait.ge [sflag:s12], $0x80  }
0x8b: {  	[sflag:s12] =	ssyncset.done $0x0  }
0x8c: {  	s30 =	sadd.s32 $0x10, s1;
	[sflag:s12] =	ssyncadd.s32 $0xFFFFFF80  }
0x8d: {  	[tilespmem:s16], [sflag:$0x7] =	stream.linear.gather [hbm4b:s30+s3], $0x80, $0x38;
	[tilespmem:$0x1FF00] =	vst v63  }
0x8e: {  	_ =	swait.ge [sflag:s12], $0x80  }
0x8f: {  	[sflag:s12] =	ssyncset.done $0x0  }
0x90: {  	s29 =	simm.s32 @!p0 $0x6;
	[sflag:s12] =	ssyncadd.s32 $0xFFFFFF80  }
0x91: {  	[tilespmem:s17], [sflag:$0x2] =	stream.indirect.gather [hbm4b:s4+s14], $0x80, s14, s14, $0xb8;
	[tilespmem:$0x1FF00] =	vst v63  }
0x92: {  	_ =	swait.ge @!p0 [sflag:s29], $0x4000  }
0x93: {  	[sflag:s29] =	ssyncset.done @!p0 $0x0  }
0x94: {  	s0 =	sadd.s32 $0x20, s0;
	[sflag:s29] =	ssyncadd.s32 @!p0 $0xFFFFC000  }
0x95: {  	[tilespmem:s18], [sflag:$0x7] =	stream.linear.gather [hbm4b:s0+s3], $0x80, $0x38;
	[tilespmem:$0x1FF00] =	vst v63  }
0x96: {  	_ =	swait.ge [sflag:s12], $0x80  }
0x97: {  	[sflag:s12] =	ssyncset.done $0x0  }
0x98: {  	s31 =	sadd.s32 $0x20, s1;
	[sflag:s12] =	ssyncadd.s32 $0xFFFFFF80  }
0x99: {  	[tilespmem:s19], [sflag:$0x7] =	stream.linear.gather [hbm4b:s31+s3], $0x80, $0x38;
	[tilespmem:$0x1FF00] =	vst v63  }
0x9a: {  	_ =	swait.ge [sflag:s12], $0x80  }
0x9b: {  	[sflag:s12] =	ssyncset.done $0x0  }
0x9c: {  	[sflag:s12] =	ssyncadd.s32 $0xFFFFFF80  }
0x9d: {  	[tilespmem:s20], [sflag:$0x3] =	stream.indirect.gather [hbm4b:s4+s14], $0x80, s18, s14, $0xb8;
	[tilespmem:$0x1FF00] =	vst v63  }
0x9e: {  	_ =	swait.ge [sflag:s21], $0x4000  }
0x9f: {  	[sflag:s21] =	ssyncset.done $0x0  }
0xa0: {  	[sflag:s21] =	ssyncadd.s32 $0xFFFFC000  }
0xa1: {  	[spmem:s2] =	stream.indirect.scatter.add.f32 [tilespmem:s15], [sflag:$0x4], $0x80, s13, s14, $0xb8;
	[tilespmem:$0x1FF00] =	vst v63  }
0xa2: {  	_ =	swait.ge [sflag:s22], $0x4000  }
0xa3: {  	[sflag:s22] =	ssyncset.done $0x0  }
0xa4: {  	[sflag:s22] =	ssyncadd.s32 $0xFFFFC000  }
0xa5: {  	[spmem:s2] =	stream.indirect.scatter.add.f32 [tilespmem:s17], [sflag:$0x5], $0x80, s16, s14, $0xb8;
	[tilespmem:$0x1FF00] =	vst v63  }
0xa6: {  	_ =	swait.ge [sflag:s23], $0x4000  }
0xa7: {  	[sflag:s23] =	ssyncset.done $0x0  }
0xa8: {  	[sflag:s23] =	ssyncadd.s32 $0xFFFFC000  }
0xa9: {  	[spmem:s2] =	stream.indirect.scatter.add.f32 [tilespmem:s20], [sflag:$0x6], $0x80, s19, s14, $0xb8;
	[tilespmem:$0x1FF00] =	vst v63  }
0xaa: {  	_ =	swait.ge [sflag:s24], $0x4000  }
0xab: {  	[sflag:s24] =	ssyncset.done $0x0  }
0xac: {  	[sflag:s24] =	ssyncadd.s32 $0xFFFFC000  }
0xad: {  	_ =	swait.ge [sflag:s25], $0x4000  }
0xae: {  	[sflag:s25] =	ssyncset.done $0x0  }
0xaf: {  	[sflag:s25] =	ssyncadd.s32 $0xFFFFC000  }
0xb0: {  	_ =	swait.ge [sflag:s26], $0x4000  }
0xb1: {  	s28 =	sadd.s32 $0x1, s28;
	[sflag:s26] =	ssyncset.done $0x0  }
0xb2: {  	p0 =	sne.s32 s28, s8;
	[sflag:s26] =	ssyncadd.s32 $0xFFFFC000  }
.Ltmp1:
0xb3: {  	[bflag:$0x0] =	sbarrier.arrive $0xFFFF;
	(pc) =	sbr.rel @p0 .LBB2_1-.Ltmp1, $4  }
0xb4: {  	[hbm:s7], [sflag:s6] =	dma.local [spmem:s11], $0x2780  }
0xb5: {  	_ =	swait.ge [sflag:s12], $0x2780  }
0xb6: {  	[sflag:s12] =	ssyncset.done $0x0  }
0xb7: {  	[sflag:s12] =	ssyncadd.s32 $0xFFFFD880  }
0xb8: {  	_ =	sfence.sel $0x180000  }
0xb9: {  	[bflag:$0x0] =	sbarrier.arrive $0xFFFF  }
0xba: {  	_ =	strace $0x90000056  }
0xbb: {  	s0 =	stileid.u32;
	[bflag:$0x2] =	sbarrier.arrive $0xFFFF  }
0xbc: {  	p0 =	sne.s32 s0, $0x0;
	s0 =	rddreg [dreg:$0x3]  }
0xbd: {  	s0 =	sadd.s32 @!p0 $0x100000, s0  }
0xbe: {  	[sflag:s0] =	ssyncadd.tile.s32 @!p0 $0x1;
	_ =	shalt  }
.Lfunc_end2:
_tile_overlayer_lowered:
.L_overlay_start_2:
0xbf: {  	(tag) =	ssettag $0x2  }
0xc0: {  	s0 =	rddreg [dreg:$0x0];
	s2 =	stileid.u32  }
0xc1: {  	s1 =	rddreg [dreg:$0x1];
	p0 =	sne.s32 s2, $0x0  }
0xc2: {  	s3 =	rddreg [dreg:$0x2];
	[bflag:$0x3] =	sbarrier.arrive $0xFFFF;
	s2 =	simm.s32 @!p0 $0x1C07  }
0xc3: {  	[timem:s3], [sflag:s2] =	dma.local @!p0 [hbm:s0], s1  }
0xc4: {  	s0 =	simm.s32 @!p0 $0x7  }
0xc5: {  	_ =	swait.ge @!p0 [sflag:s0], s1  }
0xc6: {  	s1 =	ssub.s32 @!p0 $0x0, s1;
	[sflag:s0] =	ssyncset.done @!p0 $0x0  }
0xc7: {  	[sflag:s0] =	ssyncadd.s32 @!p0 s1  }
0xc8: {  	[bflag:$0x3] =	sbarrier.arrive $0xFFFF  }
0xc9: {  	_ =	shalt  }

// kernel: kernel.35.cloned.1.call-start
scs
__scs_entry_jumppad:
0x0: {  	(pc) =	sbr.rel $0x88, $3  }
0x1: {  	(tag) =	ssettag $0x0;
	lr =	simm.s32 $0x1  }
0x2: {  	[smem:$0x3F9C] =	sst lr;
	_ =	strace $0xD0000000  }
0x3: {  	_ = 	snop  }
0x4: {  	_ = 	snop  }
0x5: {  	_ = 	snop  }
0x6: {  	_ = 	snop  }
0x7: {  	_ = 	snop  }
__scs_overlays_trampoline_lowered:
0x8: {  	[smem:$0x3FAB] =	sst s0  }
0x9: {  	[smem:$0x3FAC] =	sst s1  }
0xa: {  	[smem:$0x3FAD] =	sst s2  }
0xb: {  	[smem:$0x3FAE] =	sst s3  }
0xc: {  	[smem:$0x3FAF] =	sst s4  }
0xd: {  	[smem:$0x3FB0] =	sst s5  }
0xe: {  	[smem:$0x3FB1] =	sst s6  }
0xf: {  	[smem:$0x3FB2] =	sst s7  }
0x10: {  	[smem:$0x3FB3] =	sst s8  }
0x11: {  	[smem:$0x3FB4] =	sst s9;
	s0 =	simm.s32 @!p0 $0x0  }
0x12: {  	s1 =	sld [smem:$0x3F9A];
	s0 =	simm.s32 @p0 $0x1  }
0x13: {  	[smem:$0x3FB5] =	sst s0;
	s0 =	simm.s32 @!p1 $0x0  }
0x14: {  	s2 =	sld [smem:$0x3F99];
	s0 =	simm.s32 @p1 $0x1  }
0x15: {  	[smem:$0x3FB6] =	sst s0;
	s0 =	simm.s32 @!p2 $0x0  }
0x16: {  	s3 =	sld [smem:$0x3FDB];
	s0 =	simm.s32 @p2 $0x1  }
0x17: {  	s4 =	simm.s32 $0x1BF5;
	[smem:$0x3FB8] =	sst s0  }
0x18: {  	s0 =	sld [smem:$0x3F9B];
	_ =	swait.ge [sflag:s4], $0x0  }
0x19: {  	s7 =	sld [smem:$0x3F9C]  }
0x1a: {  	s8 =	sadd.s32 $0xFFFFE003, lr  }
0x1b: {  	s9 =	sadd.s32 $0xFFFFFEF7, lr;
	s5 =	simm.s32 $0xFFFFFFFF;
	p2 =	slt.u32 s8, $0xFFFFF086  }
0x1c: {  	p1 =	slt.u32 s9, $0xF7A;
	s5 =	simm.s32 @!p2 $0x0  }
0x1d: {  	s5 =	simm.s32 @p1 $0x1;
	p0 =	seq.s32 s7, s2  }
0x1e: {  	s7 =	smul.u32 @!p0 $0xF7A, s2;
	p2 =	seq.s32 @!p0 s5, $0x0  }
0x1f: {  	s9 =	smul.u32 $0xF7A, s1;
	s8 =	simm.s32 @!p0 $0x1BF5;
	p2 =	por !p2, p0  }
0x20: {  	[sflag:s8] =	ssyncset.s32 @!p0 $0xFFFFF086;
	s6 =	sadd.s32 @!p0 s3, s7;
	s7 =	simm.s32 @!p0 $0x108  }
0x21: {  	s3 =	sadd.s32 s3, s9;
	s6 =	sadd.s32 @!p0 $0x88, s6;
	s7 =	simm.s32 @p2 $0x1082  }
0x22: {  	[simem:s7], [sflag:s8] =	dma.local @!p0 [hbm:s6], $0xF7A  }
0x23: {  	s9 =	sor.u32 $0xD0000000, s2;
	s6 =	simm.s32 $0x108;
	_ =	swait.ge @!p0 [sflag:s8], $0x0  }
0x24: {  	s3 =	sadd.s32 $0x88, s3;
	s6 =	simm.s32 @!p1 $0x1082;
	[sflag:s4] =	ssyncset.s32 $0xFFFFF086  }
0x25: {  	[simem:s6], [sflag:s4] =	dma.local [hbm:s3], $0xF7A  }
0x26: {  	[smem:$0x3F9C] =	sst s1;
	(tag) =	ssettag s2;
	_ =	strace s9  }
0x27: {  	s1 =	sld [smem:$0x3FAC]  }
0x28: {  	s2 =	sld [smem:$0x3FAD]  }
0x29: {  	s4 =	sld [smem:$0x3FAF]  }
0x2a: {  	p0 =	seq.s32 s5, $0x0;
	s5 =	sld [smem:$0x3FB0]  }
0x2b: {  	s6 =	sld [smem:$0x3FB1]  }
0x2c: {  	s7 =	sld [smem:$0x3FB2]  }
0x2d: {  	s3 =	simm.s32 $0x108;
	s8 =	sld [smem:$0x3FB3]  }
0x2e: {  	s3 =	simm.s32 @!p0 $0x1082;
	s9 =	sld [smem:$0x3FB4]  }
0x2f: {  	lr =	sadd.s32 s0, s3;
	s0 =	sld [smem:$0x3FAB]  }
0x30: {  	s3 =	sld [smem:$0x3FAE]  }
0x31: {  	[smem:$0x3FB7] =	sst s10  }
0x32: {  	s10 =	sld [smem:$0x3FB5];
	_ =	sdelay $0x3  }
0x33: {  	p0 =	seq.s32 s10, $0x1;
	s10 =	sld [smem:$0x3FB7];
	_ =	sdelay $0x3  }
0x34: {  	[smem:$0x3FB7] =	sst s10  }
0x35: {  	s10 =	sld [smem:$0x3FB6];
	_ =	sdelay $0x3  }
0x36: {  	p1 =	seq.s32 s10, $0x1;
	s10 =	sld [smem:$0x3FB7];
	_ =	sdelay $0x3  }
0x37: {  	[smem:$0x3FB7] =	sst s10  }
0x38: {  	s10 =	sld [smem:$0x3FB8]  }
0x39: {  	_ = 	snop;
	(pc) =	sbr.ind lr, $3  }
0x3a: {  	_ = 	snop  }
0x3b: {  	_ = 	snop  }
0x3c: {  	p2 =	seq.s32 s10, $0x1;
	s10 =	sld [smem:$0x3FB7]  }
0x3d: {  	_ =	shalt  }
0x3e: {  	_ =	shalt  }
0x3f: {  	_ =	shalt  }
0x40: {  	_ =	shalt  }
0x41: {  	_ =	shalt  }
0x42: {  	_ =	shalt  }
0x43: {  	_ =	shalt  }
0x44: {  	_ =	shalt  }
0x45: {  	_ =	shalt  }
0x46: {  	_ =	shalt  }
0x47: {  	_ =	shalt  }
0x48: {  	_ =	shalt  }
0x49: {  	_ =	shalt  }
0x4a: {  	_ =	shalt  }
0x4b: {  	_ =	shalt  }
0x4c: {  	_ =	shalt  }
0x4d: {  	_ =	shalt  }
0x4e: {  	_ =	shalt  }
0x4f: {  	_ =	shalt  }
0x50: {  	_ =	shalt  }
0x51: {  	_ =	shalt  }
0x52: {  	_ =	shalt  }
0x53: {  	_ =	shalt  }
0x54: {  	_ =	shalt  }
0x55: {  	_ =	shalt  }
0x56: {  	_ =	shalt  }
0x57: {  	_ =	shalt  }
0x58: {  	_ =	shalt  }
0x59: {  	_ =	shalt  }
0x5a: {  	_ =	shalt  }
0x5b: {  	_ =	shalt  }
0x5c: {  	_ =	shalt  }
0x5d: {  	_ =	shalt  }
0x5e: {  	_ =	shalt  }
0x5f: {  	_ =	shalt  }
0x60: {  	_ =	shalt  }
0x61: {  	_ =	shalt  }
0x62: {  	_ =	shalt  }
0x63: {  	_ =	shalt  }
0x64: {  	_ =	shalt  }
0x65: {  	_ =	shalt  }
0x66: {  	_ =	shalt  }
0x67: {  	_ =	shalt  }
0x68: {  	_ =	shalt  }
0x69: {  	_ =	shalt  }
0x6a: {  	_ =	shalt  }
0x6b: {  	_ =	shalt  }
0x6c: {  	_ =	shalt  }
0x6d: {  	_ =	shalt  }
0x6e: {  	_ =	shalt  }
0x6f: {  	_ =	shalt  }
0x70: {  	_ =	shalt  }
0x71: {  	_ =	shalt  }
0x72: {  	_ =	shalt  }
0x73: {  	_ =	shalt  }
0x74: {  	_ =	shalt  }
0x75: {  	_ =	shalt  }
0x76: {  	_ =	shalt  }
0x77: {  	_ =	shalt  }
0x78: {  	_ =	shalt  }
0x79: {  	_ =	shalt  }
0x7a: {  	_ =	shalt  }
0x7b: {  	_ =	shalt  }
0x7c: {  	_ =	shalt  }
0x7d: {  	_ =	shalt  }
0x7e: {  	_ =	shalt  }
0x7f: {  	_ =	shalt  }
0x80: {  	_ =	shalt  }
0x81: {  	_ =	shalt  }
0x82: {  	_ =	shalt  }
0x83: {  	_ =	shalt  }
0x84: {  	_ =	shalt  }
0x85: {  	_ =	shalt  }
0x86: {  	_ =	shalt  }
0x87: {  	_ =	shalt  }
.Lfunc_end0:
.L_simem_size_0:
called_computation.6_lowered:
.L_overlay_start_0:
0x88: {  	s2 =	sld [smem:$0x3FD9]  }
0x89: {  	s3 =	sld [smem:$0x3FFE];
	_ =	sdelay $0x1  }
0x8a: {  	s1 =	srdreg.scid  }
0x8b: {  	s0 =	sand.u32 $0x1, s1  }
0x8c: {  	s17 =	sshll.u32 s0, $0xA;
	s2 =	sadd.s32 s3, s2  }
0x8d: {  	s2 =	sadd.s32 s2, s17  }
0x8e: {  	[smem:$0x3FC3] =	sst s2  }
0x8f: {  	_ = 	snop  }
0x90: {  	s2 =	sld [smem:$0x3FD0];
	(tm) =	ssettm $0x1  }
0x91: {  	s18 =	sld [smem:$0x3FFB];
	_ =	sdelay $0x3  }
0x92: {  	_ =	strace s18  }
0x93: {  	s3 =	sld [smem:$0x3FFC];
	_ =	sdelay $0x3  }
0x94: {  	_ =	strace s3  }
0x95: {  	s3 =	sld [smem:$0x3FFD];
	_ =	sdelay $0x3  }
0x96: {  	_ =	strace s3  }
0x97: {  	_ =	strace $0x8FFFFFFF  }
0x98: {  	s19 =	sld [smem:$0x3FDB];
	_ =	sdelay $0x1  }
0x99: {  	s4 =	simm.s32 $_scs_section_size  }
0x9a: {  	s5 =	simm.s32 $_size__tile_overlayer_lowered;
	s6 =	simm.s32 $_tile_overlayer_lowered  }
0x9b: {  	s22 =	simm.s32 $0x1BFF;
	s21 =	sshll.u32 s6, $0x1;
	s3 =	sadd.s32 s4, s19  }
0x9c: {  	s7 =	simm.s32 $0x0;
	s20 =	sshll.u32 s5, $0x1;
	s5 =	sadd.s32 s21, s3  }
0x9d: {  	[timem:s7], [sflag:s22] =	dma.local [hbm:s5], s20  }
0x9e: {  	_ =	swait.ge [sflag:s22], s20  }
0x9f: {  	s4 =	ssub.s32 $0x0, s20;
	[sflag:s22] =	ssyncset.done $0x0  }
0xa0: {  	[sflag:s22] =	ssyncadd.s32 s4;
	_ =	sdelay $0x1  }
0xa1: {  	s23 =	simm.s32 $0x1B8B  }
0xa2: {  	_ =	swait.ge [sflag:s23], $0x1  }
0xa3: {  	[sflag:s23] =	ssyncset.done $0x0  }
0xa4: {  	s25 =	simm.s32 $0x1B8E;
	s24 =	sld [smem:$0x3FFE];
	[sflag:s23] =	ssyncadd.s32 $0xFFFFFFFF  }
0xa5: {  	s26 =	simm.s32 $execute0_lowered;
	[smem:$0x3FD2] =	sst s25  }
0xa6: {  	s5 =	sshll.u32 s26, $0x1;
	_ =	strace $0x80000058;
	[dreg:$0x1] =	wrdreg $0xFFFFFFFF  }
0xa7: {  	s28 =	simm.s32 $_size_execute0_lowered;
	s3 =	sadd.s32 s3, s5;
	[dreg:$0x0] =	wrdreg $0x0  }
0xa8: {  	s5 =	sshll.u32 s28, $0x1;
	[dreg:$0x2] =	wrdreg s3  }
0xa9: {  	[dreg:$0x3] =	wrdreg s5  }
0xaa: {  	[dreg:$0x4] =	wrdreg $0xC0  }
0xab: {  	_ =	task [dreg:s7], $0x5FFFF  }
0xac: {  	[dreg:$0x1] =	wrdreg $0xFFFFFFFF  }
0xad: {  	[dreg:$0x0] =	wrdreg $0x60  }
0xae: {  	[dreg:$0x2] =	wrdreg s24  }
0xaf: {  	[dreg:$0x3] =	wrdreg s2  }
0xb0: {  	[dreg:$0x4] =	wrdreg $0xC3000  }
0xb1: {  	[dreg:$0x5] =	wrdreg $0x9  }
0xb2: {  	_ =	task.clear_ibuf [dreg:s7], $0x6FFFF;
	_ =	strace $0x90000058  }
0xb3: {  	s29 =	simm.s32 $0x9;
	_ =	strace $0x8000005A  }
0xb4: {  	_ =	swait.ge [sflag:s29], $0x1  }
0xb5: {  	[sflag:s29] =	ssyncadd.s32 $0xFFFFFFFF  }
0xb6: {  	_ =	strace $0x9000005A  }
0xb7: {  	_ =	sfence  }
0xb8: {  	s30 =	sld [smem:$0x0];
	_ =	sdelay $0x2  }
0xb9: {  	s31 =	sshll.u32 s1, $0xD;
	s1 =	sshrl.u32 s1, $0x2  }
0xba: {  	s3 =	sand.u32 $0x4000, s31;
	s1 =	sadd.s32 s1, s30  }
0xbb: {  	s0 =	sor.u32 s3, s0;
	s1 =	sshll.u32 s1, $0x11  }
0xbc: {  	s0 =	sor.u32 s1, s0  }
0xbd: {  	s0 =	sadd.s32 $0x8F2B, s0  }
0xbe: {  	[sflag:s0] =	ssyncadd.remote.s32 $0x1  }
0xbf: {  	_ =	sfence.sel $0xFFFF  }
0xc0: {  	[dreg:$0x0] =	wrdreg $0xFFFFFFFF;
	(pc) =	sbr.abs _section_cstart, $3  }
0xc1: {  	[dreg:$0x1] =	wrdreg $0xFFFFFFFF  }
0xc2: {  	_ =	task.clear_ibuf [dreg:s7], $0x2FFFF;
	_ =	strace $0x9FFFFFFF  }
0xc3: {  	(tm) =	ssettm $0x7FFFFFFF  }
tec
execute0_lowered:
.L_overlay_start_1:
0x0: {  	(tag) =	ssettag $0x1  }
0x1: {  	s5 =	rddreg [dreg:$0x0]  }
0x2: {  	s10 =	rddreg [dreg:$0x1]  }
0x3: {  	s2 =	rddreg [dreg:$0x2];
	s0 =	stileid.u32  }
0x4: {  	s4 =	srdreg.scid;
	s3 =	simm.s32 $0x0;
	s16 =	simm.s32 $0x200  }
0x5: {  	s17 =	simm.s32 $0x4300;
	s18 =	simm.s32 $0x100;
	s19 =	simm.s32 $0x280  }
0x6: {  	s20 =	simm.s32 $0x8300;
	s21 =	simm.s32 $0x1;
	s22 =	simm.s32 $0x2  }
0x7: {  	s23 =	simm.s32 $0x3;
	s24 =	simm.s32 $0x4;
	s11 =	smul.u32 $0xA20, s0  }
0x8: {  	s28 =	simm.s32 $0x0;
	s6 =	smul.u32 $0x13C00, s0;
	s7 =	sand.u32 $0x1, s4  }
0x9: {  	[smem:$0x7FF] =	sst s3;
	s4 =	sadd.s32 $0x37400, s5;
	s13 =	smul.u32 $0x4F000, s0  }
0xa: {  	s31 =	sshll.u32 s0, $0x6;
	s8 =	smul.u32 $0x13C000, s7;
	_ =	strace $0x80000059  }
0xb: {  	s25 =	ssub.s32 $0x2, s7;
	s30 =	smul.u32 $0x510, s7;
	s9 =	sadd.s32 s11, s5  }
0xc: {  	s12 =	sshrl.u32 s6, $0x3;
	s26 =	sshrl.u32 s25, $0x1;
	s29 =	sshrl.u32 s13, $0x2  }
0xd: {  	s10 =	sadd.s32 s11, s10;
	s13 =	simm.s32 $0x180;
	s6 =	sadd.s32 s6, s8  }
0xe: {  	s12 =	sadd.s32 s12, s5;
	s8 =	ssub.s32 s25, s26;
	s15 =	sadd.s32 s29, s2  }
0xf: {  	s9 =	sadd.s32 s30, s9;
	s10 =	sadd.s32 s30, s10;
	s25 =	simm.s32 $0x5  }
0x10: {  	s26 =	simm.s32 $0x6;
	s6 =	sshrl.u32 s6, $0x3;
	s8 =	smax.u32 s8, $0x1  }
0x11: {  	s9 =	sadd.s32 $0x5A00, s9;
	s11 =	sshrl.u32 s15, $0x3;
	s15 =	simm.s32 $0x300  }
0x12: {  	s14 =	sadd.s32 s6, s5;
	s5 =	sadd.s32 $0xFC00, s12;
	s6 =	sor.u32 $0x1C07, s31  }
0x13: {  	s12 =	simm.s32 $0x7;
	s7 =	sadd.s32 $0x5EC00, s14;
	s14 =	simm.s32 $0x80  }
.LBB2_1:
0x14: {  	[spmem:s11], [sflag:s6] =	dma.local [hbm:s5], $0x2780  }
0x15: {  	_ =	swait.ge [sflag:s12], $0x2780  }
0x16: {  	[sflag:s12] =	ssyncset.done $0x0  }
0x17: {  	p0 =	por $0x1, $0x1;
	[sflag:s12] =	ssyncadd.s32 $0xFFFFD880  }
0x18: {  	s29 =	simm.s32 @!p0 $0x4;
	[bflag:$0x0] =	sbarrier.arrive $0xFFFF  }
0x19: {  	_ =	swait.ge @!p0 [sflag:s29], $0x4000  }
0x1a: {  	[sflag:s29] =	ssyncset.done @!p0 $0x0  }
0x1b: {  	[sflag:s29] =	ssyncadd.s32 @!p0 $0xFFFFC000;
	s29 =	sadd.s32 $0x0, s10  }
0x1c: {  	[tilespmem:s3], [sflag:$0x7] =	stream.linear.gather [hbm4b:s29+s3], $0x80, $0x38;
	[tilespmem:$0x1FF00] =	vst v63  }
0x1d: {  	_ =	swait.ge [sflag:s12], $0x80  }
0x1e: {  	[sflag:s12] =	ssyncset.done $0x0  }
0x1f: {  	s30 =	sadd.s32 $0x0, s9;
	[sflag:s12] =	ssyncadd.s32 $0xFFFFFF80  }
0x20: {  	[tilespmem:s13], [sflag:$0x7] =	stream.linear.gather [hbm4b:s30+s3], $0x80, $0x38;
	[tilespmem:$0x1FF00] =	vst v63  }
0x21: {  	_ =	swait.ge [sflag:s12], $0x80  }
0x22: {  	[sflag:s12] =	ssyncset.done $0x0  }
0x23: {  	s31 =	simm.s32 @!p0 $0x5;
	[sflag:s12] =	ssyncadd.s32 $0xFFFFFF80  }
0x24: {  	[tilespmem:s15], [sflag:$0x1] =	stream.indirect.gather [hbm4b:s4+s14], $0x80, s3, s14, $0xb8;
	[tilespmem:$0x1FF00] =	vst v63  }
0x25: {  	_ =	swait.ge @!p0 [sflag:s31], $0x4000  }
0x26: {  	[sflag:s31] =	ssyncset.done @!p0 $0x0  }
0x27: {  	s0 =	sadd.s32 $0x10, s29;
	[sflag:s31] =	ssyncadd.s32 @!p0 $0xFFFFC000  }
0x28: {  	[tilespmem:s14], [sflag:$0x7] =	stream.linear.gather [hbm4b:s0+s3], $0x80, $0x38;
	[tilespmem:$0x1FF00] =	vst v63  }
0x29: {  	_ =	swait.ge [sflag:s12], $0x80  }
0x2a: {  	[sflag:s12] =	ssyncset.done $0x0  }
0x2b: {  	s1 =	sadd.s32 $0x10, s30;
	[sflag:s12] =	ssyncadd.s32 $0xFFFFFF80  }
0x2c: {  	[tilespmem:s16], [sflag:$0x7] =	stream.linear.gather [hbm4b:s1+s3], $0x80, $0x38;
	[tilespmem:$0x1FF00] =	vst v63  }
0x2d: {  	_ =	swait.ge [sflag:s12], $0x80  }
0x2e: {  	[sflag:s12] =	ssyncset.done $0x0  }
0x2f: {  	s31 =	simm.s32 @!p0 $0x6;
	[sflag:s12] =	ssyncadd.s32 $0xFFFFFF80  }
0x30: {  	[tilespmem:s17], [sflag:$0x2] =	stream.indirect.gather [hbm4b:s4+s14], $0x80, s14, s14, $0xb8;
	[tilespmem:$0x1FF00] =	vst v63  }
0x31: {  	_ =	swait.ge @!p0 [sflag:s31], $0x4000  }
0x32: {  	[sflag:s31] =	ssyncset.done @!p0 $0x0  }
0x33: {  	s29 =	sadd.s32 $0x20, s29;
	[sflag:s31] =	ssyncadd.s32 @!p0 $0xFFFFC000  }
0x34: {  	[tilespmem:s18], [sflag:$0x7] =	stream.linear.gather [hbm4b:s29+s3], $0x80, $0x38;
	[tilespmem:$0x1FF00] =	vst v63  }
0x35: {  	_ =	swait.ge [sflag:s12], $0x80  }
0x36: {  	[sflag:s12] =	ssyncset.done $0x0  }
0x37: {  	s29 =	sadd.s32 $0x20, s30;
	[sflag:s12] =	ssyncadd.s32 $0xFFFFFF80  }
0x38: {  	[tilespmem:s19], [sflag:$0x7] =	stream.linear.gather [hbm4b:s29+s3], $0x80, $0x38;
	[tilespmem:$0x1FF00] =	vst v63  }
0x39: {  	_ =	swait.ge [sflag:s12], $0x80  }
0x3a: {  	[sflag:s12] =	ssyncset.done $0x0  }
0x3b: {  	[sflag:s12] =	ssyncadd.s32 $0xFFFFFF80  }
0x3c: {  	[tilespmem:s20], [sflag:$0x3] =	stream.indirect.gather [hbm4b:s4+s14], $0x80, s18, s14, $0xb8;
	[tilespmem:$0x1FF00] =	vst v63  }
0x3d: {  	_ =	swait.ge [sflag:s21], $0x4000  }
0x3e: {  	[sflag:s21] =	ssyncset.done $0x0  }
0x3f: {  	[sflag:s21] =	ssyncadd.s32 $0xFFFFC000  }
0x40: {  	[spmem:s2] =	stream.indirect.scatter.add.f32 [tilespmem:s15], [sflag:$0x4], $0x80, s13, s14, $0xb8;
	[tilespmem:$0x1FF00] =	vst v63  }
0x41: {  	_ =	swait.ge [sflag:s22], $0x4000  }
0x42: {  	[sflag:s22] =	ssyncset.done $0x0  }
0x43: {  	[sflag:s22] =	ssyncadd.s32 $0xFFFFC000  }
0x44: {  	[spmem:s2] =	stream.indirect.scatter.add.f32 [tilespmem:s17], [sflag:$0x5], $0x80, s16, s14, $0xb8;
	[tilespmem:$0x1FF00] =	vst v63  }
0x45: {  	p0 =	por $0x0, $0x0;
	_ =	swait.ge [sflag:s23], $0x4000  }
0x46: {  	s30 =	simm.s32 $0x60;
	s29 =	simm.s32 $0x30;
	[sflag:s23] =	ssyncset.done $0x0  }
.LBB2_2:
0x47: {  	s31 =	simm.s32 @!p0 $0x4  }
0x48: {  	[sflag:s23] =	ssyncadd.s32 $0xFFFFC000;
	s0 =	smov.u32 s30;
	s30 =	sadd.s32 $0x30, s30  }
0x49: {  	[spmem:s2] =	stream.indirect.scatter.add.f32 [tilespmem:s20], [sflag:$0x6], $0x80, s19, s14, $0xb8;
	[tilespmem:$0x1FF00] =	vst v63  }
0x4a: {  	p1 =	sne.s32 s30, $0x510;
	_ =	swait.ge @!p0 [sflag:s31], $0x4000  }
0x4b: {  	[sflag:s31] =	ssyncset.done @!p0 $0x0  }
0x4c: {  	[sflag:s31] =	ssyncadd.s32 @!p0 $0xFFFFC000;
	s31 =	sadd.s32 s29, s10  }
0x4d: {  	[tilespmem:s3], [sflag:$0x7] =	stream.linear.gather [hbm4b:s31+s3], $0x80, $0x38;
	[tilespmem:$0x1FF00] =	vst v63  }
0x4e: {  	_ =	swait.ge [sflag:s12], $0x80  }
0x4f: {  	[sflag:s12] =	ssyncset.done $0x0  }
0x50: {  	s1 =	sadd.s32 s29, s9;
	s29 =	smov.u32 s0;
	[sflag:s12] =	ssyncadd.s32 $0xFFFFFF80  }
0x51: {  	[tilespmem:s13], [sflag:$0x7] =	stream.linear.gather [hbm4b:s1+s3], $0x80, $0x38;
	[tilespmem:$0x1FF00] =	vst v63  }
0x52: {  	_ =	swait.ge [sflag:s12], $0x80  }
0x53: {  	[sflag:s12] =	ssyncset.done $0x0  }
0x54: {  	s0 =	simm.s32 @!p0 $0x5;
	[sflag:s12] =	ssyncadd.s32 $0xFFFFFF80  }
0x55: {  	[tilespmem:s15], [sflag:$0x1] =	stream.indirect.gather [hbm4b:s4+s14], $0x80, s3, s14, $0xb8;
	[tilespmem:$0x1FF00] =	vst v63  }
0x56: {  	_ =	swait.ge @!p0 [sflag:s0], $0x4000  }
0x57: {  	[sflag:s0] =	ssyncset.done @!p0 $0x0  }
0x58: {  	[sflag:s0] =	ssyncadd.s32 @!p0 $0xFFFFC000;
	s0 =	sadd.s32 $0x10, s31  }
0x59: {  	[tilespmem:s14], [sflag:$0x7] =	stream.linear.gather [hbm4b:s0+s3], $0x80, $0x38;
	[tilespmem:$0x1FF00] =	vst v63  }
0x5a: {  	_ =	swait.ge [sflag:s12], $0x80  }
0x5b: {  	[sflag:s12] =	ssyncset.done $0x0  }
0x5c: {  	s0 =	sadd.s32 $0x10, s1;
	[sflag:s12] =	ssyncadd.s32 $0xFFFFFF80  }
0x5d: {  	[tilespmem:s16], [sflag:$0x7] =	stream.linear.gather [hbm4b:s0+s3], $0x80, $0x38;
	[tilespmem:$0x1FF00] =	vst v63  }
0x5e: {  	_ =	swait.ge [sflag:s12], $0x80  }
0x5f: {  	[sflag:s12] =	ssyncset.done $0x0  }
0x60: {  	s0 =	simm.s32 @!p0 $0x6;
	[sflag:s12] =	ssyncadd.s32 $0xFFFFFF80  }
0x61: {  	[tilespmem:s17], [sflag:$0x2] =	stream.indirect.gather [hbm4b:s4+s14], $0x80, s14, s14, $0xb8;
	[tilespmem:$0x1FF00] =	vst v63  }
0x62: {  	_ =	swait.ge @!p0 [sflag:s0], $0x4000  }
0x63: {  	[sflag:s0] =	ssyncset.done @!p0 $0x0  }
0x64: {  	[sflag:s0] =	ssyncadd.s32 @!p0 $0xFFFFC000;
	s0 =	sadd.s32 $0x20, s31  }
0x65: {  	[tilespmem:s18], [sflag:$0x7] =	stream.linear.gather [hbm4b:s0+s3], $0x80, $0x38;
	[tilespmem:$0x1FF00] =	vst v63  }
0x66: {  	_ =	swait.ge [sflag:s12], $0x80  }
0x67: {  	[sflag:s12] =	ssyncset.done $0x0  }
0x68: {  	s0 =	sadd.s32 $0x20, s1;
	[sflag:s12] =	ssyncadd.s32 $0xFFFFFF80  }
0x69: {  	[tilespmem:s19], [sflag:$0x7] =	stream.linear.gather [hbm4b:s0+s3], $0x80, $0x38;
	[tilespmem:$0x1FF00] =	vst v63  }
0x6a: {  	_ =	swait.ge [sflag:s12], $0x80  }
0x6b: {  	[sflag:s12] =	ssyncset.done $0x0  }
0x6c: {  	[sflag:s12] =	ssyncadd.s32 $0xFFFFFF80  }
0x6d: {  	[tilespmem:s20], [sflag:$0x3] =	stream.indirect.gather [hbm4b:s4+s14], $0x80, s18, s14, $0xb8;
	[tilespmem:$0x1FF00] =	vst v63  }
0x6e: {  	_ =	swait.ge [sflag:s21], $0x4000  }
0x6f: {  	[sflag:s21] =	ssyncset.done $0x0  }
0x70: {  	[sflag:s21] =	ssyncadd.s32 $0xFFFFC000  }
0x71: {  	[spmem:s2] =	stream.indirect.scatter.add.f32 [tilespmem:s15], [sflag:$0x4], $0x80, s13, s14, $0xb8;
	[tilespmem:$0x1FF00] =	vst v63  }
0x72: {  	_ =	swait.ge [sflag:s22], $0x4000  }
.Ltmp0:
0x73: {  	[sflag:s22] =	ssyncset.done $0x0;
	(pc) =	sbr.rel @p1 .LBB2_2-.Ltmp0, $4  }
0x74: {  	[sflag:s22] =	ssyncadd.s32 $0xFFFFC000  }
0x75: {  	[spmem:s2] =	stream.indirect.scatter.add.f32 [tilespmem:s17], [sflag:$0x5], $0x80, s16, s14, $0xb8;
	[tilespmem:$0x1FF00] =	vst v63  }
0x76: {  	_ =	swait.ge [sflag:s23], $0x4000  }
0x77: {  	p0 =	seq.s32 s29, $0x0;
	[sflag:s23] =	ssyncset.done $0x0  }
0x78: {  	s0 =	simm.s32 @!p0 $0x4;
	[sflag:s23] =	ssyncadd.s32 $0xFFFFC000  }
0x79: {  	[spmem:s2] =	stream.indirect.scatter.add.f32 [tilespmem:s20], [sflag:$0x6], $0x80, s19, s14, $0xb8;
	[tilespmem:$0x1FF00] =	vst v63  }
0x7a: {  	_ =	swait.ge @!p0 [sflag:s0], $0x4000  }
0x7b: {  	[sflag:s0] =	ssyncset.done @!p0 $0x0  }
0x7c: {  	[sflag:s0] =	ssyncadd.s32 @!p0 $0xFFFFC000;
	s0 =	sadd.s32 s29, s10  }
0x7d: {  	[tilespmem:s3], [sflag:$0x7] =	stream.linear.gather [hbm4b:s0+s3], $0x80, $0x38;
	[tilespmem:$0x1FF00] =	vst v63  }
0x7e: {  	_ =	swait.ge [sflag:s12], $0x80  }
0x7f: {  	[sflag:s12] =	ssyncset.done $0x0  }
0x80: {  	s1 =	sadd.s32 s29, s9;
	[sflag:s12] =	ssyncadd.s32 $0xFFFFFF80  }
0x81: {  	[tilespmem:s13], [sflag:$0x7] =	stream.linear.gather [hbm4b:s1+s3], $0x80, $0x38;
	[tilespmem:$0x1FF00] =	vst v63  }
0x82: {  	_ =	swait.ge [sflag:s12], $0x80  }
0x83: {  	[sflag:s12] =	ssyncset.done $0x0  }
0x84: {  	s29 =	simm.s32 @!p0 $0x5;
	[sflag:s12] =	ssyncadd.s32 $0xFFFFFF80  }
0x85: {  	[tilespmem:s15], [sflag:$0x1] =	stream.indirect.gather [hbm4b:s4+s14], $0x80, s3, s14, $0xb8;
	[tilespmem:$0x1FF00] =	vst v63  }
0x86: {  	_ =	swait.ge @!p0 [sflag:s29], $0x4000  }
0x87: {  	[sflag:s29] =	ssyncset.done @!p0 $0x0  }
0x88: {  	s31 =	sadd.s32 $0x10, s0;
	[sflag:s29] =	ssyncadd.s32 @!p0 $0xFFFFC000  }
0x89: {  	[tilespmem:s14], [sflag:$0x7] =	stream.linear.gather [hbm4b:s31+s3], $0x80, $0x38;
	[tilespmem:$0x1FF00] =	vst v63  }
0x8a: {  	_ =	swait.ge [sflag:s12], $0x80  }
0x8b: {  	[sflag:s12] =	ssyncset.done $0x0  }
0x8c: {  	s30 =	sadd.s32 $0x10, s1;
	[sflag:s12] =	ssyncadd.s32 $0xFFFFFF80  }
0x8d: {  	[tilespmem:s16], [sflag:$0x7] =	stream.linear.gather [hbm4b:s30+s3], $0x80, $0x38;
	[tilespmem:$0x1FF00] =	vst v63  }
0x8e: {  	_ =	swait.ge [sflag:s12], $0x80  }
0x8f: {  	[sflag:s12] =	ssyncset.done $0x0  }
0x90: {  	s29 =	simm.s32 @!p0 $0x6;
	[sflag:s12] =	ssyncadd.s32 $0xFFFFFF80  }
0x91: {  	[tilespmem:s17], [sflag:$0x2] =	stream.indirect.gather [hbm4b:s4+s14], $0x80, s14, s14, $0xb8;
	[tilespmem:$0x1FF00] =	vst v63  }
0x92: {  	_ =	swait.ge @!p0 [sflag:s29], $0x4000  }
0x93: {  	[sflag:s29] =	ssyncset.done @!p0 $0x0  }
0x94: {  	s0 =	sadd.s32 $0x20, s0;
	[sflag:s29] =	ssyncadd.s32 @!p0 $0xFFFFC000  }
0x95: {  	[tilespmem:s18], [sflag:$0x7] =	stream.linear.gather [hbm4b:s0+s3], $0x80, $0x38;
	[tilespmem:$0x1FF00] =	vst v63  }
0x96: {  	_ =	swait.ge [sflag:s12], $0x80  }
0x97: {  	[sflag:s12] =	ssyncset.done $0x0  }
0x98: {  	s31 =	sadd.s32 $0x20, s1;
	[sflag:s12] =	ssyncadd.s32 $0xFFFFFF80  }
0x99: {  	[tilespmem:s19], [sflag:$0x7] =	stream.linear.gather [hbm4b:s31+s3], $0x80, $0x38;
	[tilespmem:$0x1FF00] =	vst v63  }
0x9a: {  	_ =	swait.ge [sflag:s12], $0x80  }
0x9b: {  	[sflag:s12] =	ssyncset.done $0x0  }
0x9c: {  	[sflag:s12] =	ssyncadd.s32 $0xFFFFFF80  }
0x9d: {  	[tilespmem:s20], [sflag:$0x3] =	stream.indirect.gather [hbm4b:s4+s14], $0x80, s18, s14, $0xb8;
	[tilespmem:$0x1FF00] =	vst v63  }
0x9e: {  	_ =	swait.ge [sflag:s21], $0x4000  }
0x9f: {  	[sflag:s21] =	ssyncset.done $0x0  }
0xa0: {  	[sflag:s21] =	ssyncadd.s32 $0xFFFFC000  }
0xa1: {  	[spmem:s2] =	stream.indirect.scatter.add.f32 [tilespmem:s15], [sflag:$0x4], $0x80, s13, s14, $0xb8;
	[tilespmem:$0x1FF00] =	vst v63  }
0xa2: {  	_ =	swait.ge [sflag:s22], $0x4000  }
0xa3: {  	[sflag:s22] =	ssyncset.done $0x0  }
0xa4: {  	[sflag:s22] =	ssyncadd.s32 $0xFFFFC000  }
0xa5: {  	[spmem:s2] =	stream.indirect.scatter.add.f32 [tilespmem:s17], [sflag:$0x5], $0x80, s16, s14, $0xb8;
	[tilespmem:$0x1FF00] =	vst v63  }
0xa6: {  	_ =	swait.ge [sflag:s23], $0x4000  }
0xa7: {  	[sflag:s23] =	ssyncset.done $0x0  }
0xa8: {  	[sflag:s23] =	ssyncadd.s32 $0xFFFFC000  }
0xa9: {  	[spmem:s2] =	stream.indirect.scatter.add.f32 [tilespmem:s20], [sflag:$0x6], $0x80, s19, s14, $0xb8;
	[tilespmem:$0x1FF00] =	vst v63  }
0xaa: {  	_ =	swait.ge [sflag:s24], $0x4000  }
0xab: {  	[sflag:s24] =	ssyncset.done $0x0  }
0xac: {  	[sflag:s24] =	ssyncadd.s32 $0xFFFFC000  }
0xad: {  	_ =	swait.ge [sflag:s25], $0x4000  }
0xae: {  	[sflag:s25] =	ssyncset.done $0x0  }
0xaf: {  	[sflag:s25] =	ssyncadd.s32 $0xFFFFC000  }
0xb0: {  	_ =	swait.ge [sflag:s26], $0x4000  }
0xb1: {  	s28 =	sadd.s32 $0x1, s28;
	[sflag:s26] =	ssyncset.done $0x0  }
0xb2: {  	p0 =	sne.s32 s28, s8;
	[sflag:s26] =	ssyncadd.s32 $0xFFFFC000  }
.Ltmp1:
0xb3: {  	[bflag:$0x0] =	sbarrier.arrive $0xFFFF;
	(pc) =	sbr.rel @p0 .LBB2_1-.Ltmp1, $4  }
0xb4: {  	[hbm:s7], [sflag:s6] =	dma.local [spmem:s11], $0x2780  }
0xb5: {  	_ =	swait.ge [sflag:s12], $0x2780  }
0xb6: {  	[sflag:s12] =	ssyncset.done $0x0  }
0xb7: {  	[sflag:s12] =	ssyncadd.s32 $0xFFFFD880  }
0xb8: {  	_ =	sfence.sel $0x180000  }
0xb9: {  	[bflag:$0x0] =	sbarrier.arrive $0xFFFF  }
0xba: {  	_ =	strace $0x90000059  }
0xbb: {  	s0 =	stileid.u32;
	[bflag:$0x2] =	sbarrier.arrive $0xFFFF  }
0xbc: {  	p0 =	sne.s32 s0, $0x0;
	s0 =	rddreg [dreg:$0x3]  }
0xbd: {  	s0 =	sadd.s32 @!p0 $0x100000, s0  }
0xbe: {  	[sflag:s0] =	ssyncadd.tile.s32 @!p0 $0x1;
	_ =	shalt  }
.Lfunc_end2:
_tile_overlayer_lowered:
.L_overlay_start_2:
0xbf: {  	(tag) =	ssettag $0x2  }
0xc0: {  	s0 =	rddreg [dreg:$0x0];
	s2 =	stileid.u32  }
0xc1: {  	s1 =	rddreg [dreg:$0x1];
	p0 =	sne.s32 s2, $0x0  }
0xc2: {  	s3 =	rddreg [dreg:$0x2];
	[bflag:$0x3] =	sbarrier.arrive $0xFFFF;
	s2 =	simm.s32 @!p0 $0x1C07  }
0xc3: {  	[timem:s3], [sflag:s2] =	dma.local @!p0 [hbm:s0], s1  }
0xc4: {  	s0 =	simm.s32 @!p0 $0x7  }
0xc5: {  	_ =	swait.ge @!p0 [sflag:s0], s1  }
0xc6: {  	s1 =	ssub.s32 @!p0 $0x0, s1;
	[sflag:s0] =	ssyncset.done @!p0 $0x0  }
0xc7: {  	[sflag:s0] =	ssyncadd.s32 @!p0 s1  }
0xc8: {  	[bflag:$0x3] =	sbarrier.arrive $0xFFFF  }
0xc9: {  	_ =	shalt  }

// kernel: kernel.38.cloned.1.call-start
scs
__scs_entry_jumppad:
0x0: {  	(pc) =	sbr.rel $0x88, $3  }
0x1: {  	(tag) =	ssettag $0x0;
	lr =	simm.s32 $0x1  }
0x2: {  	[smem:$0x3F9C] =	sst lr;
	_ =	strace $0xD0000000  }
0x3: {  	_ = 	snop  }
0x4: {  	_ = 	snop  }
0x5: {  	_ = 	snop  }
0x6: {  	_ = 	snop  }
0x7: {  	_ = 	snop  }
__scs_overlays_trampoline_lowered:
0x8: {  	[smem:$0x3FAB] =	sst s0  }
0x9: {  	[smem:$0x3FAC] =	sst s1  }
0xa: {  	[smem:$0x3FAD] =	sst s2  }
0xb: {  	[smem:$0x3FAE] =	sst s3  }
0xc: {  	[smem:$0x3FAF] =	sst s4  }
0xd: {  	[smem:$0x3FB0] =	sst s5  }
0xe: {  	[smem:$0x3FB1] =	sst s6  }
0xf: {  	[smem:$0x3FB2] =	sst s7  }
0x10: {  	[smem:$0x3FB3] =	sst s8  }
0x11: {  	[smem:$0x3FB4] =	sst s9;
	s0 =	simm.s32 @!p0 $0x0  }
0x12: {  	s1 =	sld [smem:$0x3F9A];
	s0 =	simm.s32 @p0 $0x1  }
0x13: {  	[smem:$0x3FB5] =	sst s0;
	s0 =	simm.s32 @!p1 $0x0  }
0x14: {  	s2 =	sld [smem:$0x3F99];
	s0 =	simm.s32 @p1 $0x1  }
0x15: {  	[smem:$0x3FB6] =	sst s0;
	s0 =	simm.s32 @!p2 $0x0  }
0x16: {  	s3 =	sld [smem:$0x3FDB];
	s0 =	simm.s32 @p2 $0x1  }
0x17: {  	s4 =	simm.s32 $0x1BF5;
	[smem:$0x3FB8] =	sst s0  }
0x18: {  	s0 =	sld [smem:$0x3F9B];
	_ =	swait.ge [sflag:s4], $0x0  }
0x19: {  	s7 =	sld [smem:$0x3F9C]  }
0x1a: {  	s8 =	sadd.s32 $0xFFFFE003, lr  }
0x1b: {  	s9 =	sadd.s32 $0xFFFFFEF7, lr;
	s5 =	simm.s32 $0xFFFFFFFF;
	p2 =	slt.u32 s8, $0xFFFFF086  }
0x1c: {  	p1 =	slt.u32 s9, $0xF7A;
	s5 =	simm.s32 @!p2 $0x0  }
0x1d: {  	s5 =	simm.s32 @p1 $0x1;
	p0 =	seq.s32 s7, s2  }
0x1e: {  	s7 =	smul.u32 @!p0 $0xF7A, s2;
	p2 =	seq.s32 @!p0 s5, $0x0  }
0x1f: {  	s9 =	smul.u32 $0xF7A, s1;
	s8 =	simm.s32 @!p0 $0x1BF5;
	p2 =	por !p2, p0  }
0x20: {  	[sflag:s8] =	ssyncset.s32 @!p0 $0xFFFFF086;
	s6 =	sadd.s32 @!p0 s3, s7;
	s7 =	simm.s32 @!p0 $0x108  }
0x21: {  	s3 =	sadd.s32 s3, s9;
	s6 =	sadd.s32 @!p0 $0x88, s6;
	s7 =	simm.s32 @p2 $0x1082  }
0x22: {  	[simem:s7], [sflag:s8] =	dma.local @!p0 [hbm:s6], $0xF7A  }
0x23: {  	s9 =	sor.u32 $0xD0000000, s2;
	s6 =	simm.s32 $0x108;
	_ =	swait.ge @!p0 [sflag:s8], $0x0  }
0x24: {  	s3 =	sadd.s32 $0x88, s3;
	s6 =	simm.s32 @!p1 $0x1082;
	[sflag:s4] =	ssyncset.s32 $0xFFFFF086  }
0x25: {  	[simem:s6], [sflag:s4] =	dma.local [hbm:s3], $0xF7A  }
0x26: {  	[smem:$0x3F9C] =	sst s1;
	(tag) =	ssettag s2;
	_ =	strace s9  }
0x27: {  	s1 =	sld [smem:$0x3FAC]  }
0x28: {  	s2 =	sld [smem:$0x3FAD]  }
0x29: {  	s4 =	sld [smem:$0x3FAF]  }
0x2a: {  	p0 =	seq.s32 s5, $0x0;
	s5 =	sld [smem:$0x3FB0]  }
0x2b: {  	s6 =	sld [smem:$0x3FB1]  }
0x2c: {  	s7 =	sld [smem:$0x3FB2]  }
0x2d: {  	s3 =	simm.s32 $0x108;
	s8 =	sld [smem:$0x3FB3]  }
0x2e: {  	s3 =	simm.s32 @!p0 $0x1082;
	s9 =	sld [smem:$0x3FB4]  }
0x2f: {  	lr =	sadd.s32 s0, s3;
	s0 =	sld [smem:$0x3FAB]  }
0x30: {  	s3 =	sld [smem:$0x3FAE]  }
0x31: {  	[smem:$0x3FB7] =	sst s10  }
0x32: {  	s10 =	sld [smem:$0x3FB5];
	_ =	sdelay $0x3  }
0x33: {  	p0 =	seq.s32 s10, $0x1;
	s10 =	sld [smem:$0x3FB7];
	_ =	sdelay $0x3  }
0x34: {  	[smem:$0x3FB7] =	sst s10  }
0x35: {  	s10 =	sld [smem:$0x3FB6];
	_ =	sdelay $0x3  }
0x36: {  	p1 =	seq.s32 s10, $0x1;
	s10 =	sld [smem:$0x3FB7];
	_ =	sdelay $0x3  }
0x37: {  	[smem:$0x3FB7] =	sst s10  }
0x38: {  	s10 =	sld [smem:$0x3FB8]  }
0x39: {  	_ = 	snop;
	(pc) =	sbr.ind lr, $3  }
0x3a: {  	_ = 	snop  }
0x3b: {  	_ = 	snop  }
0x3c: {  	p2 =	seq.s32 s10, $0x1;
	s10 =	sld [smem:$0x3FB7]  }
0x3d: {  	_ =	shalt  }
0x3e: {  	_ =	shalt  }
0x3f: {  	_ =	shalt  }
0x40: {  	_ =	shalt  }
0x41: {  	_ =	shalt  }
0x42: {  	_ =	shalt  }
0x43: {  	_ =	shalt  }
0x44: {  	_ =	shalt  }
0x45: {  	_ =	shalt  }
0x46: {  	_ =	shalt  }
0x47: {  	_ =	shalt  }
0x48: {  	_ =	shalt  }
0x49: {  	_ =	shalt  }
0x4a: {  	_ =	shalt  }
0x4b: {  	_ =	shalt  }
0x4c: {  	_ =	shalt  }
0x4d: {  	_ =	shalt  }
0x4e: {  	_ =	shalt  }
0x4f: {  	_ =	shalt  }
0x50: {  	_ =	shalt  }
0x51: {  	_ =	shalt  }
0x52: {  	_ =	shalt  }
0x53: {  	_ =	shalt  }
0x54: {  	_ =	shalt  }
0x55: {  	_ =	shalt  }
0x56: {  	_ =	shalt  }
0x57: {  	_ =	shalt  }
0x58: {  	_ =	shalt  }
0x59: {  	_ =	shalt  }
0x5a: {  	_ =	shalt  }
0x5b: {  	_ =	shalt  }
0x5c: {  	_ =	shalt  }
0x5d: {  	_ =	shalt  }
0x5e: {  	_ =	shalt  }
0x5f: {  	_ =	shalt  }
0x60: {  	_ =	shalt  }
0x61: {  	_ =	shalt  }
0x62: {  	_ =	shalt  }
0x63: {  	_ =	shalt  }
0x64: {  	_ =	shalt  }
0x65: {  	_ =	shalt  }
0x66: {  	_ =	shalt  }
0x67: {  	_ =	shalt  }
0x68: {  	_ =	shalt  }
0x69: {  	_ =	shalt  }
0x6a: {  	_ =	shalt  }
0x6b: {  	_ =	shalt  }
0x6c: {  	_ =	shalt  }
0x6d: {  	_ =	shalt  }
0x6e: {  	_ =	shalt  }
0x6f: {  	_ =	shalt  }
0x70: {  	_ =	shalt  }
0x71: {  	_ =	shalt  }
0x72: {  	_ =	shalt  }
0x73: {  	_ =	shalt  }
0x74: {  	_ =	shalt  }
0x75: {  	_ =	shalt  }
0x76: {  	_ =	shalt  }
0x77: {  	_ =	shalt  }
0x78: {  	_ =	shalt  }
0x79: {  	_ =	shalt  }
0x7a: {  	_ =	shalt  }
0x7b: {  	_ =	shalt  }
0x7c: {  	_ =	shalt  }
0x7d: {  	_ =	shalt  }
0x7e: {  	_ =	shalt  }
0x7f: {  	_ =	shalt  }
0x80: {  	_ =	shalt  }
0x81: {  	_ =	shalt  }
0x82: {  	_ =	shalt  }
0x83: {  	_ =	shalt  }
0x84: {  	_ =	shalt  }
0x85: {  	_ =	shalt  }
0x86: {  	_ =	shalt  }
0x87: {  	_ =	shalt  }
.Lfunc_end0:
.L_simem_size_0:
called_computation.7_lowered:
.L_overlay_start_0:
0x88: {  	s2 =	sld [smem:$0x3FD9]  }
0x89: {  	s3 =	sld [smem:$0x3FFE];
	_ =	sdelay $0x1  }
0x8a: {  	s1 =	srdreg.scid  }
0x8b: {  	s0 =	sand.u32 $0x1, s1  }
0x8c: {  	s17 =	sshll.u32 s0, $0xA;
	s2 =	sadd.s32 s3, s2  }
0x8d: {  	s2 =	sadd.s32 s2, s17  }
0x8e: {  	[smem:$0x3FC3] =	sst s2  }
0x8f: {  	_ = 	snop  }
0x90: {  	s2 =	sld [smem:$0x3FD0];
	(tm) =	ssettm $0x1  }
0x91: {  	s18 =	sld [smem:$0x3FFB];
	_ =	sdelay $0x3  }
0x92: {  	_ =	strace s18  }
0x93: {  	s3 =	sld [smem:$0x3FFC];
	_ =	sdelay $0x3  }
0x94: {  	_ =	strace s3  }
0x95: {  	s3 =	sld [smem:$0x3FFD];
	_ =	sdelay $0x3  }
0x96: {  	_ =	strace s3  }
0x97: {  	_ =	strace $0x8FFFFFFF  }
0x98: {  	s19 =	sld [smem:$0x3FDB];
	_ =	sdelay $0x1  }
0x99: {  	s4 =	simm.s32 $_scs_section_size  }
0x9a: {  	s5 =	simm.s32 $_size__tile_overlayer_lowered;
	s6 =	simm.s32 $_tile_overlayer_lowered  }
0x9b: {  	s22 =	simm.s32 $0x1BFF;
	s21 =	sshll.u32 s6, $0x1;
	s3 =	sadd.s32 s4, s19  }
0x9c: {  	s7 =	simm.s32 $0x0;
	s20 =	sshll.u32 s5, $0x1;
	s5 =	sadd.s32 s21, s3  }
0x9d: {  	[timem:s7], [sflag:s22] =	dma.local [hbm:s5], s20  }
0x9e: {  	_ =	swait.ge [sflag:s22], s20  }
0x9f: {  	s4 =	ssub.s32 $0x0, s20;
	[sflag:s22] =	ssyncset.done $0x0  }
0xa0: {  	[sflag:s22] =	ssyncadd.s32 s4;
	_ =	sdelay $0x1  }
0xa1: {  	s23 =	simm.s32 $0x1B8B  }
0xa2: {  	_ =	swait.ge [sflag:s23], $0x1  }
0xa3: {  	[sflag:s23] =	ssyncset.done $0x0  }
0xa4: {  	s25 =	simm.s32 $0x1B8E;
	s24 =	sld [smem:$0x3FFE];
	[sflag:s23] =	ssyncadd.s32 $0xFFFFFFFF  }
0xa5: {  	s26 =	simm.s32 $execute0_lowered;
	[smem:$0x3FD2] =	sst s25  }
0xa6: {  	s5 =	sshll.u32 s26, $0x1;
	_ =	strace $0x8000005B;
	[dreg:$0x1] =	wrdreg $0xFFFFFFFF  }
0xa7: {  	s28 =	simm.s32 $_size_execute0_lowered;
	s3 =	sadd.s32 s3, s5;
	[dreg:$0x0] =	wrdreg $0x0  }
0xa8: {  	s5 =	sshll.u32 s28, $0x1;
	[dreg:$0x2] =	wrdreg s3  }
0xa9: {  	[dreg:$0x3] =	wrdreg s5  }
0xaa: {  	[dreg:$0x4] =	wrdreg $0xC0  }
0xab: {  	_ =	task [dreg:s7], $0x5FFFF  }
0xac: {  	[dreg:$0x1] =	wrdreg $0xFFFFFFFF  }
0xad: {  	[dreg:$0x0] =	wrdreg $0x60  }
0xae: {  	[dreg:$0x2] =	wrdreg s24  }
0xaf: {  	[dreg:$0x3] =	wrdreg s2  }
0xb0: {  	[dreg:$0x4] =	wrdreg $0xC3000  }
0xb1: {  	[dreg:$0x5] =	wrdreg $0x9  }
0xb2: {  	_ =	task.clear_ibuf [dreg:s7], $0x6FFFF;
	_ =	strace $0x9000005B  }
0xb3: {  	s29 =	simm.s32 $0x9;
	_ =	strace $0x8000005D  }
0xb4: {  	_ =	swait.ge [sflag:s29], $0x1  }
0xb5: {  	[sflag:s29] =	ssyncadd.s32 $0xFFFFFFFF  }
0xb6: {  	_ =	strace $0x9000005D  }
0xb7: {  	_ =	sfence  }
0xb8: {  	s30 =	sld [smem:$0x0];
	_ =	sdelay $0x2  }
0xb9: {  	s31 =	sshll.u32 s1, $0xD;
	s1 =	sshrl.u32 s1, $0x2  }
0xba: {  	s3 =	sand.u32 $0x4000, s31;
	s1 =	sadd.s32 s1, s30  }
0xbb: {  	s0 =	sor.u32 s3, s0;
	s1 =	sshll.u32 s1, $0x11  }
0xbc: {  	s0 =	sor.u32 s1, s0  }
0xbd: {  	s0 =	sadd.s32 $0x8F2B, s0  }
0xbe: {  	[sflag:s0] =	ssyncadd.remote.s32 $0x1  }
0xbf: {  	_ =	sfence.sel $0xFFFF  }
0xc0: {  	[dreg:$0x0] =	wrdreg $0xFFFFFFFF;
	(pc) =	sbr.abs _section_cstart, $3  }
0xc1: {  	[dreg:$0x1] =	wrdreg $0xFFFFFFFF  }
0xc2: {  	_ =	task.clear_ibuf [dreg:s7], $0x2FFFF;
	_ =	strace $0x9FFFFFFF  }
0xc3: {  	(tm) =	ssettm $0x7FFFFFFF  }
tec
execute0_lowered:
.L_overlay_start_1:
0x0: {  	(tag) =	ssettag $0x1  }
0x1: {  	s5 =	rddreg [dreg:$0x0]  }
0x2: {  	s10 =	rddreg [dreg:$0x1]  }
0x3: {  	s2 =	rddreg [dreg:$0x2];
	s0 =	stileid.u32  }
0x4: {  	s4 =	srdreg.scid;
	s3 =	simm.s32 $0x0;
	s16 =	simm.s32 $0x200  }
0x5: {  	s17 =	simm.s32 $0x4300;
	s18 =	simm.s32 $0x100;
	s19 =	simm.s32 $0x280  }
0x6: {  	s20 =	simm.s32 $0x8300;
	s21 =	simm.s32 $0x1;
	s22 =	simm.s32 $0x2  }
0x7: {  	s23 =	simm.s32 $0x3;
	s24 =	simm.s32 $0x4;
	s11 =	smul.u32 $0xA20, s0  }
0x8: {  	s28 =	simm.s32 $0x0;
	s6 =	smul.u32 $0x13C00, s0;
	s7 =	sand.u32 $0x1, s4  }
0x9: {  	[smem:$0x7FF] =	sst s3;
	s4 =	sadd.s32 $0x37400, s5;
	s13 =	smul.u32 $0x4F000, s0  }
0xa: {  	s31 =	sshll.u32 s0, $0x6;
	s8 =	smul.u32 $0x13C000, s7;
	_ =	strace $0x8000005C  }
0xb: {  	s25 =	ssub.s32 $0x2, s7;
	s30 =	smul.u32 $0x510, s7;
	s9 =	sadd.s32 s11, s5  }
0xc: {  	s12 =	sshrl.u32 s6, $0x3;
	s26 =	sshrl.u32 s25, $0x1;
	s29 =	sshrl.u32 s13, $0x2  }
0xd: {  	s10 =	sadd.s32 s11, s10;
	s13 =	simm.s32 $0x180;
	s6 =	sadd.s32 s6, s8  }
0xe: {  	s12 =	sadd.s32 s12, s5;
	s8 =	ssub.s32 s25, s26;
	s15 =	sadd.s32 s29, s2  }
0xf: {  	s9 =	sadd.s32 s30, s9;
	s10 =	sadd.s32 s30, s10;
	s25 =	simm.s32 $0x5  }
0x10: {  	s26 =	simm.s32 $0x6;
	s6 =	sshrl.u32 s6, $0x3;
	s8 =	smax.u32 s8, $0x1  }
0x11: {  	s9 =	sadd.s32 $0x5A00, s9;
	s11 =	sshrl.u32 s15, $0x3;
	s15 =	simm.s32 $0x300  }
0x12: {  	s14 =	sadd.s32 s6, s5;
	s5 =	sadd.s32 $0xFC00, s12;
	s6 =	sor.u32 $0x1C07, s31  }
0x13: {  	s12 =	simm.s32 $0x7;
	s7 =	sadd.s32 $0x5EC00, s14;
	s14 =	simm.s32 $0x80  }
.LBB2_1:
0x14: {  	[spmem:s11], [sflag:s6] =	dma.local [hbm:s5], $0x2780  }
0x15: {  	_ =	swait.ge [sflag:s12], $0x2780  }
0x16: {  	[sflag:s12] =	ssyncset.done $0x0  }
0x17: {  	p0 =	por $0x1, $0x1;
	[sflag:s12] =	ssyncadd.s32 $0xFFFFD880  }
0x18: {  	s29 =	simm.s32 @!p0 $0x4;
	[bflag:$0x0] =	sbarrier.arrive $0xFFFF  }
0x19: {  	_ =	swait.ge @!p0 [sflag:s29], $0x4000  }
0x1a: {  	[sflag:s29] =	ssyncset.done @!p0 $0x0  }
0x1b: {  	[sflag:s29] =	ssyncadd.s32 @!p0 $0xFFFFC000;
	s29 =	sadd.s32 $0x0, s10  }
0x1c: {  	[tilespmem:s3], [sflag:$0x7] =	stream.linear.gather [hbm4b:s29+s3], $0x80, $0x38;
	[tilespmem:$0x1FF00] =	vst v63  }
0x1d: {  	_ =	swait.ge [sflag:s12], $0x80  }
0x1e: {  	[sflag:s12] =	ssyncset.done $0x0  }
0x1f: {  	s30 =	sadd.s32 $0x0, s9;
	[sflag:s12] =	ssyncadd.s32 $0xFFFFFF80  }
0x20: {  	[tilespmem:s13], [sflag:$0x7] =	stream.linear.gather [hbm4b:s30+s3], $0x80, $0x38;
	[tilespmem:$0x1FF00] =	vst v63  }
0x21: {  	_ =	swait.ge [sflag:s12], $0x80  }
0x22: {  	[sflag:s12] =	ssyncset.done $0x0  }
0x23: {  	s31 =	simm.s32 @!p0 $0x5;
	[sflag:s12] =	ssyncadd.s32 $0xFFFFFF80  }
0x24: {  	[tilespmem:s15], [sflag:$0x1] =	stream.indirect.gather [hbm4b:s4+s14], $0x80, s3, s14, $0xb8;
	[tilespmem:$0x1FF00] =	vst v63  }
0x25: {  	_ =	swait.ge @!p0 [sflag:s31], $0x4000  }
0x26: {  	[sflag:s31] =	ssyncset.done @!p0 $0x0  }
0x27: {  	s0 =	sadd.s32 $0x10, s29;
	[sflag:s31] =	ssyncadd.s32 @!p0 $0xFFFFC000  }
0x28: {  	[tilespmem:s14], [sflag:$0x7] =	stream.linear.gather [hbm4b:s0+s3], $0x80, $0x38;
	[tilespmem:$0x1FF00] =	vst v63  }
0x29: {  	_ =	swait.ge [sflag:s12], $0x80  }
0x2a: {  	[sflag:s12] =	ssyncset.done $0x0  }
0x2b: {  	s1 =	sadd.s32 $0x10, s30;
	[sflag:s12] =	ssyncadd.s32 $0xFFFFFF80  }
0x2c: {  	[tilespmem:s16], [sflag:$0x7] =	stream.linear.gather [hbm4b:s1+s3], $0x80, $0x38;
	[tilespmem:$0x1FF00] =	vst v63  }
0x2d: {  	_ =	swait.ge [sflag:s12], $0x80  }
0x2e: {  	[sflag:s12] =	ssyncset.done $0x0  }
0x2f: {  	s31 =	simm.s32 @!p0 $0x6;
	[sflag:s12] =	ssyncadd.s32 $0xFFFFFF80  }
0x30: {  	[tilespmem:s17], [sflag:$0x2] =	stream.indirect.gather [hbm4b:s4+s14], $0x80, s14, s14, $0xb8;
	[tilespmem:$0x1FF00] =	vst v63  }
0x31: {  	_ =	swait.ge @!p0 [sflag:s31], $0x4000  }
0x32: {  	[sflag:s31] =	ssyncset.done @!p0 $0x0  }
0x33: {  	s29 =	sadd.s32 $0x20, s29;
	[sflag:s31] =	ssyncadd.s32 @!p0 $0xFFFFC000  }
0x34: {  	[tilespmem:s18], [sflag:$0x7] =	stream.linear.gather [hbm4b:s29+s3], $0x80, $0x38;
	[tilespmem:$0x1FF00] =	vst v63  }
0x35: {  	_ =	swait.ge [sflag:s12], $0x80  }
0x36: {  	[sflag:s12] =	ssyncset.done $0x0  }
0x37: {  	s29 =	sadd.s32 $0x20, s30;
	[sflag:s12] =	ssyncadd.s32 $0xFFFFFF80  }
0x38: {  	[tilespmem:s19], [sflag:$0x7] =	stream.linear.gather [hbm4b:s29+s3], $0x80, $0x38;
	[tilespmem:$0x1FF00] =	vst v63  }
0x39: {  	_ =	swait.ge [sflag:s12], $0x80  }
0x3a: {  	[sflag:s12] =	ssyncset.done $0x0  }
0x3b: {  	[sflag:s12] =	ssyncadd.s32 $0xFFFFFF80  }
0x3c: {  	[tilespmem:s20], [sflag:$0x3] =	stream.indirect.gather [hbm4b:s4+s14], $0x80, s18, s14, $0xb8;
	[tilespmem:$0x1FF00] =	vst v63  }
0x3d: {  	_ =	swait.ge [sflag:s21], $0x4000  }
0x3e: {  	[sflag:s21] =	ssyncset.done $0x0  }
0x3f: {  	[sflag:s21] =	ssyncadd.s32 $0xFFFFC000  }
0x40: {  	[spmem:s2] =	stream.indirect.scatter.add.f32 [tilespmem:s15], [sflag:$0x4], $0x80, s13, s14, $0xb8;
	[tilespmem:$0x1FF00] =	vst v63  }
0x41: {  	_ =	swait.ge [sflag:s22], $0x4000  }
0x42: {  	[sflag:s22] =	ssyncset.done $0x0  }
0x43: {  	[sflag:s22] =	ssyncadd.s32 $0xFFFFC000  }
0x44: {  	[spmem:s2] =	stream.indirect.scatter.add.f32 [tilespmem:s17], [sflag:$0x5], $0x80, s16, s14, $0xb8;
	[tilespmem:$0x1FF00] =	vst v63  }
0x45: {  	p0 =	por $0x0, $0x0;
	_ =	swait.ge [sflag:s23], $0x4000  }
0x46: {  	s30 =	simm.s32 $0x60;
	s29 =	simm.s32 $0x30;
	[sflag:s23] =	ssyncset.done $0x0  }
.LBB2_2:
0x47: {  	s31 =	simm.s32 @!p0 $0x4  }
0x48: {  	[sflag:s23] =	ssyncadd.s32 $0xFFFFC000;
	s0 =	smov.u32 s30;
	s30 =	sadd.s32 $0x30, s30  }
0x49: {  	[spmem:s2] =	stream.indirect.scatter.add.f32 [tilespmem:s20], [sflag:$0x6], $0x80, s19, s14, $0xb8;
	[tilespmem:$0x1FF00] =	vst v63  }
0x4a: {  	p1 =	sne.s32 s30, $0x510;
	_ =	swait.ge @!p0 [sflag:s31], $0x4000  }
0x4b: {  	[sflag:s31] =	ssyncset.done @!p0 $0x0  }
0x4c: {  	[sflag:s31] =	ssyncadd.s32 @!p0 $0xFFFFC000;
	s31 =	sadd.s32 s29, s10  }
0x4d: {  	[tilespmem:s3], [sflag:$0x7] =	stream.linear.gather [hbm4b:s31+s3], $0x80, $0x38;
	[tilespmem:$0x1FF00] =	vst v63  }
0x4e: {  	_ =	swait.ge [sflag:s12], $0x80  }
0x4f: {  	[sflag:s12] =	ssyncset.done $0x0  }
0x50: {  	s1 =	sadd.s32 s29, s9;
	s29 =	smov.u32 s0;
	[sflag:s12] =	ssyncadd.s32 $0xFFFFFF80  }
0x51: {  	[tilespmem:s13], [sflag:$0x7] =	stream.linear.gather [hbm4b:s1+s3], $0x80, $0x38;
	[tilespmem:$0x1FF00] =	vst v63  }
0x52: {  	_ =	swait.ge [sflag:s12], $0x80  }
0x53: {  	[sflag:s12] =	ssyncset.done $0x0  }
0x54: {  	s0 =	simm.s32 @!p0 $0x5;
	[sflag:s12] =	ssyncadd.s32 $0xFFFFFF80  }
0x55: {  	[tilespmem:s15], [sflag:$0x1] =	stream.indirect.gather [hbm4b:s4+s14], $0x80, s3, s14, $0xb8;
	[tilespmem:$0x1FF00] =	vst v63  }
0x56: {  	_ =	swait.ge @!p0 [sflag:s0], $0x4000  }
0x57: {  	[sflag:s0] =	ssyncset.done @!p0 $0x0  }
0x58: {  	[sflag:s0] =	ssyncadd.s32 @!p0 $0xFFFFC000;
	s0 =	sadd.s32 $0x10, s31  }
0x59: {  	[tilespmem:s14], [sflag:$0x7] =	stream.linear.gather [hbm4b:s0+s3], $0x80, $0x38;
	[tilespmem:$0x1FF00] =	vst v63  }
0x5a: {  	_ =	swait.ge [sflag:s12], $0x80  }
0x5b: {  	[sflag:s12] =	ssyncset.done $0x0  }
0x5c: {  	s0 =	sadd.s32 $0x10, s1;
	[sflag:s12] =	ssyncadd.s32 $0xFFFFFF80  }
0x5d: {  	[tilespmem:s16], [sflag:$0x7] =	stream.linear.gather [hbm4b:s0+s3], $0x80, $0x38;
	[tilespmem:$0x1FF00] =	vst v63  }
0x5e: {  	_ =	swait.ge [sflag:s12], $0x80  }
0x5f: {  	[sflag:s12] =	ssyncset.done $0x0  }
0x60: {  	s0 =	simm.s32 @!p0 $0x6;
	[sflag:s12] =	ssyncadd.s32 $0xFFFFFF80  }
0x61: {  	[tilespmem:s17], [sflag:$0x2] =	stream.indirect.gather [hbm4b:s4+s14], $0x80, s14, s14, $0xb8;
	[tilespmem:$0x1FF00] =	vst v63  }
0x62: {  	_ =	swait.ge @!p0 [sflag:s0], $0x4000  }
0x63: {  	[sflag:s0] =	ssyncset.done @!p0 $0x0  }
0x64: {  	[sflag:s0] =	ssyncadd.s32 @!p0 $0xFFFFC000;
	s0 =	sadd.s32 $0x20, s31  }
0x65: {  	[tilespmem:s18], [sflag:$0x7] =	stream.linear.gather [hbm4b:s0+s3], $0x80, $0x38;
	[tilespmem:$0x1FF00] =	vst v63  }
0x66: {  	_ =	swait.ge [sflag:s12], $0x80  }
0x67: {  	[sflag:s12] =	ssyncset.done $0x0  }
0x68: {  	s0 =	sadd.s32 $0x20, s1;
	[sflag:s12] =	ssyncadd.s32 $0xFFFFFF80  }
0x69: {  	[tilespmem:s19], [sflag:$0x7] =	stream.linear.gather [hbm4b:s0+s3], $0x80, $0x38;
	[tilespmem:$0x1FF00] =	vst v63  }
0x6a: {  	_ =	swait.ge [sflag:s12], $0x80  }
0x6b: {  	[sflag:s12] =	ssyncset.done $0x0  }
0x6c: {  	[sflag:s12] =	ssyncadd.s32 $0xFFFFFF80  }
0x6d: {  	[tilespmem:s20], [sflag:$0x3] =	stream.indirect.gather [hbm4b:s4+s14], $0x80, s18, s14, $0xb8;
	[tilespmem:$0x1FF00] =	vst v63  }
0x6e: {  	_ =	swait.ge [sflag:s21], $0x4000  }
0x6f: {  	[sflag:s21] =	ssyncset.done $0x0  }
0x70: {  	[sflag:s21] =	ssyncadd.s32 $0xFFFFC000  }
0x71: {  	[spmem:s2] =	stream.indirect.scatter.add.f32 [tilespmem:s15], [sflag:$0x4], $0x80, s13, s14, $0xb8;
	[tilespmem:$0x1FF00] =	vst v63  }
0x72: {  	_ =	swait.ge [sflag:s22], $0x4000  }
.Ltmp0:
0x73: {  	[sflag:s22] =	ssyncset.done $0x0;
	(pc) =	sbr.rel @p1 .LBB2_2-.Ltmp0, $4  }
0x74: {  	[sflag:s22] =	ssyncadd.s32 $0xFFFFC000  }
0x75: {  	[spmem:s2] =	stream.indirect.scatter.add.f32 [tilespmem:s17], [sflag:$0x5], $0x80, s16, s14, $0xb8;
	[tilespmem:$0x1FF00] =	vst v63  }
0x76: {  	_ =	swait.ge [sflag:s23], $0x4000  }
0x77: {  	p0 =	seq.s32 s29, $0x0;
	[sflag:s23] =	ssyncset.done $0x0  }
0x78: {  	s0 =	simm.s32 @!p0 $0x4;
	[sflag:s23] =	ssyncadd.s32 $0xFFFFC000  }
0x79: {  	[spmem:s2] =	stream.indirect.scatter.add.f32 [tilespmem:s20], [sflag:$0x6], $0x80, s19, s14, $0xb8;
	[tilespmem:$0x1FF00] =	vst v63  }
0x7a: {  	_ =	swait.ge @!p0 [sflag:s0], $0x4000  }
0x7b: {  	[sflag:s0] =	ssyncset.done @!p0 $0x0  }
0x7c: {  	[sflag:s0] =	ssyncadd.s32 @!p0 $0xFFFFC000;
	s0 =	sadd.s32 s29, s10  }
0x7d: {  	[tilespmem:s3], [sflag:$0x7] =	stream.linear.gather [hbm4b:s0+s3], $0x80, $0x38;
	[tilespmem:$0x1FF00] =	vst v63  }
0x7e: {  	_ =	swait.ge [sflag:s12], $0x80  }
0x7f: {  	[sflag:s12] =	ssyncset.done $0x0  }
0x80: {  	s1 =	sadd.s32 s29, s9;
	[sflag:s12] =	ssyncadd.s32 $0xFFFFFF80  }
0x81: {  	[tilespmem:s13], [sflag:$0x7] =	stream.linear.gather [hbm4b:s1+s3], $0x80, $0x38;
	[tilespmem:$0x1FF00] =	vst v63  }
0x82: {  	_ =	swait.ge [sflag:s12], $0x80  }
0x83: {  	[sflag:s12] =	ssyncset.done $0x0  }
0x84: {  	s29 =	simm.s32 @!p0 $0x5;
	[sflag:s12] =	ssyncadd.s32 $0xFFFFFF80  }
0x85: {  	[tilespmem:s15], [sflag:$0x1] =	stream.indirect.gather [hbm4b:s4+s14], $0x80, s3, s14, $0xb8;
	[tilespmem:$0x1FF00] =	vst v63  }
0x86: {  	_ =	swait.ge @!p0 [sflag:s29], $0x4000  }
0x87: {  	[sflag:s29] =	ssyncset.done @!p0 $0x0  }
0x88: {  	s31 =	sadd.s32 $0x10, s0;
	[sflag:s29] =	ssyncadd.s32 @!p0 $0xFFFFC000  }
0x89: {  	[tilespmem:s14], [sflag:$0x7] =	stream.linear.gather [hbm4b:s31+s3], $0x80, $0x38;
	[tilespmem:$0x1FF00] =	vst v63  }
0x8a: {  	_ =	swait.ge [sflag:s12], $0x80  }
0x8b: {  	[sflag:s12] =	ssyncset.done $0x0  }
0x8c: {  	s30 =	sadd.s32 $0x10, s1;
	[sflag:s12] =	ssyncadd.s32 $0xFFFFFF80  }
0x8d: {  	[tilespmem:s16], [sflag:$0x7] =	stream.linear.gather [hbm4b:s30+s3], $0x80, $0x38;
	[tilespmem:$0x1FF00] =	vst v63  }
0x8e: {  	_ =	swait.ge [sflag:s12], $0x80  }
0x8f: {  	[sflag:s12] =	ssyncset.done $0x0  }
0x90: {  	s29 =	simm.s32 @!p0 $0x6;
	[sflag:s12] =	ssyncadd.s32 $0xFFFFFF80  }
0x91: {  	[tilespmem:s17], [sflag:$0x2] =	stream.indirect.gather [hbm4b:s4+s14], $0x80, s14, s14, $0xb8;
	[tilespmem:$0x1FF00] =	vst v63  }
0x92: {  	_ =	swait.ge @!p0 [sflag:s29], $0x4000  }
0x93: {  	[sflag:s29] =	ssyncset.done @!p0 $0x0  }
0x94: {  	s0 =	sadd.s32 $0x20, s0;
	[sflag:s29] =	ssyncadd.s32 @!p0 $0xFFFFC000  }
0x95: {  	[tilespmem:s18], [sflag:$0x7] =	stream.linear.gather [hbm4b:s0+s3], $0x80, $0x38;
	[tilespmem:$0x1FF00] =	vst v63  }
0x96: {  	_ =	swait.ge [sflag:s12], $0x80  }
0x97: {  	[sflag:s12] =	ssyncset.done $0x0  }
0x98: {  	s31 =	sadd.s32 $0x20, s1;
	[sflag:s12] =	ssyncadd.s32 $0xFFFFFF80  }
0x99: {  	[tilespmem:s19], [sflag:$0x7] =	stream.linear.gather [hbm4b:s31+s3], $0x80, $0x38;
	[tilespmem:$0x1FF00] =	vst v63  }
0x9a: {  	_ =	swait.ge [sflag:s12], $0x80  }
0x9b: {  	[sflag:s12] =	ssyncset.done $0x0  }
0x9c: {  	[sflag:s12] =	ssyncadd.s32 $0xFFFFFF80  }
0x9d: {  	[tilespmem:s20], [sflag:$0x3] =	stream.indirect.gather [hbm4b:s4+s14], $0x80, s18, s14, $0xb8;
	[tilespmem:$0x1FF00] =	vst v63  }
0x9e: {  	_ =	swait.ge [sflag:s21], $0x4000  }
0x9f: {  	[sflag:s21] =	ssyncset.done $0x0  }
0xa0: {  	[sflag:s21] =	ssyncadd.s32 $0xFFFFC000  }
0xa1: {  	[spmem:s2] =	stream.indirect.scatter.add.f32 [tilespmem:s15], [sflag:$0x4], $0x80, s13, s14, $0xb8;
	[tilespmem:$0x1FF00] =	vst v63  }
0xa2: {  	_ =	swait.ge [sflag:s22], $0x4000  }
0xa3: {  	[sflag:s22] =	ssyncset.done $0x0  }
0xa4: {  	[sflag:s22] =	ssyncadd.s32 $0xFFFFC000  }
0xa5: {  	[spmem:s2] =	stream.indirect.scatter.add.f32 [tilespmem:s17], [sflag:$0x5], $0x80, s16, s14, $0xb8;
	[tilespmem:$0x1FF00] =	vst v63  }
0xa6: {  	_ =	swait.ge [sflag:s23], $0x4000  }
0xa7: {  	[sflag:s23] =	ssyncset.done $0x0  }
0xa8: {  	[sflag:s23] =	ssyncadd.s32 $0xFFFFC000  }
0xa9: {  	[spmem:s2] =	stream.indirect.scatter.add.f32 [tilespmem:s20], [sflag:$0x6], $0x80, s19, s14, $0xb8;
	[tilespmem:$0x1FF00] =	vst v63  }
0xaa: {  	_ =	swait.ge [sflag:s24], $0x4000  }
0xab: {  	[sflag:s24] =	ssyncset.done $0x0  }
0xac: {  	[sflag:s24] =	ssyncadd.s32 $0xFFFFC000  }
0xad: {  	_ =	swait.ge [sflag:s25], $0x4000  }
0xae: {  	[sflag:s25] =	ssyncset.done $0x0  }
0xaf: {  	[sflag:s25] =	ssyncadd.s32 $0xFFFFC000  }
0xb0: {  	_ =	swait.ge [sflag:s26], $0x4000  }
0xb1: {  	s28 =	sadd.s32 $0x1, s28;
	[sflag:s26] =	ssyncset.done $0x0  }
0xb2: {  	p0 =	sne.s32 s28, s8;
	[sflag:s26] =	ssyncadd.s32 $0xFFFFC000  }
.Ltmp1:
0xb3: {  	[bflag:$0x0] =	sbarrier.arrive $0xFFFF;
	(pc) =	sbr.rel @p0 .LBB2_1-.Ltmp1, $4  }
0xb4: {  	[hbm:s7], [sflag:s6] =	dma.local [spmem:s11], $0x2780  }
0xb5: {  	_ =	swait.ge [sflag:s12], $0x2780  }
0xb6: {  	[sflag:s12] =	ssyncset.done $0x0  }
0xb7: {  	[sflag:s12] =	ssyncadd.s32 $0xFFFFD880  }
0xb8: {  	_ =	sfence.sel $0x180000  }
0xb9: {  	[bflag:$0x0] =	sbarrier.arrive $0xFFFF  }
0xba: {  	_ =	strace $0x9000005C  }
0xbb: {  	s0 =	stileid.u32;
	[bflag:$0x2] =	sbarrier.arrive $0xFFFF  }
0xbc: {  	p0 =	sne.s32 s0, $0x0;
	s0 =	rddreg [dreg:$0x3]  }
0xbd: {  	s0 =	sadd.s32 @!p0 $0x100000, s0  }
0xbe: {  	[sflag:s0] =	ssyncadd.tile.s32 @!p0 $0x1;
	_ =	shalt  }
.Lfunc_end2:
_tile_overlayer_lowered:
.L_overlay_start_2:
0xbf: {  	(tag) =	ssettag $0x2  }
0xc0: {  	s0 =	rddreg [dreg:$0x0];
	s2 =	stileid.u32  }
0xc1: {  	s1 =	rddreg [dreg:$0x1];
	p0 =	sne.s32 s2, $0x0  }
0xc2: {  	s3 =	rddreg [dreg:$0x2];
	[bflag:$0x3] =	sbarrier.arrive $0xFFFF;
	s2 =	simm.s32 @!p0 $0x1C07  }
0xc3: {  	[timem:s3], [sflag:s2] =	dma.local @!p0 [hbm:s0], s1  }
0xc4: {  	s0 =	simm.s32 @!p0 $0x7  }
0xc5: {  	_ =	swait.ge @!p0 [sflag:s0], s1  }
0xc6: {  	s1 =	ssub.s32 @!p0 $0x0, s1;
	[sflag:s0] =	ssyncset.done @!p0 $0x0  }
0xc7: {  	[sflag:s0] =	ssyncadd.s32 @!p0 s1  }
0xc8: {  	[bflag:$0x3] =	sbarrier.arrive $0xFFFF  }
0xc9: {  	_ =	shalt  }

</sc_bundles>
